<compile_context>
chip_gen: v7x
topology: tpu7x:2x2x1
jax: 0.10.2.dev20260603
libtpu: 0.0.44.dev20260713+nightly
codegen_flags: <defaults>
</compile_context>

<pallas_src>
import jax
import jax.numpy as jnp
from jax import lax
from jax.experimental import pallas as pl
from jax.experimental.pallas import tpu as pltpu
from jax.experimental.pallas import tpu_sc as plsc

B = 4096
L = 50
D = 64
DP = 128
VOCAB = 1000000
N = B * L
NC = 2
NS = 16
NW = NC * NS

PER_W = N // NW
CHUNK = 800
NCHUNK = PER_W // CHUNK
PHRASES = CHUNK // L
GS = (128, 128, 128, 128, 128, 128, 32)
assert sum(GS) == CHUNK


TBLK = 16384
TGRID = -(-VOCAB // TBLK)


def _tc_transpose_body(tt_ref, s_ref):
    x = tt_ref[...]
    s_ref[...] = jnp.concatenate(
        [x.T, jnp.zeros((TBLK, DP - D), jnp.float32)], axis=1
    )


_tc_transpose = pl.pallas_call(
    _tc_transpose_body,
    grid=(TGRID,),
    in_specs=[pl.BlockSpec((D, TBLK), lambda j: (0, j))],
    out_specs=pl.BlockSpec((TBLK, DP), lambda j: (j, 0)),
    out_shape=jax.ShapeDtypeStruct((VOCAB, DP), jnp.float32),
)




def _body_b(phrase_hbm, s_hbm, pos_hbm, out_hbm,
            idx_v, idx2_v, pos_v, rows0, rows1,
            gsem0, gsem1, ssem0, ssem1):
    wid = lax.axis_index("s") * NC + lax.axis_index("c")
    base = wid * PER_W

    bufs = (rows0, rows1)
    gsems = (gsem0, gsem1)
    ssems = (ssem0, ssem1)

    pltpu.sync_copy(phrase_hbm.at[pl.ds(base, PER_W)], idx_v)
    pltpu.sync_copy(pos_hbm, pos_v)

    def dbl(i, _):
        idx2_v[pl.ds(i * 16, 16)] = idx_v[pl.ds(i * 16, 16)] * 2
        return 0

    lax.fori_loop(0, PER_W // 16, dbl, 0)

    def fire_gathers(c):
        buf, sem = bufs[c % 2], gsems[c % 2]
        off = 0
        for g in GS:
            pltpu.async_copy(
                s_hbm.at[idx2_v.at[pl.ds(c * CHUNK + off, g)]],
                buf.at[pl.ds(off, g)],
                sem,
            )
            off += g

    def drain_gathers(c):
        buf, sem = bufs[c % 2], gsems[c % 2]
        off = 0
        for g in GS:
            pltpu.make_async_copy(
                s_hbm.at[idx2_v.at[pl.ds(c * CHUNK + off, g)]],
                buf.at[pl.ds(off, g)],
                sem,
            ).wait()
            off += g

    def add_pos(c):
        buf = bufs[c % 2]

        def add_l(l, _):
            pv0 = pos_v[l, pl.ds(0, 16)]
            pv1 = pos_v[l, pl.ds(16, 16)]
            pv2 = pos_v[l, pl.ds(32, 16)]
            pv3 = pos_v[l, pl.ds(48, 16)]

            def add_p(p, _):
                r = p * L + l
                plsc.addupdate(buf.at[r, pl.ds(0, 16)], pv0)
                plsc.addupdate(buf.at[r, pl.ds(16, 16)], pv1)
                plsc.addupdate(buf.at[r, pl.ds(32, 16)], pv2)
                plsc.addupdate(buf.at[r, pl.ds(48, 16)], pv3)
                return 0

            lax.fori_loop(0, PHRASES, add_p, 0)
            return 0

        lax.fori_loop(0, L, add_l, 0)

    def sc_desc(c):
        buf, sem = bufs[c % 2], ssems[c % 2]
        return pltpu.make_async_copy(
            buf, out_hbm.at[pl.ds(base + c * CHUNK, CHUNK)], sem
        )

    for c in range(NCHUNK):
        if c >= 2:
            sc_desc(c - 2).wait()
        fire_gathers(c)
        if c >= 1:
            drain_gathers(c - 1)
            add_pos(c - 1)
            sc_desc(c - 1).start()

    drain_gathers(NCHUNK - 1)
    add_pos(NCHUNK - 1)
    sc_desc(NCHUNK - 1).start()
    sc_desc(NCHUNK - 2).wait()
    sc_desc(NCHUNK - 1).wait()


_gather_call = pl.kernel(
    _body_b,
    out_type=jax.ShapeDtypeStruct((N, D), jnp.float32),
    mesh=plsc.VectorSubcoreMesh(core_axis_name="c", subcore_axis_name="s"),
    scratch_types=[
        pltpu.VMEM((PER_W,), jnp.int32),
        pltpu.VMEM((PER_W,), jnp.int32),
        pltpu.VMEM((L, D), jnp.float32),
        pltpu.VMEM((CHUNK, D), jnp.float32),
        pltpu.VMEM((CHUNK, D), jnp.float32),
        pltpu.SemaphoreType.DMA,
        pltpu.SemaphoreType.DMA,
        pltpu.SemaphoreType.DMA,
        pltpu.SemaphoreType.DMA,
    ],
    compiler_params=pltpu.CompilerParams(use_tc_tiling_on_sc=False),
)


@jax.jit
def kernel(phrase, phrase_emb, pos_emb):
    flat = phrase.reshape(N)
    table_rows = _tc_transpose(phrase_emb.T).reshape(2 * VOCAB, D)
    out = _gather_call(flat, table_rows, pos_emb[:L])
    return out.reshape(B, L, D)

# --- scband reference (transcript-rebuilt; emitter-appended) ---
"""Pipeline reference for scband-phrase-embedding-17111149707636 (READ-ONLY COPY).

The authoritative reference and input builder live on the scoring server;
editing this copy changes nothing except your own understanding.
"""

import jax, jax.numpy as jnp
import numpy as np

VOCAB_LEN = 1000000
MAX_PHRASE_LEN = 200
HID_DIM = 64


def setup_inputs(seed: int = 0) -> dict:
    key = jax.random.key(seed)
    k1, k2, k3 = jax.random.split(key, 3)
    phrase = jax.random.randint(k1, (4096, 50), 0, VOCAB_LEN, dtype=jnp.int64 if jax.config.jax_enable_x64 else jnp.int32).astype(jnp.int32)
    phrase_emb = jax.random.normal(k2, (VOCAB_LEN, HID_DIM), dtype=jnp.float32)
    pos_emb = jax.random.normal(k3, (MAX_PHRASE_LEN, HID_DIM), dtype=jnp.float32)
    return {"phrase": phrase, "phrase_emb": phrase_emb, "pos_emb": pos_emb}


def reference(phrase, phrase_emb, pos_emb):
    # phrase: int[B, L]; phrase_emb: [vocab, d]; pos_emb: [max_phrase_len, d]
    B, L = phrase.shape
    tok = jnp.take(phrase_emb, phrase, axis=0)  # [B, L, d]
    pos_idx = jnp.broadcast_to(jnp.arange(L, dtype=phrase.dtype)[None, :], (B, L))
    pos = jnp.take(pos_emb, pos_idx, axis=0)  # [B, L, d]
    return tok + pos

if __name__ == "__main__":
    import jax
    _d = setup_inputs()
    print(jax.jit(kernel)(*tuple(_d.values())))

</pallas_src>

<mosaic_0001>
#map = affine_map<(d0, d1) -> (0)>
#map1 = affine_map<(d0, d1) -> (0, 0)>
module attributes {stable_mosaic.version = 14 : i64} {
  func.func @_body_b(%arg0: i32, %arg1: i32, %arg2: memref<204800xi32, #tpu.memory_space<hbm>>, %arg3: memref<2000000x64xf32, #tpu.memory_space<hbm>>, %arg4: memref<50x64xf32, #tpu.memory_space<hbm>>, %arg5: memref<204800x64xf32, #tpu.memory_space<hbm>>, %arg6: memref<6400xi32, #tpu.memory_space<vmem>>, %arg7: memref<6400xi32, #tpu.memory_space<vmem>>, %arg8: memref<50x64xf32, #tpu.memory_space<vmem>>, %arg9: memref<800x64xf32, #tpu.memory_space<vmem>>, %arg10: memref<800x64xf32, #tpu.memory_space<vmem>>, %arg11: memref<!tpu.dma_semaphore, #tpu.memory_space<semaphore_mem>>, %arg12: memref<!tpu.dma_semaphore, #tpu.memory_space<semaphore_mem>>, %arg13: memref<!tpu.dma_semaphore, #tpu.memory_space<semaphore_mem>>, %arg14: memref<!tpu.dma_semaphore, #tpu.memory_space<semaphore_mem>>) attributes {dimension_semantics = [#tpu.dimension_semantics<core_parallel>, #tpu.dimension_semantics<subcore_parallel>], iteration_bounds = array<i64: 2, 16>, scalar_prefetch = 0 : i64, scratch_operands = 9 : i64, tpu.core_type = #tpu.core_type<sc_vector_subcore>, window_params = [{transform_indices = #map}, {transform_indices = #map1}, {transform_indices = #map1}, {transform_indices = #map1}]} {
    %mul3A = arith.constant 2 : i32
    %mul3A_0 = arith.muli %arg1, %mul3A : i32
    %add3A = arith.addi %mul3A_0, %arg0 : i32
    %mul3A_1 = arith.constant 6400 : i32
    %mul3A_2 = arith.muli %add3A, %mul3A_1 : i32
    "tpu.region"() ({
      %run_scoped3A = tpu.sem_alloc : memref<!tpu.dma_semaphore, #tpu.memory_space<semaphore_mem>>
      %dma_start3A_1055 = tpu.memref_slice %arg2[%mul3A_2] : memref<204800xi32, #tpu.memory_space<hbm>> -> memref<6400xi32, #tpu.memory_space<hbm>>
      %dma_start3A_1056 = tpu.memref_slice %arg2[%mul3A_2] : memref<204800xi32, #tpu.memory_space<hbm>> -> memref<6400xi32, #tpu.memory_space<hbm>>
      tpu.enqueue_dma source(%dma_start3A_1056 : memref<6400xi32, #tpu.memory_space<hbm>>) target(%arg6 : memref<6400xi32, #tpu.memory_space<vmem>>) target_semaphore(%run_scoped3A : memref<!tpu.dma_semaphore, #tpu.memory_space<semaphore_mem>>)
      %dma_wait3A_1057 = tpu.memref_slice %arg2[%mul3A_2] : memref<204800xi32, #tpu.memory_space<hbm>> -> memref<6400xi32, #tpu.memory_space<hbm>>
      %dma_wait3A_1058 = tpu.memref_slice %arg2[%mul3A_2] : memref<204800xi32, #tpu.memory_space<hbm>> -> memref<6400xi32, #tpu.memory_space<hbm>>
      tpu.wait_dma2 semaphore(%run_scoped3A : memref<!tpu.dma_semaphore, #tpu.memory_space<semaphore_mem>>) src(%dma_wait3A_1058 : memref<6400xi32, #tpu.memory_space<hbm>>) dst(%arg6 : memref<6400xi32, #tpu.memory_space<vmem>>)
      tpu.yield
    }) : () -> ()
    "tpu.region"() ({
      %run_scoped3A = tpu.sem_alloc : memref<!tpu.dma_semaphore, #tpu.memory_space<semaphore_mem>>
      tpu.enqueue_dma source(%arg4 : memref<50x64xf32, #tpu.memory_space<hbm>>) target(%arg8 : memref<50x64xf32, #tpu.memory_space<vmem>>) target_semaphore(%run_scoped3A : memref<!tpu.dma_semaphore, #tpu.memory_space<semaphore_mem>>)
      tpu.wait_dma2 semaphore(%run_scoped3A : memref<!tpu.dma_semaphore, #tpu.memory_space<semaphore_mem>>) src(%arg4 : memref<50x64xf32, #tpu.memory_space<hbm>>) dst(%arg8 : memref<50x64xf32, #tpu.memory_space<vmem>>)
      tpu.yield
    }) : () -> ()
    %scan3A = arith.constant 0 : i32
    %scan3A_3 = arith.constant 0 : i32
    %scan3A_4 = arith.constant 400 : i32
    %scan3A_5 = arith.addi %scan3A_3, %scan3A_4 : i32
    %scan3A_6 = arith.constant 1 : i32
    %scan3A_7 = scf.for %scan3A_1055 = %scan3A_3 to %scan3A_5 step %scan3A_6 iter_args(%scan3A_1056 = %scan3A) -> (i32)  : i32 {
      %mul3A_1057 = arith.constant 16 : i32
      %mul3A_1058 = arith.muli %scan3A_1055, %mul3A_1057 : i32
      %get3A = arith.index_cast %mul3A_1058 : i32 to index
      %get3A_1059 = tpu.vector_load %arg6[%get3A] {strides = array<i32>} : memref<6400xi32, #tpu.memory_space<vmem>>, vector<16xi32>,
      %get3A_1060 = vector.shape_cast %get3A_1059 : vector<16xi32> to vector<16xi32>
      %mul3A_1061 = arith.constant 2 : i32
      %mul3A_1062 = vector.broadcast %mul3A_1061 : i32 to vector<16xi32>
      %mul3A_1063 = arith.muli %get3A_1060, %mul3A_1062 : vector<16xi32>
      %mul3A_1064 = arith.constant 16 : i32
      %mul3A_1065 = arith.muli %scan3A_1055, %mul3A_1064 : i32
      %swap3A = arith.index_cast %mul3A_1065 : i32 to index
      %swap3A_1066 = tpu.vector_load %arg7[%swap3A] {strides = array<i32>} : memref<6400xi32, #tpu.memory_space<vmem>>, vector<16xi32>,
      %swap3A_1067 = vector.shape_cast %swap3A_1066 : vector<16xi32> to vector<16xi32>
      %swap3A_1068 = vector.shape_cast %mul3A_1063 : vector<16xi32> to vector<16xi32>
      tpu.vector_store %arg7[%swap3A], %swap3A_1068 {strides = array<i32>} : memref<6400xi32, #tpu.memory_space<vmem>>, vector<16xi32>,
      %scan3A_1069 = arith.constant 0 : i32
      scf.yield %scan3A_1069 : i32
    }
    %scan3A_8 = arith.constant 400 : i32
    %dma_start3A = arith.constant 0 : i32
    %dma_start3A_9 = arith.constant 0 : i32
    %dma_start3A_10 = tpu.memref_slice %arg9[%dma_start3A, %dma_start3A_9] : memref<800x64xf32, #tpu.memory_space<vmem>> -> memref<128x64xf32, #tpu.memory_space<vmem>>
    %dma_start3A_11 = arith.constant 0 : i32
    %dma_start3A_12 = tpu.memref_slice %arg7[%dma_start3A_11] : memref<6400xi32, #tpu.memory_space<vmem>> -> memref<128xi32, #tpu.memory_space<vmem>>
    %dma_start3A_13 = arith.constant 0 : i32
    %dma_start3A_14 = arith.constant 0 : i32
    %dma_start3A_15 = tpu.memref_slice %arg3[%dma_start3A_13, %dma_start3A_14] : memref<2000000x64xf32, #tpu.memory_space<hbm>> -> memref<2000000x64xf32, #tpu.memory_space<hbm>>
    tpu.enqueue_indirect_dma source(%dma_start3A_15 : memref<2000000x64xf32, #tpu.memory_space<hbm>>) target(%dma_start3A_10 : memref<128x64xf32, #tpu.memory_space<vmem>>) offsets(%dma_start3A_12 : memref<128xi32, #tpu.memory_space<vmem>>) semaphore(%arg11 : memref<!tpu.dma_semaphore, #tpu.memory_space<semaphore_mem>>)
    %dma_start3A_16 = arith.constant 128 : i32
    %dma_start3A_17 = arith.constant 0 : i32
    %dma_start3A_18 = tpu.memref_slice %arg9[%dma_start3A_16, %dma_start3A_17] : memref<800x64xf32, #tpu.memory_space<vmem>> -> memref<128x64xf32, #tpu.memory_space<vmem>>
    %dma_start3A_19 = arith.constant 128 : i32
    %dma_start3A_20 = tpu.memref_slice %arg7[%dma_start3A_19] : memref<6400xi32, #tpu.memory_space<vmem>> -> memref<128xi32, #tpu.memory_space<vmem>>
    %dma_start3A_21 = arith.constant 0 : i32
    %dma_start3A_22 = arith.constant 0 : i32
    %dma_start3A_23 = tpu.memref_slice %arg3[%dma_start3A_21, %dma_start3A_22] : memref<2000000x64xf32, #tpu.memory_space<hbm>> -> memref<2000000x64xf32, #tpu.memory_space<hbm>>
    tpu.enqueue_indirect_dma source(%dma_start3A_23 : memref<2000000x64xf32, #tpu.memory_space<hbm>>) target(%dma_start3A_18 : memref<128x64xf32, #tpu.memory_space<vmem>>) offsets(%dma_start3A_20 : memref<128xi32, #tpu.memory_space<vmem>>) semaphore(%arg11 : memref<!tpu.dma_semaphore, #tpu.memory_space<semaphore_mem>>)
    %dma_start3A_24 = arith.constant 256 : i32
    %dma_start3A_25 = arith.constant 0 : i32
    %dma_start3A_26 = tpu.memref_slice %arg9[%dma_start3A_24, %dma_start3A_25] : memref<800x64xf32, #tpu.memory_space<vmem>> -> memref<128x64xf32, #tpu.memory_space<vmem>>
    %dma_start3A_27 = arith.constant 256 : i32
    %dma_start3A_28 = tpu.memref_slice %arg7[%dma_start3A_27] : memref<6400xi32, #tpu.memory_space<vmem>> -> memref<128xi32, #tpu.memory_space<vmem>>
    %dma_start3A_29 = arith.constant 0 : i32
    %dma_start3A_30 = arith.constant 0 : i32
    %dma_start3A_31 = tpu.memref_slice %arg3[%dma_start3A_29, %dma_start3A_30] : memref<2000000x64xf32, #tpu.memory_space<hbm>> -> memref<2000000x64xf32, #tpu.memory_space<hbm>>
    tpu.enqueue_indirect_dma source(%dma_start3A_31 : memref<2000000x64xf32, #tpu.memory_space<hbm>>) target(%dma_start3A_26 : memref<128x64xf32, #tpu.memory_space<vmem>>) offsets(%dma_start3A_28 : memref<128xi32, #tpu.memory_space<vmem>>) semaphore(%arg11 : memref<!tpu.dma_semaphore, #tpu.memory_space<semaphore_mem>>)
    %dma_start3A_32 = arith.constant 384 : i32
    %dma_start3A_33 = arith.constant 0 : i32
    %dma_start3A_34 = tpu.memref_slice %arg9[%dma_start3A_32, %dma_start3A_33] : memref<800x64xf32, #tpu.memory_space<vmem>> -> memref<128x64xf32, #tpu.memory_space<vmem>>
    %dma_start3A_35 = arith.constant 384 : i32
    %dma_start3A_36 = tpu.memref_slice %arg7[%dma_start3A_35] : memref<6400xi32, #tpu.memory_space<vmem>> -> memref<128xi32, #tpu.memory_space<vmem>>
    %dma_start3A_37 = arith.constant 0 : i32
    %dma_start3A_38 = arith.constant 0 : i32
    %dma_start3A_39 = tpu.memref_slice %arg3[%dma_start3A_37, %dma_start3A_38] : memref<2000000x64xf32, #tpu.memory_space<hbm>> -> memref<2000000x64xf32, #tpu.memory_space<hbm>>
    tpu.enqueue_indirect_dma source(%dma_start3A_39 : memref<2000000x64xf32, #tpu.memory_space<hbm>>) target(%dma_start3A_34 : memref<128x64xf32, #tpu.memory_space<vmem>>) offsets(%dma_start3A_36 : memref<128xi32, #tpu.memory_space<vmem>>) semaphore(%arg11 : memref<!tpu.dma_semaphore, #tpu.memory_space<semaphore_mem>>)
    %dma_start3A_40 = arith.constant 512 : i32
    %dma_start3A_41 = arith.constant 0 : i32
    %dma_start3A_42 = tpu.memref_slice %arg9[%dma_start3A_40, %dma_start3A_41] : memref<800x64xf32, #tpu.memory_space<vmem>> -> memref<128x64xf32, #tpu.memory_space<vmem>>
    %dma_start3A_43 = arith.constant 512 : i32
    %dma_start3A_44 = tpu.memref_slice %arg7[%dma_start3A_43] : memref<6400xi32, #tpu.memory_space<vmem>> -> memref<128xi32, #tpu.memory_space<vmem>>
    %dma_start3A_45 = arith.constant 0 : i32
    %dma_start3A_46 = arith.constant 0 : i32
    %dma_start3A_47 = tpu.memref_slice %arg3[%dma_start3A_45, %dma_start3A_46] : memref<2000000x64xf32, #tpu.memory_space<hbm>> -> memref<2000000x64xf32, #tpu.memory_space<hbm>>
    tpu.enqueue_indirect_dma source(%dma_start3A_47 : memref<2000000x64xf32, #tpu.memory_space<hbm>>) target(%dma_start3A_42 : memref<128x64xf32, #tpu.memory_space<vmem>>) offsets(%dma_start3A_44 : memref<128xi32, #tpu.memory_space<vmem>>) semaphore(%arg11 : memref<!tpu.dma_semaphore, #tpu.memory_space<semaphore_mem>>)
    %dma_start3A_48 = arith.constant 640 : i32
    %dma_start3A_49 = arith.constant 0 : i32
    %dma_start3A_50 = tpu.memref_slice %arg9[%dma_start3A_48, %dma_start3A_49] : memref<800x64xf32, #tpu.memory_space<vmem>> -> memref<128x64xf32, #tpu.memory_space<vmem>>
    %dma_start3A_51 = arith.constant 640 : i32
    %dma_start3A_52 = tpu.memref_slice %arg7[%dma_start3A_51] : memref<6400xi32, #tpu.memory_space<vmem>> -> memref<128xi32, #tpu.memory_space<vmem>>
    %dma_start3A_53 = arith.constant 0 : i32
    %dma_start3A_54 = arith.constant 0 : i32
    %dma_start3A_55 = tpu.memref_slice %arg3[%dma_start3A_53, %dma_start3A_54] : memref<2000000x64xf32, #tpu.memory_space<hbm>> -> memref<2000000x64xf32, #tpu.memory_space<hbm>>
    tpu.enqueue_indirect_dma source(%dma_start3A_55 : memref<2000000x64xf32, #tpu.memory_space<hbm>>) target(%dma_start3A_50 : memref<128x64xf32, #tpu.memory_space<vmem>>) offsets(%dma_start3A_52 : memref<128xi32, #tpu.memory_space<vmem>>) semaphore(%arg11 : memref<!tpu.dma_semaphore, #tpu.memory_space<semaphore_mem>>)
    %dma_start3A_56 = arith.constant 768 : i32
    %dma_start3A_57 = arith.constant 0 : i32
    %dma_start3A_58 = tpu.memref_slice %arg9[%dma_start3A_56, %dma_start3A_57] : memref<800x64xf32, #tpu.memory_space<vmem>> -> memref<32x64xf32, #tpu.memory_space<vmem>>
    %dma_start3A_59 = arith.constant 768 : i32
    %dma_start3A_60 = tpu.memref_slice %arg7[%dma_start3A_59] : memref<6400xi32, #tpu.memory_space<vmem>> -> memref<32xi32, #tpu.memory_space<vmem>>
    %dma_start3A_61 = arith.constant 0 : i32
    %dma_start3A_62 = arith.constant 0 : i32
    %dma_start3A_63 = tpu.memref_slice %arg3[%dma_start3A_61, %dma_start3A_62] : memref<2000000x64xf32, #tpu.memory_space<hbm>> -> memref<2000000x64xf32, #tpu.memory_space<hbm>>
    tpu.enqueue_indirect_dma source(%dma_start3A_63 : memref<2000000x64xf32, #tpu.memory_space<hbm>>) target(%dma_start3A_58 : memref<32x64xf32, #tpu.memory_space<vmem>>) offsets(%dma_start3A_60 : memref<32xi32, #tpu.memory_space<vmem>>) semaphore(%arg11 : memref<!tpu.dma_semaphore, #tpu.memory_space<semaphore_mem>>)
    %dma_start3A_64 = arith.constant 0 : i32
    %dma_start3A_65 = arith.constant 0 : i32
    %dma_start3A_66 = tpu.memref_slice %arg10[%dma_start3A_64, %dma_start3A_65] : memref<800x64xf32, #tpu.memory_space<vmem>> -> memref<128x64xf32, #tpu.memory_space<vmem>>
    %dma_start3A_67 = arith.constant 800 : i32
    %dma_start3A_68 = tpu.memref_slice %arg7[%dma_start3A_67] : memref<6400xi32, #tpu.memory_space<vmem>> -> memref<128xi32, #tpu.memory_space<vmem>>
    %dma_start3A_69 = arith.constant 0 : i32
    %dma_start3A_70 = arith.constant 0 : i32
    %dma_start3A_71 = tpu.memref_slice %arg3[%dma_start3A_69, %dma_start3A_70] : memref<2000000x64xf32, #tpu.memory_space<hbm>> -> memref<2000000x64xf32, #tpu.memory_space<hbm>>
    tpu.enqueue_indirect_dma source(%dma_start3A_71 : memref<2000000x64xf32, #tpu.memory_space<hbm>>) target(%dma_start3A_66 : memref<128x64xf32, #tpu.memory_space<vmem>>) offsets(%dma_start3A_68 : memref<128xi32, #tpu.memory_space<vmem>>) semaphore(%arg12 : memref<!tpu.dma_semaphore, #tpu.memory_space<semaphore_mem>>)
    %dma_start3A_72 = arith.constant 128 : i32
    %dma_start3A_73 = arith.constant 0 : i32
    %dma_start3A_74 = tpu.memref_slice %arg10[%dma_start3A_72, %dma_start3A_73] : memref<800x64xf32, #tpu.memory_space<vmem>> -> memref<128x64xf32, #tpu.memory_space<vmem>>
    %dma_start3A_75 = arith.constant 928 : i32
    %dma_start3A_76 = tpu.memref_slice %arg7[%dma_start3A_75] : memref<6400xi32, #tpu.memory_space<vmem>> -> memref<128xi32, #tpu.memory_space<vmem>>
    %dma_start3A_77 = arith.constant 0 : i32
    %dma_start3A_78 = arith.constant 0 : i32
    %dma_start3A_79 = tpu.memref_slice %arg3[%dma_start3A_77, %dma_start3A_78] : memref<2000000x64xf32, #tpu.memory_space<hbm>> -> memref<2000000x64xf32, #tpu.memory_space<hbm>>
    tpu.enqueue_indirect_dma source(%dma_start3A_79 : memref<2000000x64xf32, #tpu.memory_space<hbm>>) target(%dma_start3A_74 : memref<128x64xf32, #tpu.memory_space<vmem>>) offsets(%dma_start3A_76 : memref<128xi32, #tpu.memory_space<vmem>>) semaphore(%arg12 : memref<!tpu.dma_semaphore, #tpu.memory_space<semaphore_mem>>)
    %dma_start3A_80 = arith.constant 256 : i32
    %dma_start3A_81 = arith.constant 0 : i32
    %dma_start3A_82 = tpu.memref_slice %arg10[%dma_start3A_80, %dma_start3A_81] : memref<800x64xf32, #tpu.memory_space<vmem>> -> memref<128x64xf32, #tpu.memory_space<vmem>>
    %dma_start3A_83 = arith.constant 1056 : i32
    %dma_start3A_84 = tpu.memref_slice %arg7[%dma_start3A_83] : memref<6400xi32, #tpu.memory_space<vmem>> -> memref<128xi32, #tpu.memory_space<vmem>>
    %dma_start3A_85 = arith.constant 0 : i32
    %dma_start3A_86 = arith.constant 0 : i32
    %dma_start3A_87 = tpu.memref_slice %arg3[%dma_start3A_85, %dma_start3A_86] : memref<2000000x64xf32, #tpu.memory_space<hbm>> -> memref<2000000x64xf32, #tpu.memory_space<hbm>>
    tpu.enqueue_indirect_dma source(%dma_start3A_87 : memref<2000000x64xf32, #tpu.memory_space<hbm>>) target(%dma_start3A_82 : memref<128x64xf32, #tpu.memory_space<vmem>>) offsets(%dma_start3A_84 : memref<128xi32, #tpu.memory_space<vmem>>) semaphore(%arg12 : memref<!tpu.dma_semaphore, #tpu.memory_space<semaphore_mem>>)
    %dma_start3A_88 = arith.constant 384 : i32
    %dma_start3A_89 = arith.constant 0 : i32
    %dma_start3A_90 = tpu.memref_slice %arg10[%dma_start3A_88, %dma_start3A_89] : memref<800x64xf32, #tpu.memory_space<vmem>> -> memref<128x64xf32, #tpu.memory_space<vmem>>
    %dma_start3A_91 = arith.constant 1184 : i32
    %dma_start3A_92 = tpu.memref_slice %arg7[%dma_start3A_91] : memref<6400xi32, #tpu.memory_space<vmem>> -> memref<128xi32, #tpu.memory_space<vmem>>
    %dma_start3A_93 = arith.constant 0 : i32
    %dma_start3A_94 = arith.constant 0 : i32
    %dma_start3A_95 = tpu.memref_slice %arg3[%dma_start3A_93, %dma_start3A_94] : memref<2000000x64xf32, #tpu.memory_space<hbm>> -> memref<2000000x64xf32, #tpu.memory_space<hbm>>
    tpu.enqueue_indirect_dma source(%dma_start3A_95 : memref<2000000x64xf32, #tpu.memory_space<hbm>>) target(%dma_start3A_90 : memref<128x64xf32, #tpu.memory_space<vmem>>) offsets(%dma_start3A_92 : memref<128xi32, #tpu.memory_space<vmem>>) semaphore(%arg12 : memref<!tpu.dma_semaphore, #tpu.memory_space<semaphore_mem>>)
    %dma_start3A_96 = arith.constant 512 : i32
    %dma_start3A_97 = arith.constant 0 : i32
    %dma_start3A_98 = tpu.memref_slice %arg10[%dma_start3A_96, %dma_start3A_97] : memref<800x64xf32, #tpu.memory_space<vmem>> -> memref<128x64xf32, #tpu.memory_space<vmem>>
    %dma_start3A_99 = arith.constant 1312 : i32
    %dma_start3A_100 = tpu.memref_slice %arg7[%dma_start3A_99] : memref<6400xi32, #tpu.memory_space<vmem>> -> memref<128xi32, #tpu.memory_space<vmem>>
    %dma_start3A_101 = arith.constant 0 : i32
    %dma_start3A_102 = arith.constant 0 : i32
    %dma_start3A_103 = tpu.memref_slice %arg3[%dma_start3A_101, %dma_start3A_102] : memref<2000000x64xf32, #tpu.memory_space<hbm>> -> memref<2000000x64xf32, #tpu.memory_space<hbm>>
    tpu.enqueue_indirect_dma source(%dma_start3A_103 : memref<2000000x64xf32, #tpu.memory_space<hbm>>) target(%dma_start3A_98 : memref<128x64xf32, #tpu.memory_space<vmem>>) offsets(%dma_start3A_100 : memref<128xi32, #tpu.memory_space<vmem>>) semaphore(%arg12 : memref<!tpu.dma_semaphore, #tpu.memory_space<semaphore_mem>>)
    %dma_start3A_104 = arith.constant 640 : i32
    %dma_start3A_105 = arith.constant 0 : i32
    %dma_start3A_106 = tpu.memref_slice %arg10[%dma_start3A_104, %dma_start3A_105] : memref<800x64xf32, #tpu.memory_space<vmem>> -> memref<128x64xf32, #tpu.memory_space<vmem>>
    %dma_start3A_107 = arith.constant 1440 : i32
    %dma_start3A_108 = tpu.memref_slice %arg7[%dma_start3A_107] : memref<6400xi32, #tpu.memory_space<vmem>> -> memref<128xi32, #tpu.memory_space<vmem>>
    %dma_start3A_109 = arith.constant 0 : i32
    %dma_start3A_110 = arith.constant 0 : i32
    %dma_start3A_111 = tpu.memref_slice %arg3[%dma_start3A_109, %dma_start3A_110] : memref<2000000x64xf32, #tpu.memory_space<hbm>> -> memref<2000000x64xf32, #tpu.memory_space<hbm>>
    tpu.enqueue_indirect_dma source(%dma_start3A_111 : memref<2000000x64xf32, #tpu.memory_space<hbm>>) target(%dma_start3A_106 : memref<128x64xf32, #tpu.memory_space<vmem>>) offsets(%dma_start3A_108 : memref<128xi32, #tpu.memory_space<vmem>>) semaphore(%arg12 : memref<!tpu.dma_semaphore, #tpu.memory_space<semaphore_mem>>)
    %dma_start3A_112 = arith.constant 768 : i32
    %dma_start3A_113 = arith.constant 0 : i32
    %dma_start3A_114 = tpu.memref_slice %arg10[%dma_start3A_112, %dma_start3A_113] : memref<800x64xf32, #tpu.memory_space<vmem>> -> memref<32x64xf32, #tpu.memory_space<vmem>>
    %dma_start3A_115 = arith.constant 1568 : i32
    %dma_start3A_116 = tpu.memref_slice %arg7[%dma_start3A_115] : memref<6400xi32, #tpu.memory_space<vmem>> -> memref<32xi32, #tpu.memory_space<vmem>>
    %dma_start3A_117 = arith.constant 0 : i32
    %dma_start3A_118 = arith.constant 0 : i32
    %dma_start3A_119 = tpu.memref_slice %arg3[%dma_start3A_117, %dma_start3A_118] : memref<2000000x64xf32, #tpu.memory_space<hbm>> -> memref<2000000x64xf32, #tpu.memory_space<hbm>>
    tpu.enqueue_indirect_dma source(%dma_start3A_119 : memref<2000000x64xf32, #tpu.memory_space<hbm>>) target(%dma_start3A_114 : memref<32x64xf32, #tpu.memory_space<vmem>>) offsets(%dma_start3A_116 : memref<32xi32, #tpu.memory_space<vmem>>) semaphore(%arg12 : memref<!tpu.dma_semaphore, #tpu.memory_space<semaphore_mem>>)
    %dma_wait3A = arith.constant 0 : i32
    %dma_wait3A_120 = arith.constant 0 : i32
    %dma_wait3A_121 = tpu.memref_slice %arg9[%dma_wait3A, %dma_wait3A_120] : memref<800x64xf32, #tpu.memory_space<vmem>> -> memref<128x64xf32, #tpu.memory_space<vmem>>
    %dma_wait3A_122 = arith.constant 0 : i32
    %dma_wait3A_123 = tpu.memref_slice %arg7[%dma_wait3A_122] : memref<6400xi32, #tpu.memory_space<vmem>> -> memref<128xi32, #tpu.memory_space<vmem>>
    %dma_wait3A_124 = arith.constant 0 : i32
    %dma_wait3A_125 = arith.constant 0 : i32
    %dma_wait3A_126 = tpu.memref_slice %arg3[%dma_wait3A_124, %dma_wait3A_125] : memref<2000000x64xf32, #tpu.memory_space<hbm>> -> memref<2000000x64xf32, #tpu.memory_space<hbm>>
    tpu.wait_indirect_dma semaphore(%arg11 : memref<!tpu.dma_semaphore, #tpu.memory_space<semaphore_mem>>) src(%dma_wait3A_126 : memref<2000000x64xf32, #tpu.memory_space<hbm>>) dst(%dma_wait3A_121 : memref<128x64xf32, #tpu.memory_space<vmem>>)
    %dma_wait3A_127 = arith.constant 128 : i32
    %dma_wait3A_128 = arith.constant 0 : i32
    %dma_wait3A_129 = tpu.memref_slice %arg9[%dma_wait3A_127, %dma_wait3A_128] : memref<800x64xf32, #tpu.memory_space<vmem>> -> memref<128x64xf32, #tpu.memory_space<vmem>>
    %dma_wait3A_130 = arith.constant 128 : i32
    %dma_wait3A_131 = tpu.memref_slice %arg7[%dma_wait3A_130] : memref<6400xi32, #tpu.memory_space<vmem>> -> memref<128xi32, #tpu.memory_space<vmem>>
    %dma_wait3A_132 = arith.constant 0 : i32
    %dma_wait3A_133 = arith.constant 0 : i32
    %dma_wait3A_134 = tpu.memref_slice %arg3[%dma_wait3A_132, %dma_wait3A_133] : memref<2000000x64xf32, #tpu.memory_space<hbm>> -> memref<2000000x64xf32, #tpu.memory_space<hbm>>
    tpu.wait_indirect_dma semaphore(%arg11 : memref<!tpu.dma_semaphore, #tpu.memory_space<semaphore_mem>>) src(%dma_wait3A_134 : memref<2000000x64xf32, #tpu.memory_space<hbm>>) dst(%dma_wait3A_129 : memref<128x64xf32, #tpu.memory_space<vmem>>)
    %dma_wait3A_135 = arith.constant 256 : i32
    %dma_wait3A_136 = arith.constant 0 : i32
    %dma_wait3A_137 = tpu.memref_slice %arg9[%dma_wait3A_135, %dma_wait3A_136] : memref<800x64xf32, #tpu.memory_space<vmem>> -> memref<128x64xf32, #tpu.memory_space<vmem>>
    %dma_wait3A_138 = arith.constant 256 : i32
    %dma_wait3A_139 = tpu.memref_slice %arg7[%dma_wait3A_138] : memref<6400xi32, #tpu.memory_space<vmem>> -> memref<128xi32, #tpu.memory_space<vmem>>
    %dma_wait3A_140 = arith.constant 0 : i32
    %dma_wait3A_141 = arith.constant 0 : i32
    %dma_wait3A_142 = tpu.memref_slice %arg3[%dma_wait3A_140, %dma_wait3A_141] : memref<2000000x64xf32, #tpu.memory_space<hbm>> -> memref<2000000x64xf32, #tpu.memory_space<hbm>>
    tpu.wait_indirect_dma semaphore(%arg11 : memref<!tpu.dma_semaphore, #tpu.memory_space<semaphore_mem>>) src(%dma_wait3A_142 : memref<2000000x64xf32, #tpu.memory_space<hbm>>) dst(%dma_wait3A_137 : memref<128x64xf32, #tpu.memory_space<vmem>>)
    %dma_wait3A_143 = arith.constant 384 : i32
    %dma_wait3A_144 = arith.constant 0 : i32
    %dma_wait3A_145 = tpu.memref_slice %arg9[%dma_wait3A_143, %dma_wait3A_144] : memref<800x64xf32, #tpu.memory_space<vmem>> -> memref<128x64xf32, #tpu.memory_space<vmem>>
    %dma_wait3A_146 = arith.constant 384 : i32
    %dma_wait3A_147 = tpu.memref_slice %arg7[%dma_wait3A_146] : memref<6400xi32, #tpu.memory_space<vmem>> -> memref<128xi32, #tpu.memory_space<vmem>>
    %dma_wait3A_148 = arith.constant 0 : i32
    %dma_wait3A_149 = arith.constant 0 : i32
    %dma_wait3A_150 = tpu.memref_slice %arg3[%dma_wait3A_148, %dma_wait3A_149] : memref<2000000x64xf32, #tpu.memory_space<hbm>> -> memref<2000000x64xf32, #tpu.memory_space<hbm>>
    tpu.wait_indirect_dma semaphore(%arg11 : memref<!tpu.dma_semaphore, #tpu.memory_space<semaphore_mem>>) src(%dma_wait3A_150 : memref<2000000x64xf32, #tpu.memory_space<hbm>>) dst(%dma_wait3A_145 : memref<128x64xf32, #tpu.memory_space<vmem>>)
    %dma_wait3A_151 = arith.constant 512 : i32
    %dma_wait3A_152 = arith.constant 0 : i32
    %dma_wait3A_153 = tpu.memref_slice %arg9[%dma_wait3A_151, %dma_wait3A_152] : memref<800x64xf32, #tpu.memory_space<vmem>> -> memref<128x64xf32, #tpu.memory_space<vmem>>
    %dma_wait3A_154 = arith.constant 512 : i32
    %dma_wait3A_155 = tpu.memref_slice %arg7[%dma_wait3A_154] : memref<6400xi32, #tpu.memory_space<vmem>> -> memref<128xi32, #tpu.memory_space<vmem>>
    %dma_wait3A_156 = arith.constant 0 : i32
    %dma_wait3A_157 = arith.constant 0 : i32
    %dma_wait3A_158 = tpu.memref_slice %arg3[%dma_wait3A_156, %dma_wait3A_157] : memref<2000000x64xf32, #tpu.memory_space<hbm>> -> memref<2000000x64xf32, #tpu.memory_space<hbm>>
    tpu.wait_indirect_dma semaphore(%arg11 : memref<!tpu.dma_semaphore, #tpu.memory_space<semaphore_mem>>) src(%dma_wait3A_158 : memref<2000000x64xf32, #tpu.memory_space<hbm>>) dst(%dma_wait3A_153 : memref<128x64xf32, #tpu.memory_space<vmem>>)
    %dma_wait3A_159 = arith.constant 640 : i32
    %dma_wait3A_160 = arith.constant 0 : i32
    %dma_wait3A_161 = tpu.memref_slice %arg9[%dma_wait3A_159, %dma_wait3A_160] : memref<800x64xf32, #tpu.memory_space<vmem>> -> memref<128x64xf32, #tpu.memory_space<vmem>>
    %dma_wait3A_162 = arith.constant 640 : i32
    %dma_wait3A_163 = tpu.memref_slice %arg7[%dma_wait3A_162] : memref<6400xi32, #tpu.memory_space<vmem>> -> memref<128xi32, #tpu.memory_space<vmem>>
    %dma_wait3A_164 = arith.constant 0 : i32
    %dma_wait3A_165 = arith.constant 0 : i32
    %dma_wait3A_166 = tpu.memref_slice %arg3[%dma_wait3A_164, %dma_wait3A_165] : memref<2000000x64xf32, #tpu.memory_space<hbm>> -> memref<2000000x64xf32, #tpu.memory_space<hbm>>
    tpu.wait_indirect_dma semaphore(%arg11 : memref<!tpu.dma_semaphore, #tpu.memory_space<semaphore_mem>>) src(%dma_wait3A_166 : memref<2000000x64xf32, #tpu.memory_space<hbm>>) dst(%dma_wait3A_161 : memref<128x64xf32, #tpu.memory_space<vmem>>)
    %dma_wait3A_167 = arith.constant 768 : i32
    %dma_wait3A_168 = arith.constant 0 : i32
    %dma_wait3A_169 = tpu.memref_slice %arg9[%dma_wait3A_167, %dma_wait3A_168] : memref<800x64xf32, #tpu.memory_space<vmem>> -> memref<32x64xf32, #tpu.memory_space<vmem>>
    %dma_wait3A_170 = arith.constant 768 : i32
    %dma_wait3A_171 = tpu.memref_slice %arg7[%dma_wait3A_170] : memref<6400xi32, #tpu.memory_space<vmem>> -> memref<32xi32, #tpu.memory_space<vmem>>
    %dma_wait3A_172 = arith.constant 0 : i32
    %dma_wait3A_173 = arith.constant 0 : i32
    %dma_wait3A_174 = tpu.memref_slice %arg3[%dma_wait3A_172, %dma_wait3A_173] : memref<2000000x64xf32, #tpu.memory_space<hbm>> -> memref<2000000x64xf32, #tpu.memory_space<hbm>>
    tpu.wait_indirect_dma semaphore(%arg11 : memref<!tpu.dma_semaphore, #tpu.memory_space<semaphore_mem>>) src(%dma_wait3A_174 : memref<2000000x64xf32, #tpu.memory_space<hbm>>) dst(%dma_wait3A_169 : memref<32x64xf32, #tpu.memory_space<vmem>>)
    %scan3A_175 = arith.constant 0 : i32
    %scan3A_176 = arith.constant 0 : i32
    %scan3A_177 = arith.constant 50 : i32
    %scan3A_178 = arith.addi %scan3A_176, %scan3A_177 : i32
    %scan3A_179 = arith.constant 1 : i32
    %scan3A_180 = scf.for %scan3A_1055 = %scan3A_176 to %scan3A_178 step %scan3A_179 iter_args(%scan3A_1056 = %scan3A_175) -> (i32)  : i32 {
      %get3A = arith.index_cast %scan3A_1055 : i32 to index
      %get3A_1057 = arith.constant 0 : index
      %get3A_1058 = tpu.vector_load %arg8[%get3A, %get3A_1057] {strides = array<i32>} : memref<50x64xf32, #tpu.memory_space<vmem>>, vector<1x16xf32>,
      %get3A_1059 = vector.shape_cast %get3A_1058 : vector<1x16xf32> to vector<16xf32>
      %get3A_1060 = arith.index_cast %scan3A_1055 : i32 to index
      %get3A_1061 = arith.constant 16 : index
      %get3A_1062 = tpu.vector_load %arg8[%get3A_1060, %get3A_1061] {strides = array<i32>} : memref<50x64xf32, #tpu.memory_space<vmem>>, vector<1x16xf32>,
      %get3A_1063 = vector.shape_cast %get3A_1062 : vector<1x16xf32> to vector<16xf32>
      %get3A_1064 = arith.index_cast %scan3A_1055 : i32 to index
      %get3A_1065 = arith.constant 32 : index
      %get3A_1066 = tpu.vector_load %arg8[%get3A_1064, %get3A_1065] {strides = array<i32>} : memref<50x64xf32, #tpu.memory_space<vmem>>, vector<1x16xf32>,
      %get3A_1067 = vector.shape_cast %get3A_1066 : vector<1x16xf32> to vector<16xf32>
      %get3A_1068 = arith.index_cast %scan3A_1055 : i32 to index
      %get3A_1069 = arith.constant 48 : index
      %get3A_1070 = tpu.vector_load %arg8[%get3A_1068, %get3A_1069] {strides = array<i32>} : memref<50x64xf32, #tpu.memory_space<vmem>>, vector<1x16xf32>,
      %get3A_1071 = vector.shape_cast %get3A_1070 : vector<1x16xf32> to vector<16xf32>
      %scan3A_1072 = arith.constant 0 : i32
      %scan3A_1073 = arith.constant 0 : i32
      %scan3A_1074 = arith.constant 16 : i32
      %scan3A_1075 = arith.addi %scan3A_1073, %scan3A_1074 : i32
      %scan3A_1076 = arith.constant 1 : i32
      %scan3A_1077 = scf.for %scan3A_1080 = %scan3A_1073 to %scan3A_1075 step %scan3A_1076 iter_args(%scan3A_1081 = %scan3A_1072) -> (i32)  : i32 {
        %mul3A_1082 = arith.constant 50 : i32
        %mul3A_1083 = arith.muli %scan3A_1080, %mul3A_1082 : i32
        %add3A_1084 = arith.addi %mul3A_1083, %scan3A_1055 : i32
        %swap3A = arith.index_cast %add3A_1084 : i32 to index
        %swap3A_1085 = arith.constant 0 : index
        %swap3A_1086 = tpu.vector_load %arg9[%swap3A, %swap3A_1085] {strides = array<i32>} : memref<800x64xf32, #tpu.memory_space<vmem>>, vector<1x16xf32>,
        %swap3A_1087 = vector.shape_cast %swap3A_1086 : vector<1x16xf32> to vector<16xf32>
        %swap3A_1088 = vector.shape_cast %get3A_1059 : vector<16xf32> to vector<1x16xf32>
        tpu.vector_store %arg9[%swap3A, %swap3A_1085], %swap3A_1088 {add = true, strides = array<i32>} : memref<800x64xf32, #tpu.memory_space<vmem>>, vector<1x16xf32>,
        %swap3A_1089 = arith.index_cast %add3A_1084 : i32 to index
        %swap3A_1090 = arith.constant 16 : index
        %swap3A_1091 = tpu.vector_load %arg9[%swap3A_1089, %swap3A_1090] {strides = array<i32>} : memref<800x64xf32, #tpu.memory_space<vmem>>, vector<1x16xf32>,
        %swap3A_1092 = vector.shape_cast %swap3A_1091 : vector<1x16xf32> to vector<16xf32>
        %swap3A_1093 = vector.shape_cast %get3A_1063 : vector<16xf32> to vector<1x16xf32>
        tpu.vector_store %arg9[%swap3A_1089, %swap3A_1090], %swap3A_1093 {add = true, strides = array<i32>} : memref<800x64xf32, #tpu.memory_space<vmem>>, vector<1x16xf32>,
        %swap3A_1094 = arith.index_cast %add3A_1084 : i32 to index
        %swap3A_1095 = arith.constant 32 : index
        %swap3A_1096 = tpu.vector_load %arg9[%swap3A_1094, %swap3A_1095] {strides = array<i32>} : memref<800x64xf32, #tpu.memory_space<vmem>>, vector<1x16xf32>,
        %swap3A_1097 = vector.shape_cast %swap3A_1096 : vector<1x16xf32> to vector<16xf32>
        %swap3A_1098 = vector.shape_cast %get3A_1067 : vector<16xf32> to vector<1x16xf32>
        tpu.vector_store %arg9[%swap3A_1094, %swap3A_1095], %swap3A_1098 {add = true, strides = array<i32>} : memref<800x64xf32, #tpu.memory_space<vmem>>, vector<1x16xf32>,
        %swap3A_1099 = arith.index_cast %add3A_1084 : i32 to index
        %swap3A_1100 = arith.constant 48 : index
        %swap3A_1101 = tpu.vector_load %arg9[%swap3A_1099, %swap3A_1100] {strides = array<i32>} : memref<800x64xf32, #tpu.memory_space<vmem>>, vector<1x16xf32>,
        %swap3A_1102 = vector.shape_cast %swap3A_1101 : vector<1x16xf32> to vector<16xf32>
        %swap3A_1103 = vector.shape_cast %get3A_1071 : vector<16xf32> to vector<1x16xf32>
        tpu.vector_store %arg9[%swap3A_1099, %swap3A_1100], %swap3A_1103 {add = true, strides = array<i32>} : memref<800x64xf32, #tpu.memory_space<vmem>>, vector<1x16xf32>,
        %scan3A_1104 = arith.constant 0 : i32
        scf.yield %scan3A_1104 : i32
      }
      %scan3A_1078 = arith.constant 16 : i32
      %scan3A_1079 = arith.constant 0 : i32
      scf.yield %scan3A_1079 : i32
    }
    %scan3A_181 = arith.constant 50 : i32
    %add3A_182 = arith.constant 0 : i32
    %add3A_183 = arith.addi %mul3A_2, %add3A_182 : i32
    %dma_start3A_184 = arith.constant 0 : i32
    %dma_start3A_185 = tpu.memref_slice %arg5[%add3A_183, %dma_start3A_184] : memref<204800x64xf32, #tpu.memory_space<hbm>> -> memref<800x64xf32, #tpu.memory_space<hbm>>
    %dma_start3A_186 = arith.constant 0 : i32
    %dma_start3A_187 = tpu.memref_slice %arg5[%add3A_183, %dma_start3A_186] : memref<204800x64xf32, #tpu.memory_space<hbm>> -> memref<800x64xf32, #tpu.memory_space<hbm>>
    tpu.enqueue_dma source(%arg9 : memref<800x64xf32, #tpu.memory_space<vmem>>) target(%dma_start3A_187 : memref<800x64xf32, #tpu.memory_space<hbm>>) target_semaphore(%arg13 : memref<!tpu.dma_semaphore, #tpu.memory_space<semaphore_mem>>)
    %add3A_188 = arith.constant 0 : i32
    %add3A_189 = arith.addi %mul3A_2, %add3A_188 : i32
    %dma_wait3A_190 = arith.constant 0 : i32
    %dma_wait3A_191 = tpu.memref_slice %arg5[%add3A_189, %dma_wait3A_190] : memref<204800x64xf32, #tpu.memory_space<hbm>> -> memref<800x64xf32, #tpu.memory_space<hbm>>
    %dma_wait3A_192 = arith.constant 0 : i32
    %dma_wait3A_193 = tpu.memref_slice %arg5[%add3A_189, %dma_wait3A_192] : memref<204800x64xf32, #tpu.memory_space<hbm>> -> memref<800x64xf32, #tpu.memory_space<hbm>>
    tpu.wait_dma2 semaphore(%arg13 : memref<!tpu.dma_semaphore, #tpu.memory_space<semaphore_mem>>) src(%arg9 : memref<800x64xf32, #tpu.memory_space<vmem>>) dst(%dma_wait3A_193 : memref<800x64xf32, #tpu.memory_space<hbm>>)
    %dma_start3A_194 = arith.constant 0 : i32
    %dma_start3A_195 = arith.constant 0 : i32
    %dma_start3A_196 = tpu.memref_slice %arg9[%dma_start3A_194, %dma_start3A_195] : memref<800x64xf32, #tpu.memory_space<vmem>> -> memref<128x64xf32, #tpu.memory_space<vmem>>
    %dma_start3A_197 = arith.constant 1600 : i32
    %dma_start3A_198 = tpu.memref_slice %arg7[%dma_start3A_197] : memref<6400xi32, #tpu.memory_space<vmem>> -> memref<128xi32, #tpu.memory_space<vmem>>
    %dma_start3A_199 = arith.constant 0 : i32
    %dma_start3A_200 = arith.constant 0 : i32
    %dma_start3A_201 = tpu.memref_slice %arg3[%dma_start3A_199, %dma_start3A_200] : memref<2000000x64xf32, #tpu.memory_space<hbm>> -> memref<2000000x64xf32, #tpu.memory_space<hbm>>
    tpu.enqueue_indirect_dma source(%dma_start3A_201 : memref<2000000x64xf32, #tpu.memory_space<hbm>>) target(%dma_start3A_196 : memref<128x64xf32, #tpu.memory_space<vmem>>) offsets(%dma_start3A_198 : memref<128xi32, #tpu.memory_space<vmem>>) semaphore(%arg11 : memref<!tpu.dma_semaphore, #tpu.memory_space<semaphore_mem>>)
    %dma_start3A_202 = arith.constant 128 : i32
    %dma_start3A_203 = arith.constant 0 : i32
    %dma_start3A_204 = tpu.memref_slice %arg9[%dma_start3A_202, %dma_start3A_203] : memref<800x64xf32, #tpu.memory_space<vmem>> -> memref<128x64xf32, #tpu.memory_space<vmem>>
    %dma_start3A_205 = arith.constant 1728 : i32
    %dma_start3A_206 = tpu.memref_slice %arg7[%dma_start3A_205] : memref<6400xi32, #tpu.memory_space<vmem>> -> memref<128xi32, #tpu.memory_space<vmem>>
    %dma_start3A_207 = arith.constant 0 : i32
    %dma_start3A_208 = arith.constant 0 : i32
    %dma_start3A_209 = tpu.memref_slice %arg3[%dma_start3A_207, %dma_start3A_208] : memref<2000000x64xf32, #tpu.memory_space<hbm>> -> memref<2000000x64xf32, #tpu.memory_space<hbm>>
    tpu.enqueue_indirect_dma source(%dma_start3A_209 : memref<2000000x64xf32, #tpu.memory_space<hbm>>) target(%dma_start3A_204 : memref<128x64xf32, #tpu.memory_space<vmem>>) offsets(%dma_start3A_206 : memref<128xi32, #tpu.memory_space<vmem>>) semaphore(%arg11 : memref<!tpu.dma_semaphore, #tpu.memory_space<semaphore_mem>>)
    %dma_start3A_210 = arith.constant 256 : i32
    %dma_start3A_211 = arith.constant 0 : i32
    %dma_start3A_212 = tpu.memref_slice %arg9[%dma_start3A_210, %dma_start3A_211] : memref<800x64xf32, #tpu.memory_space<vmem>> -> memref<128x64xf32, #tpu.memory_space<vmem>>
    %dma_start3A_213 = arith.constant 1856 : i32
    %dma_start3A_214 = tpu.memref_slice %arg7[%dma_start3A_213] : memref<6400xi32, #tpu.memory_space<vmem>> -> memref<128xi32, #tpu.memory_space<vmem>>
    %dma_start3A_215 = arith.constant 0 : i32
    %dma_start3A_216 = arith.constant 0 : i32
    %dma_start3A_217 = tpu.memref_slice %arg3[%dma_start3A_215, %dma_start3A_216] : memref<2000000x64xf32, #tpu.memory_space<hbm>> -> memref<2000000x64xf32, #tpu.memory_space<hbm>>
    tpu.enqueue_indirect_dma source(%dma_start3A_217 : memref<2000000x64xf32, #tpu.memory_space<hbm>>) target(%dma_start3A_212 : memref<128x64xf32, #tpu.memory_space<vmem>>) offsets(%dma_start3A_214 : memref<128xi32, #tpu.memory_space<vmem>>) semaphore(%arg11 : memref<!tpu.dma_semaphore, #tpu.memory_space<semaphore_mem>>)
    %dma_start3A_218 = arith.constant 384 : i32
    %dma_start3A_219 = arith.constant 0 : i32
    %dma_start3A_220 = tpu.memref_slice %arg9[%dma_start3A_218, %dma_start3A_219] : memref<800x64xf32, #tpu.memory_space<vmem>> -> memref<128x64xf32, #tpu.memory_space<vmem>>
    %dma_start3A_221 = arith.constant 1984 : i32
    %dma_start3A_222 = tpu.memref_slice %arg7[%dma_start3A_221] : memref<6400xi32, #tpu.memory_space<vmem>> -> memref<128xi32, #tpu.memory_space<vmem>>
    %dma_start3A_223 = arith.constant 0 : i32
    %dma_start3A_224 = arith.constant 0 : i32
    %dma_start3A_225 = tpu.memref_slice %arg3[%dma_start3A_223, %dma_start3A_224] : memref<2000000x64xf32, #tpu.memory_space<hbm>> -> memref<2000000x64xf32, #tpu.memory_space<hbm>>
    tpu.enqueue_indirect_dma source(%dma_start3A_225 : memref<2000000x64xf32, #tpu.memory_space<hbm>>) target(%dma_start3A_220 : memref<128x64xf32, #tpu.memory_space<vmem>>) offsets(%dma_start3A_222 : memref<128xi32, #tpu.memory_space<vmem>>) semaphore(%arg11 : memref<!tpu.dma_semaphore, #tpu.memory_space<semaphore_mem>>)
    %dma_start3A_226 = arith.constant 512 : i32
    %dma_start3A_227 = arith.constant 0 : i32
    %dma_start3A_228 = tpu.memref_slice %arg9[%dma_start3A_226, %dma_start3A_227] : memref<800x64xf32, #tpu.memory_space<vmem>> -> memref<128x64xf32, #tpu.memory_space<vmem>>
    %dma_start3A_229 = arith.constant 2112 : i32
    %dma_start3A_230 = tpu.memref_slice %arg7[%dma_start3A_229] : memref<6400xi32, #tpu.memory_space<vmem>> -> memref<128xi32, #tpu.memory_space<vmem>>
    %dma_start3A_231 = arith.constant 0 : i32
    %dma_start3A_232 = arith.constant 0 : i32
    %dma_start3A_233 = tpu.memref_slice %arg3[%dma_start3A_231, %dma_start3A_232] : memref<2000000x64xf32, #tpu.memory_space<hbm>> -> memref<2000000x64xf32, #tpu.memory_space<hbm>>
    tpu.enqueue_indirect_dma source(%dma_start3A_233 : memref<2000000x64xf32, #tpu.memory_space<hbm>>) target(%dma_start3A_228 : memref<128x64xf32, #tpu.memory_space<vmem>>) offsets(%dma_start3A_230 : memref<128xi32, #tpu.memory_space<vmem>>) semaphore(%arg11 : memref<!tpu.dma_semaphore, #tpu.memory_space<semaphore_mem>>)
    %dma_start3A_234 = arith.constant 640 : i32
    %dma_start3A_235 = arith.constant 0 : i32
    %dma_start3A_236 = tpu.memref_slice %arg9[%dma_start3A_234, %dma_start3A_235] : memref<800x64xf32, #tpu.memory_space<vmem>> -> memref<128x64xf32, #tpu.memory_space<vmem>>
    %dma_start3A_237 = arith.constant 2240 : i32
    %dma_start3A_238 = tpu.memref_slice %arg7[%dma_start3A_237] : memref<6400xi32, #tpu.memory_space<vmem>> -> memref<128xi32, #tpu.memory_space<vmem>>
    %dma_start3A_239 = arith.constant 0 : i32
    %dma_start3A_240 = arith.constant 0 : i32
    %dma_start3A_241 = tpu.memref_slice %arg3[%dma_start3A_239, %dma_start3A_240] : memref<2000000x64xf32, #tpu.memory_space<hbm>> -> memref<2000000x64xf32, #tpu.memory_space<hbm>>
    tpu.enqueue_indirect_dma source(%dma_start3A_241 : memref<2000000x64xf32, #tpu.memory_space<hbm>>) target(%dma_start3A_236 : memref<128x64xf32, #tpu.memory_space<vmem>>) offsets(%dma_start3A_238 : memref<128xi32, #tpu.memory_space<vmem>>) semaphore(%arg11 : memref<!tpu.dma_semaphore, #tpu.memory_space<semaphore_mem>>)
    %dma_start3A_242 = arith.constant 768 : i32
    %dma_start3A_243 = arith.constant 0 : i32
    %dma_start3A_244 = tpu.memref_slice %arg9[%dma_start3A_242, %dma_start3A_243] : memref<800x64xf32, #tpu.memory_space<vmem>> -> memref<32x64xf32, #tpu.memory_space<vmem>>
    %dma_start3A_245 = arith.constant 2368 : i32
    %dma_start3A_246 = tpu.memref_slice %arg7[%dma_start3A_245] : memref<6400xi32, #tpu.memory_space<vmem>> -> memref<32xi32, #tpu.memory_space<vmem>>
    %dma_start3A_247 = arith.constant 0 : i32
    %dma_start3A_248 = arith.constant 0 : i32
    %dma_start3A_249 = tpu.memref_slice %arg3[%dma_start3A_247, %dma_start3A_248] : memref<2000000x64xf32, #tpu.memory_space<hbm>> -> memref<2000000x64xf32, #tpu.memory_space<hbm>>
    tpu.enqueue_indirect_dma source(%dma_start3A_249 : memref<2000000x64xf32, #tpu.memory_space<hbm>>) target(%dma_start3A_244 : memref<32x64xf32, #tpu.memory_space<vmem>>) offsets(%dma_start3A_246 : memref<32xi32, #tpu.memory_space<vmem>>) semaphore(%arg11 : memref<!tpu.dma_semaphore, #tpu.memory_space<semaphore_mem>>)
    %dma_wait3A_250 = arith.constant 0 : i32
    %dma_wait3A_251 = arith.constant 0 : i32
    %dma_wait3A_252 = tpu.memref_slice %arg10[%dma_wait3A_250, %dma_wait3A_251] : memref<800x64xf32, #tpu.memory_space<vmem>> -> memref<128x64xf32, #tpu.memory_space<vmem>>
    %dma_wait3A_253 = arith.constant 800 : i32
    %dma_wait3A_254 = tpu.memref_slice %arg7[%dma_wait3A_253] : memref<6400xi32, #tpu.memory_space<vmem>> -> memref<128xi32, #tpu.memory_space<vmem>>
    %dma_wait3A_255 = arith.constant 0 : i32
    %dma_wait3A_256 = arith.constant 0 : i32
    %dma_wait3A_257 = tpu.memref_slice %arg3[%dma_wait3A_255, %dma_wait3A_256] : memref<2000000x64xf32, #tpu.memory_space<hbm>> -> memref<2000000x64xf32, #tpu.memory_space<hbm>>
    tpu.wait_indirect_dma semaphore(%arg12 : memref<!tpu.dma_semaphore, #tpu.memory_space<semaphore_mem>>) src(%dma_wait3A_257 : memref<2000000x64xf32, #tpu.memory_space<hbm>>) dst(%dma_wait3A_252 : memref<128x64xf32, #tpu.memory_space<vmem>>)
    %dma_wait3A_258 = arith.constant 128 : i32
    %dma_wait3A_259 = arith.constant 0 : i32
    %dma_wait3A_260 = tpu.memref_slice %arg10[%dma_wait3A_258, %dma_wait3A_259] : memref<800x64xf32, #tpu.memory_space<vmem>> -> memref<128x64xf32, #tpu.memory_space<vmem>>
    %dma_wait3A_261 = arith.constant 928 : i32
    %dma_wait3A_262 = tpu.memref_slice %arg7[%dma_wait3A_261] : memref<6400xi32, #tpu.memory_space<vmem>> -> memref<128xi32, #tpu.memory_space<vmem>>
    %dma_wait3A_263 = arith.constant 0 : i32
    %dma_wait3A_264 = arith.constant 0 : i32
    %dma_wait3A_265 = tpu.memref_slice %arg3[%dma_wait3A_263, %dma_wait3A_264] : memref<2000000x64xf32, #tpu.memory_space<hbm>> -> memref<2000000x64xf32, #tpu.memory_space<hbm>>
    tpu.wait_indirect_dma semaphore(%arg12 : memref<!tpu.dma_semaphore, #tpu.memory_space<semaphore_mem>>) src(%dma_wait3A_265 : memref<2000000x64xf32, #tpu.memory_space<hbm>>) dst(%dma_wait3A_260 : memref<128x64xf32, #tpu.memory_space<vmem>>)
    %dma_wait3A_266 = arith.constant 256 : i32
    %dma_wait3A_267 = arith.constant 0 : i32
    %dma_wait3A_268 = tpu.memref_slice %arg10[%dma_wait3A_266, %dma_wait3A_267] : memref<800x64xf32, #tpu.memory_space<vmem>> -> memref<128x64xf32, #tpu.memory_space<vmem>>
    %dma_wait3A_269 = arith.constant 1056 : i32
    %dma_wait3A_270 = tpu.memref_slice %arg7[%dma_wait3A_269] : memref<6400xi32, #tpu.memory_space<vmem>> -> memref<128xi32, #tpu.memory_space<vmem>>
    %dma_wait3A_271 = arith.constant 0 : i32
    %dma_wait3A_272 = arith.constant 0 : i32
    %dma_wait3A_273 = tpu.memref_slice %arg3[%dma_wait3A_271, %dma_wait3A_272] : memref<2000000x64xf32, #tpu.memory_space<hbm>> -> memref<2000000x64xf32, #tpu.memory_space<hbm>>
    tpu.wait_indirect_dma semaphore(%arg12 : memref<!tpu.dma_semaphore, #tpu.memory_space<semaphore_mem>>) src(%dma_wait3A_273 : memref<2000000x64xf32, #tpu.memory_space<hbm>>) dst(%dma_wait3A_268 : memref<128x64xf32, #tpu.memory_space<vmem>>)
    %dma_wait3A_274 = arith.constant 384 : i32
    %dma_wait3A_275 = arith.constant 0 : i32
    %dma_wait3A_276 = tpu.memref_slice %arg10[%dma_wait3A_274, %dma_wait3A_275] : memref<800x64xf32, #tpu.memory_space<vmem>> -> memref<128x64xf32, #tpu.memory_space<vmem>>
    %dma_wait3A_277 = arith.constant 1184 : i32
    %dma_wait3A_278 = tpu.memref_slice %arg7[%dma_wait3A_277] : memref<6400xi32, #tpu.memory_space<vmem>> -> memref<128xi32, #tpu.memory_space<vmem>>
    %dma_wait3A_279 = arith.constant 0 : i32
    %dma_wait3A_280 = arith.constant 0 : i32
    %dma_wait3A_281 = tpu.memref_slice %arg3[%dma_wait3A_279, %dma_wait3A_280] : memref<2000000x64xf32, #tpu.memory_space<hbm>> -> memref<2000000x64xf32, #tpu.memory_space<hbm>>
    tpu.wait_indirect_dma semaphore(%arg12 : memref<!tpu.dma_semaphore, #tpu.memory_space<semaphore_mem>>) src(%dma_wait3A_281 : memref<2000000x64xf32, #tpu.memory_space<hbm>>) dst(%dma_wait3A_276 : memref<128x64xf32, #tpu.memory_space<vmem>>)
    %dma_wait3A_282 = arith.constant 512 : i32
    %dma_wait3A_283 = arith.constant 0 : i32
    %dma_wait3A_284 = tpu.memref_slice %arg10[%dma_wait3A_282, %dma_wait3A_283] : memref<800x64xf32, #tpu.memory_space<vmem>> -> memref<128x64xf32, #tpu.memory_space<vmem>>
    %dma_wait3A_285 = arith.constant 1312 : i32
    %dma_wait3A_286 = tpu.memref_slice %arg7[%dma_wait3A_285] : memref<6400xi32, #tpu.memory_space<vmem>> -> memref<128xi32, #tpu.memory_space<vmem>>
    %dma_wait3A_287 = arith.constant 0 : i32
    %dma_wait3A_288 = arith.constant 0 : i32
    %dma_wait3A_289 = tpu.memref_slice %arg3[%dma_wait3A_287, %dma_wait3A_288] : memref<2000000x64xf32, #tpu.memory_space<hbm>> -> memref<2000000x64xf32, #tpu.memory_space<hbm>>
    tpu.wait_indirect_dma semaphore(%arg12 : memref<!tpu.dma_semaphore, #tpu.memory_space<semaphore_mem>>) src(%dma_wait3A_289 : memref<2000000x64xf32, #tpu.memory_space<hbm>>) dst(%dma_wait3A_284 : memref<128x64xf32, #tpu.memory_space<vmem>>)
    %dma_wait3A_290 = arith.constant 640 : i32
    %dma_wait3A_291 = arith.constant 0 : i32
    %dma_wait3A_292 = tpu.memref_slice %arg10[%dma_wait3A_290, %dma_wait3A_291] : memref<800x64xf32, #tpu.memory_space<vmem>> -> memref<128x64xf32, #tpu.memory_space<vmem>>
    %dma_wait3A_293 = arith.constant 1440 : i32
    %dma_wait3A_294 = tpu.memref_slice %arg7[%dma_wait3A_293] : memref<6400xi32, #tpu.memory_space<vmem>> -> memref<128xi32, #tpu.memory_space<vmem>>
    %dma_wait3A_295 = arith.constant 0 : i32
    %dma_wait3A_296 = arith.constant 0 : i32
    %dma_wait3A_297 = tpu.memref_slice %arg3[%dma_wait3A_295, %dma_wait3A_296] : memref<2000000x64xf32, #tpu.memory_space<hbm>> -> memref<2000000x64xf32, #tpu.memory_space<hbm>>
    tpu.wait_indirect_dma semaphore(%arg12 : memref<!tpu.dma_semaphore, #tpu.memory_space<semaphore_mem>>) src(%dma_wait3A_297 : memref<2000000x64xf32, #tpu.memory_space<hbm>>) dst(%dma_wait3A_292 : memref<128x64xf32, #tpu.memory_space<vmem>>)
    %dma_wait3A_298 = arith.constant 768 : i32
    %dma_wait3A_299 = arith.constant 0 : i32
    %dma_wait3A_300 = tpu.memref_slice %arg10[%dma_wait3A_298, %dma_wait3A_299] : memref<800x64xf32, #tpu.memory_space<vmem>> -> memref<32x64xf32, #tpu.memory_space<vmem>>
    %dma_wait3A_301 = arith.constant 1568 : i32
    %dma_wait3A_302 = tpu.memref_slice %arg7[%dma_wait3A_301] : memref<6400xi32, #tpu.memory_space<vmem>> -> memref<32xi32, #tpu.memory_space<vmem>>
    %dma_wait3A_303 = arith.constant 0 : i32
    %dma_wait3A_304 = arith.constant 0 : i32
    %dma_wait3A_305 = tpu.memref_slice %arg3[%dma_wait3A_303, %dma_wait3A_304] : memref<2000000x64xf32, #tpu.memory_space<hbm>> -> memref<2000000x64xf32, #tpu.memory_space<hbm>>
    tpu.wait_indirect_dma semaphore(%arg12 : memref<!tpu.dma_semaphore, #tpu.memory_space<semaphore_mem>>) src(%dma_wait3A_305 : memref<2000000x64xf32, #tpu.memory_space<hbm>>) dst(%dma_wait3A_300 : memref<32x64xf32, #tpu.memory_space<vmem>>)
    %scan3A_306 = arith.constant 0 : i32
    %scan3A_307 = arith.constant 0 : i32
    %scan3A_308 = arith.constant 50 : i32
    %scan3A_309 = arith.addi %scan3A_307, %scan3A_308 : i32
    %scan3A_310 = arith.constant 1 : i32
    %scan3A_311 = scf.for %scan3A_1055 = %scan3A_307 to %scan3A_309 step %scan3A_310 iter_args(%scan3A_1056 = %scan3A_306) -> (i32)  : i32 {
      %get3A = arith.index_cast %scan3A_1055 : i32 to index
      %get3A_1057 = arith.constant 0 : index
      %get3A_1058 = tpu.vector_load %arg8[%get3A, %get3A_1057] {strides = array<i32>} : memref<50x64xf32, #tpu.memory_space<vmem>>, vector<1x16xf32>,
      %get3A_1059 = vector.shape_cast %get3A_1058 : vector<1x16xf32> to vector<16xf32>
      %get3A_1060 = arith.index_cast %scan3A_1055 : i32 to index
      %get3A_1061 = arith.constant 16 : index
      %get3A_1062 = tpu.vector_load %arg8[%get3A_1060, %get3A_1061] {strides = array<i32>} : memref<50x64xf32, #tpu.memory_space<vmem>>, vector<1x16xf32>,
      %get3A_1063 = vector.shape_cast %get3A_1062 : vector<1x16xf32> to vector<16xf32>
      %get3A_1064 = arith.index_cast %scan3A_1055 : i32 to index
      %get3A_1065 = arith.constant 32 : index
      %get3A_1066 = tpu.vector_load %arg8[%get3A_1064, %get3A_1065] {strides = array<i32>} : memref<50x64xf32, #tpu.memory_space<vmem>>, vector<1x16xf32>,
      %get3A_1067 = vector.shape_cast %get3A_1066 : vector<1x16xf32> to vector<16xf32>
      %get3A_1068 = arith.index_cast %scan3A_1055 : i32 to index
      %get3A_1069 = arith.constant 48 : index
      %get3A_1070 = tpu.vector_load %arg8[%get3A_1068, %get3A_1069] {strides = array<i32>} : memref<50x64xf32, #tpu.memory_space<vmem>>, vector<1x16xf32>,
      %get3A_1071 = vector.shape_cast %get3A_1070 : vector<1x16xf32> to vector<16xf32>
      %scan3A_1072 = arith.constant 0 : i32
      %scan3A_1073 = arith.constant 0 : i32
      %scan3A_1074 = arith.constant 16 : i32
      %scan3A_1075 = arith.addi %scan3A_1073, %scan3A_1074 : i32
      %scan3A_1076 = arith.constant 1 : i32
      %scan3A_1077 = scf.for %scan3A_1080 = %scan3A_1073 to %scan3A_1075 step %scan3A_1076 iter_args(%scan3A_1081 = %scan3A_1072) -> (i32)  : i32 {
        %mul3A_1082 = arith.constant 50 : i32
        %mul3A_1083 = arith.muli %scan3A_1080, %mul3A_1082 : i32
        %add3A_1084 = arith.addi %mul3A_1083, %scan3A_1055 : i32
        %swap3A = arith.index_cast %add3A_1084 : i32 to index
        %swap3A_1085 = arith.constant 0 : index
        %swap3A_1086 = tpu.vector_load %arg10[%swap3A, %swap3A_1085] {strides = array<i32>} : memref<800x64xf32, #tpu.memory_space<vmem>>, vector<1x16xf32>,
        %swap3A_1087 = vector.shape_cast %swap3A_1086 : vector<1x16xf32> to vector<16xf32>
        %swap3A_1088 = vector.shape_cast %get3A_1059 : vector<16xf32> to vector<1x16xf32>
        tpu.vector_store %arg10[%swap3A, %swap3A_1085], %swap3A_1088 {add = true, strides = array<i32>} : memref<800x64xf32, #tpu.memory_space<vmem>>, vector<1x16xf32>,
        %swap3A_1089 = arith.index_cast %add3A_1084 : i32 to index
        %swap3A_1090 = arith.constant 16 : index
        %swap3A_1091 = tpu.vector_load %arg10[%swap3A_1089, %swap3A_1090] {strides = array<i32>} : memref<800x64xf32, #tpu.memory_space<vmem>>, vector<1x16xf32>,
        %swap3A_1092 = vector.shape_cast %swap3A_1091 : vector<1x16xf32> to vector<16xf32>
        %swap3A_1093 = vector.shape_cast %get3A_1063 : vector<16xf32> to vector<1x16xf32>
        tpu.vector_store %arg10[%swap3A_1089, %swap3A_1090], %swap3A_1093 {add = true, strides = array<i32>} : memref<800x64xf32, #tpu.memory_space<vmem>>, vector<1x16xf32>,
        %swap3A_1094 = arith.index_cast %add3A_1084 : i32 to index
        %swap3A_1095 = arith.constant 32 : index
        %swap3A_1096 = tpu.vector_load %arg10[%swap3A_1094, %swap3A_1095] {strides = array<i32>} : memref<800x64xf32, #tpu.memory_space<vmem>>, vector<1x16xf32>,
        %swap3A_1097 = vector.shape_cast %swap3A_1096 : vector<1x16xf32> to vector<16xf32>
        %swap3A_1098 = vector.shape_cast %get3A_1067 : vector<16xf32> to vector<1x16xf32>
        tpu.vector_store %arg10[%swap3A_1094, %swap3A_1095], %swap3A_1098 {add = true, strides = array<i32>} : memref<800x64xf32, #tpu.memory_space<vmem>>, vector<1x16xf32>,
        %swap3A_1099 = arith.index_cast %add3A_1084 : i32 to index
        %swap3A_1100 = arith.constant 48 : index
        %swap3A_1101 = tpu.vector_load %arg10[%swap3A_1099, %swap3A_1100] {strides = array<i32>} : memref<800x64xf32, #tpu.memory_space<vmem>>, vector<1x16xf32>,
        %swap3A_1102 = vector.shape_cast %swap3A_1101 : vector<1x16xf32> to vector<16xf32>
        %swap3A_1103 = vector.shape_cast %get3A_1071 : vector<16xf32> to vector<1x16xf32>
        tpu.vector_store %arg10[%swap3A_1099, %swap3A_1100], %swap3A_1103 {add = true, strides = array<i32>} : memref<800x64xf32, #tpu.memory_space<vmem>>, vector<1x16xf32>,
        %scan3A_1104 = arith.constant 0 : i32
        scf.yield %scan3A_1104 : i32
      }
      %scan3A_1078 = arith.constant 16 : i32
      %scan3A_1079 = arith.constant 0 : i32
      scf.yield %scan3A_1079 : i32
    }
    %scan3A_312 = arith.constant 50 : i32
    %add3A_313 = arith.constant 800 : i32
    %add3A_314 = arith.addi %mul3A_2, %add3A_313 : i32
    %dma_start3A_315 = arith.constant 0 : i32
    %dma_start3A_316 = tpu.memref_slice %arg5[%add3A_314, %dma_start3A_315] : memref<204800x64xf32, #tpu.memory_space<hbm>> -> memref<800x64xf32, #tpu.memory_space<hbm>>
    %dma_start3A_317 = arith.constant 0 : i32
    %dma_start3A_318 = tpu.memref_slice %arg5[%add3A_314, %dma_start3A_317] : memref<204800x64xf32, #tpu.memory_space<hbm>> -> memref<800x64xf32, #tpu.memory_space<hbm>>
    tpu.enqueue_dma source(%arg10 : memref<800x64xf32, #tpu.memory_space<vmem>>) target(%dma_start3A_318 : memref<800x64xf32, #tpu.memory_space<hbm>>) target_semaphore(%arg14 : memref<!tpu.dma_semaphore, #tpu.memory_space<semaphore_mem>>)
    %add3A_319 = arith.constant 800 : i32
    %add3A_320 = arith.addi %mul3A_2, %add3A_319 : i32
    %dma_wait3A_321 = arith.constant 0 : i32
    %dma_wait3A_322 = tpu.memref_slice %arg5[%add3A_320, %dma_wait3A_321] : memref<204800x64xf32, #tpu.memory_space<hbm>> -> memref<800x64xf32, #tpu.memory_space<hbm>>
    %dma_wait3A_323 = arith.constant 0 : i32
    %dma_wait3A_324 = tpu.memref_slice %arg5[%add3A_320, %dma_wait3A_323] : memref<204800x64xf32, #tpu.memory_space<hbm>> -> memref<800x64xf32, #tpu.memory_space<hbm>>
    tpu.wait_dma2 semaphore(%arg14 : memref<!tpu.dma_semaphore, #tpu.memory_space<semaphore_mem>>) src(%arg10 : memref<800x64xf32, #tpu.memory_space<vmem>>) dst(%dma_wait3A_324 : memref<800x64xf32, #tpu.memory_space<hbm>>)
    %dma_start3A_325 = arith.constant 0 : i32
    %dma_start3A_326 = arith.constant 0 : i32
    %dma_start3A_327 = tpu.memref_slice %arg10[%dma_start3A_325, %dma_start3A_326] : memref<800x64xf32, #tpu.memory_space<vmem>> -> memref<128x64xf32, #tpu.memory_space<vmem>>
    %dma_start3A_328 = arith.constant 2400 : i32
    %dma_start3A_329 = tpu.memref_slice %arg7[%dma_start3A_328] : memref<6400xi32, #tpu.memory_space<vmem>> -> memref<128xi32, #tpu.memory_space<vmem>>
    %dma_start3A_330 = arith.constant 0 : i32
    %dma_start3A_331 = arith.constant 0 : i32
    %dma_start3A_332 = tpu.memref_slice %arg3[%dma_start3A_330, %dma_start3A_331] : memref<2000000x64xf32, #tpu.memory_space<hbm>> -> memref<2000000x64xf32, #tpu.memory_space<hbm>>
    tpu.enqueue_indirect_dma source(%dma_start3A_332 : memref<2000000x64xf32, #tpu.memory_space<hbm>>) target(%dma_start3A_327 : memref<128x64xf32, #tpu.memory_space<vmem>>) offsets(%dma_start3A_329 : memref<128xi32, #tpu.memory_space<vmem>>) semaphore(%arg12 : memref<!tpu.dma_semaphore, #tpu.memory_space<semaphore_mem>>)
    %dma_start3A_333 = arith.constant 128 : i32
    %dma_start3A_334 = arith.constant 0 : i32
    %dma_start3A_335 = tpu.memref_slice %arg10[%dma_start3A_333, %dma_start3A_334] : memref<800x64xf32, #tpu.memory_space<vmem>> -> memref<128x64xf32, #tpu.memory_space<vmem>>
    %dma_start3A_336 = arith.constant 2528 : i32
    %dma_start3A_337 = tpu.memref_slice %arg7[%dma_start3A_336] : memref<6400xi32, #tpu.memory_space<vmem>> -> memref<128xi32, #tpu.memory_space<vmem>>
    %dma_start3A_338 = arith.constant 0 : i32
    %dma_start3A_339 = arith.constant 0 : i32
    %dma_start3A_340 = tpu.memref_slice %arg3[%dma_start3A_338, %dma_start3A_339] : memref<2000000x64xf32, #tpu.memory_space<hbm>> -> memref<2000000x64xf32, #tpu.memory_space<hbm>>
    tpu.enqueue_indirect_dma source(%dma_start3A_340 : memref<2000000x64xf32, #tpu.memory_space<hbm>>) target(%dma_start3A_335 : memref<128x64xf32, #tpu.memory_space<vmem>>) offsets(%dma_start3A_337 : memref<128xi32, #tpu.memory_space<vmem>>) semaphore(%arg12 : memref<!tpu.dma_semaphore, #tpu.memory_space<semaphore_mem>>)
    %dma_start3A_341 = arith.constant 256 : i32
    %dma_start3A_342 = arith.constant 0 : i32
    %dma_start3A_343 = tpu.memref_slice %arg10[%dma_start3A_341, %dma_start3A_342] : memref<800x64xf32, #tpu.memory_space<vmem>> -> memref<128x64xf32, #tpu.memory_space<vmem>>
    %dma_start3A_344 = arith.constant 2656 : i32
    %dma_start3A_345 = tpu.memref_slice %arg7[%dma_start3A_344] : memref<6400xi32, #tpu.memory_space<vmem>> -> memref<128xi32, #tpu.memory_space<vmem>>
    %dma_start3A_346 = arith.constant 0 : i32
    %dma_start3A_347 = arith.constant 0 : i32
    %dma_start3A_348 = tpu.memref_slice %arg3[%dma_start3A_346, %dma_start3A_347] : memref<2000000x64xf32, #tpu.memory_space<hbm>> -> memref<2000000x64xf32, #tpu.memory_space<hbm>>
    tpu.enqueue_indirect_dma source(%dma_start3A_348 : memref<2000000x64xf32, #tpu.memory_space<hbm>>) target(%dma_start3A_343 : memref<128x64xf32, #tpu.memory_space<vmem>>) offsets(%dma_start3A_345 : memref<128xi32, #tpu.memory_space<vmem>>) semaphore(%arg12 : memref<!tpu.dma_semaphore, #tpu.memory_space<semaphore_mem>>)
    %dma_start3A_349 = arith.constant 384 : i32
    %dma_start3A_350 = arith.constant 0 : i32
    %dma_start3A_351 = tpu.memref_slice %arg10[%dma_start3A_349, %dma_start3A_350] : memref<800x64xf32, #tpu.memory_space<vmem>> -> memref<128x64xf32, #tpu.memory_space<vmem>>
    %dma_start3A_352 = arith.constant 2784 : i32
    %dma_start3A_353 = tpu.memref_slice %arg7[%dma_start3A_352] : memref<6400xi32, #tpu.memory_space<vmem>> -> memref<128xi32, #tpu.memory_space<vmem>>
    %dma_start3A_354 = arith.constant 0 : i32
    %dma_start3A_355 = arith.constant 0 : i32
    %dma_start3A_356 = tpu.memref_slice %arg3[%dma_start3A_354, %dma_start3A_355] : memref<2000000x64xf32, #tpu.memory_space<hbm>> -> memref<2000000x64xf32, #tpu.memory_space<hbm>>
    tpu.enqueue_indirect_dma source(%dma_start3A_356 : memref<2000000x64xf32, #tpu.memory_space<hbm>>) target(%dma_start3A_351 : memref<128x64xf32, #tpu.memory_space<vmem>>) offsets(%dma_start3A_353 : memref<128xi32, #tpu.memory_space<vmem>>) semaphore(%arg12 : memref<!tpu.dma_semaphore, #tpu.memory_space<semaphore_mem>>)
    %dma_start3A_357 = arith.constant 512 : i32
    %dma_start3A_358 = arith.constant 0 : i32
    %dma_start3A_359 = tpu.memref_slice %arg10[%dma_start3A_357, %dma_start3A_358] : memref<800x64xf32, #tpu.memory_space<vmem>> -> memref<128x64xf32, #tpu.memory_space<vmem>>
    %dma_start3A_360 = arith.constant 2912 : i32
    %dma_start3A_361 = tpu.memref_slice %arg7[%dma_start3A_360] : memref<6400xi32, #tpu.memory_space<vmem>> -> memref<128xi32, #tpu.memory_space<vmem>>
    %dma_start3A_362 = arith.constant 0 : i32
    %dma_start3A_363 = arith.constant 0 : i32
    %dma_start3A_364 = tpu.memref_slice %arg3[%dma_start3A_362, %dma_start3A_363] : memref<2000000x64xf32, #tpu.memory_space<hbm>> -> memref<2000000x64xf32, #tpu.memory_space<hbm>>
    tpu.enqueue_indirect_dma source(%dma_start3A_364 : memref<2000000x64xf32, #tpu.memory_space<hbm>>) target(%dma_start3A_359 : memref<128x64xf32, #tpu.memory_space<vmem>>) offsets(%dma_start3A_361 : memref<128xi32, #tpu.memory_space<vmem>>) semaphore(%arg12 : memref<!tpu.dma_semaphore, #tpu.memory_space<semaphore_mem>>)
    %dma_start3A_365 = arith.constant 640 : i32
    %dma_start3A_366 = arith.constant 0 : i32
    %dma_start3A_367 = tpu.memref_slice %arg10[%dma_start3A_365, %dma_start3A_366] : memref<800x64xf32, #tpu.memory_space<vmem>> -> memref<128x64xf32, #tpu.memory_space<vmem>>
    %dma_start3A_368 = arith.constant 3040 : i32
    %dma_start3A_369 = tpu.memref_slice %arg7[%dma_start3A_368] : memref<6400xi32, #tpu.memory_space<vmem>> -> memref<128xi32, #tpu.memory_space<vmem>>
    %dma_start3A_370 = arith.constant 0 : i32
    %dma_start3A_371 = arith.constant 0 : i32
    %dma_start3A_372 = tpu.memref_slice %arg3[%dma_start3A_370, %dma_start3A_371] : memref<2000000x64xf32, #tpu.memory_space<hbm>> -> memref<2000000x64xf32, #tpu.memory_space<hbm>>
    tpu.enqueue_indirect_dma source(%dma_start3A_372 : memref<2000000x64xf32, #tpu.memory_space<hbm>>) target(%dma_start3A_367 : memref<128x64xf32, #tpu.memory_space<vmem>>) offsets(%dma_start3A_369 : memref<128xi32, #tpu.memory_space<vmem>>) semaphore(%arg12 : memref<!tpu.dma_semaphore, #tpu.memory_space<semaphore_mem>>)
    %dma_start3A_373 = arith.constant 768 : i32
    %dma_start3A_374 = arith.constant 0 : i32
    %dma_start3A_375 = tpu.memref_slice %arg10[%dma_start3A_373, %dma_start3A_374] : memref<800x64xf32, #tpu.memory_space<vmem>> -> memref<32x64xf32, #tpu.memory_space<vmem>>
    %dma_start3A_376 = arith.constant 3168 : i32
    %dma_start3A_377 = tpu.memref_slice %arg7[%dma_start3A_376] : memref<6400xi32, #tpu.memory_space<vmem>> -> memref<32xi32, #tpu.memory_space<vmem>>
    %dma_start3A_378 = arith.constant 0 : i32
    %dma_start3A_379 = arith.constant 0 : i32
    %dma_start3A_380 = tpu.memref_slice %arg3[%dma_start3A_378, %dma_start3A_379] : memref<2000000x64xf32, #tpu.memory_space<hbm>> -> memref<2000000x64xf32, #tpu.memory_space<hbm>>
    tpu.enqueue_indirect_dma source(%dma_start3A_380 : memref<2000000x64xf32, #tpu.memory_space<hbm>>) target(%dma_start3A_375 : memref<32x64xf32, #tpu.memory_space<vmem>>) offsets(%dma_start3A_377 : memref<32xi32, #tpu.memory_space<vmem>>) semaphore(%arg12 : memref<!tpu.dma_semaphore, #tpu.memory_space<semaphore_mem>>)
    %dma_wait3A_381 = arith.constant 0 : i32
    %dma_wait3A_382 = arith.constant 0 : i32
    %dma_wait3A_383 = tpu.memref_slice %arg9[%dma_wait3A_381, %dma_wait3A_382] : memref<800x64xf32, #tpu.memory_space<vmem>> -> memref<128x64xf32, #tpu.memory_space<vmem>>
    %dma_wait3A_384 = arith.constant 1600 : i32
    %dma_wait3A_385 = tpu.memref_slice %arg7[%dma_wait3A_384] : memref<6400xi32, #tpu.memory_space<vmem>> -> memref<128xi32, #tpu.memory_space<vmem>>
    %dma_wait3A_386 = arith.constant 0 : i32
    %dma_wait3A_387 = arith.constant 0 : i32
    %dma_wait3A_388 = tpu.memref_slice %arg3[%dma_wait3A_386, %dma_wait3A_387] : memref<2000000x64xf32, #tpu.memory_space<hbm>> -> memref<2000000x64xf32, #tpu.memory_space<hbm>>
    tpu.wait_indirect_dma semaphore(%arg11 : memref<!tpu.dma_semaphore, #tpu.memory_space<semaphore_mem>>) src(%dma_wait3A_388 : memref<2000000x64xf32, #tpu.memory_space<hbm>>) dst(%dma_wait3A_383 : memref<128x64xf32, #tpu.memory_space<vmem>>)
    %dma_wait3A_389 = arith.constant 128 : i32
    %dma_wait3A_390 = arith.constant 0 : i32
    %dma_wait3A_391 = tpu.memref_slice %arg9[%dma_wait3A_389, %dma_wait3A_390] : memref<800x64xf32, #tpu.memory_space<vmem>> -> memref<128x64xf32, #tpu.memory_space<vmem>>
    %dma_wait3A_392 = arith.constant 1728 : i32
    %dma_wait3A_393 = tpu.memref_slice %arg7[%dma_wait3A_392] : memref<6400xi32, #tpu.memory_space<vmem>> -> memref<128xi32, #tpu.memory_space<vmem>>
    %dma_wait3A_394 = arith.constant 0 : i32
    %dma_wait3A_395 = arith.constant 0 : i32
    %dma_wait3A_396 = tpu.memref_slice %arg3[%dma_wait3A_394, %dma_wait3A_395] : memref<2000000x64xf32, #tpu.memory_space<hbm>> -> memref<2000000x64xf32, #tpu.memory_space<hbm>>
    tpu.wait_indirect_dma semaphore(%arg11 : memref<!tpu.dma_semaphore, #tpu.memory_space<semaphore_mem>>) src(%dma_wait3A_396 : memref<2000000x64xf32, #tpu.memory_space<hbm>>) dst(%dma_wait3A_391 : memref<128x64xf32, #tpu.memory_space<vmem>>)
    %dma_wait3A_397 = arith.constant 256 : i32
    %dma_wait3A_398 = arith.constant 0 : i32
    %dma_wait3A_399 = tpu.memref_slice %arg9[%dma_wait3A_397, %dma_wait3A_398] : memref<800x64xf32, #tpu.memory_space<vmem>> -> memref<128x64xf32, #tpu.memory_space<vmem>>
    %dma_wait3A_400 = arith.constant 1856 : i32
    %dma_wait3A_401 = tpu.memref_slice %arg7[%dma_wait3A_400] : memref<6400xi32, #tpu.memory_space<vmem>> -> memref<128xi32, #tpu.memory_space<vmem>>
    %dma_wait3A_402 = arith.constant 0 : i32
    %dma_wait3A_403 = arith.constant 0 : i32
    %dma_wait3A_404 = tpu.memref_slice %arg3[%dma_wait3A_402, %dma_wait3A_403] : memref<2000000x64xf32, #tpu.memory_space<hbm>> -> memref<2000000x64xf32, #tpu.memory_space<hbm>>
    tpu.wait_indirect_dma semaphore(%arg11 : memref<!tpu.dma_semaphore, #tpu.memory_space<semaphore_mem>>) src(%dma_wait3A_404 : memref<2000000x64xf32, #tpu.memory_space<hbm>>) dst(%dma_wait3A_399 : memref<128x64xf32, #tpu.memory_space<vmem>>)
    %dma_wait3A_405 = arith.constant 384 : i32
    %dma_wait3A_406 = arith.constant 0 : i32
    %dma_wait3A_407 = tpu.memref_slice %arg9[%dma_wait3A_405, %dma_wait3A_406] : memref<800x64xf32, #tpu.memory_space<vmem>> -> memref<128x64xf32, #tpu.memory_space<vmem>>
    %dma_wait3A_408 = arith.constant 1984 : i32
    %dma_wait3A_409 = tpu.memref_slice %arg7[%dma_wait3A_408] : memref<6400xi32, #tpu.memory_space<vmem>> -> memref<128xi32, #tpu.memory_space<vmem>>
    %dma_wait3A_410 = arith.constant 0 : i32
    %dma_wait3A_411 = arith.constant 0 : i32
    %dma_wait3A_412 = tpu.memref_slice %arg3[%dma_wait3A_410, %dma_wait3A_411] : memref<2000000x64xf32, #tpu.memory_space<hbm>> -> memref<2000000x64xf32, #tpu.memory_space<hbm>>
    tpu.wait_indirect_dma semaphore(%arg11 : memref<!tpu.dma_semaphore, #tpu.memory_space<semaphore_mem>>) src(%dma_wait3A_412 : memref<2000000x64xf32, #tpu.memory_space<hbm>>) dst(%dma_wait3A_407 : memref<128x64xf32, #tpu.memory_space<vmem>>)
    %dma_wait3A_413 = arith.constant 512 : i32
    %dma_wait3A_414 = arith.constant 0 : i32
    %dma_wait3A_415 = tpu.memref_slice %arg9[%dma_wait3A_413, %dma_wait3A_414] : memref<800x64xf32, #tpu.memory_space<vmem>> -> memref<128x64xf32, #tpu.memory_space<vmem>>
    %dma_wait3A_416 = arith.constant 2112 : i32
    %dma_wait3A_417 = tpu.memref_slice %arg7[%dma_wait3A_416] : memref<6400xi32, #tpu.memory_space<vmem>> -> memref<128xi32, #tpu.memory_space<vmem>>
    %dma_wait3A_418 = arith.constant 0 : i32
    %dma_wait3A_419 = arith.constant 0 : i32
    %dma_wait3A_420 = tpu.memref_slice %arg3[%dma_wait3A_418, %dma_wait3A_419] : memref<2000000x64xf32, #tpu.memory_space<hbm>> -> memref<2000000x64xf32, #tpu.memory_space<hbm>>
    tpu.wait_indirect_dma semaphore(%arg11 : memref<!tpu.dma_semaphore, #tpu.memory_space<semaphore_mem>>) src(%dma_wait3A_420 : memref<2000000x64xf32, #tpu.memory_space<hbm>>) dst(%dma_wait3A_415 : memref<128x64xf32, #tpu.memory_space<vmem>>)
    %dma_wait3A_421 = arith.constant 640 : i32
    %dma_wait3A_422 = arith.constant 0 : i32
    %dma_wait3A_423 = tpu.memref_slice %arg9[%dma_wait3A_421, %dma_wait3A_422] : memref<800x64xf32, #tpu.memory_space<vmem>> -> memref<128x64xf32, #tpu.memory_space<vmem>>
    %dma_wait3A_424 = arith.constant 2240 : i32
    %dma_wait3A_425 = tpu.memref_slice %arg7[%dma_wait3A_424] : memref<6400xi32, #tpu.memory_space<vmem>> -> memref<128xi32, #tpu.memory_space<vmem>>
    %dma_wait3A_426 = arith.constant 0 : i32
    %dma_wait3A_427 = arith.constant 0 : i32
    %dma_wait3A_428 = tpu.memref_slice %arg3[%dma_wait3A_426, %dma_wait3A_427] : memref<2000000x64xf32, #tpu.memory_space<hbm>> -> memref<2000000x64xf32, #tpu.memory_space<hbm>>
    tpu.wait_indirect_dma semaphore(%arg11 : memref<!tpu.dma_semaphore, #tpu.memory_space<semaphore_mem>>) src(%dma_wait3A_428 : memref<2000000x64xf32, #tpu.memory_space<hbm>>) dst(%dma_wait3A_423 : memref<128x64xf32, #tpu.memory_space<vmem>>)
    %dma_wait3A_429 = arith.constant 768 : i32
    %dma_wait3A_430 = arith.constant 0 : i32
    %dma_wait3A_431 = tpu.memref_slice %arg9[%dma_wait3A_429, %dma_wait3A_430] : memref<800x64xf32, #tpu.memory_space<vmem>> -> memref<32x64xf32, #tpu.memory_space<vmem>>
    %dma_wait3A_432 = arith.constant 2368 : i32
    %dma_wait3A_433 = tpu.memref_slice %arg7[%dma_wait3A_432] : memref<6400xi32, #tpu.memory_space<vmem>> -> memref<32xi32, #tpu.memory_space<vmem>>
    %dma_wait3A_434 = arith.constant 0 : i32
    %dma_wait3A_435 = arith.constant 0 : i32
    %dma_wait3A_436 = tpu.memref_slice %arg3[%dma_wait3A_434, %dma_wait3A_435] : memref<2000000x64xf32, #tpu.memory_space<hbm>> -> memref<2000000x64xf32, #tpu.memory_space<hbm>>
    tpu.wait_indirect_dma semaphore(%arg11 : memref<!tpu.dma_semaphore, #tpu.memory_space<semaphore_mem>>) src(%dma_wait3A_436 : memref<2000000x64xf32, #tpu.memory_space<hbm>>) dst(%dma_wait3A_431 : memref<32x64xf32, #tpu.memory_space<vmem>>)
    %scan3A_437 = arith.constant 0 : i32
    %scan3A_438 = arith.constant 0 : i32
    %scan3A_439 = arith.constant 50 : i32
    %scan3A_440 = arith.addi %scan3A_438, %scan3A_439 : i32
    %scan3A_441 = arith.constant 1 : i32
    %scan3A_442 = scf.for %scan3A_1055 = %scan3A_438 to %scan3A_440 step %scan3A_441 iter_args(%scan3A_1056 = %scan3A_437) -> (i32)  : i32 {
      %get3A = arith.index_cast %scan3A_1055 : i32 to index
      %get3A_1057 = arith.constant 0 : index
      %get3A_1058 = tpu.vector_load %arg8[%get3A, %get3A_1057] {strides = array<i32>} : memref<50x64xf32, #tpu.memory_space<vmem>>, vector<1x16xf32>,
      %get3A_1059 = vector.shape_cast %get3A_1058 : vector<1x16xf32> to vector<16xf32>
      %get3A_1060 = arith.index_cast %scan3A_1055 : i32 to index
      %get3A_1061 = arith.constant 16 : index
      %get3A_1062 = tpu.vector_load %arg8[%get3A_1060, %get3A_1061] {strides = array<i32>} : memref<50x64xf32, #tpu.memory_space<vmem>>, vector<1x16xf32>,
      %get3A_1063 = vector.shape_cast %get3A_1062 : vector<1x16xf32> to vector<16xf32>
      %get3A_1064 = arith.index_cast %scan3A_1055 : i32 to index
      %get3A_1065 = arith.constant 32 : index
      %get3A_1066 = tpu.vector_load %arg8[%get3A_1064, %get3A_1065] {strides = array<i32>} : memref<50x64xf32, #tpu.memory_space<vmem>>, vector<1x16xf32>,
      %get3A_1067 = vector.shape_cast %get3A_1066 : vector<1x16xf32> to vector<16xf32>
      %get3A_1068 = arith.index_cast %scan3A_1055 : i32 to index
      %get3A_1069 = arith.constant 48 : index
      %get3A_1070 = tpu.vector_load %arg8[%get3A_1068, %get3A_1069] {strides = array<i32>} : memref<50x64xf32, #tpu.memory_space<vmem>>, vector<1x16xf32>,
      %get3A_1071 = vector.shape_cast %get3A_1070 : vector<1x16xf32> to vector<16xf32>
      %scan3A_1072 = arith.constant 0 : i32
      %scan3A_1073 = arith.constant 0 : i32
      %scan3A_1074 = arith.constant 16 : i32
      %scan3A_1075 = arith.addi %scan3A_1073, %scan3A_1074 : i32
      %scan3A_1076 = arith.constant 1 : i32
      %scan3A_1077 = scf.for %scan3A_1080 = %scan3A_1073 to %scan3A_1075 step %scan3A_1076 iter_args(%scan3A_1081 = %scan3A_1072) -> (i32)  : i32 {
        %mul3A_1082 = arith.constant 50 : i32
        %mul3A_1083 = arith.muli %scan3A_1080, %mul3A_1082 : i32
        %add3A_1084 = arith.addi %mul3A_1083, %scan3A_1055 : i32
        %swap3A = arith.index_cast %add3A_1084 : i32 to index
        %swap3A_1085 = arith.constant 0 : index
        %swap3A_1086 = tpu.vector_load %arg9[%swap3A, %swap3A_1085] {strides = array<i32>} : memref<800x64xf32, #tpu.memory_space<vmem>>, vector<1x16xf32>,
        %swap3A_1087 = vector.shape_cast %swap3A_1086 : vector<1x16xf32> to vector<16xf32>
        %swap3A_1088 = vector.shape_cast %get3A_1059 : vector<16xf32> to vector<1x16xf32>
        tpu.vector_store %arg9[%swap3A, %swap3A_1085], %swap3A_1088 {add = true, strides = array<i32>} : memref<800x64xf32, #tpu.memory_space<vmem>>, vector<1x16xf32>,
        %swap3A_1089 = arith.index_cast %add3A_1084 : i32 to index
        %swap3A_1090 = arith.constant 16 : index
        %swap3A_1091 = tpu.vector_load %arg9[%swap3A_1089, %swap3A_1090] {strides = array<i32>} : memref<800x64xf32, #tpu.memory_space<vmem>>, vector<1x16xf32>,
        %swap3A_1092 = vector.shape_cast %swap3A_1091 : vector<1x16xf32> to vector<16xf32>
        %swap3A_1093 = vector.shape_cast %get3A_1063 : vector<16xf32> to vector<1x16xf32>
        tpu.vector_store %arg9[%swap3A_1089, %swap3A_1090], %swap3A_1093 {add = true, strides = array<i32>} : memref<800x64xf32, #tpu.memory_space<vmem>>, vector<1x16xf32>,
        %swap3A_1094 = arith.index_cast %add3A_1084 : i32 to index
        %swap3A_1095 = arith.constant 32 : index
        %swap3A_1096 = tpu.vector_load %arg9[%swap3A_1094, %swap3A_1095] {strides = array<i32>} : memref<800x64xf32, #tpu.memory_space<vmem>>, vector<1x16xf32>,
        %swap3A_1097 = vector.shape_cast %swap3A_1096 : vector<1x16xf32> to vector<16xf32>
        %swap3A_1098 = vector.shape_cast %get3A_1067 : vector<16xf32> to vector<1x16xf32>
        tpu.vector_store %arg9[%swap3A_1094, %swap3A_1095], %swap3A_1098 {add = true, strides = array<i32>} : memref<800x64xf32, #tpu.memory_space<vmem>>, vector<1x16xf32>,
        %swap3A_1099 = arith.index_cast %add3A_1084 : i32 to index
        %swap3A_1100 = arith.constant 48 : index
        %swap3A_1101 = tpu.vector_load %arg9[%swap3A_1099, %swap3A_1100] {strides = array<i32>} : memref<800x64xf32, #tpu.memory_space<vmem>>, vector<1x16xf32>,
        %swap3A_1102 = vector.shape_cast %swap3A_1101 : vector<1x16xf32> to vector<16xf32>
        %swap3A_1103 = vector.shape_cast %get3A_1071 : vector<16xf32> to vector<1x16xf32>
        tpu.vector_store %arg9[%swap3A_1099, %swap3A_1100], %swap3A_1103 {add = true, strides = array<i32>} : memref<800x64xf32, #tpu.memory_space<vmem>>, vector<1x16xf32>,
        %scan3A_1104 = arith.constant 0 : i32
        scf.yield %scan3A_1104 : i32
      }
      %scan3A_1078 = arith.constant 16 : i32
      %scan3A_1079 = arith.constant 0 : i32
      scf.yield %scan3A_1079 : i32
    }
    %scan3A_443 = arith.constant 50 : i32
    %add3A_444 = arith.constant 1600 : i32
    %add3A_445 = arith.addi %mul3A_2, %add3A_444 : i32
    %dma_start3A_446 = arith.constant 0 : i32
    %dma_start3A_447 = tpu.memref_slice %arg5[%add3A_445, %dma_start3A_446] : memref<204800x64xf32, #tpu.memory_space<hbm>> -> memref<800x64xf32, #tpu.memory_space<hbm>>
    %dma_start3A_448 = arith.constant 0 : i32
    %dma_start3A_449 = tpu.memref_slice %arg5[%add3A_445, %dma_start3A_448] : memref<204800x64xf32, #tpu.memory_space<hbm>> -> memref<800x64xf32, #tpu.memory_space<hbm>>
    tpu.enqueue_dma source(%arg9 : memref<800x64xf32, #tpu.memory_space<vmem>>) target(%dma_start3A_449 : memref<800x64xf32, #tpu.memory_space<hbm>>) target_semaphore(%arg13 : memref<!tpu.dma_semaphore, #tpu.memory_space<semaphore_mem>>)
    %add3A_450 = arith.constant 1600 : i32
    %add3A_451 = arith.addi %mul3A_2, %add3A_450 : i32
    %dma_wait3A_452 = arith.constant 0 : i32
    %dma_wait3A_453 = tpu.memref_slice %arg5[%add3A_451, %dma_wait3A_452] : memref<204800x64xf32, #tpu.memory_space<hbm>> -> memref<800x64xf32, #tpu.memory_space<hbm>>
    %dma_wait3A_454 = arith.constant 0 : i32
    %dma_wait3A_455 = tpu.memref_slice %arg5[%add3A_451, %dma_wait3A_454] : memref<204800x64xf32, #tpu.memory_space<hbm>> -> memref<800x64xf32, #tpu.memory_space<hbm>>
    tpu.wait_dma2 semaphore(%arg13 : memref<!tpu.dma_semaphore, #tpu.memory_space<semaphore_mem>>) src(%arg9 : memref<800x64xf32, #tpu.memory_space<vmem>>) dst(%dma_wait3A_455 : memref<800x64xf32, #tpu.memory_space<hbm>>)
    %dma_start3A_456 = arith.constant 0 : i32
    %dma_start3A_457 = arith.constant 0 : i32
    %dma_start3A_458 = tpu.memref_slice %arg9[%dma_start3A_456, %dma_start3A_457] : memref<800x64xf32, #tpu.memory_space<vmem>> -> memref<128x64xf32, #tpu.memory_space<vmem>>
    %dma_start3A_459 = arith.constant 3200 : i32
    %dma_start3A_460 = tpu.memref_slice %arg7[%dma_start3A_459] : memref<6400xi32, #tpu.memory_space<vmem>> -> memref<128xi32, #tpu.memory_space<vmem>>
    %dma_start3A_461 = arith.constant 0 : i32
    %dma_start3A_462 = arith.constant 0 : i32
    %dma_start3A_463 = tpu.memref_slice %arg3[%dma_start3A_461, %dma_start3A_462] : memref<2000000x64xf32, #tpu.memory_space<hbm>> -> memref<2000000x64xf32, #tpu.memory_space<hbm>>
    tpu.enqueue_indirect_dma source(%dma_start3A_463 : memref<2000000x64xf32, #tpu.memory_space<hbm>>) target(%dma_start3A_458 : memref<128x64xf32, #tpu.memory_space<vmem>>) offsets(%dma_start3A_460 : memref<128xi32, #tpu.memory_space<vmem>>) semaphore(%arg11 : memref<!tpu.dma_semaphore, #tpu.memory_space<semaphore_mem>>)
    %dma_start3A_464 = arith.constant 128 : i32
    %dma_start3A_465 = arith.constant 0 : i32
    %dma_start3A_466 = tpu.memref_slice %arg9[%dma_start3A_464, %dma_start3A_465] : memref<800x64xf32, #tpu.memory_space<vmem>> -> memref<128x64xf32, #tpu.memory_space<vmem>>
    %dma_start3A_467 = arith.constant 3328 : i32
    %dma_start3A_468 = tpu.memref_slice %arg7[%dma_start3A_467] : memref<6400xi32, #tpu.memory_space<vmem>> -> memref<128xi32, #tpu.memory_space<vmem>>
    %dma_start3A_469 = arith.constant 0 : i32
    %dma_start3A_470 = arith.constant 0 : i32
    %dma_start3A_471 = tpu.memref_slice %arg3[%dma_start3A_469, %dma_start3A_470] : memref<2000000x64xf32, #tpu.memory_space<hbm>> -> memref<2000000x64xf32, #tpu.memory_space<hbm>>
    tpu.enqueue_indirect_dma source(%dma_start3A_471 : memref<2000000x64xf32, #tpu.memory_space<hbm>>) target(%dma_start3A_466 : memref<128x64xf32, #tpu.memory_space<vmem>>) offsets(%dma_start3A_468 : memref<128xi32, #tpu.memory_space<vmem>>) semaphore(%arg11 : memref<!tpu.dma_semaphore, #tpu.memory_space<semaphore_mem>>)
    %dma_start3A_472 = arith.constant 256 : i32
    %dma_start3A_473 = arith.constant 0 : i32
    %dma_start3A_474 = tpu.memref_slice %arg9[%dma_start3A_472, %dma_start3A_473] : memref<800x64xf32, #tpu.memory_space<vmem>> -> memref<128x64xf32, #tpu.memory_space<vmem>>
    %dma_start3A_475 = arith.constant 3456 : i32
    %dma_start3A_476 = tpu.memref_slice %arg7[%dma_start3A_475] : memref<6400xi32, #tpu.memory_space<vmem>> -> memref<128xi32, #tpu.memory_space<vmem>>
    %dma_start3A_477 = arith.constant 0 : i32
    %dma_start3A_478 = arith.constant 0 : i32
    %dma_start3A_479 = tpu.memref_slice %arg3[%dma_start3A_477, %dma_start3A_478] : memref<2000000x64xf32, #tpu.memory_space<hbm>> -> memref<2000000x64xf32, #tpu.memory_space<hbm>>
    tpu.enqueue_indirect_dma source(%dma_start3A_479 : memref<2000000x64xf32, #tpu.memory_space<hbm>>) target(%dma_start3A_474 : memref<128x64xf32, #tpu.memory_space<vmem>>) offsets(%dma_start3A_476 : memref<128xi32, #tpu.memory_space<vmem>>) semaphore(%arg11 : memref<!tpu.dma_semaphore, #tpu.memory_space<semaphore_mem>>)
    %dma_start3A_480 = arith.constant 384 : i32
    %dma_start3A_481 = arith.constant 0 : i32
    %dma_start3A_482 = tpu.memref_slice %arg9[%dma_start3A_480, %dma_start3A_481] : memref<800x64xf32, #tpu.memory_space<vmem>> -> memref<128x64xf32, #tpu.memory_space<vmem>>
    %dma_start3A_483 = arith.constant 3584 : i32
    %dma_start3A_484 = tpu.memref_slice %arg7[%dma_start3A_483] : memref<6400xi32, #tpu.memory_space<vmem>> -> memref<128xi32, #tpu.memory_space<vmem>>
    %dma_start3A_485 = arith.constant 0 : i32
    %dma_start3A_486 = arith.constant 0 : i32
    %dma_start3A_487 = tpu.memref_slice %arg3[%dma_start3A_485, %dma_start3A_486] : memref<2000000x64xf32, #tpu.memory_space<hbm>> -> memref<2000000x64xf32, #tpu.memory_space<hbm>>
    tpu.enqueue_indirect_dma source(%dma_start3A_487 : memref<2000000x64xf32, #tpu.memory_space<hbm>>) target(%dma_start3A_482 : memref<128x64xf32, #tpu.memory_space<vmem>>) offsets(%dma_start3A_484 : memref<128xi32, #tpu.memory_space<vmem>>) semaphore(%arg11 : memref<!tpu.dma_semaphore, #tpu.memory_space<semaphore_mem>>)
    %dma_start3A_488 = arith.constant 512 : i32
    %dma_start3A_489 = arith.constant 0 : i32
    %dma_start3A_490 = tpu.memref_slice %arg9[%dma_start3A_488, %dma_start3A_489] : memref<800x64xf32, #tpu.memory_space<vmem>> -> memref<128x64xf32, #tpu.memory_space<vmem>>
    %dma_start3A_491 = arith.constant 3712 : i32
    %dma_start3A_492 = tpu.memref_slice %arg7[%dma_start3A_491] : memref<6400xi32, #tpu.memory_space<vmem>> -> memref<128xi32, #tpu.memory_space<vmem>>
    %dma_start3A_493 = arith.constant 0 : i32
    %dma_start3A_494 = arith.constant 0 : i32
    %dma_start3A_495 = tpu.memref_slice %arg3[%dma_start3A_493, %dma_start3A_494] : memref<2000000x64xf32, #tpu.memory_space<hbm>> -> memref<2000000x64xf32, #tpu.memory_space<hbm>>
    tpu.enqueue_indirect_dma source(%dma_start3A_495 : memref<2000000x64xf32, #tpu.memory_space<hbm>>) target(%dma_start3A_490 : memref<128x64xf32, #tpu.memory_space<vmem>>) offsets(%dma_start3A_492 : memref<128xi32, #tpu.memory_space<vmem>>) semaphore(%arg11 : memref<!tpu.dma_semaphore, #tpu.memory_space<semaphore_mem>>)
    %dma_start3A_496 = arith.constant 640 : i32
    %dma_start3A_497 = arith.constant 0 : i32
    %dma_start3A_498 = tpu.memref_slice %arg9[%dma_start3A_496, %dma_start3A_497] : memref<800x64xf32, #tpu.memory_space<vmem>> -> memref<128x64xf32, #tpu.memory_space<vmem>>
    %dma_start3A_499 = arith.constant 3840 : i32
    %dma_start3A_500 = tpu.memref_slice %arg7[%dma_start3A_499] : memref<6400xi32, #tpu.memory_space<vmem>> -> memref<128xi32, #tpu.memory_space<vmem>>
    %dma_start3A_501 = arith.constant 0 : i32
    %dma_start3A_502 = arith.constant 0 : i32
    %dma_start3A_503 = tpu.memref_slice %arg3[%dma_start3A_501, %dma_start3A_502] : memref<2000000x64xf32, #tpu.memory_space<hbm>> -> memref<2000000x64xf32, #tpu.memory_space<hbm>>
    tpu.enqueue_indirect_dma source(%dma_start3A_503 : memref<2000000x64xf32, #tpu.memory_space<hbm>>) target(%dma_start3A_498 : memref<128x64xf32, #tpu.memory_space<vmem>>) offsets(%dma_start3A_500 : memref<128xi32, #tpu.memory_space<vmem>>) semaphore(%arg11 : memref<!tpu.dma_semaphore, #tpu.memory_space<semaphore_mem>>)
    %dma_start3A_504 = arith.constant 768 : i32
    %dma_start3A_505 = arith.constant 0 : i32
    %dma_start3A_506 = tpu.memref_slice %arg9[%dma_start3A_504, %dma_start3A_505] : memref<800x64xf32, #tpu.memory_space<vmem>> -> memref<32x64xf32, #tpu.memory_space<vmem>>
    %dma_start3A_507 = arith.constant 3968 : i32
    %dma_start3A_508 = tpu.memref_slice %arg7[%dma_start3A_507] : memref<6400xi32, #tpu.memory_space<vmem>> -> memref<32xi32, #tpu.memory_space<vmem>>
    %dma_start3A_509 = arith.constant 0 : i32
    %dma_start3A_510 = arith.constant 0 : i32
    %dma_start3A_511 = tpu.memref_slice %arg3[%dma_start3A_509, %dma_start3A_510] : memref<2000000x64xf32, #tpu.memory_space<hbm>> -> memref<2000000x64xf32, #tpu.memory_space<hbm>>
    tpu.enqueue_indirect_dma source(%dma_start3A_511 : memref<2000000x64xf32, #tpu.memory_space<hbm>>) target(%dma_start3A_506 : memref<32x64xf32, #tpu.memory_space<vmem>>) offsets(%dma_start3A_508 : memref<32xi32, #tpu.memory_space<vmem>>) semaphore(%arg11 : memref<!tpu.dma_semaphore, #tpu.memory_space<semaphore_mem>>)
    %dma_wait3A_512 = arith.constant 0 : i32
    %dma_wait3A_513 = arith.constant 0 : i32
    %dma_wait3A_514 = tpu.memref_slice %arg10[%dma_wait3A_512, %dma_wait3A_513] : memref<800x64xf32, #tpu.memory_space<vmem>> -> memref<128x64xf32, #tpu.memory_space<vmem>>
    %dma_wait3A_515 = arith.constant 2400 : i32
    %dma_wait3A_516 = tpu.memref_slice %arg7[%dma_wait3A_515] : memref<6400xi32, #tpu.memory_space<vmem>> -> memref<128xi32, #tpu.memory_space<vmem>>
    %dma_wait3A_517 = arith.constant 0 : i32
    %dma_wait3A_518 = arith.constant 0 : i32
    %dma_wait3A_519 = tpu.memref_slice %arg3[%dma_wait3A_517, %dma_wait3A_518] : memref<2000000x64xf32, #tpu.memory_space<hbm>> -> memref<2000000x64xf32, #tpu.memory_space<hbm>>
    tpu.wait_indirect_dma semaphore(%arg12 : memref<!tpu.dma_semaphore, #tpu.memory_space<semaphore_mem>>) src(%dma_wait3A_519 : memref<2000000x64xf32, #tpu.memory_space<hbm>>) dst(%dma_wait3A_514 : memref<128x64xf32, #tpu.memory_space<vmem>>)
    %dma_wait3A_520 = arith.constant 128 : i32
    %dma_wait3A_521 = arith.constant 0 : i32
    %dma_wait3A_522 = tpu.memref_slice %arg10[%dma_wait3A_520, %dma_wait3A_521] : memref<800x64xf32, #tpu.memory_space<vmem>> -> memref<128x64xf32, #tpu.memory_space<vmem>>
    %dma_wait3A_523 = arith.constant 2528 : i32
    %dma_wait3A_524 = tpu.memref_slice %arg7[%dma_wait3A_523] : memref<6400xi32, #tpu.memory_space<vmem>> -> memref<128xi32, #tpu.memory_space<vmem>>
    %dma_wait3A_525 = arith.constant 0 : i32
    %dma_wait3A_526 = arith.constant 0 : i32
    %dma_wait3A_527 = tpu.memref_slice %arg3[%dma_wait3A_525, %dma_wait3A_526] : memref<2000000x64xf32, #tpu.memory_space<hbm>> -> memref<2000000x64xf32, #tpu.memory_space<hbm>>
    tpu.wait_indirect_dma semaphore(%arg12 : memref<!tpu.dma_semaphore, #tpu.memory_space<semaphore_mem>>) src(%dma_wait3A_527 : memref<2000000x64xf32, #tpu.memory_space<hbm>>) dst(%dma_wait3A_522 : memref<128x64xf32, #tpu.memory_space<vmem>>)
    %dma_wait3A_528 = arith.constant 256 : i32
    %dma_wait3A_529 = arith.constant 0 : i32
    %dma_wait3A_530 = tpu.memref_slice %arg10[%dma_wait3A_528, %dma_wait3A_529] : memref<800x64xf32, #tpu.memory_space<vmem>> -> memref<128x64xf32, #tpu.memory_space<vmem>>
    %dma_wait3A_531 = arith.constant 2656 : i32
    %dma_wait3A_532 = tpu.memref_slice %arg7[%dma_wait3A_531] : memref<6400xi32, #tpu.memory_space<vmem>> -> memref<128xi32, #tpu.memory_space<vmem>>
    %dma_wait3A_533 = arith.constant 0 : i32
    %dma_wait3A_534 = arith.constant 0 : i32
    %dma_wait3A_535 = tpu.memref_slice %arg3[%dma_wait3A_533, %dma_wait3A_534] : memref<2000000x64xf32, #tpu.memory_space<hbm>> -> memref<2000000x64xf32, #tpu.memory_space<hbm>>
    tpu.wait_indirect_dma semaphore(%arg12 : memref<!tpu.dma_semaphore, #tpu.memory_space<semaphore_mem>>) src(%dma_wait3A_535 : memref<2000000x64xf32, #tpu.memory_space<hbm>>) dst(%dma_wait3A_530 : memref<128x64xf32, #tpu.memory_space<vmem>>)
    %dma_wait3A_536 = arith.constant 384 : i32
    %dma_wait3A_537 = arith.constant 0 : i32
    %dma_wait3A_538 = tpu.memref_slice %arg10[%dma_wait3A_536, %dma_wait3A_537] : memref<800x64xf32, #tpu.memory_space<vmem>> -> memref<128x64xf32, #tpu.memory_space<vmem>>
    %dma_wait3A_539 = arith.constant 2784 : i32
    %dma_wait3A_540 = tpu.memref_slice %arg7[%dma_wait3A_539] : memref<6400xi32, #tpu.memory_space<vmem>> -> memref<128xi32, #tpu.memory_space<vmem>>
    %dma_wait3A_541 = arith.constant 0 : i32
    %dma_wait3A_542 = arith.constant 0 : i32
    %dma_wait3A_543 = tpu.memref_slice %arg3[%dma_wait3A_541, %dma_wait3A_542] : memref<2000000x64xf32, #tpu.memory_space<hbm>> -> memref<2000000x64xf32, #tpu.memory_space<hbm>>
    tpu.wait_indirect_dma semaphore(%arg12 : memref<!tpu.dma_semaphore, #tpu.memory_space<semaphore_mem>>) src(%dma_wait3A_543 : memref<2000000x64xf32, #tpu.memory_space<hbm>>) dst(%dma_wait3A_538 : memref<128x64xf32, #tpu.memory_space<vmem>>)
    %dma_wait3A_544 = arith.constant 512 : i32
    %dma_wait3A_545 = arith.constant 0 : i32
    %dma_wait3A_546 = tpu.memref_slice %arg10[%dma_wait3A_544, %dma_wait3A_545] : memref<800x64xf32, #tpu.memory_space<vmem>> -> memref<128x64xf32, #tpu.memory_space<vmem>>
    %dma_wait3A_547 = arith.constant 2912 : i32
    %dma_wait3A_548 = tpu.memref_slice %arg7[%dma_wait3A_547] : memref<6400xi32, #tpu.memory_space<vmem>> -> memref<128xi32, #tpu.memory_space<vmem>>
    %dma_wait3A_549 = arith.constant 0 : i32
    %dma_wait3A_550 = arith.constant 0 : i32
    %dma_wait3A_551 = tpu.memref_slice %arg3[%dma_wait3A_549, %dma_wait3A_550] : memref<2000000x64xf32, #tpu.memory_space<hbm>> -> memref<2000000x64xf32, #tpu.memory_space<hbm>>
    tpu.wait_indirect_dma semaphore(%arg12 : memref<!tpu.dma_semaphore, #tpu.memory_space<semaphore_mem>>) src(%dma_wait3A_551 : memref<2000000x64xf32, #tpu.memory_space<hbm>>) dst(%dma_wait3A_546 : memref<128x64xf32, #tpu.memory_space<vmem>>)
    %dma_wait3A_552 = arith.constant 640 : i32
    %dma_wait3A_553 = arith.constant 0 : i32
    %dma_wait3A_554 = tpu.memref_slice %arg10[%dma_wait3A_552, %dma_wait3A_553] : memref<800x64xf32, #tpu.memory_space<vmem>> -> memref<128x64xf32, #tpu.memory_space<vmem>>
    %dma_wait3A_555 = arith.constant 3040 : i32
    %dma_wait3A_556 = tpu.memref_slice %arg7[%dma_wait3A_555] : memref<6400xi32, #tpu.memory_space<vmem>> -> memref<128xi32, #tpu.memory_space<vmem>>
    %dma_wait3A_557 = arith.constant 0 : i32
    %dma_wait3A_558 = arith.constant 0 : i32
    %dma_wait3A_559 = tpu.memref_slice %arg3[%dma_wait3A_557, %dma_wait3A_558] : memref<2000000x64xf32, #tpu.memory_space<hbm>> -> memref<2000000x64xf32, #tpu.memory_space<hbm>>
    tpu.wait_indirect_dma semaphore(%arg12 : memref<!tpu.dma_semaphore, #tpu.memory_space<semaphore_mem>>) src(%dma_wait3A_559 : memref<2000000x64xf32, #tpu.memory_space<hbm>>) dst(%dma_wait3A_554 : memref<128x64xf32, #tpu.memory_space<vmem>>)
    %dma_wait3A_560 = arith.constant 768 : i32
    %dma_wait3A_561 = arith.constant 0 : i32
    %dma_wait3A_562 = tpu.memref_slice %arg10[%dma_wait3A_560, %dma_wait3A_561] : memref<800x64xf32, #tpu.memory_space<vmem>> -> memref<32x64xf32, #tpu.memory_space<vmem>>
    %dma_wait3A_563 = arith.constant 3168 : i32
    %dma_wait3A_564 = tpu.memref_slice %arg7[%dma_wait3A_563] : memref<6400xi32, #tpu.memory_space<vmem>> -> memref<32xi32, #tpu.memory_space<vmem>>
    %dma_wait3A_565 = arith.constant 0 : i32
    %dma_wait3A_566 = arith.constant 0 : i32
    %dma_wait3A_567 = tpu.memref_slice %arg3[%dma_wait3A_565, %dma_wait3A_566] : memref<2000000x64xf32, #tpu.memory_space<hbm>> -> memref<2000000x64xf32, #tpu.memory_space<hbm>>
    tpu.wait_indirect_dma semaphore(%arg12 : memref<!tpu.dma_semaphore, #tpu.memory_space<semaphore_mem>>) src(%dma_wait3A_567 : memref<2000000x64xf32, #tpu.memory_space<hbm>>) dst(%dma_wait3A_562 : memref<32x64xf32, #tpu.memory_space<vmem>>)
    %scan3A_568 = arith.constant 0 : i32
    %scan3A_569 = arith.constant 0 : i32
    %scan3A_570 = arith.constant 50 : i32
    %scan3A_571 = arith.addi %scan3A_569, %scan3A_570 : i32
    %scan3A_572 = arith.constant 1 : i32
    %scan3A_573 = scf.for %scan3A_1055 = %scan3A_569 to %scan3A_571 step %scan3A_572 iter_args(%scan3A_1056 = %scan3A_568) -> (i32)  : i32 {
      %get3A = arith.index_cast %scan3A_1055 : i32 to index
      %get3A_1057 = arith.constant 0 : index
      %get3A_1058 = tpu.vector_load %arg8[%get3A, %get3A_1057] {strides = array<i32>} : memref<50x64xf32, #tpu.memory_space<vmem>>, vector<1x16xf32>,
      %get3A_1059 = vector.shape_cast %get3A_1058 : vector<1x16xf32> to vector<16xf32>
      %get3A_1060 = arith.index_cast %scan3A_1055 : i32 to index
      %get3A_1061 = arith.constant 16 : index
      %get3A_1062 = tpu.vector_load %arg8[%get3A_1060, %get3A_1061] {strides = array<i32>} : memref<50x64xf32, #tpu.memory_space<vmem>>, vector<1x16xf32>,
      %get3A_1063 = vector.shape_cast %get3A_1062 : vector<1x16xf32> to vector<16xf32>
      %get3A_1064 = arith.index_cast %scan3A_1055 : i32 to index
      %get3A_1065 = arith.constant 32 : index
      %get3A_1066 = tpu.vector_load %arg8[%get3A_1064, %get3A_1065] {strides = array<i32>} : memref<50x64xf32, #tpu.memory_space<vmem>>, vector<1x16xf32>,
      %get3A_1067 = vector.shape_cast %get3A_1066 : vector<1x16xf32> to vector<16xf32>
      %get3A_1068 = arith.index_cast %scan3A_1055 : i32 to index
      %get3A_1069 = arith.constant 48 : index
      %get3A_1070 = tpu.vector_load %arg8[%get3A_1068, %get3A_1069] {strides = array<i32>} : memref<50x64xf32, #tpu.memory_space<vmem>>, vector<1x16xf32>,
      %get3A_1071 = vector.shape_cast %get3A_1070 : vector<1x16xf32> to vector<16xf32>
      %scan3A_1072 = arith.constant 0 : i32
      %scan3A_1073 = arith.constant 0 : i32
      %scan3A_1074 = arith.constant 16 : i32
      %scan3A_1075 = arith.addi %scan3A_1073, %scan3A_1074 : i32
      %scan3A_1076 = arith.constant 1 : i32
      %scan3A_1077 = scf.for %scan3A_1080 = %scan3A_1073 to %scan3A_1075 step %scan3A_1076 iter_args(%scan3A_1081 = %scan3A_1072) -> (i32)  : i32 {
        %mul3A_1082 = arith.constant 50 : i32
        %mul3A_1083 = arith.muli %scan3A_1080, %mul3A_1082 : i32
        %add3A_1084 = arith.addi %mul3A_1083, %scan3A_1055 : i32
        %swap3A = arith.index_cast %add3A_1084 : i32 to index
        %swap3A_1085 = arith.constant 0 : index
        %swap3A_1086 = tpu.vector_load %arg10[%swap3A, %swap3A_1085] {strides = array<i32>} : memref<800x64xf32, #tpu.memory_space<vmem>>, vector<1x16xf32>,
        %swap3A_1087 = vector.shape_cast %swap3A_1086 : vector<1x16xf32> to vector<16xf32>
        %swap3A_1088 = vector.shape_cast %get3A_1059 : vector<16xf32> to vector<1x16xf32>
        tpu.vector_store %arg10[%swap3A, %swap3A_1085], %swap3A_1088 {add = true, strides = array<i32>} : memref<800x64xf32, #tpu.memory_space<vmem>>, vector<1x16xf32>,
        %swap3A_1089 = arith.index_cast %add3A_1084 : i32 to index
        %swap3A_1090 = arith.constant 16 : index
        %swap3A_1091 = tpu.vector_load %arg10[%swap3A_1089, %swap3A_1090] {strides = array<i32>} : memref<800x64xf32, #tpu.memory_space<vmem>>, vector<1x16xf32>,
        %swap3A_1092 = vector.shape_cast %swap3A_1091 : vector<1x16xf32> to vector<16xf32>
        %swap3A_1093 = vector.shape_cast %get3A_1063 : vector<16xf32> to vector<1x16xf32>
        tpu.vector_store %arg10[%swap3A_1089, %swap3A_1090], %swap3A_1093 {add = true, strides = array<i32>} : memref<800x64xf32, #tpu.memory_space<vmem>>, vector<1x16xf32>,
        %swap3A_1094 = arith.index_cast %add3A_1084 : i32 to index
        %swap3A_1095 = arith.constant 32 : index
        %swap3A_1096 = tpu.vector_load %arg10[%swap3A_1094, %swap3A_1095] {strides = array<i32>} : memref<800x64xf32, #tpu.memory_space<vmem>>, vector<1x16xf32>,
        %swap3A_1097 = vector.shape_cast %swap3A_1096 : vector<1x16xf32> to vector<16xf32>
        %swap3A_1098 = vector.shape_cast %get3A_1067 : vector<16xf32> to vector<1x16xf32>
        tpu.vector_store %arg10[%swap3A_1094, %swap3A_1095], %swap3A_1098 {add = true, strides = array<i32>} : memref<800x64xf32, #tpu.memory_space<vmem>>, vector<1x16xf32>,
        %swap3A_1099 = arith.index_cast %add3A_1084 : i32 to index
        %swap3A_1100 = arith.constant 48 : index
        %swap3A_1101 = tpu.vector_load %arg10[%swap3A_1099, %swap3A_1100] {strides = array<i32>} : memref<800x64xf32, #tpu.memory_space<vmem>>, vector<1x16xf32>,
        %swap3A_1102 = vector.shape_cast %swap3A_1101 : vector<1x16xf32> to vector<16xf32>
        %swap3A_1103 = vector.shape_cast %get3A_1071 : vector<16xf32> to vector<1x16xf32>
        tpu.vector_store %arg10[%swap3A_1099, %swap3A_1100], %swap3A_1103 {add = true, strides = array<i32>} : memref<800x64xf32, #tpu.memory_space<vmem>>, vector<1x16xf32>,
        %scan3A_1104 = arith.constant 0 : i32
        scf.yield %scan3A_1104 : i32
      }
      %scan3A_1078 = arith.constant 16 : i32
      %scan3A_1079 = arith.constant 0 : i32
      scf.yield %scan3A_1079 : i32
    }
    %scan3A_574 = arith.constant 50 : i32
    %add3A_575 = arith.constant 2400 : i32
    %add3A_576 = arith.addi %mul3A_2, %add3A_575 : i32
    %dma_start3A_577 = arith.constant 0 : i32
    %dma_start3A_578 = tpu.memref_slice %arg5[%add3A_576, %dma_start3A_577] : memref<204800x64xf32, #tpu.memory_space<hbm>> -> memref<800x64xf32, #tpu.memory_space<hbm>>
    %dma_start3A_579 = arith.constant 0 : i32
    %dma_start3A_580 = tpu.memref_slice %arg5[%add3A_576, %dma_start3A_579] : memref<204800x64xf32, #tpu.memory_space<hbm>> -> memref<800x64xf32, #tpu.memory_space<hbm>>
    tpu.enqueue_dma source(%arg10 : memref<800x64xf32, #tpu.memory_space<vmem>>) target(%dma_start3A_580 : memref<800x64xf32, #tpu.memory_space<hbm>>) target_semaphore(%arg14 : memref<!tpu.dma_semaphore, #tpu.memory_space<semaphore_mem>>)
    %add3A_581 = arith.constant 2400 : i32
    %add3A_582 = arith.addi %mul3A_2, %add3A_581 : i32
    %dma_wait3A_583 = arith.constant 0 : i32
    %dma_wait3A_584 = tpu.memref_slice %arg5[%add3A_582, %dma_wait3A_583] : memref<204800x64xf32, #tpu.memory_space<hbm>> -> memref<800x64xf32, #tpu.memory_space<hbm>>
    %dma_wait3A_585 = arith.constant 0 : i32
    %dma_wait3A_586 = tpu.memref_slice %arg5[%add3A_582, %dma_wait3A_585] : memref<204800x64xf32, #tpu.memory_space<hbm>> -> memref<800x64xf32, #tpu.memory_space<hbm>>
    tpu.wait_dma2 semaphore(%arg14 : memref<!tpu.dma_semaphore, #tpu.memory_space<semaphore_mem>>) src(%arg10 : memref<800x64xf32, #tpu.memory_space<vmem>>) dst(%dma_wait3A_586 : memref<800x64xf32, #tpu.memory_space<hbm>>)
    %dma_start3A_587 = arith.constant 0 : i32
    %dma_start3A_588 = arith.constant 0 : i32
    %dma_start3A_589 = tpu.memref_slice %arg10[%dma_start3A_587, %dma_start3A_588] : memref<800x64xf32, #tpu.memory_space<vmem>> -> memref<128x64xf32, #tpu.memory_space<vmem>>
    %dma_start3A_590 = arith.constant 4000 : i32
    %dma_start3A_591 = tpu.memref_slice %arg7[%dma_start3A_590] : memref<6400xi32, #tpu.memory_space<vmem>> -> memref<128xi32, #tpu.memory_space<vmem>>
    %dma_start3A_592 = arith.constant 0 : i32
    %dma_start3A_593 = arith.constant 0 : i32
    %dma_start3A_594 = tpu.memref_slice %arg3[%dma_start3A_592, %dma_start3A_593] : memref<2000000x64xf32, #tpu.memory_space<hbm>> -> memref<2000000x64xf32, #tpu.memory_space<hbm>>
    tpu.enqueue_indirect_dma source(%dma_start3A_594 : memref<2000000x64xf32, #tpu.memory_space<hbm>>) target(%dma_start3A_589 : memref<128x64xf32, #tpu.memory_space<vmem>>) offsets(%dma_start3A_591 : memref<128xi32, #tpu.memory_space<vmem>>) semaphore(%arg12 : memref<!tpu.dma_semaphore, #tpu.memory_space<semaphore_mem>>)
    %dma_start3A_595 = arith.constant 128 : i32
    %dma_start3A_596 = arith.constant 0 : i32
    %dma_start3A_597 = tpu.memref_slice %arg10[%dma_start3A_595, %dma_start3A_596] : memref<800x64xf32, #tpu.memory_space<vmem>> -> memref<128x64xf32, #tpu.memory_space<vmem>>
    %dma_start3A_598 = arith.constant 4128 : i32
    %dma_start3A_599 = tpu.memref_slice %arg7[%dma_start3A_598] : memref<6400xi32, #tpu.memory_space<vmem>> -> memref<128xi32, #tpu.memory_space<vmem>>
    %dma_start3A_600 = arith.constant 0 : i32
    %dma_start3A_601 = arith.constant 0 : i32
    %dma_start3A_602 = tpu.memref_slice %arg3[%dma_start3A_600, %dma_start3A_601] : memref<2000000x64xf32, #tpu.memory_space<hbm>> -> memref<2000000x64xf32, #tpu.memory_space<hbm>>
    tpu.enqueue_indirect_dma source(%dma_start3A_602 : memref<2000000x64xf32, #tpu.memory_space<hbm>>) target(%dma_start3A_597 : memref<128x64xf32, #tpu.memory_space<vmem>>) offsets(%dma_start3A_599 : memref<128xi32, #tpu.memory_space<vmem>>) semaphore(%arg12 : memref<!tpu.dma_semaphore, #tpu.memory_space<semaphore_mem>>)
    %dma_start3A_603 = arith.constant 256 : i32
    %dma_start3A_604 = arith.constant 0 : i32
    %dma_start3A_605 = tpu.memref_slice %arg10[%dma_start3A_603, %dma_start3A_604] : memref<800x64xf32, #tpu.memory_space<vmem>> -> memref<128x64xf32, #tpu.memory_space<vmem>>
    %dma_start3A_606 = arith.constant 4256 : i32
    %dma_start3A_607 = tpu.memref_slice %arg7[%dma_start3A_606] : memref<6400xi32, #tpu.memory_space<vmem>> -> memref<128xi32, #tpu.memory_space<vmem>>
    %dma_start3A_608 = arith.constant 0 : i32
    %dma_start3A_609 = arith.constant 0 : i32
    %dma_start3A_610 = tpu.memref_slice %arg3[%dma_start3A_608, %dma_start3A_609] : memref<2000000x64xf32, #tpu.memory_space<hbm>> -> memref<2000000x64xf32, #tpu.memory_space<hbm>>
    tpu.enqueue_indirect_dma source(%dma_start3A_610 : memref<2000000x64xf32, #tpu.memory_space<hbm>>) target(%dma_start3A_605 : memref<128x64xf32, #tpu.memory_space<vmem>>) offsets(%dma_start3A_607 : memref<128xi32, #tpu.memory_space<vmem>>) semaphore(%arg12 : memref<!tpu.dma_semaphore, #tpu.memory_space<semaphore_mem>>)
    %dma_start3A_611 = arith.constant 384 : i32
    %dma_start3A_612 = arith.constant 0 : i32
    %dma_start3A_613 = tpu.memref_slice %arg10[%dma_start3A_611, %dma_start3A_612] : memref<800x64xf32, #tpu.memory_space<vmem>> -> memref<128x64xf32, #tpu.memory_space<vmem>>
    %dma_start3A_614 = arith.constant 4384 : i32
    %dma_start3A_615 = tpu.memref_slice %arg7[%dma_start3A_614] : memref<6400xi32, #tpu.memory_space<vmem>> -> memref<128xi32, #tpu.memory_space<vmem>>
    %dma_start3A_616 = arith.constant 0 : i32
    %dma_start3A_617 = arith.constant 0 : i32
    %dma_start3A_618 = tpu.memref_slice %arg3[%dma_start3A_616, %dma_start3A_617] : memref<2000000x64xf32, #tpu.memory_space<hbm>> -> memref<2000000x64xf32, #tpu.memory_space<hbm>>
    tpu.enqueue_indirect_dma source(%dma_start3A_618 : memref<2000000x64xf32, #tpu.memory_space<hbm>>) target(%dma_start3A_613 : memref<128x64xf32, #tpu.memory_space<vmem>>) offsets(%dma_start3A_615 : memref<128xi32, #tpu.memory_space<vmem>>) semaphore(%arg12 : memref<!tpu.dma_semaphore, #tpu.memory_space<semaphore_mem>>)
    %dma_start3A_619 = arith.constant 512 : i32
    %dma_start3A_620 = arith.constant 0 : i32
    %dma_start3A_621 = tpu.memref_slice %arg10[%dma_start3A_619, %dma_start3A_620] : memref<800x64xf32, #tpu.memory_space<vmem>> -> memref<128x64xf32, #tpu.memory_space<vmem>>
    %dma_start3A_622 = arith.constant 4512 : i32
    %dma_start3A_623 = tpu.memref_slice %arg7[%dma_start3A_622] : memref<6400xi32, #tpu.memory_space<vmem>> -> memref<128xi32, #tpu.memory_space<vmem>>
    %dma_start3A_624 = arith.constant 0 : i32
    %dma_start3A_625 = arith.constant 0 : i32
    %dma_start3A_626 = tpu.memref_slice %arg3[%dma_start3A_624, %dma_start3A_625] : memref<2000000x64xf32, #tpu.memory_space<hbm>> -> memref<2000000x64xf32, #tpu.memory_space<hbm>>
    tpu.enqueue_indirect_dma source(%dma_start3A_626 : memref<2000000x64xf32, #tpu.memory_space<hbm>>) target(%dma_start3A_621 : memref<128x64xf32, #tpu.memory_space<vmem>>) offsets(%dma_start3A_623 : memref<128xi32, #tpu.memory_space<vmem>>) semaphore(%arg12 : memref<!tpu.dma_semaphore, #tpu.memory_space<semaphore_mem>>)
    %dma_start3A_627 = arith.constant 640 : i32
    %dma_start3A_628 = arith.constant 0 : i32
    %dma_start3A_629 = tpu.memref_slice %arg10[%dma_start3A_627, %dma_start3A_628] : memref<800x64xf32, #tpu.memory_space<vmem>> -> memref<128x64xf32, #tpu.memory_space<vmem>>
    %dma_start3A_630 = arith.constant 4640 : i32
    %dma_start3A_631 = tpu.memref_slice %arg7[%dma_start3A_630] : memref<6400xi32, #tpu.memory_space<vmem>> -> memref<128xi32, #tpu.memory_space<vmem>>
    %dma_start3A_632 = arith.constant 0 : i32
    %dma_start3A_633 = arith.constant 0 : i32
    %dma_start3A_634 = tpu.memref_slice %arg3[%dma_start3A_632, %dma_start3A_633] : memref<2000000x64xf32, #tpu.memory_space<hbm>> -> memref<2000000x64xf32, #tpu.memory_space<hbm>>
    tpu.enqueue_indirect_dma source(%dma_start3A_634 : memref<2000000x64xf32, #tpu.memory_space<hbm>>) target(%dma_start3A_629 : memref<128x64xf32, #tpu.memory_space<vmem>>) offsets(%dma_start3A_631 : memref<128xi32, #tpu.memory_space<vmem>>) semaphore(%arg12 : memref<!tpu.dma_semaphore, #tpu.memory_space<semaphore_mem>>)
    %dma_start3A_635 = arith.constant 768 : i32
    %dma_start3A_636 = arith.constant 0 : i32
    %dma_start3A_637 = tpu.memref_slice %arg10[%dma_start3A_635, %dma_start3A_636] : memref<800x64xf32, #tpu.memory_space<vmem>> -> memref<32x64xf32, #tpu.memory_space<vmem>>
    %dma_start3A_638 = arith.constant 4768 : i32
    %dma_start3A_639 = tpu.memref_slice %arg7[%dma_start3A_638] : memref<6400xi32, #tpu.memory_space<vmem>> -> memref<32xi32, #tpu.memory_space<vmem>>
    %dma_start3A_640 = arith.constant 0 : i32
    %dma_start3A_641 = arith.constant 0 : i32
    %dma_start3A_642 = tpu.memref_slice %arg3[%dma_start3A_640, %dma_start3A_641] : memref<2000000x64xf32, #tpu.memory_space<hbm>> -> memref<2000000x64xf32, #tpu.memory_space<hbm>>
    tpu.enqueue_indirect_dma source(%dma_start3A_642 : memref<2000000x64xf32, #tpu.memory_space<hbm>>) target(%dma_start3A_637 : memref<32x64xf32, #tpu.memory_space<vmem>>) offsets(%dma_start3A_639 : memref<32xi32, #tpu.memory_space<vmem>>) semaphore(%arg12 : memref<!tpu.dma_semaphore, #tpu.memory_space<semaphore_mem>>)
    %dma_wait3A_643 = arith.constant 0 : i32
    %dma_wait3A_644 = arith.constant 0 : i32
    %dma_wait3A_645 = tpu.memref_slice %arg9[%dma_wait3A_643, %dma_wait3A_644] : memref<800x64xf32, #tpu.memory_space<vmem>> -> memref<128x64xf32, #tpu.memory_space<vmem>>
    %dma_wait3A_646 = arith.constant 3200 : i32
    %dma_wait3A_647 = tpu.memref_slice %arg7[%dma_wait3A_646] : memref<6400xi32, #tpu.memory_space<vmem>> -> memref<128xi32, #tpu.memory_space<vmem>>
    %dma_wait3A_648 = arith.constant 0 : i32
    %dma_wait3A_649 = arith.constant 0 : i32
    %dma_wait3A_650 = tpu.memref_slice %arg3[%dma_wait3A_648, %dma_wait3A_649] : memref<2000000x64xf32, #tpu.memory_space<hbm>> -> memref<2000000x64xf32, #tpu.memory_space<hbm>>
    tpu.wait_indirect_dma semaphore(%arg11 : memref<!tpu.dma_semaphore, #tpu.memory_space<semaphore_mem>>) src(%dma_wait3A_650 : memref<2000000x64xf32, #tpu.memory_space<hbm>>) dst(%dma_wait3A_645 : memref<128x64xf32, #tpu.memory_space<vmem>>)
    %dma_wait3A_651 = arith.constant 128 : i32
    %dma_wait3A_652 = arith.constant 0 : i32
    %dma_wait3A_653 = tpu.memref_slice %arg9[%dma_wait3A_651, %dma_wait3A_652] : memref<800x64xf32, #tpu.memory_space<vmem>> -> memref<128x64xf32, #tpu.memory_space<vmem>>
    %dma_wait3A_654 = arith.constant 3328 : i32
    %dma_wait3A_655 = tpu.memref_slice %arg7[%dma_wait3A_654] : memref<6400xi32, #tpu.memory_space<vmem>> -> memref<128xi32, #tpu.memory_space<vmem>>
    %dma_wait3A_656 = arith.constant 0 : i32
    %dma_wait3A_657 = arith.constant 0 : i32
    %dma_wait3A_658 = tpu.memref_slice %arg3[%dma_wait3A_656, %dma_wait3A_657] : memref<2000000x64xf32, #tpu.memory_space<hbm>> -> memref<2000000x64xf32, #tpu.memory_space<hbm>>
    tpu.wait_indirect_dma semaphore(%arg11 : memref<!tpu.dma_semaphore, #tpu.memory_space<semaphore_mem>>) src(%dma_wait3A_658 : memref<2000000x64xf32, #tpu.memory_space<hbm>>) dst(%dma_wait3A_653 : memref<128x64xf32, #tpu.memory_space<vmem>>)
    %dma_wait3A_659 = arith.constant 256 : i32
    %dma_wait3A_660 = arith.constant 0 : i32
    %dma_wait3A_661 = tpu.memref_slice %arg9[%dma_wait3A_659, %dma_wait3A_660] : memref<800x64xf32, #tpu.memory_space<vmem>> -> memref<128x64xf32, #tpu.memory_space<vmem>>
    %dma_wait3A_662 = arith.constant 3456 : i32
    %dma_wait3A_663 = tpu.memref_slice %arg7[%dma_wait3A_662] : memref<6400xi32, #tpu.memory_space<vmem>> -> memref<128xi32, #tpu.memory_space<vmem>>
    %dma_wait3A_664 = arith.constant 0 : i32
    %dma_wait3A_665 = arith.constant 0 : i32
    %dma_wait3A_666 = tpu.memref_slice %arg3[%dma_wait3A_664, %dma_wait3A_665] : memref<2000000x64xf32, #tpu.memory_space<hbm>> -> memref<2000000x64xf32, #tpu.memory_space<hbm>>
    tpu.wait_indirect_dma semaphore(%arg11 : memref<!tpu.dma_semaphore, #tpu.memory_space<semaphore_mem>>) src(%dma_wait3A_666 : memref<2000000x64xf32, #tpu.memory_space<hbm>>) dst(%dma_wait3A_661 : memref<128x64xf32, #tpu.memory_space<vmem>>)
    %dma_wait3A_667 = arith.constant 384 : i32
    %dma_wait3A_668 = arith.constant 0 : i32
    %dma_wait3A_669 = tpu.memref_slice %arg9[%dma_wait3A_667, %dma_wait3A_668] : memref<800x64xf32, #tpu.memory_space<vmem>> -> memref<128x64xf32, #tpu.memory_space<vmem>>
    %dma_wait3A_670 = arith.constant 3584 : i32
    %dma_wait3A_671 = tpu.memref_slice %arg7[%dma_wait3A_670] : memref<6400xi32, #tpu.memory_space<vmem>> -> memref<128xi32, #tpu.memory_space<vmem>>
    %dma_wait3A_672 = arith.constant 0 : i32
    %dma_wait3A_673 = arith.constant 0 : i32
    %dma_wait3A_674 = tpu.memref_slice %arg3[%dma_wait3A_672, %dma_wait3A_673] : memref<2000000x64xf32, #tpu.memory_space<hbm>> -> memref<2000000x64xf32, #tpu.memory_space<hbm>>
    tpu.wait_indirect_dma semaphore(%arg11 : memref<!tpu.dma_semaphore, #tpu.memory_space<semaphore_mem>>) src(%dma_wait3A_674 : memref<2000000x64xf32, #tpu.memory_space<hbm>>) dst(%dma_wait3A_669 : memref<128x64xf32, #tpu.memory_space<vmem>>)
    %dma_wait3A_675 = arith.constant 512 : i32
    %dma_wait3A_676 = arith.constant 0 : i32
    %dma_wait3A_677 = tpu.memref_slice %arg9[%dma_wait3A_675, %dma_wait3A_676] : memref<800x64xf32, #tpu.memory_space<vmem>> -> memref<128x64xf32, #tpu.memory_space<vmem>>
    %dma_wait3A_678 = arith.constant 3712 : i32
    %dma_wait3A_679 = tpu.memref_slice %arg7[%dma_wait3A_678] : memref<6400xi32, #tpu.memory_space<vmem>> -> memref<128xi32, #tpu.memory_space<vmem>>
    %dma_wait3A_680 = arith.constant 0 : i32
    %dma_wait3A_681 = arith.constant 0 : i32
    %dma_wait3A_682 = tpu.memref_slice %arg3[%dma_wait3A_680, %dma_wait3A_681] : memref<2000000x64xf32, #tpu.memory_space<hbm>> -> memref<2000000x64xf32, #tpu.memory_space<hbm>>
    tpu.wait_indirect_dma semaphore(%arg11 : memref<!tpu.dma_semaphore, #tpu.memory_space<semaphore_mem>>) src(%dma_wait3A_682 : memref<2000000x64xf32, #tpu.memory_space<hbm>>) dst(%dma_wait3A_677 : memref<128x64xf32, #tpu.memory_space<vmem>>)
    %dma_wait3A_683 = arith.constant 640 : i32
    %dma_wait3A_684 = arith.constant 0 : i32
    %dma_wait3A_685 = tpu.memref_slice %arg9[%dma_wait3A_683, %dma_wait3A_684] : memref<800x64xf32, #tpu.memory_space<vmem>> -> memref<128x64xf32, #tpu.memory_space<vmem>>
    %dma_wait3A_686 = arith.constant 3840 : i32
    %dma_wait3A_687 = tpu.memref_slice %arg7[%dma_wait3A_686] : memref<6400xi32, #tpu.memory_space<vmem>> -> memref<128xi32, #tpu.memory_space<vmem>>
    %dma_wait3A_688 = arith.constant 0 : i32
    %dma_wait3A_689 = arith.constant 0 : i32
    %dma_wait3A_690 = tpu.memref_slice %arg3[%dma_wait3A_688, %dma_wait3A_689] : memref<2000000x64xf32, #tpu.memory_space<hbm>> -> memref<2000000x64xf32, #tpu.memory_space<hbm>>
    tpu.wait_indirect_dma semaphore(%arg11 : memref<!tpu.dma_semaphore, #tpu.memory_space<semaphore_mem>>) src(%dma_wait3A_690 : memref<2000000x64xf32, #tpu.memory_space<hbm>>) dst(%dma_wait3A_685 : memref<128x64xf32, #tpu.memory_space<vmem>>)
    %dma_wait3A_691 = arith.constant 768 : i32
    %dma_wait3A_692 = arith.constant 0 : i32
    %dma_wait3A_693 = tpu.memref_slice %arg9[%dma_wait3A_691, %dma_wait3A_692] : memref<800x64xf32, #tpu.memory_space<vmem>> -> memref<32x64xf32, #tpu.memory_space<vmem>>
    %dma_wait3A_694 = arith.constant 3968 : i32
    %dma_wait3A_695 = tpu.memref_slice %arg7[%dma_wait3A_694] : memref<6400xi32, #tpu.memory_space<vmem>> -> memref<32xi32, #tpu.memory_space<vmem>>
    %dma_wait3A_696 = arith.constant 0 : i32
    %dma_wait3A_697 = arith.constant 0 : i32
    %dma_wait3A_698 = tpu.memref_slice %arg3[%dma_wait3A_696, %dma_wait3A_697] : memref<2000000x64xf32, #tpu.memory_space<hbm>> -> memref<2000000x64xf32, #tpu.memory_space<hbm>>
    tpu.wait_indirect_dma semaphore(%arg11 : memref<!tpu.dma_semaphore, #tpu.memory_space<semaphore_mem>>) src(%dma_wait3A_698 : memref<2000000x64xf32, #tpu.memory_space<hbm>>) dst(%dma_wait3A_693 : memref<32x64xf32, #tpu.memory_space<vmem>>)
    %scan3A_699 = arith.constant 0 : i32
    %scan3A_700 = arith.constant 0 : i32
    %scan3A_701 = arith.constant 50 : i32
    %scan3A_702 = arith.addi %scan3A_700, %scan3A_701 : i32
    %scan3A_703 = arith.constant 1 : i32
    %scan3A_704 = scf.for %scan3A_1055 = %scan3A_700 to %scan3A_702 step %scan3A_703 iter_args(%scan3A_1056 = %scan3A_699) -> (i32)  : i32 {
      %get3A = arith.index_cast %scan3A_1055 : i32 to index
      %get3A_1057 = arith.constant 0 : index
      %get3A_1058 = tpu.vector_load %arg8[%get3A, %get3A_1057] {strides = array<i32>} : memref<50x64xf32, #tpu.memory_space<vmem>>, vector<1x16xf32>,
      %get3A_1059 = vector.shape_cast %get3A_1058 : vector<1x16xf32> to vector<16xf32>
      %get3A_1060 = arith.index_cast %scan3A_1055 : i32 to index
      %get3A_1061 = arith.constant 16 : index
      %get3A_1062 = tpu.vector_load %arg8[%get3A_1060, %get3A_1061] {strides = array<i32>} : memref<50x64xf32, #tpu.memory_space<vmem>>, vector<1x16xf32>,
      %get3A_1063 = vector.shape_cast %get3A_1062 : vector<1x16xf32> to vector<16xf32>
      %get3A_1064 = arith.index_cast %scan3A_1055 : i32 to index
      %get3A_1065 = arith.constant 32 : index
      %get3A_1066 = tpu.vector_load %arg8[%get3A_1064, %get3A_1065] {strides = array<i32>} : memref<50x64xf32, #tpu.memory_space<vmem>>, vector<1x16xf32>,
      %get3A_1067 = vector.shape_cast %get3A_1066 : vector<1x16xf32> to vector<16xf32>
      %get3A_1068 = arith.index_cast %scan3A_1055 : i32 to index
      %get3A_1069 = arith.constant 48 : index
      %get3A_1070 = tpu.vector_load %arg8[%get3A_1068, %get3A_1069] {strides = array<i32>} : memref<50x64xf32, #tpu.memory_space<vmem>>, vector<1x16xf32>,
      %get3A_1071 = vector.shape_cast %get3A_1070 : vector<1x16xf32> to vector<16xf32>
      %scan3A_1072 = arith.constant 0 : i32
      %scan3A_1073 = arith.constant 0 : i32
      %scan3A_1074 = arith.constant 16 : i32
      %scan3A_1075 = arith.addi %scan3A_1073, %scan3A_1074 : i32
      %scan3A_1076 = arith.constant 1 : i32
      %scan3A_1077 = scf.for %scan3A_1080 = %scan3A_1073 to %scan3A_1075 step %scan3A_1076 iter_args(%scan3A_1081 = %scan3A_1072) -> (i32)  : i32 {
        %mul3A_1082 = arith.constant 50 : i32
        %mul3A_1083 = arith.muli %scan3A_1080, %mul3A_1082 : i32
        %add3A_1084 = arith.addi %mul3A_1083, %scan3A_1055 : i32
        %swap3A = arith.index_cast %add3A_1084 : i32 to index
        %swap3A_1085 = arith.constant 0 : index
        %swap3A_1086 = tpu.vector_load %arg9[%swap3A, %swap3A_1085] {strides = array<i32>} : memref<800x64xf32, #tpu.memory_space<vmem>>, vector<1x16xf32>,
        %swap3A_1087 = vector.shape_cast %swap3A_1086 : vector<1x16xf32> to vector<16xf32>
        %swap3A_1088 = vector.shape_cast %get3A_1059 : vector<16xf32> to vector<1x16xf32>
        tpu.vector_store %arg9[%swap3A, %swap3A_1085], %swap3A_1088 {add = true, strides = array<i32>} : memref<800x64xf32, #tpu.memory_space<vmem>>, vector<1x16xf32>,
        %swap3A_1089 = arith.index_cast %add3A_1084 : i32 to index
        %swap3A_1090 = arith.constant 16 : index
        %swap3A_1091 = tpu.vector_load %arg9[%swap3A_1089, %swap3A_1090] {strides = array<i32>} : memref<800x64xf32, #tpu.memory_space<vmem>>, vector<1x16xf32>,
        %swap3A_1092 = vector.shape_cast %swap3A_1091 : vector<1x16xf32> to vector<16xf32>
        %swap3A_1093 = vector.shape_cast %get3A_1063 : vector<16xf32> to vector<1x16xf32>
        tpu.vector_store %arg9[%swap3A_1089, %swap3A_1090], %swap3A_1093 {add = true, strides = array<i32>} : memref<800x64xf32, #tpu.memory_space<vmem>>, vector<1x16xf32>,
        %swap3A_1094 = arith.index_cast %add3A_1084 : i32 to index
        %swap3A_1095 = arith.constant 32 : index
        %swap3A_1096 = tpu.vector_load %arg9[%swap3A_1094, %swap3A_1095] {strides = array<i32>} : memref<800x64xf32, #tpu.memory_space<vmem>>, vector<1x16xf32>,
        %swap3A_1097 = vector.shape_cast %swap3A_1096 : vector<1x16xf32> to vector<16xf32>
        %swap3A_1098 = vector.shape_cast %get3A_1067 : vector<16xf32> to vector<1x16xf32>
        tpu.vector_store %arg9[%swap3A_1094, %swap3A_1095], %swap3A_1098 {add = true, strides = array<i32>} : memref<800x64xf32, #tpu.memory_space<vmem>>, vector<1x16xf32>,
        %swap3A_1099 = arith.index_cast %add3A_1084 : i32 to index
        %swap3A_1100 = arith.constant 48 : index
        %swap3A_1101 = tpu.vector_load %arg9[%swap3A_1099, %swap3A_1100] {strides = array<i32>} : memref<800x64xf32, #tpu.memory_space<vmem>>, vector<1x16xf32>,
        %swap3A_1102 = vector.shape_cast %swap3A_1101 : vector<1x16xf32> to vector<16xf32>
        %swap3A_1103 = vector.shape_cast %get3A_1071 : vector<16xf32> to vector<1x16xf32>
        tpu.vector_store %arg9[%swap3A_1099, %swap3A_1100], %swap3A_1103 {add = true, strides = array<i32>} : memref<800x64xf32, #tpu.memory_space<vmem>>, vector<1x16xf32>,
        %scan3A_1104 = arith.constant 0 : i32
        scf.yield %scan3A_1104 : i32
      }
      %scan3A_1078 = arith.constant 16 : i32
      %scan3A_1079 = arith.constant 0 : i32
      scf.yield %scan3A_1079 : i32
    }
    %scan3A_705 = arith.constant 50 : i32
    %add3A_706 = arith.constant 3200 : i32
    %add3A_707 = arith.addi %mul3A_2, %add3A_706 : i32
    %dma_start3A_708 = arith.constant 0 : i32
    %dma_start3A_709 = tpu.memref_slice %arg5[%add3A_707, %dma_start3A_708] : memref<204800x64xf32, #tpu.memory_space<hbm>> -> memref<800x64xf32, #tpu.memory_space<hbm>>
    %dma_start3A_710 = arith.constant 0 : i32
    %dma_start3A_711 = tpu.memref_slice %arg5[%add3A_707, %dma_start3A_710] : memref<204800x64xf32, #tpu.memory_space<hbm>> -> memref<800x64xf32, #tpu.memory_space<hbm>>
    tpu.enqueue_dma source(%arg9 : memref<800x64xf32, #tpu.memory_space<vmem>>) target(%dma_start3A_711 : memref<800x64xf32, #tpu.memory_space<hbm>>) target_semaphore(%arg13 : memref<!tpu.dma_semaphore, #tpu.memory_space<semaphore_mem>>)
    %add3A_712 = arith.constant 3200 : i32
    %add3A_713 = arith.addi %mul3A_2, %add3A_712 : i32
    %dma_wait3A_714 = arith.constant 0 : i32
    %dma_wait3A_715 = tpu.memref_slice %arg5[%add3A_713, %dma_wait3A_714] : memref<204800x64xf32, #tpu.memory_space<hbm>> -> memref<800x64xf32, #tpu.memory_space<hbm>>
    %dma_wait3A_716 = arith.constant 0 : i32
    %dma_wait3A_717 = tpu.memref_slice %arg5[%add3A_713, %dma_wait3A_716] : memref<204800x64xf32, #tpu.memory_space<hbm>> -> memref<800x64xf32, #tpu.memory_space<hbm>>
    tpu.wait_dma2 semaphore(%arg13 : memref<!tpu.dma_semaphore, #tpu.memory_space<semaphore_mem>>) src(%arg9 : memref<800x64xf32, #tpu.memory_space<vmem>>) dst(%dma_wait3A_717 : memref<800x64xf32, #tpu.memory_space<hbm>>)
    %dma_start3A_718 = arith.constant 0 : i32
    %dma_start3A_719 = arith.constant 0 : i32
    %dma_start3A_720 = tpu.memref_slice %arg9[%dma_start3A_718, %dma_start3A_719] : memref<800x64xf32, #tpu.memory_space<vmem>> -> memref<128x64xf32, #tpu.memory_space<vmem>>
    %dma_start3A_721 = arith.constant 4800 : i32
    %dma_start3A_722 = tpu.memref_slice %arg7[%dma_start3A_721] : memref<6400xi32, #tpu.memory_space<vmem>> -> memref<128xi32, #tpu.memory_space<vmem>>
    %dma_start3A_723 = arith.constant 0 : i32
    %dma_start3A_724 = arith.constant 0 : i32
    %dma_start3A_725 = tpu.memref_slice %arg3[%dma_start3A_723, %dma_start3A_724] : memref<2000000x64xf32, #tpu.memory_space<hbm>> -> memref<2000000x64xf32, #tpu.memory_space<hbm>>
    tpu.enqueue_indirect_dma source(%dma_start3A_725 : memref<2000000x64xf32, #tpu.memory_space<hbm>>) target(%dma_start3A_720 : memref<128x64xf32, #tpu.memory_space<vmem>>) offsets(%dma_start3A_722 : memref<128xi32, #tpu.memory_space<vmem>>) semaphore(%arg11 : memref<!tpu.dma_semaphore, #tpu.memory_space<semaphore_mem>>)
    %dma_start3A_726 = arith.constant 128 : i32
    %dma_start3A_727 = arith.constant 0 : i32
    %dma_start3A_728 = tpu.memref_slice %arg9[%dma_start3A_726, %dma_start3A_727] : memref<800x64xf32, #tpu.memory_space<vmem>> -> memref<128x64xf32, #tpu.memory_space<vmem>>
    %dma_start3A_729 = arith.constant 4928 : i32
    %dma_start3A_730 = tpu.memref_slice %arg7[%dma_start3A_729] : memref<6400xi32, #tpu.memory_space<vmem>> -> memref<128xi32, #tpu.memory_space<vmem>>
    %dma_start3A_731 = arith.constant 0 : i32
    %dma_start3A_732 = arith.constant 0 : i32
    %dma_start3A_733 = tpu.memref_slice %arg3[%dma_start3A_731, %dma_start3A_732] : memref<2000000x64xf32, #tpu.memory_space<hbm>> -> memref<2000000x64xf32, #tpu.memory_space<hbm>>
    tpu.enqueue_indirect_dma source(%dma_start3A_733 : memref<2000000x64xf32, #tpu.memory_space<hbm>>) target(%dma_start3A_728 : memref<128x64xf32, #tpu.memory_space<vmem>>) offsets(%dma_start3A_730 : memref<128xi32, #tpu.memory_space<vmem>>) semaphore(%arg11 : memref<!tpu.dma_semaphore, #tpu.memory_space<semaphore_mem>>)
    %dma_start3A_734 = arith.constant 256 : i32
    %dma_start3A_735 = arith.constant 0 : i32
    %dma_start3A_736 = tpu.memref_slice %arg9[%dma_start3A_734, %dma_start3A_735] : memref<800x64xf32, #tpu.memory_space<vmem>> -> memref<128x64xf32, #tpu.memory_space<vmem>>
    %dma_start3A_737 = arith.constant 5056 : i32
    %dma_start3A_738 = tpu.memref_slice %arg7[%dma_start3A_737] : memref<6400xi32, #tpu.memory_space<vmem>> -> memref<128xi32, #tpu.memory_space<vmem>>
    %dma_start3A_739 = arith.constant 0 : i32
    %dma_start3A_740 = arith.constant 0 : i32
    %dma_start3A_741 = tpu.memref_slice %arg3[%dma_start3A_739, %dma_start3A_740] : memref<2000000x64xf32, #tpu.memory_space<hbm>> -> memref<2000000x64xf32, #tpu.memory_space<hbm>>
    tpu.enqueue_indirect_dma source(%dma_start3A_741 : memref<2000000x64xf32, #tpu.memory_space<hbm>>) target(%dma_start3A_736 : memref<128x64xf32, #tpu.memory_space<vmem>>) offsets(%dma_start3A_738 : memref<128xi32, #tpu.memory_space<vmem>>) semaphore(%arg11 : memref<!tpu.dma_semaphore, #tpu.memory_space<semaphore_mem>>)
    %dma_start3A_742 = arith.constant 384 : i32
    %dma_start3A_743 = arith.constant 0 : i32
    %dma_start3A_744 = tpu.memref_slice %arg9[%dma_start3A_742, %dma_start3A_743] : memref<800x64xf32, #tpu.memory_space<vmem>> -> memref<128x64xf32, #tpu.memory_space<vmem>>
    %dma_start3A_745 = arith.constant 5184 : i32
    %dma_start3A_746 = tpu.memref_slice %arg7[%dma_start3A_745] : memref<6400xi32, #tpu.memory_space<vmem>> -> memref<128xi32, #tpu.memory_space<vmem>>
    %dma_start3A_747 = arith.constant 0 : i32
    %dma_start3A_748 = arith.constant 0 : i32
    %dma_start3A_749 = tpu.memref_slice %arg3[%dma_start3A_747, %dma_start3A_748] : memref<2000000x64xf32, #tpu.memory_space<hbm>> -> memref<2000000x64xf32, #tpu.memory_space<hbm>>
    tpu.enqueue_indirect_dma source(%dma_start3A_749 : memref<2000000x64xf32, #tpu.memory_space<hbm>>) target(%dma_start3A_744 : memref<128x64xf32, #tpu.memory_space<vmem>>) offsets(%dma_start3A_746 : memref<128xi32, #tpu.memory_space<vmem>>) semaphore(%arg11 : memref<!tpu.dma_semaphore, #tpu.memory_space<semaphore_mem>>)
    %dma_start3A_750 = arith.constant 512 : i32
    %dma_start3A_751 = arith.constant 0 : i32
    %dma_start3A_752 = tpu.memref_slice %arg9[%dma_start3A_750, %dma_start3A_751] : memref<800x64xf32, #tpu.memory_space<vmem>> -> memref<128x64xf32, #tpu.memory_space<vmem>>
    %dma_start3A_753 = arith.constant 5312 : i32
    %dma_start3A_754 = tpu.memref_slice %arg7[%dma_start3A_753] : memref<6400xi32, #tpu.memory_space<vmem>> -> memref<128xi32, #tpu.memory_space<vmem>>
    %dma_start3A_755 = arith.constant 0 : i32
    %dma_start3A_756 = arith.constant 0 : i32
    %dma_start3A_757 = tpu.memref_slice %arg3[%dma_start3A_755, %dma_start3A_756] : memref<2000000x64xf32, #tpu.memory_space<hbm>> -> memref<2000000x64xf32, #tpu.memory_space<hbm>>
    tpu.enqueue_indirect_dma source(%dma_start3A_757 : memref<2000000x64xf32, #tpu.memory_space<hbm>>) target(%dma_start3A_752 : memref<128x64xf32, #tpu.memory_space<vmem>>) offsets(%dma_start3A_754 : memref<128xi32, #tpu.memory_space<vmem>>) semaphore(%arg11 : memref<!tpu.dma_semaphore, #tpu.memory_space<semaphore_mem>>)
    %dma_start3A_758 = arith.constant 640 : i32
    %dma_start3A_759 = arith.constant 0 : i32
    %dma_start3A_760 = tpu.memref_slice %arg9[%dma_start3A_758, %dma_start3A_759] : memref<800x64xf32, #tpu.memory_space<vmem>> -> memref<128x64xf32, #tpu.memory_space<vmem>>
    %dma_start3A_761 = arith.constant 5440 : i32
    %dma_start3A_762 = tpu.memref_slice %arg7[%dma_start3A_761] : memref<6400xi32, #tpu.memory_space<vmem>> -> memref<128xi32, #tpu.memory_space<vmem>>
    %dma_start3A_763 = arith.constant 0 : i32
    %dma_start3A_764 = arith.constant 0 : i32
    %dma_start3A_765 = tpu.memref_slice %arg3[%dma_start3A_763, %dma_start3A_764] : memref<2000000x64xf32, #tpu.memory_space<hbm>> -> memref<2000000x64xf32, #tpu.memory_space<hbm>>
    tpu.enqueue_indirect_dma source(%dma_start3A_765 : memref<2000000x64xf32, #tpu.memory_space<hbm>>) target(%dma_start3A_760 : memref<128x64xf32, #tpu.memory_space<vmem>>) offsets(%dma_start3A_762 : memref<128xi32, #tpu.memory_space<vmem>>) semaphore(%arg11 : memref<!tpu.dma_semaphore, #tpu.memory_space<semaphore_mem>>)
    %dma_start3A_766 = arith.constant 768 : i32
    %dma_start3A_767 = arith.constant 0 : i32
    %dma_start3A_768 = tpu.memref_slice %arg9[%dma_start3A_766, %dma_start3A_767] : memref<800x64xf32, #tpu.memory_space<vmem>> -> memref<32x64xf32, #tpu.memory_space<vmem>>
    %dma_start3A_769 = arith.constant 5568 : i32
    %dma_start3A_770 = tpu.memref_slice %arg7[%dma_start3A_769] : memref<6400xi32, #tpu.memory_space<vmem>> -> memref<32xi32, #tpu.memory_space<vmem>>
    %dma_start3A_771 = arith.constant 0 : i32
    %dma_start3A_772 = arith.constant 0 : i32
    %dma_start3A_773 = tpu.memref_slice %arg3[%dma_start3A_771, %dma_start3A_772] : memref<2000000x64xf32, #tpu.memory_space<hbm>> -> memref<2000000x64xf32, #tpu.memory_space<hbm>>
    tpu.enqueue_indirect_dma source(%dma_start3A_773 : memref<2000000x64xf32, #tpu.memory_space<hbm>>) target(%dma_start3A_768 : memref<32x64xf32, #tpu.memory_space<vmem>>) offsets(%dma_start3A_770 : memref<32xi32, #tpu.memory_space<vmem>>) semaphore(%arg11 : memref<!tpu.dma_semaphore, #tpu.memory_space<semaphore_mem>>)
    %dma_wait3A_774 = arith.constant 0 : i32
    %dma_wait3A_775 = arith.constant 0 : i32
    %dma_wait3A_776 = tpu.memref_slice %arg10[%dma_wait3A_774, %dma_wait3A_775] : memref<800x64xf32, #tpu.memory_space<vmem>> -> memref<128x64xf32, #tpu.memory_space<vmem>>
    %dma_wait3A_777 = arith.constant 4000 : i32
    %dma_wait3A_778 = tpu.memref_slice %arg7[%dma_wait3A_777] : memref<6400xi32, #tpu.memory_space<vmem>> -> memref<128xi32, #tpu.memory_space<vmem>>
    %dma_wait3A_779 = arith.constant 0 : i32
    %dma_wait3A_780 = arith.constant 0 : i32
    %dma_wait3A_781 = tpu.memref_slice %arg3[%dma_wait3A_779, %dma_wait3A_780] : memref<2000000x64xf32, #tpu.memory_space<hbm>> -> memref<2000000x64xf32, #tpu.memory_space<hbm>>
    tpu.wait_indirect_dma semaphore(%arg12 : memref<!tpu.dma_semaphore, #tpu.memory_space<semaphore_mem>>) src(%dma_wait3A_781 : memref<2000000x64xf32, #tpu.memory_space<hbm>>) dst(%dma_wait3A_776 : memref<128x64xf32, #tpu.memory_space<vmem>>)
    %dma_wait3A_782 = arith.constant 128 : i32
    %dma_wait3A_783 = arith.constant 0 : i32
    %dma_wait3A_784 = tpu.memref_slice %arg10[%dma_wait3A_782, %dma_wait3A_783] : memref<800x64xf32, #tpu.memory_space<vmem>> -> memref<128x64xf32, #tpu.memory_space<vmem>>
    %dma_wait3A_785 = arith.constant 4128 : i32
    %dma_wait3A_786 = tpu.memref_slice %arg7[%dma_wait3A_785] : memref<6400xi32, #tpu.memory_space<vmem>> -> memref<128xi32, #tpu.memory_space<vmem>>
    %dma_wait3A_787 = arith.constant 0 : i32
    %dma_wait3A_788 = arith.constant 0 : i32
    %dma_wait3A_789 = tpu.memref_slice %arg3[%dma_wait3A_787, %dma_wait3A_788] : memref<2000000x64xf32, #tpu.memory_space<hbm>> -> memref<2000000x64xf32, #tpu.memory_space<hbm>>
    tpu.wait_indirect_dma semaphore(%arg12 : memref<!tpu.dma_semaphore, #tpu.memory_space<semaphore_mem>>) src(%dma_wait3A_789 : memref<2000000x64xf32, #tpu.memory_space<hbm>>) dst(%dma_wait3A_784 : memref<128x64xf32, #tpu.memory_space<vmem>>)
    %dma_wait3A_790 = arith.constant 256 : i32
    %dma_wait3A_791 = arith.constant 0 : i32
    %dma_wait3A_792 = tpu.memref_slice %arg10[%dma_wait3A_790, %dma_wait3A_791] : memref<800x64xf32, #tpu.memory_space<vmem>> -> memref<128x64xf32, #tpu.memory_space<vmem>>
    %dma_wait3A_793 = arith.constant 4256 : i32
    %dma_wait3A_794 = tpu.memref_slice %arg7[%dma_wait3A_793] : memref<6400xi32, #tpu.memory_space<vmem>> -> memref<128xi32, #tpu.memory_space<vmem>>
    %dma_wait3A_795 = arith.constant 0 : i32
    %dma_wait3A_796 = arith.constant 0 : i32
    %dma_wait3A_797 = tpu.memref_slice %arg3[%dma_wait3A_795, %dma_wait3A_796] : memref<2000000x64xf32, #tpu.memory_space<hbm>> -> memref<2000000x64xf32, #tpu.memory_space<hbm>>
    tpu.wait_indirect_dma semaphore(%arg12 : memref<!tpu.dma_semaphore, #tpu.memory_space<semaphore_mem>>) src(%dma_wait3A_797 : memref<2000000x64xf32, #tpu.memory_space<hbm>>) dst(%dma_wait3A_792 : memref<128x64xf32, #tpu.memory_space<vmem>>)
    %dma_wait3A_798 = arith.constant 384 : i32
    %dma_wait3A_799 = arith.constant 0 : i32
    %dma_wait3A_800 = tpu.memref_slice %arg10[%dma_wait3A_798, %dma_wait3A_799] : memref<800x64xf32, #tpu.memory_space<vmem>> -> memref<128x64xf32, #tpu.memory_space<vmem>>
    %dma_wait3A_801 = arith.constant 4384 : i32
    %dma_wait3A_802 = tpu.memref_slice %arg7[%dma_wait3A_801] : memref<6400xi32, #tpu.memory_space<vmem>> -> memref<128xi32, #tpu.memory_space<vmem>>
    %dma_wait3A_803 = arith.constant 0 : i32
    %dma_wait3A_804 = arith.constant 0 : i32
    %dma_wait3A_805 = tpu.memref_slice %arg3[%dma_wait3A_803, %dma_wait3A_804] : memref<2000000x64xf32, #tpu.memory_space<hbm>> -> memref<2000000x64xf32, #tpu.memory_space<hbm>>
    tpu.wait_indirect_dma semaphore(%arg12 : memref<!tpu.dma_semaphore, #tpu.memory_space<semaphore_mem>>) src(%dma_wait3A_805 : memref<2000000x64xf32, #tpu.memory_space<hbm>>) dst(%dma_wait3A_800 : memref<128x64xf32, #tpu.memory_space<vmem>>)
    %dma_wait3A_806 = arith.constant 512 : i32
    %dma_wait3A_807 = arith.constant 0 : i32
    %dma_wait3A_808 = tpu.memref_slice %arg10[%dma_wait3A_806, %dma_wait3A_807] : memref<800x64xf32, #tpu.memory_space<vmem>> -> memref<128x64xf32, #tpu.memory_space<vmem>>
    %dma_wait3A_809 = arith.constant 4512 : i32
    %dma_wait3A_810 = tpu.memref_slice %arg7[%dma_wait3A_809] : memref<6400xi32, #tpu.memory_space<vmem>> -> memref<128xi32, #tpu.memory_space<vmem>>
    %dma_wait3A_811 = arith.constant 0 : i32
    %dma_wait3A_812 = arith.constant 0 : i32
    %dma_wait3A_813 = tpu.memref_slice %arg3[%dma_wait3A_811, %dma_wait3A_812] : memref<2000000x64xf32, #tpu.memory_space<hbm>> -> memref<2000000x64xf32, #tpu.memory_space<hbm>>
    tpu.wait_indirect_dma semaphore(%arg12 : memref<!tpu.dma_semaphore, #tpu.memory_space<semaphore_mem>>) src(%dma_wait3A_813 : memref<2000000x64xf32, #tpu.memory_space<hbm>>) dst(%dma_wait3A_808 : memref<128x64xf32, #tpu.memory_space<vmem>>)
    %dma_wait3A_814 = arith.constant 640 : i32
    %dma_wait3A_815 = arith.constant 0 : i32
    %dma_wait3A_816 = tpu.memref_slice %arg10[%dma_wait3A_814, %dma_wait3A_815] : memref<800x64xf32, #tpu.memory_space<vmem>> -> memref<128x64xf32, #tpu.memory_space<vmem>>
    %dma_wait3A_817 = arith.constant 4640 : i32
    %dma_wait3A_818 = tpu.memref_slice %arg7[%dma_wait3A_817] : memref<6400xi32, #tpu.memory_space<vmem>> -> memref<128xi32, #tpu.memory_space<vmem>>
    %dma_wait3A_819 = arith.constant 0 : i32
    %dma_wait3A_820 = arith.constant 0 : i32
    %dma_wait3A_821 = tpu.memref_slice %arg3[%dma_wait3A_819, %dma_wait3A_820] : memref<2000000x64xf32, #tpu.memory_space<hbm>> -> memref<2000000x64xf32, #tpu.memory_space<hbm>>
    tpu.wait_indirect_dma semaphore(%arg12 : memref<!tpu.dma_semaphore, #tpu.memory_space<semaphore_mem>>) src(%dma_wait3A_821 : memref<2000000x64xf32, #tpu.memory_space<hbm>>) dst(%dma_wait3A_816 : memref<128x64xf32, #tpu.memory_space<vmem>>)
    %dma_wait3A_822 = arith.constant 768 : i32
    %dma_wait3A_823 = arith.constant 0 : i32
    %dma_wait3A_824 = tpu.memref_slice %arg10[%dma_wait3A_822, %dma_wait3A_823] : memref<800x64xf32, #tpu.memory_space<vmem>> -> memref<32x64xf32, #tpu.memory_space<vmem>>
    %dma_wait3A_825 = arith.constant 4768 : i32
    %dma_wait3A_826 = tpu.memref_slice %arg7[%dma_wait3A_825] : memref<6400xi32, #tpu.memory_space<vmem>> -> memref<32xi32, #tpu.memory_space<vmem>>
    %dma_wait3A_827 = arith.constant 0 : i32
    %dma_wait3A_828 = arith.constant 0 : i32
    %dma_wait3A_829 = tpu.memref_slice %arg3[%dma_wait3A_827, %dma_wait3A_828] : memref<2000000x64xf32, #tpu.memory_space<hbm>> -> memref<2000000x64xf32, #tpu.memory_space<hbm>>
    tpu.wait_indirect_dma semaphore(%arg12 : memref<!tpu.dma_semaphore, #tpu.memory_space<semaphore_mem>>) src(%dma_wait3A_829 : memref<2000000x64xf32, #tpu.memory_space<hbm>>) dst(%dma_wait3A_824 : memref<32x64xf32, #tpu.memory_space<vmem>>)
    %scan3A_830 = arith.constant 0 : i32
    %scan3A_831 = arith.constant 0 : i32
    %scan3A_832 = arith.constant 50 : i32
    %scan3A_833 = arith.addi %scan3A_831, %scan3A_832 : i32
    %scan3A_834 = arith.constant 1 : i32
    %scan3A_835 = scf.for %scan3A_1055 = %scan3A_831 to %scan3A_833 step %scan3A_834 iter_args(%scan3A_1056 = %scan3A_830) -> (i32)  : i32 {
      %get3A = arith.index_cast %scan3A_1055 : i32 to index
      %get3A_1057 = arith.constant 0 : index
      %get3A_1058 = tpu.vector_load %arg8[%get3A, %get3A_1057] {strides = array<i32>} : memref<50x64xf32, #tpu.memory_space<vmem>>, vector<1x16xf32>,
      %get3A_1059 = vector.shape_cast %get3A_1058 : vector<1x16xf32> to vector<16xf32>
      %get3A_1060 = arith.index_cast %scan3A_1055 : i32 to index
      %get3A_1061 = arith.constant 16 : index
      %get3A_1062 = tpu.vector_load %arg8[%get3A_1060, %get3A_1061] {strides = array<i32>} : memref<50x64xf32, #tpu.memory_space<vmem>>, vector<1x16xf32>,
      %get3A_1063 = vector.shape_cast %get3A_1062 : vector<1x16xf32> to vector<16xf32>
      %get3A_1064 = arith.index_cast %scan3A_1055 : i32 to index
      %get3A_1065 = arith.constant 32 : index
      %get3A_1066 = tpu.vector_load %arg8[%get3A_1064, %get3A_1065] {strides = array<i32>} : memref<50x64xf32, #tpu.memory_space<vmem>>, vector<1x16xf32>,
      %get3A_1067 = vector.shape_cast %get3A_1066 : vector<1x16xf32> to vector<16xf32>
      %get3A_1068 = arith.index_cast %scan3A_1055 : i32 to index
      %get3A_1069 = arith.constant 48 : index
      %get3A_1070 = tpu.vector_load %arg8[%get3A_1068, %get3A_1069] {strides = array<i32>} : memref<50x64xf32, #tpu.memory_space<vmem>>, vector<1x16xf32>,
      %get3A_1071 = vector.shape_cast %get3A_1070 : vector<1x16xf32> to vector<16xf32>
      %scan3A_1072 = arith.constant 0 : i32
      %scan3A_1073 = arith.constant 0 : i32
      %scan3A_1074 = arith.constant 16 : i32
      %scan3A_1075 = arith.addi %scan3A_1073, %scan3A_1074 : i32
      %scan3A_1076 = arith.constant 1 : i32
      %scan3A_1077 = scf.for %scan3A_1080 = %scan3A_1073 to %scan3A_1075 step %scan3A_1076 iter_args(%scan3A_1081 = %scan3A_1072) -> (i32)  : i32 {
        %mul3A_1082 = arith.constant 50 : i32
        %mul3A_1083 = arith.muli %scan3A_1080, %mul3A_1082 : i32
        %add3A_1084 = arith.addi %mul3A_1083, %scan3A_1055 : i32
        %swap3A = arith.index_cast %add3A_1084 : i32 to index
        %swap3A_1085 = arith.constant 0 : index
        %swap3A_1086 = tpu.vector_load %arg10[%swap3A, %swap3A_1085] {strides = array<i32>} : memref<800x64xf32, #tpu.memory_space<vmem>>, vector<1x16xf32>,
        %swap3A_1087 = vector.shape_cast %swap3A_1086 : vector<1x16xf32> to vector<16xf32>
        %swap3A_1088 = vector.shape_cast %get3A_1059 : vector<16xf32> to vector<1x16xf32>
        tpu.vector_store %arg10[%swap3A, %swap3A_1085], %swap3A_1088 {add = true, strides = array<i32>} : memref<800x64xf32, #tpu.memory_space<vmem>>, vector<1x16xf32>,
        %swap3A_1089 = arith.index_cast %add3A_1084 : i32 to index
        %swap3A_1090 = arith.constant 16 : index
        %swap3A_1091 = tpu.vector_load %arg10[%swap3A_1089, %swap3A_1090] {strides = array<i32>} : memref<800x64xf32, #tpu.memory_space<vmem>>, vector<1x16xf32>,
        %swap3A_1092 = vector.shape_cast %swap3A_1091 : vector<1x16xf32> to vector<16xf32>
        %swap3A_1093 = vector.shape_cast %get3A_1063 : vector<16xf32> to vector<1x16xf32>
        tpu.vector_store %arg10[%swap3A_1089, %swap3A_1090], %swap3A_1093 {add = true, strides = array<i32>} : memref<800x64xf32, #tpu.memory_space<vmem>>, vector<1x16xf32>,
        %swap3A_1094 = arith.index_cast %add3A_1084 : i32 to index
        %swap3A_1095 = arith.constant 32 : index
        %swap3A_1096 = tpu.vector_load %arg10[%swap3A_1094, %swap3A_1095] {strides = array<i32>} : memref<800x64xf32, #tpu.memory_space<vmem>>, vector<1x16xf32>,
        %swap3A_1097 = vector.shape_cast %swap3A_1096 : vector<1x16xf32> to vector<16xf32>
        %swap3A_1098 = vector.shape_cast %get3A_1067 : vector<16xf32> to vector<1x16xf32>
        tpu.vector_store %arg10[%swap3A_1094, %swap3A_1095], %swap3A_1098 {add = true, strides = array<i32>} : memref<800x64xf32, #tpu.memory_space<vmem>>, vector<1x16xf32>,
        %swap3A_1099 = arith.index_cast %add3A_1084 : i32 to index
        %swap3A_1100 = arith.constant 48 : index
        %swap3A_1101 = tpu.vector_load %arg10[%swap3A_1099, %swap3A_1100] {strides = array<i32>} : memref<800x64xf32, #tpu.memory_space<vmem>>, vector<1x16xf32>,
        %swap3A_1102 = vector.shape_cast %swap3A_1101 : vector<1x16xf32> to vector<16xf32>
        %swap3A_1103 = vector.shape_cast %get3A_1071 : vector<16xf32> to vector<1x16xf32>
        tpu.vector_store %arg10[%swap3A_1099, %swap3A_1100], %swap3A_1103 {add = true, strides = array<i32>} : memref<800x64xf32, #tpu.memory_space<vmem>>, vector<1x16xf32>,
        %scan3A_1104 = arith.constant 0 : i32
        scf.yield %scan3A_1104 : i32
      }
      %scan3A_1078 = arith.constant 16 : i32
      %scan3A_1079 = arith.constant 0 : i32
      scf.yield %scan3A_1079 : i32
    }
    %scan3A_836 = arith.constant 50 : i32
    %add3A_837 = arith.constant 4000 : i32
    %add3A_838 = arith.addi %mul3A_2, %add3A_837 : i32
    %dma_start3A_839 = arith.constant 0 : i32
    %dma_start3A_840 = tpu.memref_slice %arg5[%add3A_838, %dma_start3A_839] : memref<204800x64xf32, #tpu.memory_space<hbm>> -> memref<800x64xf32, #tpu.memory_space<hbm>>
    %dma_start3A_841 = arith.constant 0 : i32
    %dma_start3A_842 = tpu.memref_slice %arg5[%add3A_838, %dma_start3A_841] : memref<204800x64xf32, #tpu.memory_space<hbm>> -> memref<800x64xf32, #tpu.memory_space<hbm>>
    tpu.enqueue_dma source(%arg10 : memref<800x64xf32, #tpu.memory_space<vmem>>) target(%dma_start3A_842 : memref<800x64xf32, #tpu.memory_space<hbm>>) target_semaphore(%arg14 : memref<!tpu.dma_semaphore, #tpu.memory_space<semaphore_mem>>)
    %add3A_843 = arith.constant 4000 : i32
    %add3A_844 = arith.addi %mul3A_2, %add3A_843 : i32
    %dma_wait3A_845 = arith.constant 0 : i32
    %dma_wait3A_846 = tpu.memref_slice %arg5[%add3A_844, %dma_wait3A_845] : memref<204800x64xf32, #tpu.memory_space<hbm>> -> memref<800x64xf32, #tpu.memory_space<hbm>>
    %dma_wait3A_847 = arith.constant 0 : i32
    %dma_wait3A_848 = tpu.memref_slice %arg5[%add3A_844, %dma_wait3A_847] : memref<204800x64xf32, #tpu.memory_space<hbm>> -> memref<800x64xf32, #tpu.memory_space<hbm>>
    tpu.wait_dma2 semaphore(%arg14 : memref<!tpu.dma_semaphore, #tpu.memory_space<semaphore_mem>>) src(%arg10 : memref<800x64xf32, #tpu.memory_space<vmem>>) dst(%dma_wait3A_848 : memref<800x64xf32, #tpu.memory_space<hbm>>)
    %dma_start3A_849 = arith.constant 0 : i32
    %dma_start3A_850 = arith.constant 0 : i32
    %dma_start3A_851 = tpu.memref_slice %arg10[%dma_start3A_849, %dma_start3A_850] : memref<800x64xf32, #tpu.memory_space<vmem>> -> memref<128x64xf32, #tpu.memory_space<vmem>>
    %dma_start3A_852 = arith.constant 5600 : i32
    %dma_start3A_853 = tpu.memref_slice %arg7[%dma_start3A_852] : memref<6400xi32, #tpu.memory_space<vmem>> -> memref<128xi32, #tpu.memory_space<vmem>>
    %dma_start3A_854 = arith.constant 0 : i32
    %dma_start3A_855 = arith.constant 0 : i32
    %dma_start3A_856 = tpu.memref_slice %arg3[%dma_start3A_854, %dma_start3A_855] : memref<2000000x64xf32, #tpu.memory_space<hbm>> -> memref<2000000x64xf32, #tpu.memory_space<hbm>>
    tpu.enqueue_indirect_dma source(%dma_start3A_856 : memref<2000000x64xf32, #tpu.memory_space<hbm>>) target(%dma_start3A_851 : memref<128x64xf32, #tpu.memory_space<vmem>>) offsets(%dma_start3A_853 : memref<128xi32, #tpu.memory_space<vmem>>) semaphore(%arg12 : memref<!tpu.dma_semaphore, #tpu.memory_space<semaphore_mem>>)
    %dma_start3A_857 = arith.constant 128 : i32
    %dma_start3A_858 = arith.constant 0 : i32
    %dma_start3A_859 = tpu.memref_slice %arg10[%dma_start3A_857, %dma_start3A_858] : memref<800x64xf32, #tpu.memory_space<vmem>> -> memref<128x64xf32, #tpu.memory_space<vmem>>
    %dma_start3A_860 = arith.constant 5728 : i32
    %dma_start3A_861 = tpu.memref_slice %arg7[%dma_start3A_860] : memref<6400xi32, #tpu.memory_space<vmem>> -> memref<128xi32, #tpu.memory_space<vmem>>
    %dma_start3A_862 = arith.constant 0 : i32
    %dma_start3A_863 = arith.constant 0 : i32
    %dma_start3A_864 = tpu.memref_slice %arg3[%dma_start3A_862, %dma_start3A_863] : memref<2000000x64xf32, #tpu.memory_space<hbm>> -> memref<2000000x64xf32, #tpu.memory_space<hbm>>
    tpu.enqueue_indirect_dma source(%dma_start3A_864 : memref<2000000x64xf32, #tpu.memory_space<hbm>>) target(%dma_start3A_859 : memref<128x64xf32, #tpu.memory_space<vmem>>) offsets(%dma_start3A_861 : memref<128xi32, #tpu.memory_space<vmem>>) semaphore(%arg12 : memref<!tpu.dma_semaphore, #tpu.memory_space<semaphore_mem>>)
    %dma_start3A_865 = arith.constant 256 : i32
    %dma_start3A_866 = arith.constant 0 : i32
    %dma_start3A_867 = tpu.memref_slice %arg10[%dma_start3A_865, %dma_start3A_866] : memref<800x64xf32, #tpu.memory_space<vmem>> -> memref<128x64xf32, #tpu.memory_space<vmem>>
    %dma_start3A_868 = arith.constant 5856 : i32
    %dma_start3A_869 = tpu.memref_slice %arg7[%dma_start3A_868] : memref<6400xi32, #tpu.memory_space<vmem>> -> memref<128xi32, #tpu.memory_space<vmem>>
    %dma_start3A_870 = arith.constant 0 : i32
    %dma_start3A_871 = arith.constant 0 : i32
    %dma_start3A_872 = tpu.memref_slice %arg3[%dma_start3A_870, %dma_start3A_871] : memref<2000000x64xf32, #tpu.memory_space<hbm>> -> memref<2000000x64xf32, #tpu.memory_space<hbm>>
    tpu.enqueue_indirect_dma source(%dma_start3A_872 : memref<2000000x64xf32, #tpu.memory_space<hbm>>) target(%dma_start3A_867 : memref<128x64xf32, #tpu.memory_space<vmem>>) offsets(%dma_start3A_869 : memref<128xi32, #tpu.memory_space<vmem>>) semaphore(%arg12 : memref<!tpu.dma_semaphore, #tpu.memory_space<semaphore_mem>>)
    %dma_start3A_873 = arith.constant 384 : i32
    %dma_start3A_874 = arith.constant 0 : i32
    %dma_start3A_875 = tpu.memref_slice %arg10[%dma_start3A_873, %dma_start3A_874] : memref<800x64xf32, #tpu.memory_space<vmem>> -> memref<128x64xf32, #tpu.memory_space<vmem>>
    %dma_start3A_876 = arith.constant 5984 : i32
    %dma_start3A_877 = tpu.memref_slice %arg7[%dma_start3A_876] : memref<6400xi32, #tpu.memory_space<vmem>> -> memref<128xi32, #tpu.memory_space<vmem>>
    %dma_start3A_878 = arith.constant 0 : i32
    %dma_start3A_879 = arith.constant 0 : i32
    %dma_start3A_880 = tpu.memref_slice %arg3[%dma_start3A_878, %dma_start3A_879] : memref<2000000x64xf32, #tpu.memory_space<hbm>> -> memref<2000000x64xf32, #tpu.memory_space<hbm>>
    tpu.enqueue_indirect_dma source(%dma_start3A_880 : memref<2000000x64xf32, #tpu.memory_space<hbm>>) target(%dma_start3A_875 : memref<128x64xf32, #tpu.memory_space<vmem>>) offsets(%dma_start3A_877 : memref<128xi32, #tpu.memory_space<vmem>>) semaphore(%arg12 : memref<!tpu.dma_semaphore, #tpu.memory_space<semaphore_mem>>)
    %dma_start3A_881 = arith.constant 512 : i32
    %dma_start3A_882 = arith.constant 0 : i32
    %dma_start3A_883 = tpu.memref_slice %arg10[%dma_start3A_881, %dma_start3A_882] : memref<800x64xf32, #tpu.memory_space<vmem>> -> memref<128x64xf32, #tpu.memory_space<vmem>>
    %dma_start3A_884 = arith.constant 6112 : i32
    %dma_start3A_885 = tpu.memref_slice %arg7[%dma_start3A_884] : memref<6400xi32, #tpu.memory_space<vmem>> -> memref<128xi32, #tpu.memory_space<vmem>>
    %dma_start3A_886 = arith.constant 0 : i32
    %dma_start3A_887 = arith.constant 0 : i32
    %dma_start3A_888 = tpu.memref_slice %arg3[%dma_start3A_886, %dma_start3A_887] : memref<2000000x64xf32, #tpu.memory_space<hbm>> -> memref<2000000x64xf32, #tpu.memory_space<hbm>>
    tpu.enqueue_indirect_dma source(%dma_start3A_888 : memref<2000000x64xf32, #tpu.memory_space<hbm>>) target(%dma_start3A_883 : memref<128x64xf32, #tpu.memory_space<vmem>>) offsets(%dma_start3A_885 : memref<128xi32, #tpu.memory_space<vmem>>) semaphore(%arg12 : memref<!tpu.dma_semaphore, #tpu.memory_space<semaphore_mem>>)
    %dma_start3A_889 = arith.constant 640 : i32
    %dma_start3A_890 = arith.constant 0 : i32
    %dma_start3A_891 = tpu.memref_slice %arg10[%dma_start3A_889, %dma_start3A_890] : memref<800x64xf32, #tpu.memory_space<vmem>> -> memref<128x64xf32, #tpu.memory_space<vmem>>
    %dma_start3A_892 = arith.constant 6240 : i32
    %dma_start3A_893 = tpu.memref_slice %arg7[%dma_start3A_892] : memref<6400xi32, #tpu.memory_space<vmem>> -> memref<128xi32, #tpu.memory_space<vmem>>
    %dma_start3A_894 = arith.constant 0 : i32
    %dma_start3A_895 = arith.constant 0 : i32
    %dma_start3A_896 = tpu.memref_slice %arg3[%dma_start3A_894, %dma_start3A_895] : memref<2000000x64xf32, #tpu.memory_space<hbm>> -> memref<2000000x64xf32, #tpu.memory_space<hbm>>
    tpu.enqueue_indirect_dma source(%dma_start3A_896 : memref<2000000x64xf32, #tpu.memory_space<hbm>>) target(%dma_start3A_891 : memref<128x64xf32, #tpu.memory_space<vmem>>) offsets(%dma_start3A_893 : memref<128xi32, #tpu.memory_space<vmem>>) semaphore(%arg12 : memref<!tpu.dma_semaphore, #tpu.memory_space<semaphore_mem>>)
    %dma_start3A_897 = arith.constant 768 : i32
    %dma_start3A_898 = arith.constant 0 : i32
    %dma_start3A_899 = tpu.memref_slice %arg10[%dma_start3A_897, %dma_start3A_898] : memref<800x64xf32, #tpu.memory_space<vmem>> -> memref<32x64xf32, #tpu.memory_space<vmem>>
    %dma_start3A_900 = arith.constant 6368 : i32
    %dma_start3A_901 = tpu.memref_slice %arg7[%dma_start3A_900] : memref<6400xi32, #tpu.memory_space<vmem>> -> memref<32xi32, #tpu.memory_space<vmem>>
    %dma_start3A_902 = arith.constant 0 : i32
    %dma_start3A_903 = arith.constant 0 : i32
    %dma_start3A_904 = tpu.memref_slice %arg3[%dma_start3A_902, %dma_start3A_903] : memref<2000000x64xf32, #tpu.memory_space<hbm>> -> memref<2000000x64xf32, #tpu.memory_space<hbm>>
    tpu.enqueue_indirect_dma source(%dma_start3A_904 : memref<2000000x64xf32, #tpu.memory_space<hbm>>) target(%dma_start3A_899 : memref<32x64xf32, #tpu.memory_space<vmem>>) offsets(%dma_start3A_901 : memref<32xi32, #tpu.memory_space<vmem>>) semaphore(%arg12 : memref<!tpu.dma_semaphore, #tpu.memory_space<semaphore_mem>>)
    %dma_wait3A_905 = arith.constant 0 : i32
    %dma_wait3A_906 = arith.constant 0 : i32
    %dma_wait3A_907 = tpu.memref_slice %arg9[%dma_wait3A_905, %dma_wait3A_906] : memref<800x64xf32, #tpu.memory_space<vmem>> -> memref<128x64xf32, #tpu.memory_space<vmem>>
    %dma_wait3A_908 = arith.constant 4800 : i32
    %dma_wait3A_909 = tpu.memref_slice %arg7[%dma_wait3A_908] : memref<6400xi32, #tpu.memory_space<vmem>> -> memref<128xi32, #tpu.memory_space<vmem>>
    %dma_wait3A_910 = arith.constant 0 : i32
    %dma_wait3A_911 = arith.constant 0 : i32
    %dma_wait3A_912 = tpu.memref_slice %arg3[%dma_wait3A_910, %dma_wait3A_911] : memref<2000000x64xf32, #tpu.memory_space<hbm>> -> memref<2000000x64xf32, #tpu.memory_space<hbm>>
    tpu.wait_indirect_dma semaphore(%arg11 : memref<!tpu.dma_semaphore, #tpu.memory_space<semaphore_mem>>) src(%dma_wait3A_912 : memref<2000000x64xf32, #tpu.memory_space<hbm>>) dst(%dma_wait3A_907 : memref<128x64xf32, #tpu.memory_space<vmem>>)
    %dma_wait3A_913 = arith.constant 128 : i32
    %dma_wait3A_914 = arith.constant 0 : i32
    %dma_wait3A_915 = tpu.memref_slice %arg9[%dma_wait3A_913, %dma_wait3A_914] : memref<800x64xf32, #tpu.memory_space<vmem>> -> memref<128x64xf32, #tpu.memory_space<vmem>>
    %dma_wait3A_916 = arith.constant 4928 : i32
    %dma_wait3A_917 = tpu.memref_slice %arg7[%dma_wait3A_916] : memref<6400xi32, #tpu.memory_space<vmem>> -> memref<128xi32, #tpu.memory_space<vmem>>
    %dma_wait3A_918 = arith.constant 0 : i32
    %dma_wait3A_919 = arith.constant 0 : i32
    %dma_wait3A_920 = tpu.memref_slice %arg3[%dma_wait3A_918, %dma_wait3A_919] : memref<2000000x64xf32, #tpu.memory_space<hbm>> -> memref<2000000x64xf32, #tpu.memory_space<hbm>>
    tpu.wait_indirect_dma semaphore(%arg11 : memref<!tpu.dma_semaphore, #tpu.memory_space<semaphore_mem>>) src(%dma_wait3A_920 : memref<2000000x64xf32, #tpu.memory_space<hbm>>) dst(%dma_wait3A_915 : memref<128x64xf32, #tpu.memory_space<vmem>>)
    %dma_wait3A_921 = arith.constant 256 : i32
    %dma_wait3A_922 = arith.constant 0 : i32
    %dma_wait3A_923 = tpu.memref_slice %arg9[%dma_wait3A_921, %dma_wait3A_922] : memref<800x64xf32, #tpu.memory_space<vmem>> -> memref<128x64xf32, #tpu.memory_space<vmem>>
    %dma_wait3A_924 = arith.constant 5056 : i32
    %dma_wait3A_925 = tpu.memref_slice %arg7[%dma_wait3A_924] : memref<6400xi32, #tpu.memory_space<vmem>> -> memref<128xi32, #tpu.memory_space<vmem>>
    %dma_wait3A_926 = arith.constant 0 : i32
    %dma_wait3A_927 = arith.constant 0 : i32
    %dma_wait3A_928 = tpu.memref_slice %arg3[%dma_wait3A_926, %dma_wait3A_927] : memref<2000000x64xf32, #tpu.memory_space<hbm>> -> memref<2000000x64xf32, #tpu.memory_space<hbm>>
    tpu.wait_indirect_dma semaphore(%arg11 : memref<!tpu.dma_semaphore, #tpu.memory_space<semaphore_mem>>) src(%dma_wait3A_928 : memref<2000000x64xf32, #tpu.memory_space<hbm>>) dst(%dma_wait3A_923 : memref<128x64xf32, #tpu.memory_space<vmem>>)
    %dma_wait3A_929 = arith.constant 384 : i32
    %dma_wait3A_930 = arith.constant 0 : i32
    %dma_wait3A_931 = tpu.memref_slice %arg9[%dma_wait3A_929, %dma_wait3A_930] : memref<800x64xf32, #tpu.memory_space<vmem>> -> memref<128x64xf32, #tpu.memory_space<vmem>>
    %dma_wait3A_932 = arith.constant 5184 : i32
    %dma_wait3A_933 = tpu.memref_slice %arg7[%dma_wait3A_932] : memref<6400xi32, #tpu.memory_space<vmem>> -> memref<128xi32, #tpu.memory_space<vmem>>
    %dma_wait3A_934 = arith.constant 0 : i32
    %dma_wait3A_935 = arith.constant 0 : i32
    %dma_wait3A_936 = tpu.memref_slice %arg3[%dma_wait3A_934, %dma_wait3A_935] : memref<2000000x64xf32, #tpu.memory_space<hbm>> -> memref<2000000x64xf32, #tpu.memory_space<hbm>>
    tpu.wait_indirect_dma semaphore(%arg11 : memref<!tpu.dma_semaphore, #tpu.memory_space<semaphore_mem>>) src(%dma_wait3A_936 : memref<2000000x64xf32, #tpu.memory_space<hbm>>) dst(%dma_wait3A_931 : memref<128x64xf32, #tpu.memory_space<vmem>>)
    %dma_wait3A_937 = arith.constant 512 : i32
    %dma_wait3A_938 = arith.constant 0 : i32
    %dma_wait3A_939 = tpu.memref_slice %arg9[%dma_wait3A_937, %dma_wait3A_938] : memref<800x64xf32, #tpu.memory_space<vmem>> -> memref<128x64xf32, #tpu.memory_space<vmem>>
    %dma_wait3A_940 = arith.constant 5312 : i32
    %dma_wait3A_941 = tpu.memref_slice %arg7[%dma_wait3A_940] : memref<6400xi32, #tpu.memory_space<vmem>> -> memref<128xi32, #tpu.memory_space<vmem>>
    %dma_wait3A_942 = arith.constant 0 : i32
    %dma_wait3A_943 = arith.constant 0 : i32
    %dma_wait3A_944 = tpu.memref_slice %arg3[%dma_wait3A_942, %dma_wait3A_943] : memref<2000000x64xf32, #tpu.memory_space<hbm>> -> memref<2000000x64xf32, #tpu.memory_space<hbm>>
    tpu.wait_indirect_dma semaphore(%arg11 : memref<!tpu.dma_semaphore, #tpu.memory_space<semaphore_mem>>) src(%dma_wait3A_944 : memref<2000000x64xf32, #tpu.memory_space<hbm>>) dst(%dma_wait3A_939 : memref<128x64xf32, #tpu.memory_space<vmem>>)
    %dma_wait3A_945 = arith.constant 640 : i32
    %dma_wait3A_946 = arith.constant 0 : i32
    %dma_wait3A_947 = tpu.memref_slice %arg9[%dma_wait3A_945, %dma_wait3A_946] : memref<800x64xf32, #tpu.memory_space<vmem>> -> memref<128x64xf32, #tpu.memory_space<vmem>>
    %dma_wait3A_948 = arith.constant 5440 : i32
    %dma_wait3A_949 = tpu.memref_slice %arg7[%dma_wait3A_948] : memref<6400xi32, #tpu.memory_space<vmem>> -> memref<128xi32, #tpu.memory_space<vmem>>
    %dma_wait3A_950 = arith.constant 0 : i32
    %dma_wait3A_951 = arith.constant 0 : i32
    %dma_wait3A_952 = tpu.memref_slice %arg3[%dma_wait3A_950, %dma_wait3A_951] : memref<2000000x64xf32, #tpu.memory_space<hbm>> -> memref<2000000x64xf32, #tpu.memory_space<hbm>>
    tpu.wait_indirect_dma semaphore(%arg11 : memref<!tpu.dma_semaphore, #tpu.memory_space<semaphore_mem>>) src(%dma_wait3A_952 : memref<2000000x64xf32, #tpu.memory_space<hbm>>) dst(%dma_wait3A_947 : memref<128x64xf32, #tpu.memory_space<vmem>>)
    %dma_wait3A_953 = arith.constant 768 : i32
    %dma_wait3A_954 = arith.constant 0 : i32
    %dma_wait3A_955 = tpu.memref_slice %arg9[%dma_wait3A_953, %dma_wait3A_954] : memref<800x64xf32, #tpu.memory_space<vmem>> -> memref<32x64xf32, #tpu.memory_space<vmem>>
    %dma_wait3A_956 = arith.constant 5568 : i32
    %dma_wait3A_957 = tpu.memref_slice %arg7[%dma_wait3A_956] : memref<6400xi32, #tpu.memory_space<vmem>> -> memref<32xi32, #tpu.memory_space<vmem>>
    %dma_wait3A_958 = arith.constant 0 : i32
    %dma_wait3A_959 = arith.constant 0 : i32
    %dma_wait3A_960 = tpu.memref_slice %arg3[%dma_wait3A_958, %dma_wait3A_959] : memref<2000000x64xf32, #tpu.memory_space<hbm>> -> memref<2000000x64xf32, #tpu.memory_space<hbm>>
    tpu.wait_indirect_dma semaphore(%arg11 : memref<!tpu.dma_semaphore, #tpu.memory_space<semaphore_mem>>) src(%dma_wait3A_960 : memref<2000000x64xf32, #tpu.memory_space<hbm>>) dst(%dma_wait3A_955 : memref<32x64xf32, #tpu.memory_space<vmem>>)
    %scan3A_961 = arith.constant 0 : i32
    %scan3A_962 = arith.constant 0 : i32
    %scan3A_963 = arith.constant 50 : i32
    %scan3A_964 = arith.addi %scan3A_962, %scan3A_963 : i32
    %scan3A_965 = arith.constant 1 : i32
    %scan3A_966 = scf.for %scan3A_1055 = %scan3A_962 to %scan3A_964 step %scan3A_965 iter_args(%scan3A_1056 = %scan3A_961) -> (i32)  : i32 {
      %get3A = arith.index_cast %scan3A_1055 : i32 to index
      %get3A_1057 = arith.constant 0 : index
      %get3A_1058 = tpu.vector_load %arg8[%get3A, %get3A_1057] {strides = array<i32>} : memref<50x64xf32, #tpu.memory_space<vmem>>, vector<1x16xf32>,
      %get3A_1059 = vector.shape_cast %get3A_1058 : vector<1x16xf32> to vector<16xf32>
      %get3A_1060 = arith.index_cast %scan3A_1055 : i32 to index
      %get3A_1061 = arith.constant 16 : index
      %get3A_1062 = tpu.vector_load %arg8[%get3A_1060, %get3A_1061] {strides = array<i32>} : memref<50x64xf32, #tpu.memory_space<vmem>>, vector<1x16xf32>,
      %get3A_1063 = vector.shape_cast %get3A_1062 : vector<1x16xf32> to vector<16xf32>
      %get3A_1064 = arith.index_cast %scan3A_1055 : i32 to index
      %get3A_1065 = arith.constant 32 : index
      %get3A_1066 = tpu.vector_load %arg8[%get3A_1064, %get3A_1065] {strides = array<i32>} : memref<50x64xf32, #tpu.memory_space<vmem>>, vector<1x16xf32>,
      %get3A_1067 = vector.shape_cast %get3A_1066 : vector<1x16xf32> to vector<16xf32>
      %get3A_1068 = arith.index_cast %scan3A_1055 : i32 to index
      %get3A_1069 = arith.constant 48 : index
      %get3A_1070 = tpu.vector_load %arg8[%get3A_1068, %get3A_1069] {strides = array<i32>} : memref<50x64xf32, #tpu.memory_space<vmem>>, vector<1x16xf32>,
      %get3A_1071 = vector.shape_cast %get3A_1070 : vector<1x16xf32> to vector<16xf32>
      %scan3A_1072 = arith.constant 0 : i32
      %scan3A_1073 = arith.constant 0 : i32
      %scan3A_1074 = arith.constant 16 : i32
      %scan3A_1075 = arith.addi %scan3A_1073, %scan3A_1074 : i32
      %scan3A_1076 = arith.constant 1 : i32
      %scan3A_1077 = scf.for %scan3A_1080 = %scan3A_1073 to %scan3A_1075 step %scan3A_1076 iter_args(%scan3A_1081 = %scan3A_1072) -> (i32)  : i32 {
        %mul3A_1082 = arith.constant 50 : i32
        %mul3A_1083 = arith.muli %scan3A_1080, %mul3A_1082 : i32
        %add3A_1084 = arith.addi %mul3A_1083, %scan3A_1055 : i32
        %swap3A = arith.index_cast %add3A_1084 : i32 to index
        %swap3A_1085 = arith.constant 0 : index
        %swap3A_1086 = tpu.vector_load %arg9[%swap3A, %swap3A_1085] {strides = array<i32>} : memref<800x64xf32, #tpu.memory_space<vmem>>, vector<1x16xf32>,
        %swap3A_1087 = vector.shape_cast %swap3A_1086 : vector<1x16xf32> to vector<16xf32>
        %swap3A_1088 = vector.shape_cast %get3A_1059 : vector<16xf32> to vector<1x16xf32>
        tpu.vector_store %arg9[%swap3A, %swap3A_1085], %swap3A_1088 {add = true, strides = array<i32>} : memref<800x64xf32, #tpu.memory_space<vmem>>, vector<1x16xf32>,
        %swap3A_1089 = arith.index_cast %add3A_1084 : i32 to index
        %swap3A_1090 = arith.constant 16 : index
        %swap3A_1091 = tpu.vector_load %arg9[%swap3A_1089, %swap3A_1090] {strides = array<i32>} : memref<800x64xf32, #tpu.memory_space<vmem>>, vector<1x16xf32>,
        %swap3A_1092 = vector.shape_cast %swap3A_1091 : vector<1x16xf32> to vector<16xf32>
        %swap3A_1093 = vector.shape_cast %get3A_1063 : vector<16xf32> to vector<1x16xf32>
        tpu.vector_store %arg9[%swap3A_1089, %swap3A_1090], %swap3A_1093 {add = true, strides = array<i32>} : memref<800x64xf32, #tpu.memory_space<vmem>>, vector<1x16xf32>,
        %swap3A_1094 = arith.index_cast %add3A_1084 : i32 to index
        %swap3A_1095 = arith.constant 32 : index
        %swap3A_1096 = tpu.vector_load %arg9[%swap3A_1094, %swap3A_1095] {strides = array<i32>} : memref<800x64xf32, #tpu.memory_space<vmem>>, vector<1x16xf32>,
        %swap3A_1097 = vector.shape_cast %swap3A_1096 : vector<1x16xf32> to vector<16xf32>
        %swap3A_1098 = vector.shape_cast %get3A_1067 : vector<16xf32> to vector<1x16xf32>
        tpu.vector_store %arg9[%swap3A_1094, %swap3A_1095], %swap3A_1098 {add = true, strides = array<i32>} : memref<800x64xf32, #tpu.memory_space<vmem>>, vector<1x16xf32>,
        %swap3A_1099 = arith.index_cast %add3A_1084 : i32 to index
        %swap3A_1100 = arith.constant 48 : index
        %swap3A_1101 = tpu.vector_load %arg9[%swap3A_1099, %swap3A_1100] {strides = array<i32>} : memref<800x64xf32, #tpu.memory_space<vmem>>, vector<1x16xf32>,
        %swap3A_1102 = vector.shape_cast %swap3A_1101 : vector<1x16xf32> to vector<16xf32>
        %swap3A_1103 = vector.shape_cast %get3A_1071 : vector<16xf32> to vector<1x16xf32>
        tpu.vector_store %arg9[%swap3A_1099, %swap3A_1100], %swap3A_1103 {add = true, strides = array<i32>} : memref<800x64xf32, #tpu.memory_space<vmem>>, vector<1x16xf32>,
        %scan3A_1104 = arith.constant 0 : i32
        scf.yield %scan3A_1104 : i32
      }
      %scan3A_1078 = arith.constant 16 : i32
      %scan3A_1079 = arith.constant 0 : i32
      scf.yield %scan3A_1079 : i32
    }
    %scan3A_967 = arith.constant 50 : i32
    %add3A_968 = arith.constant 4800 : i32
    %add3A_969 = arith.addi %mul3A_2, %add3A_968 : i32
    %dma_start3A_970 = arith.constant 0 : i32
    %dma_start3A_971 = tpu.memref_slice %arg5[%add3A_969, %dma_start3A_970] : memref<204800x64xf32, #tpu.memory_space<hbm>> -> memref<800x64xf32, #tpu.memory_space<hbm>>
    %dma_start3A_972 = arith.constant 0 : i32
    %dma_start3A_973 = tpu.memref_slice %arg5[%add3A_969, %dma_start3A_972] : memref<204800x64xf32, #tpu.memory_space<hbm>> -> memref<800x64xf32, #tpu.memory_space<hbm>>
    tpu.enqueue_dma source(%arg9 : memref<800x64xf32, #tpu.memory_space<vmem>>) target(%dma_start3A_973 : memref<800x64xf32, #tpu.memory_space<hbm>>) target_semaphore(%arg13 : memref<!tpu.dma_semaphore, #tpu.memory_space<semaphore_mem>>)
    %dma_wait3A_974 = arith.constant 0 : i32
    %dma_wait3A_975 = arith.constant 0 : i32
    %dma_wait3A_976 = tpu.memref_slice %arg10[%dma_wait3A_974, %dma_wait3A_975] : memref<800x64xf32, #tpu.memory_space<vmem>> -> memref<128x64xf32, #tpu.memory_space<vmem>>
    %dma_wait3A_977 = arith.constant 5600 : i32
    %dma_wait3A_978 = tpu.memref_slice %arg7[%dma_wait3A_977] : memref<6400xi32, #tpu.memory_space<vmem>> -> memref<128xi32, #tpu.memory_space<vmem>>
    %dma_wait3A_979 = arith.constant 0 : i32
    %dma_wait3A_980 = arith.constant 0 : i32
    %dma_wait3A_981 = tpu.memref_slice %arg3[%dma_wait3A_979, %dma_wait3A_980] : memref<2000000x64xf32, #tpu.memory_space<hbm>> -> memref<2000000x64xf32, #tpu.memory_space<hbm>>
    tpu.wait_indirect_dma semaphore(%arg12 : memref<!tpu.dma_semaphore, #tpu.memory_space<semaphore_mem>>) src(%dma_wait3A_981 : memref<2000000x64xf32, #tpu.memory_space<hbm>>) dst(%dma_wait3A_976 : memref<128x64xf32, #tpu.memory_space<vmem>>)
    %dma_wait3A_982 = arith.constant 128 : i32
    %dma_wait3A_983 = arith.constant 0 : i32
    %dma_wait3A_984 = tpu.memref_slice %arg10[%dma_wait3A_982, %dma_wait3A_983] : memref<800x64xf32, #tpu.memory_space<vmem>> -> memref<128x64xf32, #tpu.memory_space<vmem>>
    %dma_wait3A_985 = arith.constant 5728 : i32
    %dma_wait3A_986 = tpu.memref_slice %arg7[%dma_wait3A_985] : memref<6400xi32, #tpu.memory_space<vmem>> -> memref<128xi32, #tpu.memory_space<vmem>>
    %dma_wait3A_987 = arith.constant 0 : i32
    %dma_wait3A_988 = arith.constant 0 : i32
    %dma_wait3A_989 = tpu.memref_slice %arg3[%dma_wait3A_987, %dma_wait3A_988] : memref<2000000x64xf32, #tpu.memory_space<hbm>> -> memref<2000000x64xf32, #tpu.memory_space<hbm>>
    tpu.wait_indirect_dma semaphore(%arg12 : memref<!tpu.dma_semaphore, #tpu.memory_space<semaphore_mem>>) src(%dma_wait3A_989 : memref<2000000x64xf32, #tpu.memory_space<hbm>>) dst(%dma_wait3A_984 : memref<128x64xf32, #tpu.memory_space<vmem>>)
    %dma_wait3A_990 = arith.constant 256 : i32
    %dma_wait3A_991 = arith.constant 0 : i32
    %dma_wait3A_992 = tpu.memref_slice %arg10[%dma_wait3A_990, %dma_wait3A_991] : memref<800x64xf32, #tpu.memory_space<vmem>> -> memref<128x64xf32, #tpu.memory_space<vmem>>
    %dma_wait3A_993 = arith.constant 5856 : i32
    %dma_wait3A_994 = tpu.memref_slice %arg7[%dma_wait3A_993] : memref<6400xi32, #tpu.memory_space<vmem>> -> memref<128xi32, #tpu.memory_space<vmem>>
    %dma_wait3A_995 = arith.constant 0 : i32
    %dma_wait3A_996 = arith.constant 0 : i32
    %dma_wait3A_997 = tpu.memref_slice %arg3[%dma_wait3A_995, %dma_wait3A_996] : memref<2000000x64xf32, #tpu.memory_space<hbm>> -> memref<2000000x64xf32, #tpu.memory_space<hbm>>
    tpu.wait_indirect_dma semaphore(%arg12 : memref<!tpu.dma_semaphore, #tpu.memory_space<semaphore_mem>>) src(%dma_wait3A_997 : memref<2000000x64xf32, #tpu.memory_space<hbm>>) dst(%dma_wait3A_992 : memref<128x64xf32, #tpu.memory_space<vmem>>)
    %dma_wait3A_998 = arith.constant 384 : i32
    %dma_wait3A_999 = arith.constant 0 : i32
    %dma_wait3A_1000 = tpu.memref_slice %arg10[%dma_wait3A_998, %dma_wait3A_999] : memref<800x64xf32, #tpu.memory_space<vmem>> -> memref<128x64xf32, #tpu.memory_space<vmem>>
    %dma_wait3A_1001 = arith.constant 5984 : i32
    %dma_wait3A_1002 = tpu.memref_slice %arg7[%dma_wait3A_1001] : memref<6400xi32, #tpu.memory_space<vmem>> -> memref<128xi32, #tpu.memory_space<vmem>>
    %dma_wait3A_1003 = arith.constant 0 : i32
    %dma_wait3A_1004 = arith.constant 0 : i32
    %dma_wait3A_1005 = tpu.memref_slice %arg3[%dma_wait3A_1003, %dma_wait3A_1004] : memref<2000000x64xf32, #tpu.memory_space<hbm>> -> memref<2000000x64xf32, #tpu.memory_space<hbm>>
    tpu.wait_indirect_dma semaphore(%arg12 : memref<!tpu.dma_semaphore, #tpu.memory_space<semaphore_mem>>) src(%dma_wait3A_1005 : memref<2000000x64xf32, #tpu.memory_space<hbm>>) dst(%dma_wait3A_1000 : memref<128x64xf32, #tpu.memory_space<vmem>>)
    %dma_wait3A_1006 = arith.constant 512 : i32
    %dma_wait3A_1007 = arith.constant 0 : i32
    %dma_wait3A_1008 = tpu.memref_slice %arg10[%dma_wait3A_1006, %dma_wait3A_1007] : memref<800x64xf32, #tpu.memory_space<vmem>> -> memref<128x64xf32, #tpu.memory_space<vmem>>
    %dma_wait3A_1009 = arith.constant 6112 : i32
    %dma_wait3A_1010 = tpu.memref_slice %arg7[%dma_wait3A_1009] : memref<6400xi32, #tpu.memory_space<vmem>> -> memref<128xi32, #tpu.memory_space<vmem>>
    %dma_wait3A_1011 = arith.constant 0 : i32
    %dma_wait3A_1012 = arith.constant 0 : i32
    %dma_wait3A_1013 = tpu.memref_slice %arg3[%dma_wait3A_1011, %dma_wait3A_1012] : memref<2000000x64xf32, #tpu.memory_space<hbm>> -> memref<2000000x64xf32, #tpu.memory_space<hbm>>
    tpu.wait_indirect_dma semaphore(%arg12 : memref<!tpu.dma_semaphore, #tpu.memory_space<semaphore_mem>>) src(%dma_wait3A_1013 : memref<2000000x64xf32, #tpu.memory_space<hbm>>) dst(%dma_wait3A_1008 : memref<128x64xf32, #tpu.memory_space<vmem>>)
    %dma_wait3A_1014 = arith.constant 640 : i32
    %dma_wait3A_1015 = arith.constant 0 : i32
    %dma_wait3A_1016 = tpu.memref_slice %arg10[%dma_wait3A_1014, %dma_wait3A_1015] : memref<800x64xf32, #tpu.memory_space<vmem>> -> memref<128x64xf32, #tpu.memory_space<vmem>>
    %dma_wait3A_1017 = arith.constant 6240 : i32
    %dma_wait3A_1018 = tpu.memref_slice %arg7[%dma_wait3A_1017] : memref<6400xi32, #tpu.memory_space<vmem>> -> memref<128xi32, #tpu.memory_space<vmem>>
    %dma_wait3A_1019 = arith.constant 0 : i32
    %dma_wait3A_1020 = arith.constant 0 : i32
    %dma_wait3A_1021 = tpu.memref_slice %arg3[%dma_wait3A_1019, %dma_wait3A_1020] : memref<2000000x64xf32, #tpu.memory_space<hbm>> -> memref<2000000x64xf32, #tpu.memory_space<hbm>>
    tpu.wait_indirect_dma semaphore(%arg12 : memref<!tpu.dma_semaphore, #tpu.memory_space<semaphore_mem>>) src(%dma_wait3A_1021 : memref<2000000x64xf32, #tpu.memory_space<hbm>>) dst(%dma_wait3A_1016 : memref<128x64xf32, #tpu.memory_space<vmem>>)
    %dma_wait3A_1022 = arith.constant 768 : i32
    %dma_wait3A_1023 = arith.constant 0 : i32
    %dma_wait3A_1024 = tpu.memref_slice %arg10[%dma_wait3A_1022, %dma_wait3A_1023] : memref<800x64xf32, #tpu.memory_space<vmem>> -> memref<32x64xf32, #tpu.memory_space<vmem>>
    %dma_wait3A_1025 = arith.constant 6368 : i32
    %dma_wait3A_1026 = tpu.memref_slice %arg7[%dma_wait3A_1025] : memref<6400xi32, #tpu.memory_space<vmem>> -> memref<32xi32, #tpu.memory_space<vmem>>
    %dma_wait3A_1027 = arith.constant 0 : i32
    %dma_wait3A_1028 = arith.constant 0 : i32
    %dma_wait3A_1029 = tpu.memref_slice %arg3[%dma_wait3A_1027, %dma_wait3A_1028] : memref<2000000x64xf32, #tpu.memory_space<hbm>> -> memref<2000000x64xf32, #tpu.memory_space<hbm>>
    tpu.wait_indirect_dma semaphore(%arg12 : memref<!tpu.dma_semaphore, #tpu.memory_space<semaphore_mem>>) src(%dma_wait3A_1029 : memref<2000000x64xf32, #tpu.memory_space<hbm>>) dst(%dma_wait3A_1024 : memref<32x64xf32, #tpu.memory_space<vmem>>)
    %scan3A_1030 = arith.constant 0 : i32
    %scan3A_1031 = arith.constant 0 : i32
    %scan3A_1032 = arith.constant 50 : i32
    %scan3A_1033 = arith.addi %scan3A_1031, %scan3A_1032 : i32
    %scan3A_1034 = arith.constant 1 : i32
    %scan3A_1035 = scf.for %scan3A_1055 = %scan3A_1031 to %scan3A_1033 step %scan3A_1034 iter_args(%scan3A_1056 = %scan3A_1030) -> (i32)  : i32 {
      %get3A = arith.index_cast %scan3A_1055 : i32 to index
      %get3A_1057 = arith.constant 0 : index
      %get3A_1058 = tpu.vector_load %arg8[%get3A, %get3A_1057] {strides = array<i32>} : memref<50x64xf32, #tpu.memory_space<vmem>>, vector<1x16xf32>,
      %get3A_1059 = vector.shape_cast %get3A_1058 : vector<1x16xf32> to vector<16xf32>
      %get3A_1060 = arith.index_cast %scan3A_1055 : i32 to index
      %get3A_1061 = arith.constant 16 : index
      %get3A_1062 = tpu.vector_load %arg8[%get3A_1060, %get3A_1061] {strides = array<i32>} : memref<50x64xf32, #tpu.memory_space<vmem>>, vector<1x16xf32>,
      %get3A_1063 = vector.shape_cast %get3A_1062 : vector<1x16xf32> to vector<16xf32>
      %get3A_1064 = arith.index_cast %scan3A_1055 : i32 to index
      %get3A_1065 = arith.constant 32 : index
      %get3A_1066 = tpu.vector_load %arg8[%get3A_1064, %get3A_1065] {strides = array<i32>} : memref<50x64xf32, #tpu.memory_space<vmem>>, vector<1x16xf32>,
      %get3A_1067 = vector.shape_cast %get3A_1066 : vector<1x16xf32> to vector<16xf32>
      %get3A_1068 = arith.index_cast %scan3A_1055 : i32 to index
      %get3A_1069 = arith.constant 48 : index
      %get3A_1070 = tpu.vector_load %arg8[%get3A_1068, %get3A_1069] {strides = array<i32>} : memref<50x64xf32, #tpu.memory_space<vmem>>, vector<1x16xf32>,
      %get3A_1071 = vector.shape_cast %get3A_1070 : vector<1x16xf32> to vector<16xf32>
      %scan3A_1072 = arith.constant 0 : i32
      %scan3A_1073 = arith.constant 0 : i32
      %scan3A_1074 = arith.constant 16 : i32
      %scan3A_1075 = arith.addi %scan3A_1073, %scan3A_1074 : i32
      %scan3A_1076 = arith.constant 1 : i32
      %scan3A_1077 = scf.for %scan3A_1080 = %scan3A_1073 to %scan3A_1075 step %scan3A_1076 iter_args(%scan3A_1081 = %scan3A_1072) -> (i32)  : i32 {
        %mul3A_1082 = arith.constant 50 : i32
        %mul3A_1083 = arith.muli %scan3A_1080, %mul3A_1082 : i32
        %add3A_1084 = arith.addi %mul3A_1083, %scan3A_1055 : i32
        %swap3A = arith.index_cast %add3A_1084 : i32 to index
        %swap3A_1085 = arith.constant 0 : index
        %swap3A_1086 = tpu.vector_load %arg10[%swap3A, %swap3A_1085] {strides = array<i32>} : memref<800x64xf32, #tpu.memory_space<vmem>>, vector<1x16xf32>,
        %swap3A_1087 = vector.shape_cast %swap3A_1086 : vector<1x16xf32> to vector<16xf32>
        %swap3A_1088 = vector.shape_cast %get3A_1059 : vector<16xf32> to vector<1x16xf32>
        tpu.vector_store %arg10[%swap3A, %swap3A_1085], %swap3A_1088 {add = true, strides = array<i32>} : memref<800x64xf32, #tpu.memory_space<vmem>>, vector<1x16xf32>,
        %swap3A_1089 = arith.index_cast %add3A_1084 : i32 to index
        %swap3A_1090 = arith.constant 16 : index
        %swap3A_1091 = tpu.vector_load %arg10[%swap3A_1089, %swap3A_1090] {strides = array<i32>} : memref<800x64xf32, #tpu.memory_space<vmem>>, vector<1x16xf32>,
        %swap3A_1092 = vector.shape_cast %swap3A_1091 : vector<1x16xf32> to vector<16xf32>
        %swap3A_1093 = vector.shape_cast %get3A_1063 : vector<16xf32> to vector<1x16xf32>
        tpu.vector_store %arg10[%swap3A_1089, %swap3A_1090], %swap3A_1093 {add = true, strides = array<i32>} : memref<800x64xf32, #tpu.memory_space<vmem>>, vector<1x16xf32>,
        %swap3A_1094 = arith.index_cast %add3A_1084 : i32 to index
        %swap3A_1095 = arith.constant 32 : index
        %swap3A_1096 = tpu.vector_load %arg10[%swap3A_1094, %swap3A_1095] {strides = array<i32>} : memref<800x64xf32, #tpu.memory_space<vmem>>, vector<1x16xf32>,
        %swap3A_1097 = vector.shape_cast %swap3A_1096 : vector<1x16xf32> to vector<16xf32>
        %swap3A_1098 = vector.shape_cast %get3A_1067 : vector<16xf32> to vector<1x16xf32>
        tpu.vector_store %arg10[%swap3A_1094, %swap3A_1095], %swap3A_1098 {add = true, strides = array<i32>} : memref<800x64xf32, #tpu.memory_space<vmem>>, vector<1x16xf32>,
        %swap3A_1099 = arith.index_cast %add3A_1084 : i32 to index
        %swap3A_1100 = arith.constant 48 : index
        %swap3A_1101 = tpu.vector_load %arg10[%swap3A_1099, %swap3A_1100] {strides = array<i32>} : memref<800x64xf32, #tpu.memory_space<vmem>>, vector<1x16xf32>,
        %swap3A_1102 = vector.shape_cast %swap3A_1101 : vector<1x16xf32> to vector<16xf32>
        %swap3A_1103 = vector.shape_cast %get3A_1071 : vector<16xf32> to vector<1x16xf32>
        tpu.vector_store %arg10[%swap3A_1099, %swap3A_1100], %swap3A_1103 {add = true, strides = array<i32>} : memref<800x64xf32, #tpu.memory_space<vmem>>, vector<1x16xf32>,
        %scan3A_1104 = arith.constant 0 : i32
        scf.yield %scan3A_1104 : i32
      }
      %scan3A_1078 = arith.constant 16 : i32
      %scan3A_1079 = arith.constant 0 : i32
      scf.yield %scan3A_1079 : i32
    }
    %scan3A_1036 = arith.constant 50 : i32
    %add3A_1037 = arith.constant 5600 : i32
    %add3A_1038 = arith.addi %mul3A_2, %add3A_1037 : i32
    %dma_start3A_1039 = arith.constant 0 : i32
    %dma_start3A_1040 = tpu.memref_slice %arg5[%add3A_1038, %dma_start3A_1039] : memref<204800x64xf32, #tpu.memory_space<hbm>> -> memref<800x64xf32, #tpu.memory_space<hbm>>
    %dma_start3A_1041 = arith.constant 0 : i32
    %dma_start3A_1042 = tpu.memref_slice %arg5[%add3A_1038, %dma_start3A_1041] : memref<204800x64xf32, #tpu.memory_space<hbm>> -> memref<800x64xf32, #tpu.memory_space<hbm>>
    tpu.enqueue_dma source(%arg10 : memref<800x64xf32, #tpu.memory_space<vmem>>) target(%dma_start3A_1042 : memref<800x64xf32, #tpu.memory_space<hbm>>) target_semaphore(%arg14 : memref<!tpu.dma_semaphore, #tpu.memory_space<semaphore_mem>>)
    %add3A_1043 = arith.constant 4800 : i32
    %add3A_1044 = arith.addi %mul3A_2, %add3A_1043 : i32
    %dma_wait3A_1045 = arith.constant 0 : i32
    %dma_wait3A_1046 = tpu.memref_slice %arg5[%add3A_1044, %dma_wait3A_1045] : memref<204800x64xf32, #tpu.memory_space<hbm>> -> memref<800x64xf32, #tpu.memory_space<hbm>>
    %dma_wait3A_1047 = arith.constant 0 : i32
    %dma_wait3A_1048 = tpu.memref_slice %arg5[%add3A_1044, %dma_wait3A_1047] : memref<204800x64xf32, #tpu.memory_space<hbm>> -> memref<800x64xf32, #tpu.memory_space<hbm>>
    tpu.wait_dma2 semaphore(%arg13 : memref<!tpu.dma_semaphore, #tpu.memory_space<semaphore_mem>>) src(%arg9 : memref<800x64xf32, #tpu.memory_space<vmem>>) dst(%dma_wait3A_1048 : memref<800x64xf32, #tpu.memory_space<hbm>>)
    %add3A_1049 = arith.constant 5600 : i32
    %add3A_1050 = arith.addi %mul3A_2, %add3A_1049 : i32
    %dma_wait3A_1051 = arith.constant 0 : i32
    %dma_wait3A_1052 = tpu.memref_slice %arg5[%add3A_1050, %dma_wait3A_1051] : memref<204800x64xf32, #tpu.memory_space<hbm>> -> memref<800x64xf32, #tpu.memory_space<hbm>>
    %dma_wait3A_1053 = arith.constant 0 : i32
    %dma_wait3A_1054 = tpu.memref_slice %arg5[%add3A_1050, %dma_wait3A_1053] : memref<204800x64xf32, #tpu.memory_space<hbm>> -> memref<800x64xf32, #tpu.memory_space<hbm>>
    tpu.wait_dma2 semaphore(%arg14 : memref<!tpu.dma_semaphore, #tpu.memory_space<semaphore_mem>>) src(%arg10 : memref<800x64xf32, #tpu.memory_space<vmem>>) dst(%dma_wait3A_1054 : memref<800x64xf32, #tpu.memory_space<hbm>>)
    return
  }
}

module attributes {stable_mosaic.version = 14 : i64} {
  func.func @_tc_transpose_body(%arg0: i32, %arg1: memref<64x16384xf32, #tpu.memory_space<vmem>>, %arg2: memref<16384x128xf32, #tpu.memory_space<vmem>>) attributes {dimension_semantics = [#tpu.dimension_semantics<arbitrary>], iteration_bounds = array<i64: 62>, scalar_prefetch = 0 : i64, scratch_operands = 0 : i64, tpu.core_type = #tpu.core_type<tc>, window_params = [{transform_indices = @transform_0, window_bounds = array<i64: 64, 16384>}, {transform_indices = @transform_1, window_bounds = array<i64: 16384, 128>}]} {
    %get3A = arith.constant 0 : index
    %get3A_0 = arith.constant 0 : index
    %get3A_1 = vector.load %arg1[%get3A, %get3A_0] : memref<64x16384xf32, #tpu.memory_space<vmem>>, vector<64x16384xf32>
    %transpose3A = tpu.transpose %get3A_1, [1, 0] : vector<64x16384xf32> -> vector<16384x64xf32>
    %broadcast_in_dim3A = arith.constant 0.000000e+00 : f32
    %broadcast_in_dim3A_2 = vector.broadcast %broadcast_in_dim3A : f32 to vector<16384x64xf32>
    %concatenate3A = tpu.concatenate %transpose3A, %broadcast_in_dim3A_2 in 1 : vector<16384x64xf32>, vector<16384x64xf32> -> vector<16384x128xf32>
    %swap3A = arith.constant 0 : index
    %swap3A_3 = arith.constant 0 : index
    %swap3A_4 = vector.load %arg2[%swap3A, %swap3A_3] : memref<16384x128xf32, #tpu.memory_space<vmem>>, vector<16384x128xf32>
    tpu.vector_store %arg2[%swap3A, %swap3A_3], %concatenate3A {strides = array<i32>} : memref<16384x128xf32, #tpu.memory_space<vmem>>, vector<16384x128xf32>,
    return
  }
  func.func @transform_0(%arg0: i32) -> (i32, i32) {
    %c0_i32 = arith.constant 0 : i32
    %c0_i32_0 = arith.constant 0 : i32
    return %c0_i32, %arg0 : i32, i32
  }
  func.func @transform_1(%arg0: i32) -> (i32, i32) {
    %c0_i32 = arith.constant 0 : i32
    %c0_i32_0 = arith.constant 0 : i32
    return %arg0, %c0_i32 : i32, i32
  }
}

</mosaic_0001>

<sc_bundles>
// kernel: kernel.4.cloned.1.call-start
scs
__scs_entry_jumppad:
0x0: {  	(pc) =	sbr.rel $0x88, $3  }
0x1: {  	(tag) =	ssettag $0x0;
	lr =	simm.s32 $0x1  }
0x2: {  	[smem:$0x3F9E] =	sst lr;
	_ =	strace $0xD0000000  }
0x3: {  	_ = 	snop  }
0x4: {  	_ = 	snop  }
0x5: {  	_ = 	snop  }
0x6: {  	_ = 	snop  }
0x7: {  	_ = 	snop  }
__scs_overlays_trampoline_lowered:
0x8: {  	[smem:$0x3FAD] =	sst s0  }
0x9: {  	[smem:$0x3FAE] =	sst s1  }
0xa: {  	[smem:$0x3FAF] =	sst s2  }
0xb: {  	[smem:$0x3FB0] =	sst s3  }
0xc: {  	[smem:$0x3FB1] =	sst s4  }
0xd: {  	[smem:$0x3FB2] =	sst s5  }
0xe: {  	[smem:$0x3FB3] =	sst s6  }
0xf: {  	[smem:$0x3FB4] =	sst s7  }
0x10: {  	[smem:$0x3FB5] =	sst s8  }
0x11: {  	[smem:$0x3FB6] =	sst s9;
	s0 =	simm.s32 @!p0 $0x0  }
0x12: {  	s1 =	sld [smem:$0x3F9C];
	s0 =	simm.s32 @p0 $0x1  }
0x13: {  	[smem:$0x3FB7] =	sst s0;
	s0 =	simm.s32 @!p1 $0x0  }
0x14: {  	s2 =	sld [smem:$0x3F9B];
	s0 =	simm.s32 @p1 $0x1  }
0x15: {  	[smem:$0x3FB8] =	sst s0;
	s0 =	simm.s32 @!p2 $0x0  }
0x16: {  	s3 =	sld [smem:$0x3FDB];
	s0 =	simm.s32 @p2 $0x1  }
0x17: {  	s4 =	simm.s32 $0x1BF5;
	[smem:$0x3FBA] =	sst s0  }
0x18: {  	s0 =	sld [smem:$0x3F9D];
	_ =	swait.ge [sflag:s4], $0x0  }
0x19: {  	s7 =	sld [smem:$0x3F9E]  }
0x1a: {  	s8 =	sadd.s32 $0xFFFFE003, lr  }
0x1b: {  	s9 =	sadd.s32 $0xFFFFFEF7, lr;
	s5 =	simm.s32 $0xFFFFFFFF;
	p2 =	slt.u32 s8, $0xFFFFF086  }
0x1c: {  	p1 =	slt.u32 s9, $0xF7A;
	s5 =	simm.s32 @!p2 $0x0  }
0x1d: {  	s5 =	simm.s32 @p1 $0x1;
	p0 =	seq.s32 s7, s2  }
0x1e: {  	s7 =	smul.u32 @!p0 $0xF7A, s2;
	p2 =	seq.s32 @!p0 s5, $0x0  }
0x1f: {  	s9 =	smul.u32 $0xF7A, s1;
	s8 =	simm.s32 @!p0 $0x1BF5;
	p2 =	por !p2, p0  }
0x20: {  	[sflag:s8] =	ssyncset.s32 @!p0 $0xFFFFF086;
	s6 =	sadd.s32 @!p0 s3, s7;
	s7 =	simm.s32 @!p0 $0x108  }
0x21: {  	s3 =	sadd.s32 s3, s9;
	s6 =	sadd.s32 @!p0 $0x88, s6;
	s7 =	simm.s32 @p2 $0x1082  }
0x22: {  	[simem:s7], [sflag:s8] =	dma.local @!p0 [hbm:s6], $0xF7A  }
0x23: {  	s9 =	sor.u32 $0xD0000000, s2;
	s6 =	simm.s32 $0x108;
	_ =	swait.ge @!p0 [sflag:s8], $0x0  }
0x24: {  	s3 =	sadd.s32 $0x88, s3;
	s6 =	simm.s32 @!p1 $0x1082;
	[sflag:s4] =	ssyncset.s32 $0xFFFFF086  }
0x25: {  	[simem:s6], [sflag:s4] =	dma.local [hbm:s3], $0xF7A  }
0x26: {  	[smem:$0x3F9E] =	sst s1;
	(tag) =	ssettag s2;
	_ =	strace s9  }
0x27: {  	s1 =	sld [smem:$0x3FAE]  }
0x28: {  	s2 =	sld [smem:$0x3FAF]  }
0x29: {  	s4 =	sld [smem:$0x3FB1]  }
0x2a: {  	p0 =	seq.s32 s5, $0x0;
	s5 =	sld [smem:$0x3FB2]  }
0x2b: {  	s6 =	sld [smem:$0x3FB3]  }
0x2c: {  	s7 =	sld [smem:$0x3FB4]  }
0x2d: {  	s3 =	simm.s32 $0x108;
	s8 =	sld [smem:$0x3FB5]  }
0x2e: {  	s3 =	simm.s32 @!p0 $0x1082;
	s9 =	sld [smem:$0x3FB6]  }
0x2f: {  	lr =	sadd.s32 s0, s3;
	s0 =	sld [smem:$0x3FAD]  }
0x30: {  	s3 =	sld [smem:$0x3FB0]  }
0x31: {  	[smem:$0x3FB9] =	sst s10  }
0x32: {  	s10 =	sld [smem:$0x3FB7];
	_ =	sdelay $0x3  }
0x33: {  	p0 =	seq.s32 s10, $0x1;
	s10 =	sld [smem:$0x3FB9];
	_ =	sdelay $0x3  }
0x34: {  	[smem:$0x3FB9] =	sst s10  }
0x35: {  	s10 =	sld [smem:$0x3FB8];
	_ =	sdelay $0x3  }
0x36: {  	p1 =	seq.s32 s10, $0x1;
	s10 =	sld [smem:$0x3FB9];
	_ =	sdelay $0x3  }
0x37: {  	[smem:$0x3FB9] =	sst s10  }
0x38: {  	s10 =	sld [smem:$0x3FBA]  }
0x39: {  	_ = 	snop;
	(pc) =	sbr.ind lr, $3  }
0x3a: {  	_ = 	snop  }
0x3b: {  	_ = 	snop  }
0x3c: {  	p2 =	seq.s32 s10, $0x1;
	s10 =	sld [smem:$0x3FB9]  }
0x3d: {  	_ =	shalt  }
0x3e: {  	_ =	shalt  }
0x3f: {  	_ =	shalt  }
0x40: {  	_ =	shalt  }
0x41: {  	_ =	shalt  }
0x42: {  	_ =	shalt  }
0x43: {  	_ =	shalt  }
0x44: {  	_ =	shalt  }
0x45: {  	_ =	shalt  }
0x46: {  	_ =	shalt  }
0x47: {  	_ =	shalt  }
0x48: {  	_ =	shalt  }
0x49: {  	_ =	shalt  }
0x4a: {  	_ =	shalt  }
0x4b: {  	_ =	shalt  }
0x4c: {  	_ =	shalt  }
0x4d: {  	_ =	shalt  }
0x4e: {  	_ =	shalt  }
0x4f: {  	_ =	shalt  }
0x50: {  	_ =	shalt  }
0x51: {  	_ =	shalt  }
0x52: {  	_ =	shalt  }
0x53: {  	_ =	shalt  }
0x54: {  	_ =	shalt  }
0x55: {  	_ =	shalt  }
0x56: {  	_ =	shalt  }
0x57: {  	_ =	shalt  }
0x58: {  	_ =	shalt  }
0x59: {  	_ =	shalt  }
0x5a: {  	_ =	shalt  }
0x5b: {  	_ =	shalt  }
0x5c: {  	_ =	shalt  }
0x5d: {  	_ =	shalt  }
0x5e: {  	_ =	shalt  }
0x5f: {  	_ =	shalt  }
0x60: {  	_ =	shalt  }
0x61: {  	_ =	shalt  }
0x62: {  	_ =	shalt  }
0x63: {  	_ =	shalt  }
0x64: {  	_ =	shalt  }
0x65: {  	_ =	shalt  }
0x66: {  	_ =	shalt  }
0x67: {  	_ =	shalt  }
0x68: {  	_ =	shalt  }
0x69: {  	_ =	shalt  }
0x6a: {  	_ =	shalt  }
0x6b: {  	_ =	shalt  }
0x6c: {  	_ =	shalt  }
0x6d: {  	_ =	shalt  }
0x6e: {  	_ =	shalt  }
0x6f: {  	_ =	shalt  }
0x70: {  	_ =	shalt  }
0x71: {  	_ =	shalt  }
0x72: {  	_ =	shalt  }
0x73: {  	_ =	shalt  }
0x74: {  	_ =	shalt  }
0x75: {  	_ =	shalt  }
0x76: {  	_ =	shalt  }
0x77: {  	_ =	shalt  }
0x78: {  	_ =	shalt  }
0x79: {  	_ =	shalt  }
0x7a: {  	_ =	shalt  }
0x7b: {  	_ =	shalt  }
0x7c: {  	_ =	shalt  }
0x7d: {  	_ =	shalt  }
0x7e: {  	_ =	shalt  }
0x7f: {  	_ =	shalt  }
0x80: {  	_ =	shalt  }
0x81: {  	_ =	shalt  }
0x82: {  	_ =	shalt  }
0x83: {  	_ =	shalt  }
0x84: {  	_ =	shalt  }
0x85: {  	_ =	shalt  }
0x86: {  	_ =	shalt  }
0x87: {  	_ =	shalt  }
.Lfunc_end0:
.L_simem_size_0:
called_computation.1_lowered:
.L_overlay_start_0:
0x88: {  	s2 =	sld [smem:$0x3FD9]  }
0x89: {  	s3 =	sld [smem:$0x3FFE];
	_ =	sdelay $0x1  }
0x8a: {  	s1 =	srdreg.scid  }
0x8b: {  	s0 =	sand.u32 $0x1, s1  }
0x8c: {  	s17 =	sshll.u32 s0, $0xA;
	s2 =	sadd.s32 s3, s2  }
0x8d: {  	s2 =	sadd.s32 s2, s17  }
0x8e: {  	[smem:$0x3FC5] =	sst s2  }
0x8f: {  	_ = 	snop  }
0x90: {  	s2 =	sld [smem:$0x3FD0];
	(tm) =	ssettm $0x1  }
0x91: {  	s18 =	sld [smem:$0x3FFB];
	_ =	sdelay $0x3  }
0x92: {  	_ =	strace s18  }
0x93: {  	s3 =	sld [smem:$0x3FFC];
	_ =	sdelay $0x3  }
0x94: {  	_ =	strace s3  }
0x95: {  	s3 =	sld [smem:$0x3FFD];
	_ =	sdelay $0x3  }
0x96: {  	_ =	strace s3  }
0x97: {  	_ =	strace $0x8FFFFFFF  }
0x98: {  	s19 =	sld [smem:$0x3FDB];
	_ =	sdelay $0x1  }
0x99: {  	s4 =	simm.s32 $_scs_section_size  }
0x9a: {  	s5 =	simm.s32 $_size__tile_overlayer_lowered;
	s6 =	simm.s32 $_tile_overlayer_lowered  }
0x9b: {  	s22 =	simm.s32 $0x1BFF;
	s21 =	sshll.u32 s6, $0x1;
	s3 =	sadd.s32 s4, s19  }
0x9c: {  	s7 =	simm.s32 $0x0;
	s20 =	sshll.u32 s5, $0x1;
	s5 =	sadd.s32 s21, s3  }
0x9d: {  	[timem:s7], [sflag:s22] =	dma.local [hbm:s5], s20  }
0x9e: {  	_ =	swait.ge [sflag:s22], s20  }
0x9f: {  	s4 =	ssub.s32 $0x0, s20;
	[sflag:s22] =	ssyncset.done $0x0  }
0xa0: {  	[sflag:s22] =	ssyncadd.s32 s4;
	_ =	sdelay $0x1  }
0xa1: {  	s23 =	simm.s32 $0x1B8B  }
0xa2: {  	_ =	swait.ge [sflag:s23], $0x1  }
0xa3: {  	[sflag:s23] =	ssyncset.done $0x0  }
0xa4: {  	s25 =	simm.s32 $0x1B8E;
	s24 =	sld [smem:$0x3FFE];
	[sflag:s23] =	ssyncadd.s32 $0xFFFFFFFF  }
0xa5: {  	s26 =	simm.s32 $execute0_lowered;
	[smem:$0x3FD2] =	sst s25  }
0xa6: {  	s5 =	sshll.u32 s26, $0x1;
	_ =	strace $0x80000046;
	[dreg:$0x1] =	wrdreg $0xFFFFFFFF  }
0xa7: {  	s28 =	simm.s32 $_size_execute0_lowered;
	s3 =	sadd.s32 s3, s5;
	[dreg:$0x0] =	wrdreg $0x0  }
0xa8: {  	s5 =	sshll.u32 s28, $0x1;
	[dreg:$0x2] =	wrdreg s3  }
0xa9: {  	[dreg:$0x3] =	wrdreg s5  }
0xaa: {  	[dreg:$0x4] =	wrdreg $0xC0  }
0xab: {  	_ =	task [dreg:s7], $0x5FFFF  }
0xac: {  	[dreg:$0x1] =	wrdreg $0xFFFFFFFF  }
0xad: {  	[dreg:$0x0] =	wrdreg $0x60  }
0xae: {  	[dreg:$0x2] =	wrdreg s24  }
0xaf: {  	[dreg:$0x3] =	wrdreg s2  }
0xb0: {  	[dreg:$0x4] =	wrdreg $0x9  }
0xb1: {  	_ =	task.clear_ibuf [dreg:s7], $0x5FFFF;
	_ =	strace $0x90000046  }
0xb2: {  	s29 =	simm.s32 $0x9;
	_ =	strace $0x80000048  }
0xb3: {  	_ =	swait.ge [sflag:s29], $0x1  }
0xb4: {  	[sflag:s29] =	ssyncadd.s32 $0xFFFFFFFF  }
0xb5: {  	_ =	strace $0x90000048  }
0xb6: {  	_ =	sfence  }
0xb7: {  	s30 =	sld [smem:$0x0];
	_ =	sdelay $0x2  }
0xb8: {  	s31 =	sshll.u32 s1, $0xD;
	s1 =	sshrl.u32 s1, $0x2  }
0xb9: {  	s3 =	sand.u32 $0x4000, s31;
	s1 =	sadd.s32 s1, s30  }
0xba: {  	s0 =	sor.u32 s3, s0;
	s1 =	sshll.u32 s1, $0x11  }
0xbb: {  	s0 =	sor.u32 s1, s0  }
0xbc: {  	s0 =	sadd.s32 $0x8F2B, s0  }
0xbd: {  	[sflag:s0] =	ssyncadd.remote.s32 $0x1  }
0xbe: {  	_ =	sfence.sel $0xFFFF  }
0xbf: {  	[dreg:$0x0] =	wrdreg $0xFFFFFFFF;
	(pc) =	sbr.abs _section_cstart, $3  }
0xc0: {  	[dreg:$0x1] =	wrdreg $0xFFFFFFFF  }
0xc1: {  	_ =	task.clear_ibuf [dreg:s7], $0x2FFFF;
	_ =	strace $0x9FFFFFFF  }
0xc2: {  	(tm) =	ssettm $0x7FFFFFFF  }
0xc3: {  	_ =	shalt  }
tec
execute0_lowered:
.L_overlay_start_1:
0x0: {  	(tag) =	ssettag $0x1  }
0x1: {  	s0 =	rddreg [dreg:$0x0]  }
0x2: {  	s1 =	srdreg.scid;
	s2 =	stileid.u32  }
0x3: {  	s4 =	rddreg [dreg:$0x1];
	s15 =	simm.s32 $0x5;
	s17 =	simm.s32 $0x80  }
0x4: {  	s19 =	simm.s32 $0x3E80;
	s21 =	simm.s32 $0x5E80;
	s28 =	simm.s32 $0xBE80  }
0x5: {  	s30 =	simm.s32 $0xDE80;
	s31 =	simm.s32 $0x20;
	s18 =	simm.s32 $0x10680  }
0x6: {  	s20 =	simm.s32 $0x18680;
	s1 =	sand.u32 $0x1, s1;
	s3 =	sshll.u32 s2, $0x1  }
0x7: {  	s29 =	simm.s32 $0x1A680;
	s16 =	simm.s32 $0x1;
	s5 =	sor.u32 s1, s3  }
0x8: {  	s2 =	simm.s32 $0x0;
	s1 =	ssub.s32 $0x2, s1;
	s3 =	smul.u32 $0x320, s5  }
0x9: {  	[smem:$0x7FF] =	sst s2;
	s7 =	smul.u32 $0x64000, s5;
	s8 =	sshrl.u32 s1, $0x1  }
0xa: {  	_ =	strace $0x80000047;
	s5 =	smul.u32 $0xC800, s5;
	s22 =	ssub.s32 s1, s8  }
0xb: {  	s6 =	sadd.s32 s3, s0;
	s3 =	sadd.s32 $0x6E00, s0;
	s0 =	sadd.s32 $0x800, s0  }
0xc: {  	s23 =	sshrl.u32 s7, $0x3;
	s5 =	sadd.s32 s4, s5;
	s14 =	smax.u32 s22, $0x1  }
0xd: {  	s22 =	simm.s32 $0x12680;
	s7 =	simm.s32 $0x0;
	[dreg:$0x3] =	wrdreg s0  }
0xe: {  	s6 =	sadd.s32 $0xA00, s6;
	[dreg:$0x5] =	wrdreg s5;
	s1 =	sadd.s32 s4, s23  }
0xf: {  	s23 =	simm.s32 $0x7E80;
	s0 =	simm.s32 $0xFE80;
	s5 =	simm.s32 $0x2  }
0x10: {  	[dreg:$0x4] =	wrdreg s6;
	s4 =	sadd.s32 $0x1900, s1;
	s24 =	sadd.s32 $0x3200, s1  }
0x11: {  	s25 =	sadd.s32 $0x4B00, s1;
	s26 =	sadd.s32 $0x6400, s1;
	[dreg:$0x6] =	wrdreg s4  }
0x12: {  	s11 =	sadd.s32 $0x7D00, s1;
	s12 =	sadd.s32 $0x9600, s1;
	[dreg:$0x7] =	wrdreg s24  }
0x13: {  	s13 =	sadd.s32 $0xAF00, s1;
	s1 =	simm.s32 $0x16680;
	[dreg:$0x8] =	wrdreg s25  }
0x14: {  	s6 =	simm.s32 $0x4;
	[dreg:$0x9] =	wrdreg s26;
	s25 =	simm.s32 $0x9E80  }
0x15: {  	s26 =	simm.s32 $0x14680;
	s24 =	simm.s32 $0x1C680;
	s4 =	simm.s32 $0x3  }
.LBB2_1:
0x16: {  	s8 =	rddreg [dreg:$0x4]  }
0x17: {  	[tilespmem:s2], [sflag:$0x5] =	stream.linear.gather [hbm4b:s8+s2], $0x1900, $0x38;
	[tilespmem:$0x1CE80] =	vst v63  }
0x18: {  	_ =	swait.ge [sflag:s15], $0x1900  }
0x19: {  	[sflag:s15] =	ssyncset.done $0x0  }
0x1a: {  	s9 =	simm.s32 $0x3200;
	s10 =	rddreg [dreg:$0x3];
	[sflag:s15] =	ssyncadd.s32 $0xFFFFE700  }
0x1b: {  	[tilespmem:s9], [sflag:$0x5] =	stream.linear.gather [hbm4b:s10+s2], $0xC80, $0x38;
	[tilespmem:$0x1CE80] =	vst v63  }
0x1c: {  	_ =	swait.ge [sflag:s15], $0xC80  }
0x1d: {  	[sflag:s15] =	ssyncset.done $0x0  }
0x1e: {  	s8 =	simm.s32 $0x0;
	[sflag:s15] =	ssyncadd.s32 $0xFFFFF380  }
0x1f: {  	s9 =	simm.s32 $0x40;
	v0 =	vld [tilespmem:s8+$0x0]  }
.LBB2_2:
0x20: {  	p0 =	sne.s32 s9, $0x63C0  }
.Ltmp0:
0x21: {  	_ = 	snop;
	(pc) =	sbr.rel @p0 .LBB2_2-.Ltmp0, $3  }
0x22: {  	_ =	sdelay $0x1  }
0x23: {  	s10 =	sshra.s32 s9, $0x2;
	s9 =	sadd.s32 $0x40, s9;
	v1 =	vshll.u32 v0, $0x1  }
0x24: {  	v0 =	vld [tilespmem:s10+$0x0];
	[tilespmem:s8+$0x1900] =	vst v1;
	s8 =	smov.u32 s10  }
0x25: {  	_ =	sdelay $0x3  }
0x26: {  	v0 =	vshll.u32 v0, $0x1  }
0x27: {  	s9 =	simm.s32 $0x1900;
	[tilespmem:s8+$0x1900] =	vst v0  }
0x28: {  	[tilespmem:s19], [sflag:$0x1] =	stream.indirect.gather [hbm4b:s3+s17], $0x40, s9, s17, $0xb8;
	[tilespmem:$0x1CE80] =	vst v63  }
0x29: {  	s10 =	simm.s32 $0x1980  }
0x2a: {  	[tilespmem:s21], [sflag:$0x1] =	stream.indirect.gather [hbm4b:s3+s17], $0x40, s10, s17, $0xb8;
	[tilespmem:$0x1CE80] =	vst v63  }
0x2b: {  	s9 =	simm.s32 $0x1A00  }
0x2c: {  	[tilespmem:s23], [sflag:$0x1] =	stream.indirect.gather [hbm4b:s3+s17], $0x40, s9, s17, $0xb8;
	[tilespmem:$0x1CE80] =	vst v63  }
0x2d: {  	s10 =	simm.s32 $0x1A80  }
0x2e: {  	[tilespmem:s25], [sflag:$0x1] =	stream.indirect.gather [hbm4b:s3+s17], $0x40, s10, s17, $0xb8;
	[tilespmem:$0x1CE80] =	vst v63  }
0x2f: {  	s9 =	simm.s32 $0x1B00  }
0x30: {  	[tilespmem:s28], [sflag:$0x1] =	stream.indirect.gather [hbm4b:s3+s17], $0x40, s9, s17, $0xb8;
	[tilespmem:$0x1CE80] =	vst v63  }
0x31: {  	s10 =	simm.s32 $0x1B80  }
0x32: {  	[tilespmem:s30], [sflag:$0x1] =	stream.indirect.gather [hbm4b:s3+s17], $0x40, s10, s17, $0xb8;
	[tilespmem:$0x1CE80] =	vst v63  }
0x33: {  	s9 =	simm.s32 $0x1C00  }
0x34: {  	[tilespmem:s0], [sflag:$0x1] =	stream.indirect.gather [hbm4b:s3+s31], $0x40, s9, s31, $0xb8;
	[tilespmem:$0x1CE80] =	vst v63  }
0x35: {  	s10 =	simm.s32 $0x1C20  }
0x36: {  	[tilespmem:s18], [sflag:$0x2] =	stream.indirect.gather [hbm4b:s3+s17], $0x40, s10, s17, $0xb8;
	[tilespmem:$0x1CE80] =	vst v63  }
0x37: {  	s9 =	simm.s32 $0x1CA0  }
0x38: {  	[tilespmem:s22], [sflag:$0x2] =	stream.indirect.gather [hbm4b:s3+s17], $0x40, s9, s17, $0xb8;
	[tilespmem:$0x1CE80] =	vst v63  }
0x39: {  	s10 =	simm.s32 $0x1D20  }
0x3a: {  	[tilespmem:s26], [sflag:$0x2] =	stream.indirect.gather [hbm4b:s3+s17], $0x40, s10, s17, $0xb8;
	[tilespmem:$0x1CE80] =	vst v63  }
0x3b: {  	s9 =	simm.s32 $0x1DA0  }
0x3c: {  	[tilespmem:s1], [sflag:$0x2] =	stream.indirect.gather [hbm4b:s3+s17], $0x40, s9, s17, $0xb8;
	[tilespmem:$0x1CE80] =	vst v63  }
0x3d: {  	s10 =	simm.s32 $0x1E20  }
0x3e: {  	[tilespmem:s20], [sflag:$0x2] =	stream.indirect.gather [hbm4b:s3+s17], $0x40, s10, s17, $0xb8;
	[tilespmem:$0x1CE80] =	vst v63  }
0x3f: {  	s9 =	simm.s32 $0x1EA0  }
0x40: {  	[tilespmem:s29], [sflag:$0x2] =	stream.indirect.gather [hbm4b:s3+s17], $0x40, s9, s17, $0xb8;
	[tilespmem:$0x1CE80] =	vst v63  }
0x41: {  	s10 =	simm.s32 $0x1F20  }
0x42: {  	[tilespmem:s24], [sflag:$0x2] =	stream.indirect.gather [hbm4b:s3+s31], $0x40, s10, s31, $0xb8;
	[tilespmem:$0x1CE80] =	vst v63  }
0x43: {  	_ =	swait.ge [sflag:s16], $0x2000  }
0x44: {  	[sflag:s16] =	ssyncset.done $0x0  }
0x45: {  	[sflag:s16] =	ssyncadd.s32 $0xFFFFE000  }
0x46: {  	_ =	swait.ge [sflag:s16], $0x2000  }
0x47: {  	[sflag:s16] =	ssyncset.done $0x0  }
0x48: {  	[sflag:s16] =	ssyncadd.s32 $0xFFFFE000  }
0x49: {  	_ =	swait.ge [sflag:s16], $0x2000  }
0x4a: {  	[sflag:s16] =	ssyncset.done $0x0  }
0x4b: {  	[sflag:s16] =	ssyncadd.s32 $0xFFFFE000  }
0x4c: {  	_ =	swait.ge [sflag:s16], $0x2000  }
0x4d: {  	[sflag:s16] =	ssyncset.done $0x0  }
0x4e: {  	[sflag:s16] =	ssyncadd.s32 $0xFFFFE000  }
0x4f: {  	_ =	swait.ge [sflag:s16], $0x2000  }
0x50: {  	[sflag:s16] =	ssyncset.done $0x0  }
0x51: {  	[sflag:s16] =	ssyncadd.s32 $0xFFFFE000  }
0x52: {  	_ =	swait.ge [sflag:s16], $0x2000  }
0x53: {  	[sflag:s16] =	ssyncset.done $0x0  }
0x54: {  	[sflag:s16] =	ssyncadd.s32 $0xFFFFE000  }
0x55: {  	_ =	swait.ge [sflag:s16], $0x800  }
0x56: {  	[sflag:s16] =	ssyncset.done $0x0  }
0x57: {  	s8 =	simm.s32 $0x0;
	[sflag:s16] =	ssyncadd.s32 $0xFFFFF800  }
0x58: {  	v1 =	vld [tilespmem:s8+$0x3230]  }
0x59: {  	v2 =	vld [tilespmem:s8+$0x3200]  }
0x5a: {  	v3 =	vld [tilespmem:s8+$0x3210]  }
0x5b: {  	v0 =	vld [tilespmem:s8+$0x3220];
	_ =	sdelay $0x1  }
0x5c: {  	[tilespmem:s8+$0xFA30] =	vst.add.f32.msk $0xffff, v1  }
0x5d: {  	[tilespmem:s8+$0x3E80] =	vst.add.f32.msk $0xffff, v2  }
0x5e: {  	[tilespmem:s8+$0x3E90] =	vst.add.f32.msk $0xffff, v3  }
0x5f: {  	[tilespmem:s8+$0x3EA0] =	vst.add.f32.msk $0xffff, v0  }
0x60: {  	[tilespmem:s8+$0x3EB0] =	vst.add.f32.msk $0xffff, v1  }
0x61: {  	[tilespmem:s8+$0x4B00] =	vst.add.f32.msk $0xffff, v2  }
0x62: {  	[tilespmem:s8+$0x4B10] =	vst.add.f32.msk $0xffff, v3  }
0x63: {  	[tilespmem:s8+$0x4B20] =	vst.add.f32.msk $0xffff, v0  }
0x64: {  	[tilespmem:s8+$0x4B30] =	vst.add.f32.msk $0xffff, v1  }
0x65: {  	[tilespmem:s8+$0x5780] =	vst.add.f32.msk $0xffff, v2  }
0x66: {  	[tilespmem:s8+$0x5790] =	vst.add.f32.msk $0xffff, v3  }
0x67: {  	[tilespmem:s8+$0x57A0] =	vst.add.f32.msk $0xffff, v0  }
0x68: {  	[tilespmem:s8+$0x57B0] =	vst.add.f32.msk $0xffff, v1  }
0x69: {  	[tilespmem:s8+$0x6400] =	vst.add.f32.msk $0xffff, v2  }
0x6a: {  	[tilespmem:s8+$0x6410] =	vst.add.f32.msk $0xffff, v3  }
0x6b: {  	[tilespmem:s8+$0x6420] =	vst.add.f32.msk $0xffff, v0  }
0x6c: {  	[tilespmem:s8+$0x6430] =	vst.add.f32.msk $0xffff, v1  }
0x6d: {  	[tilespmem:s8+$0x7080] =	vst.add.f32.msk $0xffff, v2  }
0x6e: {  	[tilespmem:s8+$0x7090] =	vst.add.f32.msk $0xffff, v3  }
0x6f: {  	[tilespmem:s8+$0x70A0] =	vst.add.f32.msk $0xffff, v0  }
0x70: {  	[tilespmem:s8+$0x70B0] =	vst.add.f32.msk $0xffff, v1  }
0x71: {  	[tilespmem:s8+$0x7D00] =	vst.add.f32.msk $0xffff, v2  }
0x72: {  	[tilespmem:s8+$0x7D10] =	vst.add.f32.msk $0xffff, v3  }
0x73: {  	[tilespmem:s8+$0x7D20] =	vst.add.f32.msk $0xffff, v0  }
0x74: {  	[tilespmem:s8+$0x7D30] =	vst.add.f32.msk $0xffff, v1  }
0x75: {  	[tilespmem:s8+$0x8980] =	vst.add.f32.msk $0xffff, v2  }
0x76: {  	[tilespmem:s8+$0x8990] =	vst.add.f32.msk $0xffff, v3  }
0x77: {  	[tilespmem:s8+$0x89A0] =	vst.add.f32.msk $0xffff, v0  }
0x78: {  	[tilespmem:s8+$0x89B0] =	vst.add.f32.msk $0xffff, v1  }
0x79: {  	[tilespmem:s8+$0x9600] =	vst.add.f32.msk $0xffff, v2  }
0x7a: {  	[tilespmem:s8+$0x9610] =	vst.add.f32.msk $0xffff, v3  }
0x7b: {  	[tilespmem:s8+$0x9620] =	vst.add.f32.msk $0xffff, v0  }
0x7c: {  	[tilespmem:s8+$0x9630] =	vst.add.f32.msk $0xffff, v1  }
0x7d: {  	[tilespmem:s8+$0xA280] =	vst.add.f32.msk $0xffff, v2  }
0x7e: {  	[tilespmem:s8+$0xA290] =	vst.add.f32.msk $0xffff, v3  }
0x7f: {  	[tilespmem:s8+$0xA2A0] =	vst.add.f32.msk $0xffff, v0  }
0x80: {  	[tilespmem:s8+$0xA2B0] =	vst.add.f32.msk $0xffff, v1  }
0x81: {  	[tilespmem:s8+$0xAF00] =	vst.add.f32.msk $0xffff, v2  }
0x82: {  	[tilespmem:s8+$0xAF10] =	vst.add.f32.msk $0xffff, v3  }
0x83: {  	[tilespmem:s8+$0xAF20] =	vst.add.f32.msk $0xffff, v0  }
0x84: {  	[tilespmem:s8+$0xAF30] =	vst.add.f32.msk $0xffff, v1  }
0x85: {  	[tilespmem:s8+$0xBB80] =	vst.add.f32.msk $0xffff, v2  }
0x86: {  	[tilespmem:s8+$0xBB90] =	vst.add.f32.msk $0xffff, v3  }
0x87: {  	[tilespmem:s8+$0xBBA0] =	vst.add.f32.msk $0xffff, v0  }
0x88: {  	[tilespmem:s8+$0xBBB0] =	vst.add.f32.msk $0xffff, v1  }
0x89: {  	[tilespmem:s8+$0xC800] =	vst.add.f32.msk $0xffff, v2  }
0x8a: {  	[tilespmem:s8+$0xC810] =	vst.add.f32.msk $0xffff, v3  }
0x8b: {  	[tilespmem:s8+$0xC820] =	vst.add.f32.msk $0xffff, v0  }
0x8c: {  	[tilespmem:s8+$0xC830] =	vst.add.f32.msk $0xffff, v1  }
0x8d: {  	[tilespmem:s8+$0xD480] =	vst.add.f32.msk $0xffff, v2  }
0x8e: {  	[tilespmem:s8+$0xD490] =	vst.add.f32.msk $0xffff, v3  }
0x8f: {  	[tilespmem:s8+$0xD4A0] =	vst.add.f32.msk $0xffff, v0  }
0x90: {  	[tilespmem:s8+$0xD4B0] =	vst.add.f32.msk $0xffff, v1  }
0x91: {  	[tilespmem:s8+$0xE100] =	vst.add.f32.msk $0xffff, v2  }
0x92: {  	[tilespmem:s8+$0xE110] =	vst.add.f32.msk $0xffff, v3  }
0x93: {  	[tilespmem:s8+$0xE120] =	vst.add.f32.msk $0xffff, v0  }
0x94: {  	[tilespmem:s8+$0xE130] =	vst.add.f32.msk $0xffff, v1  }
0x95: {  	[tilespmem:s8+$0xED80] =	vst.add.f32.msk $0xffff, v2  }
0x96: {  	[tilespmem:s8+$0xED90] =	vst.add.f32.msk $0xffff, v3  }
0x97: {  	[tilespmem:s8+$0xEDA0] =	vst.add.f32.msk $0xffff, v0  }
0x98: {  	[tilespmem:s8+$0xEDB0] =	vst.add.f32.msk $0xffff, v1  }
0x99: {  	[tilespmem:s8+$0xFA00] =	vst.add.f32.msk $0xffff, v2  }
0x9a: {  	s9 =	simm.s32 $0x200;
	s10 =	simm.s32 $0x40;
	[tilespmem:s8+$0xFA10] =	vst.add.f32.msk $0xffff, v3  }
.LBB2_4:
0x9b: {  	p0 =	sne.s32 s9, $0x3100;
	v3 =	vld [tilespmem:s10+$0x3230]  }
0x9c: {  	v2 =	vld [tilespmem:s10+$0x3200]  }
0x9d: {  	v1 =	vld [tilespmem:s10+$0x3210]  }
0x9e: {  	v4 =	vld [tilespmem:s10+$0x3220]  }
0x9f: {  	[tilespmem:s8+$0xFA20] =	vst.add.f32.msk $0xffff, v0;
	s8 =	smov.u32 s10  }
0xa0: {  	[tilespmem:s8+$0xFA30] =	vst.add.f32.msk $0xffff, v3  }
0xa1: {  	[tilespmem:s8+$0x3E80] =	vst.add.f32.msk $0xffff, v2  }
0xa2: {  	[tilespmem:s8+$0x3E90] =	vst.add.f32.msk $0xffff, v1  }
0xa3: {  	[tilespmem:s8+$0x3EA0] =	vst.add.f32.msk $0xffff, v4;
	v0 =	vmov v4  }
0xa4: {  	[tilespmem:s8+$0x3EB0] =	vst.add.f32.msk $0xffff, v3  }
0xa5: {  	[tilespmem:s8+$0x4B00] =	vst.add.f32.msk $0xffff, v2  }
0xa6: {  	[tilespmem:s8+$0x4B10] =	vst.add.f32.msk $0xffff, v1  }
0xa7: {  	[tilespmem:s8+$0x4B20] =	vst.add.f32.msk $0xffff, v0  }
0xa8: {  	[tilespmem:s8+$0x4B30] =	vst.add.f32.msk $0xffff, v3  }
0xa9: {  	[tilespmem:s8+$0x5780] =	vst.add.f32.msk $0xffff, v2  }
0xaa: {  	[tilespmem:s8+$0x5790] =	vst.add.f32.msk $0xffff, v1  }
0xab: {  	[tilespmem:s8+$0x57A0] =	vst.add.f32.msk $0xffff, v0  }
0xac: {  	[tilespmem:s8+$0x57B0] =	vst.add.f32.msk $0xffff, v3  }
0xad: {  	[tilespmem:s8+$0x6400] =	vst.add.f32.msk $0xffff, v2  }
0xae: {  	[tilespmem:s8+$0x6410] =	vst.add.f32.msk $0xffff, v1  }
0xaf: {  	[tilespmem:s8+$0x6420] =	vst.add.f32.msk $0xffff, v0  }
0xb0: {  	[tilespmem:s8+$0x6430] =	vst.add.f32.msk $0xffff, v3  }
0xb1: {  	[tilespmem:s8+$0x7080] =	vst.add.f32.msk $0xffff, v2  }
0xb2: {  	[tilespmem:s8+$0x7090] =	vst.add.f32.msk $0xffff, v1  }
0xb3: {  	[tilespmem:s8+$0x70A0] =	vst.add.f32.msk $0xffff, v0  }
0xb4: {  	[tilespmem:s8+$0x70B0] =	vst.add.f32.msk $0xffff, v3  }
0xb5: {  	[tilespmem:s8+$0x7D00] =	vst.add.f32.msk $0xffff, v2  }
0xb6: {  	[tilespmem:s8+$0x7D10] =	vst.add.f32.msk $0xffff, v1  }
0xb7: {  	[tilespmem:s8+$0x7D20] =	vst.add.f32.msk $0xffff, v0  }
0xb8: {  	[tilespmem:s8+$0x7D30] =	vst.add.f32.msk $0xffff, v3  }
0xb9: {  	[tilespmem:s8+$0x8980] =	vst.add.f32.msk $0xffff, v2  }
0xba: {  	[tilespmem:s8+$0x8990] =	vst.add.f32.msk $0xffff, v1  }
0xbb: {  	[tilespmem:s8+$0x89A0] =	vst.add.f32.msk $0xffff, v0  }
0xbc: {  	[tilespmem:s8+$0x89B0] =	vst.add.f32.msk $0xffff, v3  }
0xbd: {  	[tilespmem:s8+$0x9600] =	vst.add.f32.msk $0xffff, v2  }
0xbe: {  	[tilespmem:s8+$0x9610] =	vst.add.f32.msk $0xffff, v1  }
0xbf: {  	[tilespmem:s8+$0x9620] =	vst.add.f32.msk $0xffff, v0  }
0xc0: {  	[tilespmem:s8+$0x9630] =	vst.add.f32.msk $0xffff, v3  }
0xc1: {  	[tilespmem:s8+$0xA280] =	vst.add.f32.msk $0xffff, v2  }
0xc2: {  	[tilespmem:s8+$0xA290] =	vst.add.f32.msk $0xffff, v1  }
0xc3: {  	[tilespmem:s8+$0xA2A0] =	vst.add.f32.msk $0xffff, v0  }
0xc4: {  	[tilespmem:s8+$0xA2B0] =	vst.add.f32.msk $0xffff, v3  }
0xc5: {  	[tilespmem:s8+$0xAF00] =	vst.add.f32.msk $0xffff, v2  }
0xc6: {  	[tilespmem:s8+$0xAF10] =	vst.add.f32.msk $0xffff, v1  }
0xc7: {  	[tilespmem:s8+$0xAF20] =	vst.add.f32.msk $0xffff, v0  }
0xc8: {  	[tilespmem:s8+$0xAF30] =	vst.add.f32.msk $0xffff, v3  }
0xc9: {  	[tilespmem:s8+$0xBB80] =	vst.add.f32.msk $0xffff, v2  }
0xca: {  	[tilespmem:s8+$0xBB90] =	vst.add.f32.msk $0xffff, v1  }
0xcb: {  	[tilespmem:s8+$0xBBA0] =	vst.add.f32.msk $0xffff, v0  }
0xcc: {  	[tilespmem:s8+$0xBBB0] =	vst.add.f32.msk $0xffff, v3  }
0xcd: {  	[tilespmem:s8+$0xC800] =	vst.add.f32.msk $0xffff, v2  }
0xce: {  	[tilespmem:s8+$0xC810] =	vst.add.f32.msk $0xffff, v1  }
0xcf: {  	[tilespmem:s8+$0xC820] =	vst.add.f32.msk $0xffff, v0  }
0xd0: {  	[tilespmem:s8+$0xC830] =	vst.add.f32.msk $0xffff, v3  }
0xd1: {  	[tilespmem:s8+$0xD480] =	vst.add.f32.msk $0xffff, v2  }
0xd2: {  	[tilespmem:s8+$0xD490] =	vst.add.f32.msk $0xffff, v1  }
0xd3: {  	[tilespmem:s8+$0xD4A0] =	vst.add.f32.msk $0xffff, v0  }
0xd4: {  	[tilespmem:s8+$0xD4B0] =	vst.add.f32.msk $0xffff, v3  }
0xd5: {  	[tilespmem:s8+$0xE100] =	vst.add.f32.msk $0xffff, v2  }
0xd6: {  	[tilespmem:s8+$0xE110] =	vst.add.f32.msk $0xffff, v1  }
0xd7: {  	[tilespmem:s8+$0xE120] =	vst.add.f32.msk $0xffff, v0  }
0xd8: {  	[tilespmem:s8+$0xE130] =	vst.add.f32.msk $0xffff, v3  }
0xd9: {  	[tilespmem:s8+$0xED80] =	vst.add.f32.msk $0xffff, v2  }
.Ltmp1:
0xda: {  	[tilespmem:s8+$0xED90] =	vst.add.f32.msk $0xffff, v1;
	(pc) =	sbr.rel @p0 .LBB2_4-.Ltmp1, $4  }
0xdb: {  	[tilespmem:s8+$0xEDA0] =	vst.add.f32.msk $0xffff, v0  }
0xdc: {  	[tilespmem:s8+$0xEDB0] =	vst.add.f32.msk $0xffff, v3  }
0xdd: {  	[tilespmem:s8+$0xFA00] =	vst.add.f32.msk $0xffff, v2  }
0xde: {  	s10 =	sshra.s32 s9, $0x2;
	s9 =	sadd.s32 $0x100, s9;
	[tilespmem:s8+$0xFA10] =	vst.add.f32.msk $0xffff, v1  }
0xdf: {  	v1 =	vld [tilespmem:s10+$0x3230]  }
0xe0: {  	v2 =	vld [tilespmem:s10+$0x3200]  }
0xe1: {  	v3 =	vld [tilespmem:s10+$0x3210]  }
0xe2: {  	v4 =	vld [tilespmem:s10+$0x3220]  }
0xe3: {  	[tilespmem:s8+$0xFA20] =	vst.add.f32.msk $0xffff, v0  }
0xe4: {  	[tilespmem:s10+$0xFA30] =	vst.add.f32.msk $0xffff, v1  }
0xe5: {  	[tilespmem:s10+$0x3E80] =	vst.add.f32.msk $0xffff, v2  }
0xe6: {  	[tilespmem:s10+$0x3E90] =	vst.add.f32.msk $0xffff, v3  }
0xe7: {  	[tilespmem:s10+$0x3EA0] =	vst.add.f32.msk $0xffff, v4  }
0xe8: {  	[tilespmem:s10+$0x3EB0] =	vst.add.f32.msk $0xffff, v1  }
0xe9: {  	[tilespmem:s10+$0x4B00] =	vst.add.f32.msk $0xffff, v2  }
0xea: {  	[tilespmem:s10+$0x4B10] =	vst.add.f32.msk $0xffff, v3  }
0xeb: {  	[tilespmem:s10+$0x4B20] =	vst.add.f32.msk $0xffff, v4  }
0xec: {  	[tilespmem:s10+$0x4B30] =	vst.add.f32.msk $0xffff, v1  }
0xed: {  	[tilespmem:s10+$0x5780] =	vst.add.f32.msk $0xffff, v2  }
0xee: {  	[tilespmem:s10+$0x5790] =	vst.add.f32.msk $0xffff, v3  }
0xef: {  	[tilespmem:s10+$0x57A0] =	vst.add.f32.msk $0xffff, v4  }
0xf0: {  	[tilespmem:s10+$0x57B0] =	vst.add.f32.msk $0xffff, v1  }
0xf1: {  	[tilespmem:s10+$0x6400] =	vst.add.f32.msk $0xffff, v2  }
0xf2: {  	[tilespmem:s10+$0x6410] =	vst.add.f32.msk $0xffff, v3  }
0xf3: {  	[tilespmem:s10+$0x6420] =	vst.add.f32.msk $0xffff, v4  }
0xf4: {  	[tilespmem:s10+$0x6430] =	vst.add.f32.msk $0xffff, v1  }
0xf5: {  	[tilespmem:s10+$0x7080] =	vst.add.f32.msk $0xffff, v2  }
0xf6: {  	[tilespmem:s10+$0x7090] =	vst.add.f32.msk $0xffff, v3  }
0xf7: {  	[tilespmem:s10+$0x70A0] =	vst.add.f32.msk $0xffff, v4  }
0xf8: {  	[tilespmem:s10+$0x70B0] =	vst.add.f32.msk $0xffff, v1  }
0xf9: {  	[tilespmem:s10+$0x7D00] =	vst.add.f32.msk $0xffff, v2  }
0xfa: {  	[tilespmem:s10+$0x7D10] =	vst.add.f32.msk $0xffff, v3  }
0xfb: {  	[tilespmem:s10+$0x7D20] =	vst.add.f32.msk $0xffff, v4  }
0xfc: {  	[tilespmem:s10+$0x7D30] =	vst.add.f32.msk $0xffff, v1  }
0xfd: {  	[tilespmem:s10+$0x8980] =	vst.add.f32.msk $0xffff, v2  }
0xfe: {  	[tilespmem:s10+$0x8990] =	vst.add.f32.msk $0xffff, v3  }
0xff: {  	[tilespmem:s10+$0x89A0] =	vst.add.f32.msk $0xffff, v4  }
0x100: {  	[tilespmem:s10+$0x89B0] =	vst.add.f32.msk $0xffff, v1  }
0x101: {  	[tilespmem:s10+$0x9600] =	vst.add.f32.msk $0xffff, v2  }
0x102: {  	[tilespmem:s10+$0x9610] =	vst.add.f32.msk $0xffff, v3  }
0x103: {  	[tilespmem:s10+$0x9620] =	vst.add.f32.msk $0xffff, v4  }
0x104: {  	[tilespmem:s10+$0x9630] =	vst.add.f32.msk $0xffff, v1  }
0x105: {  	[tilespmem:s10+$0xA280] =	vst.add.f32.msk $0xffff, v2  }
0x106: {  	[tilespmem:s10+$0xA290] =	vst.add.f32.msk $0xffff, v3  }
0x107: {  	[tilespmem:s10+$0xA2A0] =	vst.add.f32.msk $0xffff, v4  }
0x108: {  	[tilespmem:s10+$0xA2B0] =	vst.add.f32.msk $0xffff, v1  }
0x109: {  	[tilespmem:s10+$0xAF00] =	vst.add.f32.msk $0xffff, v2  }
0x10a: {  	[tilespmem:s10+$0xAF10] =	vst.add.f32.msk $0xffff, v3  }
0x10b: {  	[tilespmem:s10+$0xAF20] =	vst.add.f32.msk $0xffff, v4  }
0x10c: {  	[tilespmem:s10+$0xAF30] =	vst.add.f32.msk $0xffff, v1  }
0x10d: {  	[tilespmem:s10+$0xBB80] =	vst.add.f32.msk $0xffff, v2  }
0x10e: {  	[tilespmem:s10+$0xBB90] =	vst.add.f32.msk $0xffff, v3  }
0x10f: {  	[tilespmem:s10+$0xBBA0] =	vst.add.f32.msk $0xffff, v4  }
0x110: {  	[tilespmem:s10+$0xBBB0] =	vst.add.f32.msk $0xffff, v1  }
0x111: {  	[tilespmem:s10+$0xC800] =	vst.add.f32.msk $0xffff, v2  }
0x112: {  	[tilespmem:s10+$0xC810] =	vst.add.f32.msk $0xffff, v3  }
0x113: {  	[tilespmem:s10+$0xC820] =	vst.add.f32.msk $0xffff, v4  }
0x114: {  	[tilespmem:s10+$0xC830] =	vst.add.f32.msk $0xffff, v1  }
0x115: {  	[tilespmem:s10+$0xD480] =	vst.add.f32.msk $0xffff, v2  }
0x116: {  	[tilespmem:s10+$0xD490] =	vst.add.f32.msk $0xffff, v3  }
0x117: {  	[tilespmem:s10+$0xD4A0] =	vst.add.f32.msk $0xffff, v4  }
0x118: {  	[tilespmem:s10+$0xD4B0] =	vst.add.f32.msk $0xffff, v1  }
0x119: {  	[tilespmem:s10+$0xE100] =	vst.add.f32.msk $0xffff, v2  }
0x11a: {  	[tilespmem:s10+$0xE110] =	vst.add.f32.msk $0xffff, v3  }
0x11b: {  	[tilespmem:s10+$0xE120] =	vst.add.f32.msk $0xffff, v4  }
0x11c: {  	[tilespmem:s10+$0xE130] =	vst.add.f32.msk $0xffff, v1  }
0x11d: {  	[tilespmem:s10+$0xED80] =	vst.add.f32.msk $0xffff, v2  }
0x11e: {  	[tilespmem:s10+$0xED90] =	vst.add.f32.msk $0xffff, v3  }
0x11f: {  	[tilespmem:s10+$0xEDA0] =	vst.add.f32.msk $0xffff, v4  }
0x120: {  	[tilespmem:s10+$0xEDB0] =	vst.add.f32.msk $0xffff, v1  }
0x121: {  	[tilespmem:s10+$0xFA00] =	vst.add.f32.msk $0xffff, v2  }
0x122: {  	[tilespmem:s10+$0xFA10] =	vst.add.f32.msk $0xffff, v3  }
0x123: {  	s9 =	rddreg [dreg:$0x5];
	[tilespmem:s10+$0xFA20] =	vst.add.f32.msk $0xffff, v4;
	s10 =	simm.s32 $0x0  }
0x124: {  	[hbm4b:s9+s10] =	stream.linear.scatter [tilespmem:s19], [sflag:$0x3], $0xC800, $0x38;
	[tilespmem:$0x1CE80] =	vst v63  }
0x125: {  	_ =	swait.ge [sflag:s4], $0xC800  }
0x126: {  	[sflag:s4] =	ssyncset.done $0x0  }
0x127: {  	s10 =	simm.s32 $0x1F40;
	[sflag:s4] =	ssyncadd.s32 $0xFFFF3800  }
0x128: {  	[tilespmem:s19], [sflag:$0x1] =	stream.indirect.gather [hbm4b:s3+s17], $0x40, s10, s17, $0xb8;
	[tilespmem:$0x1CE80] =	vst v63  }
0x129: {  	s9 =	simm.s32 $0x1FC0  }
0x12a: {  	[tilespmem:s21], [sflag:$0x1] =	stream.indirect.gather [hbm4b:s3+s17], $0x40, s9, s17, $0xb8;
	[tilespmem:$0x1CE80] =	vst v63  }
0x12b: {  	s10 =	simm.s32 $0x2040  }
0x12c: {  	[tilespmem:s23], [sflag:$0x1] =	stream.indirect.gather [hbm4b:s3+s17], $0x40, s10, s17, $0xb8;
	[tilespmem:$0x1CE80] =	vst v63  }
0x12d: {  	s9 =	simm.s32 $0x20C0  }
0x12e: {  	[tilespmem:s25], [sflag:$0x1] =	stream.indirect.gather [hbm4b:s3+s17], $0x40, s9, s17, $0xb8;
	[tilespmem:$0x1CE80] =	vst v63  }
0x12f: {  	s10 =	simm.s32 $0x2140  }
0x130: {  	[tilespmem:s28], [sflag:$0x1] =	stream.indirect.gather [hbm4b:s3+s17], $0x40, s10, s17, $0xb8;
	[tilespmem:$0x1CE80] =	vst v63  }
0x131: {  	s9 =	simm.s32 $0x21C0  }
0x132: {  	[tilespmem:s30], [sflag:$0x1] =	stream.indirect.gather [hbm4b:s3+s17], $0x40, s9, s17, $0xb8;
	[tilespmem:$0x1CE80] =	vst v63  }
0x133: {  	s10 =	simm.s32 $0x2240  }
0x134: {  	[tilespmem:s0], [sflag:$0x1] =	stream.indirect.gather [hbm4b:s3+s31], $0x40, s10, s31, $0xb8;
	[tilespmem:$0x1CE80] =	vst v63  }
0x135: {  	_ =	swait.ge [sflag:s5], $0x2000  }
0x136: {  	[sflag:s5] =	ssyncset.done $0x0  }
0x137: {  	[sflag:s5] =	ssyncadd.s32 $0xFFFFE000  }
0x138: {  	_ =	swait.ge [sflag:s5], $0x2000  }
0x139: {  	[sflag:s5] =	ssyncset.done $0x0  }
0x13a: {  	[sflag:s5] =	ssyncadd.s32 $0xFFFFE000  }
0x13b: {  	_ =	swait.ge [sflag:s5], $0x2000  }
0x13c: {  	[sflag:s5] =	ssyncset.done $0x0  }
0x13d: {  	[sflag:s5] =	ssyncadd.s32 $0xFFFFE000  }
0x13e: {  	_ =	swait.ge [sflag:s5], $0x2000  }
0x13f: {  	[sflag:s5] =	ssyncset.done $0x0  }
0x140: {  	[sflag:s5] =	ssyncadd.s32 $0xFFFFE000  }
0x141: {  	_ =	swait.ge [sflag:s5], $0x2000  }
0x142: {  	[sflag:s5] =	ssyncset.done $0x0  }
0x143: {  	[sflag:s5] =	ssyncadd.s32 $0xFFFFE000  }
0x144: {  	_ =	swait.ge [sflag:s5], $0x2000  }
0x145: {  	[sflag:s5] =	ssyncset.done $0x0  }
0x146: {  	[sflag:s5] =	ssyncadd.s32 $0xFFFFE000  }
0x147: {  	_ =	swait.ge [sflag:s5], $0x800  }
0x148: {  	[sflag:s5] =	ssyncset.done $0x0  }
0x149: {  	s8 =	simm.s32 $0x0;
	[sflag:s5] =	ssyncadd.s32 $0xFFFFF800  }
0x14a: {  	v1 =	vld [tilespmem:s8+$0x3230]  }
0x14b: {  	v2 =	vld [tilespmem:s8+$0x3200]  }
0x14c: {  	v3 =	vld [tilespmem:s8+$0x3210]  }
0x14d: {  	v0 =	vld [tilespmem:s8+$0x3220];
	_ =	sdelay $0x1  }
0x14e: {  	[tilespmem:s8+$0x1C230] =	vst.add.f32.msk $0xffff, v1  }
0x14f: {  	[tilespmem:s8+$0x10680] =	vst.add.f32.msk $0xffff, v2  }
0x150: {  	[tilespmem:s8+$0x10690] =	vst.add.f32.msk $0xffff, v3  }
0x151: {  	[tilespmem:s8+$0x106A0] =	vst.add.f32.msk $0xffff, v0  }
0x152: {  	[tilespmem:s8+$0x106B0] =	vst.add.f32.msk $0xffff, v1  }
0x153: {  	[tilespmem:s8+$0x11300] =	vst.add.f32.msk $0xffff, v2  }
0x154: {  	[tilespmem:s8+$0x11310] =	vst.add.f32.msk $0xffff, v3  }
0x155: {  	[tilespmem:s8+$0x11320] =	vst.add.f32.msk $0xffff, v0  }
0x156: {  	[tilespmem:s8+$0x11330] =	vst.add.f32.msk $0xffff, v1  }
0x157: {  	[tilespmem:s8+$0x11F80] =	vst.add.f32.msk $0xffff, v2  }
0x158: {  	[tilespmem:s8+$0x11F90] =	vst.add.f32.msk $0xffff, v3  }
0x159: {  	[tilespmem:s8+$0x11FA0] =	vst.add.f32.msk $0xffff, v0  }
0x15a: {  	[tilespmem:s8+$0x11FB0] =	vst.add.f32.msk $0xffff, v1  }
0x15b: {  	[tilespmem:s8+$0x12C00] =	vst.add.f32.msk $0xffff, v2  }
0x15c: {  	[tilespmem:s8+$0x12C10] =	vst.add.f32.msk $0xffff, v3  }
0x15d: {  	[tilespmem:s8+$0x12C20] =	vst.add.f32.msk $0xffff, v0  }
0x15e: {  	[tilespmem:s8+$0x12C30] =	vst.add.f32.msk $0xffff, v1  }
0x15f: {  	[tilespmem:s8+$0x13880] =	vst.add.f32.msk $0xffff, v2  }
0x160: {  	[tilespmem:s8+$0x13890] =	vst.add.f32.msk $0xffff, v3  }
0x161: {  	[tilespmem:s8+$0x138A0] =	vst.add.f32.msk $0xffff, v0  }
0x162: {  	[tilespmem:s8+$0x138B0] =	vst.add.f32.msk $0xffff, v1  }
0x163: {  	[tilespmem:s8+$0x14500] =	vst.add.f32.msk $0xffff, v2  }
0x164: {  	[tilespmem:s8+$0x14510] =	vst.add.f32.msk $0xffff, v3  }
0x165: {  	[tilespmem:s8+$0x14520] =	vst.add.f32.msk $0xffff, v0  }
0x166: {  	[tilespmem:s8+$0x14530] =	vst.add.f32.msk $0xffff, v1  }
0x167: {  	[tilespmem:s8+$0x15180] =	vst.add.f32.msk $0xffff, v2  }
0x168: {  	[tilespmem:s8+$0x15190] =	vst.add.f32.msk $0xffff, v3  }
0x169: {  	[tilespmem:s8+$0x151A0] =	vst.add.f32.msk $0xffff, v0  }
0x16a: {  	[tilespmem:s8+$0x151B0] =	vst.add.f32.msk $0xffff, v1  }
0x16b: {  	[tilespmem:s8+$0x15E00] =	vst.add.f32.msk $0xffff, v2  }
0x16c: {  	[tilespmem:s8+$0x15E10] =	vst.add.f32.msk $0xffff, v3  }
0x16d: {  	[tilespmem:s8+$0x15E20] =	vst.add.f32.msk $0xffff, v0  }
0x16e: {  	[tilespmem:s8+$0x15E30] =	vst.add.f32.msk $0xffff, v1  }
0x16f: {  	[tilespmem:s8+$0x16A80] =	vst.add.f32.msk $0xffff, v2  }
0x170: {  	[tilespmem:s8+$0x16A90] =	vst.add.f32.msk $0xffff, v3  }
0x171: {  	[tilespmem:s8+$0x16AA0] =	vst.add.f32.msk $0xffff, v0  }
0x172: {  	[tilespmem:s8+$0x16AB0] =	vst.add.f32.msk $0xffff, v1  }
0x173: {  	[tilespmem:s8+$0x17700] =	vst.add.f32.msk $0xffff, v2  }
0x174: {  	[tilespmem:s8+$0x17710] =	vst.add.f32.msk $0xffff, v3  }
0x175: {  	[tilespmem:s8+$0x17720] =	vst.add.f32.msk $0xffff, v0  }
0x176: {  	[tilespmem:s8+$0x17730] =	vst.add.f32.msk $0xffff, v1  }
0x177: {  	[tilespmem:s8+$0x18380] =	vst.add.f32.msk $0xffff, v2  }
0x178: {  	[tilespmem:s8+$0x18390] =	vst.add.f32.msk $0xffff, v3  }
0x179: {  	[tilespmem:s8+$0x183A0] =	vst.add.f32.msk $0xffff, v0  }
0x17a: {  	[tilespmem:s8+$0x183B0] =	vst.add.f32.msk $0xffff, v1  }
0x17b: {  	[tilespmem:s8+$0x19000] =	vst.add.f32.msk $0xffff, v2  }
0x17c: {  	[tilespmem:s8+$0x19010] =	vst.add.f32.msk $0xffff, v3  }
0x17d: {  	[tilespmem:s8+$0x19020] =	vst.add.f32.msk $0xffff, v0  }
0x17e: {  	[tilespmem:s8+$0x19030] =	vst.add.f32.msk $0xffff, v1  }
0x17f: {  	[tilespmem:s8+$0x19C80] =	vst.add.f32.msk $0xffff, v2  }
0x180: {  	[tilespmem:s8+$0x19C90] =	vst.add.f32.msk $0xffff, v3  }
0x181: {  	[tilespmem:s8+$0x19CA0] =	vst.add.f32.msk $0xffff, v0  }
0x182: {  	[tilespmem:s8+$0x19CB0] =	vst.add.f32.msk $0xffff, v1  }
0x183: {  	[tilespmem:s8+$0x1A900] =	vst.add.f32.msk $0xffff, v2  }
0x184: {  	[tilespmem:s8+$0x1A910] =	vst.add.f32.msk $0xffff, v3  }
0x185: {  	[tilespmem:s8+$0x1A920] =	vst.add.f32.msk $0xffff, v0  }
0x186: {  	[tilespmem:s8+$0x1A930] =	vst.add.f32.msk $0xffff, v1  }
0x187: {  	[tilespmem:s8+$0x1B580] =	vst.add.f32.msk $0xffff, v2  }
0x188: {  	[tilespmem:s8+$0x1B590] =	vst.add.f32.msk $0xffff, v3  }
0x189: {  	[tilespmem:s8+$0x1B5A0] =	vst.add.f32.msk $0xffff, v0  }
0x18a: {  	[tilespmem:s8+$0x1B5B0] =	vst.add.f32.msk $0xffff, v1  }
0x18b: {  	[tilespmem:s8+$0x1C200] =	vst.add.f32.msk $0xffff, v2  }
0x18c: {  	s9 =	simm.s32 $0x200;
	s10 =	simm.s32 $0x40;
	[tilespmem:s8+$0x1C210] =	vst.add.f32.msk $0xffff, v3  }
.LBB2_6:
0x18d: {  	p0 =	sne.s32 s9, $0x3100;
	v3 =	vld [tilespmem:s10+$0x3230]  }
0x18e: {  	v2 =	vld [tilespmem:s10+$0x3200]  }
0x18f: {  	v1 =	vld [tilespmem:s10+$0x3210]  }
0x190: {  	v4 =	vld [tilespmem:s10+$0x3220]  }
0x191: {  	[tilespmem:s8+$0x1C220] =	vst.add.f32.msk $0xffff, v0;
	s8 =	smov.u32 s10  }
0x192: {  	[tilespmem:s8+$0x1C230] =	vst.add.f32.msk $0xffff, v3  }
0x193: {  	[tilespmem:s8+$0x10680] =	vst.add.f32.msk $0xffff, v2  }
0x194: {  	[tilespmem:s8+$0x10690] =	vst.add.f32.msk $0xffff, v1  }
0x195: {  	[tilespmem:s8+$0x106A0] =	vst.add.f32.msk $0xffff, v4;
	v0 =	vmov v4  }
0x196: {  	[tilespmem:s8+$0x106B0] =	vst.add.f32.msk $0xffff, v3  }
0x197: {  	[tilespmem:s8+$0x11300] =	vst.add.f32.msk $0xffff, v2  }
0x198: {  	[tilespmem:s8+$0x11310] =	vst.add.f32.msk $0xffff, v1  }
0x199: {  	[tilespmem:s8+$0x11320] =	vst.add.f32.msk $0xffff, v0  }
0x19a: {  	[tilespmem:s8+$0x11330] =	vst.add.f32.msk $0xffff, v3  }
0x19b: {  	[tilespmem:s8+$0x11F80] =	vst.add.f32.msk $0xffff, v2  }
0x19c: {  	[tilespmem:s8+$0x11F90] =	vst.add.f32.msk $0xffff, v1  }
0x19d: {  	[tilespmem:s8+$0x11FA0] =	vst.add.f32.msk $0xffff, v0  }
0x19e: {  	[tilespmem:s8+$0x11FB0] =	vst.add.f32.msk $0xffff, v3  }
0x19f: {  	[tilespmem:s8+$0x12C00] =	vst.add.f32.msk $0xffff, v2  }
0x1a0: {  	[tilespmem:s8+$0x12C10] =	vst.add.f32.msk $0xffff, v1  }
0x1a1: {  	[tilespmem:s8+$0x12C20] =	vst.add.f32.msk $0xffff, v0  }
0x1a2: {  	[tilespmem:s8+$0x12C30] =	vst.add.f32.msk $0xffff, v3  }
0x1a3: {  	[tilespmem:s8+$0x13880] =	vst.add.f32.msk $0xffff, v2  }
0x1a4: {  	[tilespmem:s8+$0x13890] =	vst.add.f32.msk $0xffff, v1  }
0x1a5: {  	[tilespmem:s8+$0x138A0] =	vst.add.f32.msk $0xffff, v0  }
0x1a6: {  	[tilespmem:s8+$0x138B0] =	vst.add.f32.msk $0xffff, v3  }
0x1a7: {  	[tilespmem:s8+$0x14500] =	vst.add.f32.msk $0xffff, v2  }
0x1a8: {  	[tilespmem:s8+$0x14510] =	vst.add.f32.msk $0xffff, v1  }
0x1a9: {  	[tilespmem:s8+$0x14520] =	vst.add.f32.msk $0xffff, v0  }
0x1aa: {  	[tilespmem:s8+$0x14530] =	vst.add.f32.msk $0xffff, v3  }
0x1ab: {  	[tilespmem:s8+$0x15180] =	vst.add.f32.msk $0xffff, v2  }
0x1ac: {  	[tilespmem:s8+$0x15190] =	vst.add.f32.msk $0xffff, v1  }
0x1ad: {  	[tilespmem:s8+$0x151A0] =	vst.add.f32.msk $0xffff, v0  }
0x1ae: {  	[tilespmem:s8+$0x151B0] =	vst.add.f32.msk $0xffff, v3  }
0x1af: {  	[tilespmem:s8+$0x15E00] =	vst.add.f32.msk $0xffff, v2  }
0x1b0: {  	[tilespmem:s8+$0x15E10] =	vst.add.f32.msk $0xffff, v1  }
0x1b1: {  	[tilespmem:s8+$0x15E20] =	vst.add.f32.msk $0xffff, v0  }
0x1b2: {  	[tilespmem:s8+$0x15E30] =	vst.add.f32.msk $0xffff, v3  }
0x1b3: {  	[tilespmem:s8+$0x16A80] =	vst.add.f32.msk $0xffff, v2  }
0x1b4: {  	[tilespmem:s8+$0x16A90] =	vst.add.f32.msk $0xffff, v1  }
0x1b5: {  	[tilespmem:s8+$0x16AA0] =	vst.add.f32.msk $0xffff, v0  }
0x1b6: {  	[tilespmem:s8+$0x16AB0] =	vst.add.f32.msk $0xffff, v3  }
0x1b7: {  	[tilespmem:s8+$0x17700] =	vst.add.f32.msk $0xffff, v2  }
0x1b8: {  	[tilespmem:s8+$0x17710] =	vst.add.f32.msk $0xffff, v1  }
0x1b9: {  	[tilespmem:s8+$0x17720] =	vst.add.f32.msk $0xffff, v0  }
0x1ba: {  	[tilespmem:s8+$0x17730] =	vst.add.f32.msk $0xffff, v3  }
0x1bb: {  	[tilespmem:s8+$0x18380] =	vst.add.f32.msk $0xffff, v2  }
0x1bc: {  	[tilespmem:s8+$0x18390] =	vst.add.f32.msk $0xffff, v1  }
0x1bd: {  	[tilespmem:s8+$0x183A0] =	vst.add.f32.msk $0xffff, v0  }
0x1be: {  	[tilespmem:s8+$0x183B0] =	vst.add.f32.msk $0xffff, v3  }
0x1bf: {  	[tilespmem:s8+$0x19000] =	vst.add.f32.msk $0xffff, v2  }
0x1c0: {  	[tilespmem:s8+$0x19010] =	vst.add.f32.msk $0xffff, v1  }
0x1c1: {  	[tilespmem:s8+$0x19020] =	vst.add.f32.msk $0xffff, v0  }
0x1c2: {  	[tilespmem:s8+$0x19030] =	vst.add.f32.msk $0xffff, v3  }
0x1c3: {  	[tilespmem:s8+$0x19C80] =	vst.add.f32.msk $0xffff, v2  }
0x1c4: {  	[tilespmem:s8+$0x19C90] =	vst.add.f32.msk $0xffff, v1  }
0x1c5: {  	[tilespmem:s8+$0x19CA0] =	vst.add.f32.msk $0xffff, v0  }
0x1c6: {  	[tilespmem:s8+$0x19CB0] =	vst.add.f32.msk $0xffff, v3  }
0x1c7: {  	[tilespmem:s8+$0x1A900] =	vst.add.f32.msk $0xffff, v2  }
0x1c8: {  	[tilespmem:s8+$0x1A910] =	vst.add.f32.msk $0xffff, v1  }
0x1c9: {  	[tilespmem:s8+$0x1A920] =	vst.add.f32.msk $0xffff, v0  }
0x1ca: {  	[tilespmem:s8+$0x1A930] =	vst.add.f32.msk $0xffff, v3  }
0x1cb: {  	[tilespmem:s8+$0x1B580] =	vst.add.f32.msk $0xffff, v2  }
.Ltmp2:
0x1cc: {  	[tilespmem:s8+$0x1B590] =	vst.add.f32.msk $0xffff, v1;
	(pc) =	sbr.rel @p0 .LBB2_6-.Ltmp2, $4  }
0x1cd: {  	[tilespmem:s8+$0x1B5A0] =	vst.add.f32.msk $0xffff, v0  }
0x1ce: {  	[tilespmem:s8+$0x1B5B0] =	vst.add.f32.msk $0xffff, v3  }
0x1cf: {  	[tilespmem:s8+$0x1C200] =	vst.add.f32.msk $0xffff, v2  }
0x1d0: {  	s10 =	sshra.s32 s9, $0x2;
	s9 =	sadd.s32 $0x100, s9;
	[tilespmem:s8+$0x1C210] =	vst.add.f32.msk $0xffff, v1  }
0x1d1: {  	v1 =	vld [tilespmem:s10+$0x3230]  }
0x1d2: {  	v2 =	vld [tilespmem:s10+$0x3200]  }
0x1d3: {  	v3 =	vld [tilespmem:s10+$0x3210]  }
0x1d4: {  	v4 =	vld [tilespmem:s10+$0x3220]  }
0x1d5: {  	[tilespmem:s8+$0x1C220] =	vst.add.f32.msk $0xffff, v0  }
0x1d6: {  	[tilespmem:s10+$0x1C230] =	vst.add.f32.msk $0xffff, v1  }
0x1d7: {  	[tilespmem:s10+$0x10680] =	vst.add.f32.msk $0xffff, v2  }
0x1d8: {  	[tilespmem:s10+$0x10690] =	vst.add.f32.msk $0xffff, v3  }
0x1d9: {  	[tilespmem:s10+$0x106A0] =	vst.add.f32.msk $0xffff, v4  }
0x1da: {  	[tilespmem:s10+$0x106B0] =	vst.add.f32.msk $0xffff, v1  }
0x1db: {  	[tilespmem:s10+$0x11300] =	vst.add.f32.msk $0xffff, v2  }
0x1dc: {  	[tilespmem:s10+$0x11310] =	vst.add.f32.msk $0xffff, v3  }
0x1dd: {  	[tilespmem:s10+$0x11320] =	vst.add.f32.msk $0xffff, v4  }
0x1de: {  	[tilespmem:s10+$0x11330] =	vst.add.f32.msk $0xffff, v1  }
0x1df: {  	[tilespmem:s10+$0x11F80] =	vst.add.f32.msk $0xffff, v2  }
0x1e0: {  	[tilespmem:s10+$0x11F90] =	vst.add.f32.msk $0xffff, v3  }
0x1e1: {  	[tilespmem:s10+$0x11FA0] =	vst.add.f32.msk $0xffff, v4  }
0x1e2: {  	[tilespmem:s10+$0x11FB0] =	vst.add.f32.msk $0xffff, v1  }
0x1e3: {  	[tilespmem:s10+$0x12C00] =	vst.add.f32.msk $0xffff, v2  }
0x1e4: {  	[tilespmem:s10+$0x12C10] =	vst.add.f32.msk $0xffff, v3  }
0x1e5: {  	[tilespmem:s10+$0x12C20] =	vst.add.f32.msk $0xffff, v4  }
0x1e6: {  	[tilespmem:s10+$0x12C30] =	vst.add.f32.msk $0xffff, v1  }
0x1e7: {  	[tilespmem:s10+$0x13880] =	vst.add.f32.msk $0xffff, v2  }
0x1e8: {  	[tilespmem:s10+$0x13890] =	vst.add.f32.msk $0xffff, v3  }
0x1e9: {  	[tilespmem:s10+$0x138A0] =	vst.add.f32.msk $0xffff, v4  }
0x1ea: {  	[tilespmem:s10+$0x138B0] =	vst.add.f32.msk $0xffff, v1  }
0x1eb: {  	[tilespmem:s10+$0x14500] =	vst.add.f32.msk $0xffff, v2  }
0x1ec: {  	[tilespmem:s10+$0x14510] =	vst.add.f32.msk $0xffff, v3  }
0x1ed: {  	[tilespmem:s10+$0x14520] =	vst.add.f32.msk $0xffff, v4  }
0x1ee: {  	[tilespmem:s10+$0x14530] =	vst.add.f32.msk $0xffff, v1  }
0x1ef: {  	[tilespmem:s10+$0x15180] =	vst.add.f32.msk $0xffff, v2  }
0x1f0: {  	[tilespmem:s10+$0x15190] =	vst.add.f32.msk $0xffff, v3  }
0x1f1: {  	[tilespmem:s10+$0x151A0] =	vst.add.f32.msk $0xffff, v4  }
0x1f2: {  	[tilespmem:s10+$0x151B0] =	vst.add.f32.msk $0xffff, v1  }
0x1f3: {  	[tilespmem:s10+$0x15E00] =	vst.add.f32.msk $0xffff, v2  }
0x1f4: {  	[tilespmem:s10+$0x15E10] =	vst.add.f32.msk $0xffff, v3  }
0x1f5: {  	[tilespmem:s10+$0x15E20] =	vst.add.f32.msk $0xffff, v4  }
0x1f6: {  	[tilespmem:s10+$0x15E30] =	vst.add.f32.msk $0xffff, v1  }
0x1f7: {  	[tilespmem:s10+$0x16A80] =	vst.add.f32.msk $0xffff, v2  }
0x1f8: {  	[tilespmem:s10+$0x16A90] =	vst.add.f32.msk $0xffff, v3  }
0x1f9: {  	[tilespmem:s10+$0x16AA0] =	vst.add.f32.msk $0xffff, v4  }
0x1fa: {  	[tilespmem:s10+$0x16AB0] =	vst.add.f32.msk $0xffff, v1  }
0x1fb: {  	[tilespmem:s10+$0x17700] =	vst.add.f32.msk $0xffff, v2  }
0x1fc: {  	[tilespmem:s10+$0x17710] =	vst.add.f32.msk $0xffff, v3  }
0x1fd: {  	[tilespmem:s10+$0x17720] =	vst.add.f32.msk $0xffff, v4  }
0x1fe: {  	[tilespmem:s10+$0x17730] =	vst.add.f32.msk $0xffff, v1  }
0x1ff: {  	[tilespmem:s10+$0x18380] =	vst.add.f32.msk $0xffff, v2  }
0x200: {  	[tilespmem:s10+$0x18390] =	vst.add.f32.msk $0xffff, v3  }
0x201: {  	[tilespmem:s10+$0x183A0] =	vst.add.f32.msk $0xffff, v4  }
0x202: {  	[tilespmem:s10+$0x183B0] =	vst.add.f32.msk $0xffff, v1  }
0x203: {  	[tilespmem:s10+$0x19000] =	vst.add.f32.msk $0xffff, v2  }
0x204: {  	[tilespmem:s10+$0x19010] =	vst.add.f32.msk $0xffff, v3  }
0x205: {  	[tilespmem:s10+$0x19020] =	vst.add.f32.msk $0xffff, v4  }
0x206: {  	[tilespmem:s10+$0x19030] =	vst.add.f32.msk $0xffff, v1  }
0x207: {  	[tilespmem:s10+$0x19C80] =	vst.add.f32.msk $0xffff, v2  }
0x208: {  	[tilespmem:s10+$0x19C90] =	vst.add.f32.msk $0xffff, v3  }
0x209: {  	[tilespmem:s10+$0x19CA0] =	vst.add.f32.msk $0xffff, v4  }
0x20a: {  	[tilespmem:s10+$0x19CB0] =	vst.add.f32.msk $0xffff, v1  }
0x20b: {  	[tilespmem:s10+$0x1A900] =	vst.add.f32.msk $0xffff, v2  }
0x20c: {  	[tilespmem:s10+$0x1A910] =	vst.add.f32.msk $0xffff, v3  }
0x20d: {  	[tilespmem:s10+$0x1A920] =	vst.add.f32.msk $0xffff, v4  }
0x20e: {  	[tilespmem:s10+$0x1A930] =	vst.add.f32.msk $0xffff, v1  }
0x20f: {  	[tilespmem:s10+$0x1B580] =	vst.add.f32.msk $0xffff, v2  }
0x210: {  	[tilespmem:s10+$0x1B590] =	vst.add.f32.msk $0xffff, v3  }
0x211: {  	[tilespmem:s10+$0x1B5A0] =	vst.add.f32.msk $0xffff, v4  }
0x212: {  	[tilespmem:s10+$0x1B5B0] =	vst.add.f32.msk $0xffff, v1  }
0x213: {  	[tilespmem:s10+$0x1C200] =	vst.add.f32.msk $0xffff, v2  }
0x214: {  	[tilespmem:s10+$0x1C210] =	vst.add.f32.msk $0xffff, v3  }
0x215: {  	s9 =	rddreg [dreg:$0x6];
	[tilespmem:s10+$0x1C220] =	vst.add.f32.msk $0xffff, v4;
	s10 =	simm.s32 $0x0  }
0x216: {  	[hbm4b:s9+s10] =	stream.linear.scatter [tilespmem:s18], [sflag:$0x4], $0xC800, $0x38;
	[tilespmem:$0x1CE80] =	vst v63  }
0x217: {  	_ =	swait.ge [sflag:s6], $0xC800  }
0x218: {  	[sflag:s6] =	ssyncset.done $0x0  }
0x219: {  	s10 =	simm.s32 $0x2260;
	[sflag:s6] =	ssyncadd.s32 $0xFFFF3800  }
0x21a: {  	[tilespmem:s18], [sflag:$0x2] =	stream.indirect.gather [hbm4b:s3+s17], $0x40, s10, s17, $0xb8;
	[tilespmem:$0x1CE80] =	vst v63  }
0x21b: {  	s9 =	simm.s32 $0x22E0  }
0x21c: {  	[tilespmem:s22], [sflag:$0x2] =	stream.indirect.gather [hbm4b:s3+s17], $0x40, s9, s17, $0xb8;
	[tilespmem:$0x1CE80] =	vst v63  }
0x21d: {  	s10 =	simm.s32 $0x2360  }
0x21e: {  	[tilespmem:s26], [sflag:$0x2] =	stream.indirect.gather [hbm4b:s3+s17], $0x40, s10, s17, $0xb8;
	[tilespmem:$0x1CE80] =	vst v63  }
0x21f: {  	s9 =	simm.s32 $0x23E0  }
0x220: {  	[tilespmem:s1], [sflag:$0x2] =	stream.indirect.gather [hbm4b:s3+s17], $0x40, s9, s17, $0xb8;
	[tilespmem:$0x1CE80] =	vst v63  }
0x221: {  	s10 =	simm.s32 $0x2460  }
0x222: {  	[tilespmem:s20], [sflag:$0x2] =	stream.indirect.gather [hbm4b:s3+s17], $0x40, s10, s17, $0xb8;
	[tilespmem:$0x1CE80] =	vst v63  }
0x223: {  	s9 =	simm.s32 $0x24E0  }
0x224: {  	[tilespmem:s29], [sflag:$0x2] =	stream.indirect.gather [hbm4b:s3+s17], $0x40, s9, s17, $0xb8;
	[tilespmem:$0x1CE80] =	vst v63  }
0x225: {  	s10 =	simm.s32 $0x2560  }
0x226: {  	[tilespmem:s24], [sflag:$0x2] =	stream.indirect.gather [hbm4b:s3+s31], $0x40, s10, s31, $0xb8;
	[tilespmem:$0x1CE80] =	vst v63  }
0x227: {  	_ =	swait.ge [sflag:s16], $0x2000  }
0x228: {  	[sflag:s16] =	ssyncset.done $0x0  }
0x229: {  	[sflag:s16] =	ssyncadd.s32 $0xFFFFE000  }
0x22a: {  	_ =	swait.ge [sflag:s16], $0x2000  }
0x22b: {  	[sflag:s16] =	ssyncset.done $0x0  }
0x22c: {  	[sflag:s16] =	ssyncadd.s32 $0xFFFFE000  }
0x22d: {  	_ =	swait.ge [sflag:s16], $0x2000  }
0x22e: {  	[sflag:s16] =	ssyncset.done $0x0  }
0x22f: {  	[sflag:s16] =	ssyncadd.s32 $0xFFFFE000  }
0x230: {  	_ =	swait.ge [sflag:s16], $0x2000  }
0x231: {  	[sflag:s16] =	ssyncset.done $0x0  }
0x232: {  	[sflag:s16] =	ssyncadd.s32 $0xFFFFE000  }
0x233: {  	_ =	swait.ge [sflag:s16], $0x2000  }
0x234: {  	[sflag:s16] =	ssyncset.done $0x0  }
0x235: {  	[sflag:s16] =	ssyncadd.s32 $0xFFFFE000  }
0x236: {  	_ =	swait.ge [sflag:s16], $0x2000  }
0x237: {  	[sflag:s16] =	ssyncset.done $0x0  }
0x238: {  	[sflag:s16] =	ssyncadd.s32 $0xFFFFE000  }
0x239: {  	_ =	swait.ge [sflag:s16], $0x800  }
0x23a: {  	[sflag:s16] =	ssyncset.done $0x0  }
0x23b: {  	s8 =	simm.s32 $0x0;
	[sflag:s16] =	ssyncadd.s32 $0xFFFFF800  }
0x23c: {  	v1 =	vld [tilespmem:s8+$0x3230]  }
0x23d: {  	v2 =	vld [tilespmem:s8+$0x3200]  }
0x23e: {  	v3 =	vld [tilespmem:s8+$0x3210]  }
0x23f: {  	v0 =	vld [tilespmem:s8+$0x3220];
	_ =	sdelay $0x1  }
0x240: {  	[tilespmem:s8+$0xFA30] =	vst.add.f32.msk $0xffff, v1  }
0x241: {  	[tilespmem:s8+$0x3E80] =	vst.add.f32.msk $0xffff, v2  }
0x242: {  	[tilespmem:s8+$0x3E90] =	vst.add.f32.msk $0xffff, v3  }
0x243: {  	[tilespmem:s8+$0x3EA0] =	vst.add.f32.msk $0xffff, v0  }
0x244: {  	[tilespmem:s8+$0x3EB0] =	vst.add.f32.msk $0xffff, v1  }
0x245: {  	[tilespmem:s8+$0x4B00] =	vst.add.f32.msk $0xffff, v2  }
0x246: {  	[tilespmem:s8+$0x4B10] =	vst.add.f32.msk $0xffff, v3  }
0x247: {  	[tilespmem:s8+$0x4B20] =	vst.add.f32.msk $0xffff, v0  }
0x248: {  	[tilespmem:s8+$0x4B30] =	vst.add.f32.msk $0xffff, v1  }
0x249: {  	[tilespmem:s8+$0x5780] =	vst.add.f32.msk $0xffff, v2  }
0x24a: {  	[tilespmem:s8+$0x5790] =	vst.add.f32.msk $0xffff, v3  }
0x24b: {  	[tilespmem:s8+$0x57A0] =	vst.add.f32.msk $0xffff, v0  }
0x24c: {  	[tilespmem:s8+$0x57B0] =	vst.add.f32.msk $0xffff, v1  }
0x24d: {  	[tilespmem:s8+$0x6400] =	vst.add.f32.msk $0xffff, v2  }
0x24e: {  	[tilespmem:s8+$0x6410] =	vst.add.f32.msk $0xffff, v3  }
0x24f: {  	[tilespmem:s8+$0x6420] =	vst.add.f32.msk $0xffff, v0  }
0x250: {  	[tilespmem:s8+$0x6430] =	vst.add.f32.msk $0xffff, v1  }
0x251: {  	[tilespmem:s8+$0x7080] =	vst.add.f32.msk $0xffff, v2  }
0x252: {  	[tilespmem:s8+$0x7090] =	vst.add.f32.msk $0xffff, v3  }
0x253: {  	[tilespmem:s8+$0x70A0] =	vst.add.f32.msk $0xffff, v0  }
0x254: {  	[tilespmem:s8+$0x70B0] =	vst.add.f32.msk $0xffff, v1  }
0x255: {  	[tilespmem:s8+$0x7D00] =	vst.add.f32.msk $0xffff, v2  }
0x256: {  	[tilespmem:s8+$0x7D10] =	vst.add.f32.msk $0xffff, v3  }
0x257: {  	[tilespmem:s8+$0x7D20] =	vst.add.f32.msk $0xffff, v0  }
0x258: {  	[tilespmem:s8+$0x7D30] =	vst.add.f32.msk $0xffff, v1  }
0x259: {  	[tilespmem:s8+$0x8980] =	vst.add.f32.msk $0xffff, v2  }
0x25a: {  	[tilespmem:s8+$0x8990] =	vst.add.f32.msk $0xffff, v3  }
0x25b: {  	[tilespmem:s8+$0x89A0] =	vst.add.f32.msk $0xffff, v0  }
0x25c: {  	[tilespmem:s8+$0x89B0] =	vst.add.f32.msk $0xffff, v1  }
0x25d: {  	[tilespmem:s8+$0x9600] =	vst.add.f32.msk $0xffff, v2  }
0x25e: {  	[tilespmem:s8+$0x9610] =	vst.add.f32.msk $0xffff, v3  }
0x25f: {  	[tilespmem:s8+$0x9620] =	vst.add.f32.msk $0xffff, v0  }
0x260: {  	[tilespmem:s8+$0x9630] =	vst.add.f32.msk $0xffff, v1  }
0x261: {  	[tilespmem:s8+$0xA280] =	vst.add.f32.msk $0xffff, v2  }
0x262: {  	[tilespmem:s8+$0xA290] =	vst.add.f32.msk $0xffff, v3  }
0x263: {  	[tilespmem:s8+$0xA2A0] =	vst.add.f32.msk $0xffff, v0  }
0x264: {  	[tilespmem:s8+$0xA2B0] =	vst.add.f32.msk $0xffff, v1  }
0x265: {  	[tilespmem:s8+$0xAF00] =	vst.add.f32.msk $0xffff, v2  }
0x266: {  	[tilespmem:s8+$0xAF10] =	vst.add.f32.msk $0xffff, v3  }
0x267: {  	[tilespmem:s8+$0xAF20] =	vst.add.f32.msk $0xffff, v0  }
0x268: {  	[tilespmem:s8+$0xAF30] =	vst.add.f32.msk $0xffff, v1  }
0x269: {  	[tilespmem:s8+$0xBB80] =	vst.add.f32.msk $0xffff, v2  }
0x26a: {  	[tilespmem:s8+$0xBB90] =	vst.add.f32.msk $0xffff, v3  }
0x26b: {  	[tilespmem:s8+$0xBBA0] =	vst.add.f32.msk $0xffff, v0  }
0x26c: {  	[tilespmem:s8+$0xBBB0] =	vst.add.f32.msk $0xffff, v1  }
0x26d: {  	[tilespmem:s8+$0xC800] =	vst.add.f32.msk $0xffff, v2  }
0x26e: {  	[tilespmem:s8+$0xC810] =	vst.add.f32.msk $0xffff, v3  }
0x26f: {  	[tilespmem:s8+$0xC820] =	vst.add.f32.msk $0xffff, v0  }
0x270: {  	[tilespmem:s8+$0xC830] =	vst.add.f32.msk $0xffff, v1  }
0x271: {  	[tilespmem:s8+$0xD480] =	vst.add.f32.msk $0xffff, v2  }
0x272: {  	[tilespmem:s8+$0xD490] =	vst.add.f32.msk $0xffff, v3  }
0x273: {  	[tilespmem:s8+$0xD4A0] =	vst.add.f32.msk $0xffff, v0  }
0x274: {  	[tilespmem:s8+$0xD4B0] =	vst.add.f32.msk $0xffff, v1  }
0x275: {  	[tilespmem:s8+$0xE100] =	vst.add.f32.msk $0xffff, v2  }
0x276: {  	[tilespmem:s8+$0xE110] =	vst.add.f32.msk $0xffff, v3  }
0x277: {  	[tilespmem:s8+$0xE120] =	vst.add.f32.msk $0xffff, v0  }
0x278: {  	[tilespmem:s8+$0xE130] =	vst.add.f32.msk $0xffff, v1  }
0x279: {  	[tilespmem:s8+$0xED80] =	vst.add.f32.msk $0xffff, v2  }
0x27a: {  	[tilespmem:s8+$0xED90] =	vst.add.f32.msk $0xffff, v3  }
0x27b: {  	[tilespmem:s8+$0xEDA0] =	vst.add.f32.msk $0xffff, v0  }
0x27c: {  	[tilespmem:s8+$0xEDB0] =	vst.add.f32.msk $0xffff, v1  }
0x27d: {  	[tilespmem:s8+$0xFA00] =	vst.add.f32.msk $0xffff, v2  }
0x27e: {  	s9 =	simm.s32 $0x200;
	s10 =	simm.s32 $0x40;
	[tilespmem:s8+$0xFA10] =	vst.add.f32.msk $0xffff, v3  }
.LBB2_8:
0x27f: {  	p0 =	sne.s32 s9, $0x3100;
	v3 =	vld [tilespmem:s10+$0x3230]  }
0x280: {  	v2 =	vld [tilespmem:s10+$0x3200]  }
0x281: {  	v1 =	vld [tilespmem:s10+$0x3210]  }
0x282: {  	v4 =	vld [tilespmem:s10+$0x3220]  }
0x283: {  	[tilespmem:s8+$0xFA20] =	vst.add.f32.msk $0xffff, v0;
	s8 =	smov.u32 s10  }
0x284: {  	[tilespmem:s8+$0xFA30] =	vst.add.f32.msk $0xffff, v3  }
0x285: {  	[tilespmem:s8+$0x3E80] =	vst.add.f32.msk $0xffff, v2  }
0x286: {  	[tilespmem:s8+$0x3E90] =	vst.add.f32.msk $0xffff, v1  }
0x287: {  	[tilespmem:s8+$0x3EA0] =	vst.add.f32.msk $0xffff, v4;
	v0 =	vmov v4  }
0x288: {  	[tilespmem:s8+$0x3EB0] =	vst.add.f32.msk $0xffff, v3  }
0x289: {  	[tilespmem:s8+$0x4B00] =	vst.add.f32.msk $0xffff, v2  }
0x28a: {  	[tilespmem:s8+$0x4B10] =	vst.add.f32.msk $0xffff, v1  }
0x28b: {  	[tilespmem:s8+$0x4B20] =	vst.add.f32.msk $0xffff, v0  }
0x28c: {  	[tilespmem:s8+$0x4B30] =	vst.add.f32.msk $0xffff, v3  }
0x28d: {  	[tilespmem:s8+$0x5780] =	vst.add.f32.msk $0xffff, v2  }
0x28e: {  	[tilespmem:s8+$0x5790] =	vst.add.f32.msk $0xffff, v1  }
0x28f: {  	[tilespmem:s8+$0x57A0] =	vst.add.f32.msk $0xffff, v0  }
0x290: {  	[tilespmem:s8+$0x57B0] =	vst.add.f32.msk $0xffff, v3  }
0x291: {  	[tilespmem:s8+$0x6400] =	vst.add.f32.msk $0xffff, v2  }
0x292: {  	[tilespmem:s8+$0x6410] =	vst.add.f32.msk $0xffff, v1  }
0x293: {  	[tilespmem:s8+$0x6420] =	vst.add.f32.msk $0xffff, v0  }
0x294: {  	[tilespmem:s8+$0x6430] =	vst.add.f32.msk $0xffff, v3  }
0x295: {  	[tilespmem:s8+$0x7080] =	vst.add.f32.msk $0xffff, v2  }
0x296: {  	[tilespmem:s8+$0x7090] =	vst.add.f32.msk $0xffff, v1  }
0x297: {  	[tilespmem:s8+$0x70A0] =	vst.add.f32.msk $0xffff, v0  }
0x298: {  	[tilespmem:s8+$0x70B0] =	vst.add.f32.msk $0xffff, v3  }
0x299: {  	[tilespmem:s8+$0x7D00] =	vst.add.f32.msk $0xffff, v2  }
0x29a: {  	[tilespmem:s8+$0x7D10] =	vst.add.f32.msk $0xffff, v1  }
0x29b: {  	[tilespmem:s8+$0x7D20] =	vst.add.f32.msk $0xffff, v0  }
0x29c: {  	[tilespmem:s8+$0x7D30] =	vst.add.f32.msk $0xffff, v3  }
0x29d: {  	[tilespmem:s8+$0x8980] =	vst.add.f32.msk $0xffff, v2  }
0x29e: {  	[tilespmem:s8+$0x8990] =	vst.add.f32.msk $0xffff, v1  }
0x29f: {  	[tilespmem:s8+$0x89A0] =	vst.add.f32.msk $0xffff, v0  }
0x2a0: {  	[tilespmem:s8+$0x89B0] =	vst.add.f32.msk $0xffff, v3  }
0x2a1: {  	[tilespmem:s8+$0x9600] =	vst.add.f32.msk $0xffff, v2  }
0x2a2: {  	[tilespmem:s8+$0x9610] =	vst.add.f32.msk $0xffff, v1  }
0x2a3: {  	[tilespmem:s8+$0x9620] =	vst.add.f32.msk $0xffff, v0  }
0x2a4: {  	[tilespmem:s8+$0x9630] =	vst.add.f32.msk $0xffff, v3  }
0x2a5: {  	[tilespmem:s8+$0xA280] =	vst.add.f32.msk $0xffff, v2  }
0x2a6: {  	[tilespmem:s8+$0xA290] =	vst.add.f32.msk $0xffff, v1  }
0x2a7: {  	[tilespmem:s8+$0xA2A0] =	vst.add.f32.msk $0xffff, v0  }
0x2a8: {  	[tilespmem:s8+$0xA2B0] =	vst.add.f32.msk $0xffff, v3  }
0x2a9: {  	[tilespmem:s8+$0xAF00] =	vst.add.f32.msk $0xffff, v2  }
0x2aa: {  	[tilespmem:s8+$0xAF10] =	vst.add.f32.msk $0xffff, v1  }
0x2ab: {  	[tilespmem:s8+$0xAF20] =	vst.add.f32.msk $0xffff, v0  }
0x2ac: {  	[tilespmem:s8+$0xAF30] =	vst.add.f32.msk $0xffff, v3  }
0x2ad: {  	[tilespmem:s8+$0xBB80] =	vst.add.f32.msk $0xffff, v2  }
0x2ae: {  	[tilespmem:s8+$0xBB90] =	vst.add.f32.msk $0xffff, v1  }
0x2af: {  	[tilespmem:s8+$0xBBA0] =	vst.add.f32.msk $0xffff, v0  }
0x2b0: {  	[tilespmem:s8+$0xBBB0] =	vst.add.f32.msk $0xffff, v3  }
0x2b1: {  	[tilespmem:s8+$0xC800] =	vst.add.f32.msk $0xffff, v2  }
0x2b2: {  	[tilespmem:s8+$0xC810] =	vst.add.f32.msk $0xffff, v1  }
0x2b3: {  	[tilespmem:s8+$0xC820] =	vst.add.f32.msk $0xffff, v0  }
0x2b4: {  	[tilespmem:s8+$0xC830] =	vst.add.f32.msk $0xffff, v3  }
0x2b5: {  	[tilespmem:s8+$0xD480] =	vst.add.f32.msk $0xffff, v2  }
0x2b6: {  	[tilespmem:s8+$0xD490] =	vst.add.f32.msk $0xffff, v1  }
0x2b7: {  	[tilespmem:s8+$0xD4A0] =	vst.add.f32.msk $0xffff, v0  }
0x2b8: {  	[tilespmem:s8+$0xD4B0] =	vst.add.f32.msk $0xffff, v3  }
0x2b9: {  	[tilespmem:s8+$0xE100] =	vst.add.f32.msk $0xffff, v2  }
0x2ba: {  	[tilespmem:s8+$0xE110] =	vst.add.f32.msk $0xffff, v1  }
0x2bb: {  	[tilespmem:s8+$0xE120] =	vst.add.f32.msk $0xffff, v0  }
0x2bc: {  	[tilespmem:s8+$0xE130] =	vst.add.f32.msk $0xffff, v3  }
0x2bd: {  	[tilespmem:s8+$0xED80] =	vst.add.f32.msk $0xffff, v2  }
.Ltmp3:
0x2be: {  	[tilespmem:s8+$0xED90] =	vst.add.f32.msk $0xffff, v1;
	(pc) =	sbr.rel @p0 .LBB2_8-.Ltmp3, $4  }
0x2bf: {  	[tilespmem:s8+$0xEDA0] =	vst.add.f32.msk $0xffff, v0  }
0x2c0: {  	[tilespmem:s8+$0xEDB0] =	vst.add.f32.msk $0xffff, v3  }
0x2c1: {  	[tilespmem:s8+$0xFA00] =	vst.add.f32.msk $0xffff, v2  }
0x2c2: {  	s10 =	sshra.s32 s9, $0x2;
	s9 =	sadd.s32 $0x100, s9;
	[tilespmem:s8+$0xFA10] =	vst.add.f32.msk $0xffff, v1  }
0x2c3: {  	v1 =	vld [tilespmem:s10+$0x3230]  }
0x2c4: {  	v2 =	vld [tilespmem:s10+$0x3200]  }
0x2c5: {  	v3 =	vld [tilespmem:s10+$0x3210]  }
0x2c6: {  	v4 =	vld [tilespmem:s10+$0x3220]  }
0x2c7: {  	[tilespmem:s8+$0xFA20] =	vst.add.f32.msk $0xffff, v0  }
0x2c8: {  	[tilespmem:s10+$0xFA30] =	vst.add.f32.msk $0xffff, v1  }
0x2c9: {  	[tilespmem:s10+$0x3E80] =	vst.add.f32.msk $0xffff, v2  }
0x2ca: {  	[tilespmem:s10+$0x3E90] =	vst.add.f32.msk $0xffff, v3  }
0x2cb: {  	[tilespmem:s10+$0x3EA0] =	vst.add.f32.msk $0xffff, v4  }
0x2cc: {  	[tilespmem:s10+$0x3EB0] =	vst.add.f32.msk $0xffff, v1  }
0x2cd: {  	[tilespmem:s10+$0x4B00] =	vst.add.f32.msk $0xffff, v2  }
0x2ce: {  	[tilespmem:s10+$0x4B10] =	vst.add.f32.msk $0xffff, v3  }
0x2cf: {  	[tilespmem:s10+$0x4B20] =	vst.add.f32.msk $0xffff, v4  }
0x2d0: {  	[tilespmem:s10+$0x4B30] =	vst.add.f32.msk $0xffff, v1  }
0x2d1: {  	[tilespmem:s10+$0x5780] =	vst.add.f32.msk $0xffff, v2  }
0x2d2: {  	[tilespmem:s10+$0x5790] =	vst.add.f32.msk $0xffff, v3  }
0x2d3: {  	[tilespmem:s10+$0x57A0] =	vst.add.f32.msk $0xffff, v4  }
0x2d4: {  	[tilespmem:s10+$0x57B0] =	vst.add.f32.msk $0xffff, v1  }
0x2d5: {  	[tilespmem:s10+$0x6400] =	vst.add.f32.msk $0xffff, v2  }
0x2d6: {  	[tilespmem:s10+$0x6410] =	vst.add.f32.msk $0xffff, v3  }
0x2d7: {  	[tilespmem:s10+$0x6420] =	vst.add.f32.msk $0xffff, v4  }
0x2d8: {  	[tilespmem:s10+$0x6430] =	vst.add.f32.msk $0xffff, v1  }
0x2d9: {  	[tilespmem:s10+$0x7080] =	vst.add.f32.msk $0xffff, v2  }
0x2da: {  	[tilespmem:s10+$0x7090] =	vst.add.f32.msk $0xffff, v3  }
0x2db: {  	[tilespmem:s10+$0x70A0] =	vst.add.f32.msk $0xffff, v4  }
0x2dc: {  	[tilespmem:s10+$0x70B0] =	vst.add.f32.msk $0xffff, v1  }
0x2dd: {  	[tilespmem:s10+$0x7D00] =	vst.add.f32.msk $0xffff, v2  }
0x2de: {  	[tilespmem:s10+$0x7D10] =	vst.add.f32.msk $0xffff, v3  }
0x2df: {  	[tilespmem:s10+$0x7D20] =	vst.add.f32.msk $0xffff, v4  }
0x2e0: {  	[tilespmem:s10+$0x7D30] =	vst.add.f32.msk $0xffff, v1  }
0x2e1: {  	[tilespmem:s10+$0x8980] =	vst.add.f32.msk $0xffff, v2  }
0x2e2: {  	[tilespmem:s10+$0x8990] =	vst.add.f32.msk $0xffff, v3  }
0x2e3: {  	[tilespmem:s10+$0x89A0] =	vst.add.f32.msk $0xffff, v4  }
0x2e4: {  	[tilespmem:s10+$0x89B0] =	vst.add.f32.msk $0xffff, v1  }
0x2e5: {  	[tilespmem:s10+$0x9600] =	vst.add.f32.msk $0xffff, v2  }
0x2e6: {  	[tilespmem:s10+$0x9610] =	vst.add.f32.msk $0xffff, v3  }
0x2e7: {  	[tilespmem:s10+$0x9620] =	vst.add.f32.msk $0xffff, v4  }
0x2e8: {  	[tilespmem:s10+$0x9630] =	vst.add.f32.msk $0xffff, v1  }
0x2e9: {  	[tilespmem:s10+$0xA280] =	vst.add.f32.msk $0xffff, v2  }
0x2ea: {  	[tilespmem:s10+$0xA290] =	vst.add.f32.msk $0xffff, v3  }
0x2eb: {  	[tilespmem:s10+$0xA2A0] =	vst.add.f32.msk $0xffff, v4  }
0x2ec: {  	[tilespmem:s10+$0xA2B0] =	vst.add.f32.msk $0xffff, v1  }
0x2ed: {  	[tilespmem:s10+$0xAF00] =	vst.add.f32.msk $0xffff, v2  }
0x2ee: {  	[tilespmem:s10+$0xAF10] =	vst.add.f32.msk $0xffff, v3  }
0x2ef: {  	[tilespmem:s10+$0xAF20] =	vst.add.f32.msk $0xffff, v4  }
0x2f0: {  	[tilespmem:s10+$0xAF30] =	vst.add.f32.msk $0xffff, v1  }
0x2f1: {  	[tilespmem:s10+$0xBB80] =	vst.add.f32.msk $0xffff, v2  }
0x2f2: {  	[tilespmem:s10+$0xBB90] =	vst.add.f32.msk $0xffff, v3  }
0x2f3: {  	[tilespmem:s10+$0xBBA0] =	vst.add.f32.msk $0xffff, v4  }
0x2f4: {  	[tilespmem:s10+$0xBBB0] =	vst.add.f32.msk $0xffff, v1  }
0x2f5: {  	[tilespmem:s10+$0xC800] =	vst.add.f32.msk $0xffff, v2  }
0x2f6: {  	[tilespmem:s10+$0xC810] =	vst.add.f32.msk $0xffff, v3  }
0x2f7: {  	[tilespmem:s10+$0xC820] =	vst.add.f32.msk $0xffff, v4  }
0x2f8: {  	[tilespmem:s10+$0xC830] =	vst.add.f32.msk $0xffff, v1  }
0x2f9: {  	[tilespmem:s10+$0xD480] =	vst.add.f32.msk $0xffff, v2  }
0x2fa: {  	[tilespmem:s10+$0xD490] =	vst.add.f32.msk $0xffff, v3  }
0x2fb: {  	[tilespmem:s10+$0xD4A0] =	vst.add.f32.msk $0xffff, v4  }
0x2fc: {  	[tilespmem:s10+$0xD4B0] =	vst.add.f32.msk $0xffff, v1  }
0x2fd: {  	[tilespmem:s10+$0xE100] =	vst.add.f32.msk $0xffff, v2  }
0x2fe: {  	[tilespmem:s10+$0xE110] =	vst.add.f32.msk $0xffff, v3  }
0x2ff: {  	[tilespmem:s10+$0xE120] =	vst.add.f32.msk $0xffff, v4  }
0x300: {  	[tilespmem:s10+$0xE130] =	vst.add.f32.msk $0xffff, v1  }
0x301: {  	[tilespmem:s10+$0xED80] =	vst.add.f32.msk $0xffff, v2  }
0x302: {  	[tilespmem:s10+$0xED90] =	vst.add.f32.msk $0xffff, v3  }
0x303: {  	[tilespmem:s10+$0xEDA0] =	vst.add.f32.msk $0xffff, v4  }
0x304: {  	[tilespmem:s10+$0xEDB0] =	vst.add.f32.msk $0xffff, v1  }
0x305: {  	[tilespmem:s10+$0xFA00] =	vst.add.f32.msk $0xffff, v2  }
0x306: {  	[tilespmem:s10+$0xFA10] =	vst.add.f32.msk $0xffff, v3  }
0x307: {  	s9 =	rddreg [dreg:$0x7];
	[tilespmem:s10+$0xFA20] =	vst.add.f32.msk $0xffff, v4;
	s10 =	simm.s32 $0x0  }
0x308: {  	[hbm4b:s9+s10] =	stream.linear.scatter [tilespmem:s19], [sflag:$0x3], $0xC800, $0x38;
	[tilespmem:$0x1CE80] =	vst v63  }
0x309: {  	_ =	swait.ge [sflag:s4], $0xC800  }
0x30a: {  	[sflag:s4] =	ssyncset.done $0x0  }
0x30b: {  	s10 =	simm.s32 $0x2580;
	[sflag:s4] =	ssyncadd.s32 $0xFFFF3800  }
0x30c: {  	[tilespmem:s19], [sflag:$0x1] =	stream.indirect.gather [hbm4b:s3+s17], $0x40, s10, s17, $0xb8;
	[tilespmem:$0x1CE80] =	vst v63  }
0x30d: {  	s9 =	simm.s32 $0x2600  }
0x30e: {  	[tilespmem:s21], [sflag:$0x1] =	stream.indirect.gather [hbm4b:s3+s17], $0x40, s9, s17, $0xb8;
	[tilespmem:$0x1CE80] =	vst v63  }
0x30f: {  	s10 =	simm.s32 $0x2680  }
0x310: {  	[tilespmem:s23], [sflag:$0x1] =	stream.indirect.gather [hbm4b:s3+s17], $0x40, s10, s17, $0xb8;
	[tilespmem:$0x1CE80] =	vst v63  }
0x311: {  	s9 =	simm.s32 $0x2700  }
0x312: {  	[tilespmem:s25], [sflag:$0x1] =	stream.indirect.gather [hbm4b:s3+s17], $0x40, s9, s17, $0xb8;
	[tilespmem:$0x1CE80] =	vst v63  }
0x313: {  	s10 =	simm.s32 $0x2780  }
0x314: {  	[tilespmem:s28], [sflag:$0x1] =	stream.indirect.gather [hbm4b:s3+s17], $0x40, s10, s17, $0xb8;
	[tilespmem:$0x1CE80] =	vst v63  }
0x315: {  	s9 =	simm.s32 $0x2800  }
0x316: {  	[tilespmem:s30], [sflag:$0x1] =	stream.indirect.gather [hbm4b:s3+s17], $0x40, s9, s17, $0xb8;
	[tilespmem:$0x1CE80] =	vst v63  }
0x317: {  	s10 =	simm.s32 $0x2880  }
0x318: {  	[tilespmem:s0], [sflag:$0x1] =	stream.indirect.gather [hbm4b:s3+s31], $0x40, s10, s31, $0xb8;
	[tilespmem:$0x1CE80] =	vst v63  }
0x319: {  	_ =	swait.ge [sflag:s5], $0x2000  }
0x31a: {  	[sflag:s5] =	ssyncset.done $0x0  }
0x31b: {  	[sflag:s5] =	ssyncadd.s32 $0xFFFFE000  }
0x31c: {  	_ =	swait.ge [sflag:s5], $0x2000  }
0x31d: {  	[sflag:s5] =	ssyncset.done $0x0  }
0x31e: {  	[sflag:s5] =	ssyncadd.s32 $0xFFFFE000  }
0x31f: {  	_ =	swait.ge [sflag:s5], $0x2000  }
0x320: {  	[sflag:s5] =	ssyncset.done $0x0  }
0x321: {  	[sflag:s5] =	ssyncadd.s32 $0xFFFFE000  }
0x322: {  	_ =	swait.ge [sflag:s5], $0x2000  }
0x323: {  	[sflag:s5] =	ssyncset.done $0x0  }
0x324: {  	[sflag:s5] =	ssyncadd.s32 $0xFFFFE000  }
0x325: {  	_ =	swait.ge [sflag:s5], $0x2000  }
0x326: {  	[sflag:s5] =	ssyncset.done $0x0  }
0x327: {  	[sflag:s5] =	ssyncadd.s32 $0xFFFFE000  }
0x328: {  	_ =	swait.ge [sflag:s5], $0x2000  }
0x329: {  	[sflag:s5] =	ssyncset.done $0x0  }
0x32a: {  	[sflag:s5] =	ssyncadd.s32 $0xFFFFE000  }
0x32b: {  	_ =	swait.ge [sflag:s5], $0x800  }
0x32c: {  	[sflag:s5] =	ssyncset.done $0x0  }
0x32d: {  	s8 =	simm.s32 $0x0;
	[sflag:s5] =	ssyncadd.s32 $0xFFFFF800  }
0x32e: {  	v1 =	vld [tilespmem:s8+$0x3230]  }
0x32f: {  	v2 =	vld [tilespmem:s8+$0x3200]  }
0x330: {  	v3 =	vld [tilespmem:s8+$0x3210]  }
0x331: {  	v0 =	vld [tilespmem:s8+$0x3220];
	_ =	sdelay $0x1  }
0x332: {  	[tilespmem:s8+$0x1C230] =	vst.add.f32.msk $0xffff, v1  }
0x333: {  	[tilespmem:s8+$0x10680] =	vst.add.f32.msk $0xffff, v2  }
0x334: {  	[tilespmem:s8+$0x10690] =	vst.add.f32.msk $0xffff, v3  }
0x335: {  	[tilespmem:s8+$0x106A0] =	vst.add.f32.msk $0xffff, v0  }
0x336: {  	[tilespmem:s8+$0x106B0] =	vst.add.f32.msk $0xffff, v1  }
0x337: {  	[tilespmem:s8+$0x11300] =	vst.add.f32.msk $0xffff, v2  }
0x338: {  	[tilespmem:s8+$0x11310] =	vst.add.f32.msk $0xffff, v3  }
0x339: {  	[tilespmem:s8+$0x11320] =	vst.add.f32.msk $0xffff, v0  }
0x33a: {  	[tilespmem:s8+$0x11330] =	vst.add.f32.msk $0xffff, v1  }
0x33b: {  	[tilespmem:s8+$0x11F80] =	vst.add.f32.msk $0xffff, v2  }
0x33c: {  	[tilespmem:s8+$0x11F90] =	vst.add.f32.msk $0xffff, v3  }
0x33d: {  	[tilespmem:s8+$0x11FA0] =	vst.add.f32.msk $0xffff, v0  }
0x33e: {  	[tilespmem:s8+$0x11FB0] =	vst.add.f32.msk $0xffff, v1  }
0x33f: {  	[tilespmem:s8+$0x12C00] =	vst.add.f32.msk $0xffff, v2  }
0x340: {  	[tilespmem:s8+$0x12C10] =	vst.add.f32.msk $0xffff, v3  }
0x341: {  	[tilespmem:s8+$0x12C20] =	vst.add.f32.msk $0xffff, v0  }
0x342: {  	[tilespmem:s8+$0x12C30] =	vst.add.f32.msk $0xffff, v1  }
0x343: {  	[tilespmem:s8+$0x13880] =	vst.add.f32.msk $0xffff, v2  }
0x344: {  	[tilespmem:s8+$0x13890] =	vst.add.f32.msk $0xffff, v3  }
0x345: {  	[tilespmem:s8+$0x138A0] =	vst.add.f32.msk $0xffff, v0  }
0x346: {  	[tilespmem:s8+$0x138B0] =	vst.add.f32.msk $0xffff, v1  }
0x347: {  	[tilespmem:s8+$0x14500] =	vst.add.f32.msk $0xffff, v2  }
0x348: {  	[tilespmem:s8+$0x14510] =	vst.add.f32.msk $0xffff, v3  }
0x349: {  	[tilespmem:s8+$0x14520] =	vst.add.f32.msk $0xffff, v0  }
0x34a: {  	[tilespmem:s8+$0x14530] =	vst.add.f32.msk $0xffff, v1  }
0x34b: {  	[tilespmem:s8+$0x15180] =	vst.add.f32.msk $0xffff, v2  }
0x34c: {  	[tilespmem:s8+$0x15190] =	vst.add.f32.msk $0xffff, v3  }
0x34d: {  	[tilespmem:s8+$0x151A0] =	vst.add.f32.msk $0xffff, v0  }
0x34e: {  	[tilespmem:s8+$0x151B0] =	vst.add.f32.msk $0xffff, v1  }
0x34f: {  	[tilespmem:s8+$0x15E00] =	vst.add.f32.msk $0xffff, v2  }
0x350: {  	[tilespmem:s8+$0x15E10] =	vst.add.f32.msk $0xffff, v3  }
0x351: {  	[tilespmem:s8+$0x15E20] =	vst.add.f32.msk $0xffff, v0  }
0x352: {  	[tilespmem:s8+$0x15E30] =	vst.add.f32.msk $0xffff, v1  }
0x353: {  	[tilespmem:s8+$0x16A80] =	vst.add.f32.msk $0xffff, v2  }
0x354: {  	[tilespmem:s8+$0x16A90] =	vst.add.f32.msk $0xffff, v3  }
0x355: {  	[tilespmem:s8+$0x16AA0] =	vst.add.f32.msk $0xffff, v0  }
0x356: {  	[tilespmem:s8+$0x16AB0] =	vst.add.f32.msk $0xffff, v1  }
0x357: {  	[tilespmem:s8+$0x17700] =	vst.add.f32.msk $0xffff, v2  }
0x358: {  	[tilespmem:s8+$0x17710] =	vst.add.f32.msk $0xffff, v3  }
0x359: {  	[tilespmem:s8+$0x17720] =	vst.add.f32.msk $0xffff, v0  }
0x35a: {  	[tilespmem:s8+$0x17730] =	vst.add.f32.msk $0xffff, v1  }
0x35b: {  	[tilespmem:s8+$0x18380] =	vst.add.f32.msk $0xffff, v2  }
0x35c: {  	[tilespmem:s8+$0x18390] =	vst.add.f32.msk $0xffff, v3  }
0x35d: {  	[tilespmem:s8+$0x183A0] =	vst.add.f32.msk $0xffff, v0  }
0x35e: {  	[tilespmem:s8+$0x183B0] =	vst.add.f32.msk $0xffff, v1  }
0x35f: {  	[tilespmem:s8+$0x19000] =	vst.add.f32.msk $0xffff, v2  }
0x360: {  	[tilespmem:s8+$0x19010] =	vst.add.f32.msk $0xffff, v3  }
0x361: {  	[tilespmem:s8+$0x19020] =	vst.add.f32.msk $0xffff, v0  }
0x362: {  	[tilespmem:s8+$0x19030] =	vst.add.f32.msk $0xffff, v1  }
0x363: {  	[tilespmem:s8+$0x19C80] =	vst.add.f32.msk $0xffff, v2  }
0x364: {  	[tilespmem:s8+$0x19C90] =	vst.add.f32.msk $0xffff, v3  }
0x365: {  	[tilespmem:s8+$0x19CA0] =	vst.add.f32.msk $0xffff, v0  }
0x366: {  	[tilespmem:s8+$0x19CB0] =	vst.add.f32.msk $0xffff, v1  }
0x367: {  	[tilespmem:s8+$0x1A900] =	vst.add.f32.msk $0xffff, v2  }
0x368: {  	[tilespmem:s8+$0x1A910] =	vst.add.f32.msk $0xffff, v3  }
0x369: {  	[tilespmem:s8+$0x1A920] =	vst.add.f32.msk $0xffff, v0  }
0x36a: {  	[tilespmem:s8+$0x1A930] =	vst.add.f32.msk $0xffff, v1  }
0x36b: {  	[tilespmem:s8+$0x1B580] =	vst.add.f32.msk $0xffff, v2  }
0x36c: {  	[tilespmem:s8+$0x1B590] =	vst.add.f32.msk $0xffff, v3  }
0x36d: {  	[tilespmem:s8+$0x1B5A0] =	vst.add.f32.msk $0xffff, v0  }
0x36e: {  	[tilespmem:s8+$0x1B5B0] =	vst.add.f32.msk $0xffff, v1  }
0x36f: {  	[tilespmem:s8+$0x1C200] =	vst.add.f32.msk $0xffff, v2  }
0x370: {  	s9 =	simm.s32 $0x200;
	s10 =	simm.s32 $0x40;
	[tilespmem:s8+$0x1C210] =	vst.add.f32.msk $0xffff, v3  }
.LBB2_10:
0x371: {  	p0 =	sne.s32 s9, $0x3100;
	v3 =	vld [tilespmem:s10+$0x3230]  }
0x372: {  	v2 =	vld [tilespmem:s10+$0x3200]  }
0x373: {  	v1 =	vld [tilespmem:s10+$0x3210]  }
0x374: {  	v4 =	vld [tilespmem:s10+$0x3220]  }
0x375: {  	[tilespmem:s8+$0x1C220] =	vst.add.f32.msk $0xffff, v0;
	s8 =	smov.u32 s10  }
0x376: {  	[tilespmem:s8+$0x1C230] =	vst.add.f32.msk $0xffff, v3  }
0x377: {  	[tilespmem:s8+$0x10680] =	vst.add.f32.msk $0xffff, v2  }
0x378: {  	[tilespmem:s8+$0x10690] =	vst.add.f32.msk $0xffff, v1  }
0x379: {  	[tilespmem:s8+$0x106A0] =	vst.add.f32.msk $0xffff, v4;
	v0 =	vmov v4  }
0x37a: {  	[tilespmem:s8+$0x106B0] =	vst.add.f32.msk $0xffff, v3  }
0x37b: {  	[tilespmem:s8+$0x11300] =	vst.add.f32.msk $0xffff, v2  }
0x37c: {  	[tilespmem:s8+$0x11310] =	vst.add.f32.msk $0xffff, v1  }
0x37d: {  	[tilespmem:s8+$0x11320] =	vst.add.f32.msk $0xffff, v0  }
0x37e: {  	[tilespmem:s8+$0x11330] =	vst.add.f32.msk $0xffff, v3  }
0x37f: {  	[tilespmem:s8+$0x11F80] =	vst.add.f32.msk $0xffff, v2  }
0x380: {  	[tilespmem:s8+$0x11F90] =	vst.add.f32.msk $0xffff, v1  }
0x381: {  	[tilespmem:s8+$0x11FA0] =	vst.add.f32.msk $0xffff, v0  }
0x382: {  	[tilespmem:s8+$0x11FB0] =	vst.add.f32.msk $0xffff, v3  }
0x383: {  	[tilespmem:s8+$0x12C00] =	vst.add.f32.msk $0xffff, v2  }
0x384: {  	[tilespmem:s8+$0x12C10] =	vst.add.f32.msk $0xffff, v1  }
0x385: {  	[tilespmem:s8+$0x12C20] =	vst.add.f32.msk $0xffff, v0  }
0x386: {  	[tilespmem:s8+$0x12C30] =	vst.add.f32.msk $0xffff, v3  }
0x387: {  	[tilespmem:s8+$0x13880] =	vst.add.f32.msk $0xffff, v2  }
0x388: {  	[tilespmem:s8+$0x13890] =	vst.add.f32.msk $0xffff, v1  }
0x389: {  	[tilespmem:s8+$0x138A0] =	vst.add.f32.msk $0xffff, v0  }
0x38a: {  	[tilespmem:s8+$0x138B0] =	vst.add.f32.msk $0xffff, v3  }
0x38b: {  	[tilespmem:s8+$0x14500] =	vst.add.f32.msk $0xffff, v2  }
0x38c: {  	[tilespmem:s8+$0x14510] =	vst.add.f32.msk $0xffff, v1  }
0x38d: {  	[tilespmem:s8+$0x14520] =	vst.add.f32.msk $0xffff, v0  }
0x38e: {  	[tilespmem:s8+$0x14530] =	vst.add.f32.msk $0xffff, v3  }
0x38f: {  	[tilespmem:s8+$0x15180] =	vst.add.f32.msk $0xffff, v2  }
0x390: {  	[tilespmem:s8+$0x15190] =	vst.add.f32.msk $0xffff, v1  }
0x391: {  	[tilespmem:s8+$0x151A0] =	vst.add.f32.msk $0xffff, v0  }
0x392: {  	[tilespmem:s8+$0x151B0] =	vst.add.f32.msk $0xffff, v3  }
0x393: {  	[tilespmem:s8+$0x15E00] =	vst.add.f32.msk $0xffff, v2  }
0x394: {  	[tilespmem:s8+$0x15E10] =	vst.add.f32.msk $0xffff, v1  }
0x395: {  	[tilespmem:s8+$0x15E20] =	vst.add.f32.msk $0xffff, v0  }
0x396: {  	[tilespmem:s8+$0x15E30] =	vst.add.f32.msk $0xffff, v3  }
0x397: {  	[tilespmem:s8+$0x16A80] =	vst.add.f32.msk $0xffff, v2  }
0x398: {  	[tilespmem:s8+$0x16A90] =	vst.add.f32.msk $0xffff, v1  }
0x399: {  	[tilespmem:s8+$0x16AA0] =	vst.add.f32.msk $0xffff, v0  }
0x39a: {  	[tilespmem:s8+$0x16AB0] =	vst.add.f32.msk $0xffff, v3  }
0x39b: {  	[tilespmem:s8+$0x17700] =	vst.add.f32.msk $0xffff, v2  }
0x39c: {  	[tilespmem:s8+$0x17710] =	vst.add.f32.msk $0xffff, v1  }
0x39d: {  	[tilespmem:s8+$0x17720] =	vst.add.f32.msk $0xffff, v0  }
0x39e: {  	[tilespmem:s8+$0x17730] =	vst.add.f32.msk $0xffff, v3  }
0x39f: {  	[tilespmem:s8+$0x18380] =	vst.add.f32.msk $0xffff, v2  }
0x3a0: {  	[tilespmem:s8+$0x18390] =	vst.add.f32.msk $0xffff, v1  }
0x3a1: {  	[tilespmem:s8+$0x183A0] =	vst.add.f32.msk $0xffff, v0  }
0x3a2: {  	[tilespmem:s8+$0x183B0] =	vst.add.f32.msk $0xffff, v3  }
0x3a3: {  	[tilespmem:s8+$0x19000] =	vst.add.f32.msk $0xffff, v2  }
0x3a4: {  	[tilespmem:s8+$0x19010] =	vst.add.f32.msk $0xffff, v1  }
0x3a5: {  	[tilespmem:s8+$0x19020] =	vst.add.f32.msk $0xffff, v0  }
0x3a6: {  	[tilespmem:s8+$0x19030] =	vst.add.f32.msk $0xffff, v3  }
0x3a7: {  	[tilespmem:s8+$0x19C80] =	vst.add.f32.msk $0xffff, v2  }
0x3a8: {  	[tilespmem:s8+$0x19C90] =	vst.add.f32.msk $0xffff, v1  }
0x3a9: {  	[tilespmem:s8+$0x19CA0] =	vst.add.f32.msk $0xffff, v0  }
0x3aa: {  	[tilespmem:s8+$0x19CB0] =	vst.add.f32.msk $0xffff, v3  }
0x3ab: {  	[tilespmem:s8+$0x1A900] =	vst.add.f32.msk $0xffff, v2  }
0x3ac: {  	[tilespmem:s8+$0x1A910] =	vst.add.f32.msk $0xffff, v1  }
0x3ad: {  	[tilespmem:s8+$0x1A920] =	vst.add.f32.msk $0xffff, v0  }
0x3ae: {  	[tilespmem:s8+$0x1A930] =	vst.add.f32.msk $0xffff, v3  }
0x3af: {  	[tilespmem:s8+$0x1B580] =	vst.add.f32.msk $0xffff, v2  }
.Ltmp4:
0x3b0: {  	[tilespmem:s8+$0x1B590] =	vst.add.f32.msk $0xffff, v1;
	(pc) =	sbr.rel @p0 .LBB2_10-.Ltmp4, $4  }
0x3b1: {  	[tilespmem:s8+$0x1B5A0] =	vst.add.f32.msk $0xffff, v0  }
0x3b2: {  	[tilespmem:s8+$0x1B5B0] =	vst.add.f32.msk $0xffff, v3  }
0x3b3: {  	[tilespmem:s8+$0x1C200] =	vst.add.f32.msk $0xffff, v2  }
0x3b4: {  	s10 =	sshra.s32 s9, $0x2;
	s9 =	sadd.s32 $0x100, s9;
	[tilespmem:s8+$0x1C210] =	vst.add.f32.msk $0xffff, v1  }
0x3b5: {  	v1 =	vld [tilespmem:s10+$0x3230]  }
0x3b6: {  	v2 =	vld [tilespmem:s10+$0x3200]  }
0x3b7: {  	v3 =	vld [tilespmem:s10+$0x3210]  }
0x3b8: {  	v4 =	vld [tilespmem:s10+$0x3220]  }
0x3b9: {  	[tilespmem:s8+$0x1C220] =	vst.add.f32.msk $0xffff, v0  }
0x3ba: {  	[tilespmem:s10+$0x1C230] =	vst.add.f32.msk $0xffff, v1  }
0x3bb: {  	[tilespmem:s10+$0x10680] =	vst.add.f32.msk $0xffff, v2  }
0x3bc: {  	[tilespmem:s10+$0x10690] =	vst.add.f32.msk $0xffff, v3  }
0x3bd: {  	[tilespmem:s10+$0x106A0] =	vst.add.f32.msk $0xffff, v4  }
0x3be: {  	[tilespmem:s10+$0x106B0] =	vst.add.f32.msk $0xffff, v1  }
0x3bf: {  	[tilespmem:s10+$0x11300] =	vst.add.f32.msk $0xffff, v2  }
0x3c0: {  	[tilespmem:s10+$0x11310] =	vst.add.f32.msk $0xffff, v3  }
0x3c1: {  	[tilespmem:s10+$0x11320] =	vst.add.f32.msk $0xffff, v4  }
0x3c2: {  	[tilespmem:s10+$0x11330] =	vst.add.f32.msk $0xffff, v1  }
0x3c3: {  	[tilespmem:s10+$0x11F80] =	vst.add.f32.msk $0xffff, v2  }
0x3c4: {  	[tilespmem:s10+$0x11F90] =	vst.add.f32.msk $0xffff, v3  }
0x3c5: {  	[tilespmem:s10+$0x11FA0] =	vst.add.f32.msk $0xffff, v4  }
0x3c6: {  	[tilespmem:s10+$0x11FB0] =	vst.add.f32.msk $0xffff, v1  }
0x3c7: {  	[tilespmem:s10+$0x12C00] =	vst.add.f32.msk $0xffff, v2  }
0x3c8: {  	[tilespmem:s10+$0x12C10] =	vst.add.f32.msk $0xffff, v3  }
0x3c9: {  	[tilespmem:s10+$0x12C20] =	vst.add.f32.msk $0xffff, v4  }
0x3ca: {  	[tilespmem:s10+$0x12C30] =	vst.add.f32.msk $0xffff, v1  }
0x3cb: {  	[tilespmem:s10+$0x13880] =	vst.add.f32.msk $0xffff, v2  }
0x3cc: {  	[tilespmem:s10+$0x13890] =	vst.add.f32.msk $0xffff, v3  }
0x3cd: {  	[tilespmem:s10+$0x138A0] =	vst.add.f32.msk $0xffff, v4  }
0x3ce: {  	[tilespmem:s10+$0x138B0] =	vst.add.f32.msk $0xffff, v1  }
0x3cf: {  	[tilespmem:s10+$0x14500] =	vst.add.f32.msk $0xffff, v2  }
0x3d0: {  	[tilespmem:s10+$0x14510] =	vst.add.f32.msk $0xffff, v3  }
0x3d1: {  	[tilespmem:s10+$0x14520] =	vst.add.f32.msk $0xffff, v4  }
0x3d2: {  	[tilespmem:s10+$0x14530] =	vst.add.f32.msk $0xffff, v1  }
0x3d3: {  	[tilespmem:s10+$0x15180] =	vst.add.f32.msk $0xffff, v2  }
0x3d4: {  	[tilespmem:s10+$0x15190] =	vst.add.f32.msk $0xffff, v3  }
0x3d5: {  	[tilespmem:s10+$0x151A0] =	vst.add.f32.msk $0xffff, v4  }
0x3d6: {  	[tilespmem:s10+$0x151B0] =	vst.add.f32.msk $0xffff, v1  }
0x3d7: {  	[tilespmem:s10+$0x15E00] =	vst.add.f32.msk $0xffff, v2  }
0x3d8: {  	[tilespmem:s10+$0x15E10] =	vst.add.f32.msk $0xffff, v3  }
0x3d9: {  	[tilespmem:s10+$0x15E20] =	vst.add.f32.msk $0xffff, v4  }
0x3da: {  	[tilespmem:s10+$0x15E30] =	vst.add.f32.msk $0xffff, v1  }
0x3db: {  	[tilespmem:s10+$0x16A80] =	vst.add.f32.msk $0xffff, v2  }
0x3dc: {  	[tilespmem:s10+$0x16A90] =	vst.add.f32.msk $0xffff, v3  }
0x3dd: {  	[tilespmem:s10+$0x16AA0] =	vst.add.f32.msk $0xffff, v4  }
0x3de: {  	[tilespmem:s10+$0x16AB0] =	vst.add.f32.msk $0xffff, v1  }
0x3df: {  	[tilespmem:s10+$0x17700] =	vst.add.f32.msk $0xffff, v2  }
0x3e0: {  	[tilespmem:s10+$0x17710] =	vst.add.f32.msk $0xffff, v3  }
0x3e1: {  	[tilespmem:s10+$0x17720] =	vst.add.f32.msk $0xffff, v4  }
0x3e2: {  	[tilespmem:s10+$0x17730] =	vst.add.f32.msk $0xffff, v1  }
0x3e3: {  	[tilespmem:s10+$0x18380] =	vst.add.f32.msk $0xffff, v2  }
0x3e4: {  	[tilespmem:s10+$0x18390] =	vst.add.f32.msk $0xffff, v3  }
0x3e5: {  	[tilespmem:s10+$0x183A0] =	vst.add.f32.msk $0xffff, v4  }
0x3e6: {  	[tilespmem:s10+$0x183B0] =	vst.add.f32.msk $0xffff, v1  }
0x3e7: {  	[tilespmem:s10+$0x19000] =	vst.add.f32.msk $0xffff, v2  }
0x3e8: {  	[tilespmem:s10+$0x19010] =	vst.add.f32.msk $0xffff, v3  }
0x3e9: {  	[tilespmem:s10+$0x19020] =	vst.add.f32.msk $0xffff, v4  }
0x3ea: {  	[tilespmem:s10+$0x19030] =	vst.add.f32.msk $0xffff, v1  }
0x3eb: {  	[tilespmem:s10+$0x19C80] =	vst.add.f32.msk $0xffff, v2  }
0x3ec: {  	[tilespmem:s10+$0x19C90] =	vst.add.f32.msk $0xffff, v3  }
0x3ed: {  	[tilespmem:s10+$0x19CA0] =	vst.add.f32.msk $0xffff, v4  }
0x3ee: {  	[tilespmem:s10+$0x19CB0] =	vst.add.f32.msk $0xffff, v1  }
0x3ef: {  	[tilespmem:s10+$0x1A900] =	vst.add.f32.msk $0xffff, v2  }
0x3f0: {  	[tilespmem:s10+$0x1A910] =	vst.add.f32.msk $0xffff, v3  }
0x3f1: {  	[tilespmem:s10+$0x1A920] =	vst.add.f32.msk $0xffff, v4  }
0x3f2: {  	[tilespmem:s10+$0x1A930] =	vst.add.f32.msk $0xffff, v1  }
0x3f3: {  	[tilespmem:s10+$0x1B580] =	vst.add.f32.msk $0xffff, v2  }
0x3f4: {  	[tilespmem:s10+$0x1B590] =	vst.add.f32.msk $0xffff, v3  }
0x3f5: {  	[tilespmem:s10+$0x1B5A0] =	vst.add.f32.msk $0xffff, v4  }
0x3f6: {  	[tilespmem:s10+$0x1B5B0] =	vst.add.f32.msk $0xffff, v1  }
0x3f7: {  	[tilespmem:s10+$0x1C200] =	vst.add.f32.msk $0xffff, v2  }
0x3f8: {  	[tilespmem:s10+$0x1C210] =	vst.add.f32.msk $0xffff, v3  }
0x3f9: {  	s9 =	rddreg [dreg:$0x8];
	[tilespmem:s10+$0x1C220] =	vst.add.f32.msk $0xffff, v4;
	s10 =	simm.s32 $0x0  }
0x3fa: {  	[hbm4b:s9+s10] =	stream.linear.scatter [tilespmem:s18], [sflag:$0x4], $0xC800, $0x38;
	[tilespmem:$0x1CE80] =	vst v63  }
0x3fb: {  	_ =	swait.ge [sflag:s6], $0xC800  }
0x3fc: {  	[sflag:s6] =	ssyncset.done $0x0  }
0x3fd: {  	s10 =	simm.s32 $0x28A0;
	[sflag:s6] =	ssyncadd.s32 $0xFFFF3800  }
0x3fe: {  	[tilespmem:s18], [sflag:$0x2] =	stream.indirect.gather [hbm4b:s3+s17], $0x40, s10, s17, $0xb8;
	[tilespmem:$0x1CE80] =	vst v63  }
0x3ff: {  	s9 =	simm.s32 $0x2920  }
0x400: {  	[tilespmem:s22], [sflag:$0x2] =	stream.indirect.gather [hbm4b:s3+s17], $0x40, s9, s17, $0xb8;
	[tilespmem:$0x1CE80] =	vst v63  }
0x401: {  	s10 =	simm.s32 $0x29A0  }
0x402: {  	[tilespmem:s26], [sflag:$0x2] =	stream.indirect.gather [hbm4b:s3+s17], $0x40, s10, s17, $0xb8;
	[tilespmem:$0x1CE80] =	vst v63  }
0x403: {  	s9 =	simm.s32 $0x2A20  }
0x404: {  	[tilespmem:s1], [sflag:$0x2] =	stream.indirect.gather [hbm4b:s3+s17], $0x40, s9, s17, $0xb8;
	[tilespmem:$0x1CE80] =	vst v63  }
0x405: {  	s10 =	simm.s32 $0x2AA0  }
0x406: {  	[tilespmem:s20], [sflag:$0x2] =	stream.indirect.gather [hbm4b:s3+s17], $0x40, s10, s17, $0xb8;
	[tilespmem:$0x1CE80] =	vst v63  }
0x407: {  	s9 =	simm.s32 $0x2B20  }
0x408: {  	[tilespmem:s29], [sflag:$0x2] =	stream.indirect.gather [hbm4b:s3+s17], $0x40, s9, s17, $0xb8;
	[tilespmem:$0x1CE80] =	vst v63  }
0x409: {  	s10 =	simm.s32 $0x2BA0  }
0x40a: {  	[tilespmem:s24], [sflag:$0x2] =	stream.indirect.gather [hbm4b:s3+s31], $0x40, s10, s31, $0xb8;
	[tilespmem:$0x1CE80] =	vst v63  }
0x40b: {  	_ =	swait.ge [sflag:s16], $0x2000  }
0x40c: {  	[sflag:s16] =	ssyncset.done $0x0  }
0x40d: {  	[sflag:s16] =	ssyncadd.s32 $0xFFFFE000  }
0x40e: {  	_ =	swait.ge [sflag:s16], $0x2000  }
0x40f: {  	[sflag:s16] =	ssyncset.done $0x0  }
0x410: {  	[sflag:s16] =	ssyncadd.s32 $0xFFFFE000  }
0x411: {  	_ =	swait.ge [sflag:s16], $0x2000  }
0x412: {  	[sflag:s16] =	ssyncset.done $0x0  }
0x413: {  	[sflag:s16] =	ssyncadd.s32 $0xFFFFE000  }
0x414: {  	_ =	swait.ge [sflag:s16], $0x2000  }
0x415: {  	[sflag:s16] =	ssyncset.done $0x0  }
0x416: {  	[sflag:s16] =	ssyncadd.s32 $0xFFFFE000  }
0x417: {  	_ =	swait.ge [sflag:s16], $0x2000  }
0x418: {  	[sflag:s16] =	ssyncset.done $0x0  }
0x419: {  	[sflag:s16] =	ssyncadd.s32 $0xFFFFE000  }
0x41a: {  	_ =	swait.ge [sflag:s16], $0x2000  }
0x41b: {  	[sflag:s16] =	ssyncset.done $0x0  }
0x41c: {  	[sflag:s16] =	ssyncadd.s32 $0xFFFFE000  }
0x41d: {  	_ =	swait.ge [sflag:s16], $0x800  }
0x41e: {  	[sflag:s16] =	ssyncset.done $0x0  }
0x41f: {  	s8 =	simm.s32 $0x0;
	[sflag:s16] =	ssyncadd.s32 $0xFFFFF800  }
0x420: {  	v1 =	vld [tilespmem:s8+$0x3230]  }
0x421: {  	v2 =	vld [tilespmem:s8+$0x3200]  }
0x422: {  	v3 =	vld [tilespmem:s8+$0x3210]  }
0x423: {  	v0 =	vld [tilespmem:s8+$0x3220];
	_ =	sdelay $0x1  }
0x424: {  	[tilespmem:s8+$0xFA30] =	vst.add.f32.msk $0xffff, v1  }
0x425: {  	[tilespmem:s8+$0x3E80] =	vst.add.f32.msk $0xffff, v2  }
0x426: {  	[tilespmem:s8+$0x3E90] =	vst.add.f32.msk $0xffff, v3  }
0x427: {  	[tilespmem:s8+$0x3EA0] =	vst.add.f32.msk $0xffff, v0  }
0x428: {  	[tilespmem:s8+$0x3EB0] =	vst.add.f32.msk $0xffff, v1  }
0x429: {  	[tilespmem:s8+$0x4B00] =	vst.add.f32.msk $0xffff, v2  }
0x42a: {  	[tilespmem:s8+$0x4B10] =	vst.add.f32.msk $0xffff, v3  }
0x42b: {  	[tilespmem:s8+$0x4B20] =	vst.add.f32.msk $0xffff, v0  }
0x42c: {  	[tilespmem:s8+$0x4B30] =	vst.add.f32.msk $0xffff, v1  }
0x42d: {  	[tilespmem:s8+$0x5780] =	vst.add.f32.msk $0xffff, v2  }
0x42e: {  	[tilespmem:s8+$0x5790] =	vst.add.f32.msk $0xffff, v3  }
0x42f: {  	[tilespmem:s8+$0x57A0] =	vst.add.f32.msk $0xffff, v0  }
0x430: {  	[tilespmem:s8+$0x57B0] =	vst.add.f32.msk $0xffff, v1  }
0x431: {  	[tilespmem:s8+$0x6400] =	vst.add.f32.msk $0xffff, v2  }
0x432: {  	[tilespmem:s8+$0x6410] =	vst.add.f32.msk $0xffff, v3  }
0x433: {  	[tilespmem:s8+$0x6420] =	vst.add.f32.msk $0xffff, v0  }
0x434: {  	[tilespmem:s8+$0x6430] =	vst.add.f32.msk $0xffff, v1  }
0x435: {  	[tilespmem:s8+$0x7080] =	vst.add.f32.msk $0xffff, v2  }
0x436: {  	[tilespmem:s8+$0x7090] =	vst.add.f32.msk $0xffff, v3  }
0x437: {  	[tilespmem:s8+$0x70A0] =	vst.add.f32.msk $0xffff, v0  }
0x438: {  	[tilespmem:s8+$0x70B0] =	vst.add.f32.msk $0xffff, v1  }
0x439: {  	[tilespmem:s8+$0x7D00] =	vst.add.f32.msk $0xffff, v2  }
0x43a: {  	[tilespmem:s8+$0x7D10] =	vst.add.f32.msk $0xffff, v3  }
0x43b: {  	[tilespmem:s8+$0x7D20] =	vst.add.f32.msk $0xffff, v0  }
0x43c: {  	[tilespmem:s8+$0x7D30] =	vst.add.f32.msk $0xffff, v1  }
0x43d: {  	[tilespmem:s8+$0x8980] =	vst.add.f32.msk $0xffff, v2  }
0x43e: {  	[tilespmem:s8+$0x8990] =	vst.add.f32.msk $0xffff, v3  }
0x43f: {  	[tilespmem:s8+$0x89A0] =	vst.add.f32.msk $0xffff, v0  }
0x440: {  	[tilespmem:s8+$0x89B0] =	vst.add.f32.msk $0xffff, v1  }
0x441: {  	[tilespmem:s8+$0x9600] =	vst.add.f32.msk $0xffff, v2  }
0x442: {  	[tilespmem:s8+$0x9610] =	vst.add.f32.msk $0xffff, v3  }
0x443: {  	[tilespmem:s8+$0x9620] =	vst.add.f32.msk $0xffff, v0  }
0x444: {  	[tilespmem:s8+$0x9630] =	vst.add.f32.msk $0xffff, v1  }
0x445: {  	[tilespmem:s8+$0xA280] =	vst.add.f32.msk $0xffff, v2  }
0x446: {  	[tilespmem:s8+$0xA290] =	vst.add.f32.msk $0xffff, v3  }
0x447: {  	[tilespmem:s8+$0xA2A0] =	vst.add.f32.msk $0xffff, v0  }
0x448: {  	[tilespmem:s8+$0xA2B0] =	vst.add.f32.msk $0xffff, v1  }
0x449: {  	[tilespmem:s8+$0xAF00] =	vst.add.f32.msk $0xffff, v2  }
0x44a: {  	[tilespmem:s8+$0xAF10] =	vst.add.f32.msk $0xffff, v3  }
0x44b: {  	[tilespmem:s8+$0xAF20] =	vst.add.f32.msk $0xffff, v0  }
0x44c: {  	[tilespmem:s8+$0xAF30] =	vst.add.f32.msk $0xffff, v1  }
0x44d: {  	[tilespmem:s8+$0xBB80] =	vst.add.f32.msk $0xffff, v2  }
0x44e: {  	[tilespmem:s8+$0xBB90] =	vst.add.f32.msk $0xffff, v3  }
0x44f: {  	[tilespmem:s8+$0xBBA0] =	vst.add.f32.msk $0xffff, v0  }
0x450: {  	[tilespmem:s8+$0xBBB0] =	vst.add.f32.msk $0xffff, v1  }
0x451: {  	[tilespmem:s8+$0xC800] =	vst.add.f32.msk $0xffff, v2  }
0x452: {  	[tilespmem:s8+$0xC810] =	vst.add.f32.msk $0xffff, v3  }
0x453: {  	[tilespmem:s8+$0xC820] =	vst.add.f32.msk $0xffff, v0  }
0x454: {  	[tilespmem:s8+$0xC830] =	vst.add.f32.msk $0xffff, v1  }
0x455: {  	[tilespmem:s8+$0xD480] =	vst.add.f32.msk $0xffff, v2  }
0x456: {  	[tilespmem:s8+$0xD490] =	vst.add.f32.msk $0xffff, v3  }
0x457: {  	[tilespmem:s8+$0xD4A0] =	vst.add.f32.msk $0xffff, v0  }
0x458: {  	[tilespmem:s8+$0xD4B0] =	vst.add.f32.msk $0xffff, v1  }
0x459: {  	[tilespmem:s8+$0xE100] =	vst.add.f32.msk $0xffff, v2  }
0x45a: {  	[tilespmem:s8+$0xE110] =	vst.add.f32.msk $0xffff, v3  }
0x45b: {  	[tilespmem:s8+$0xE120] =	vst.add.f32.msk $0xffff, v0  }
0x45c: {  	[tilespmem:s8+$0xE130] =	vst.add.f32.msk $0xffff, v1  }
0x45d: {  	[tilespmem:s8+$0xED80] =	vst.add.f32.msk $0xffff, v2  }
0x45e: {  	[tilespmem:s8+$0xED90] =	vst.add.f32.msk $0xffff, v3  }
0x45f: {  	[tilespmem:s8+$0xEDA0] =	vst.add.f32.msk $0xffff, v0  }
0x460: {  	[tilespmem:s8+$0xEDB0] =	vst.add.f32.msk $0xffff, v1  }
0x461: {  	[tilespmem:s8+$0xFA00] =	vst.add.f32.msk $0xffff, v2  }
0x462: {  	s9 =	simm.s32 $0x200;
	s10 =	simm.s32 $0x40;
	[tilespmem:s8+$0xFA10] =	vst.add.f32.msk $0xffff, v3  }
.LBB2_12:
0x463: {  	p0 =	sne.s32 s9, $0x3100;
	v3 =	vld [tilespmem:s10+$0x3230]  }
0x464: {  	v2 =	vld [tilespmem:s10+$0x3200]  }
0x465: {  	v1 =	vld [tilespmem:s10+$0x3210]  }
0x466: {  	v4 =	vld [tilespmem:s10+$0x3220]  }
0x467: {  	[tilespmem:s8+$0xFA20] =	vst.add.f32.msk $0xffff, v0;
	s8 =	smov.u32 s10  }
0x468: {  	[tilespmem:s8+$0xFA30] =	vst.add.f32.msk $0xffff, v3  }
0x469: {  	[tilespmem:s8+$0x3E80] =	vst.add.f32.msk $0xffff, v2  }
0x46a: {  	[tilespmem:s8+$0x3E90] =	vst.add.f32.msk $0xffff, v1  }
0x46b: {  	[tilespmem:s8+$0x3EA0] =	vst.add.f32.msk $0xffff, v4;
	v0 =	vmov v4  }
0x46c: {  	[tilespmem:s8+$0x3EB0] =	vst.add.f32.msk $0xffff, v3  }
0x46d: {  	[tilespmem:s8+$0x4B00] =	vst.add.f32.msk $0xffff, v2  }
0x46e: {  	[tilespmem:s8+$0x4B10] =	vst.add.f32.msk $0xffff, v1  }
0x46f: {  	[tilespmem:s8+$0x4B20] =	vst.add.f32.msk $0xffff, v0  }
0x470: {  	[tilespmem:s8+$0x4B30] =	vst.add.f32.msk $0xffff, v3  }
0x471: {  	[tilespmem:s8+$0x5780] =	vst.add.f32.msk $0xffff, v2  }
0x472: {  	[tilespmem:s8+$0x5790] =	vst.add.f32.msk $0xffff, v1  }
0x473: {  	[tilespmem:s8+$0x57A0] =	vst.add.f32.msk $0xffff, v0  }
0x474: {  	[tilespmem:s8+$0x57B0] =	vst.add.f32.msk $0xffff, v3  }
0x475: {  	[tilespmem:s8+$0x6400] =	vst.add.f32.msk $0xffff, v2  }
0x476: {  	[tilespmem:s8+$0x6410] =	vst.add.f32.msk $0xffff, v1  }
0x477: {  	[tilespmem:s8+$0x6420] =	vst.add.f32.msk $0xffff, v0  }
0x478: {  	[tilespmem:s8+$0x6430] =	vst.add.f32.msk $0xffff, v3  }
0x479: {  	[tilespmem:s8+$0x7080] =	vst.add.f32.msk $0xffff, v2  }
0x47a: {  	[tilespmem:s8+$0x7090] =	vst.add.f32.msk $0xffff, v1  }
0x47b: {  	[tilespmem:s8+$0x70A0] =	vst.add.f32.msk $0xffff, v0  }
0x47c: {  	[tilespmem:s8+$0x70B0] =	vst.add.f32.msk $0xffff, v3  }
0x47d: {  	[tilespmem:s8+$0x7D00] =	vst.add.f32.msk $0xffff, v2  }
0x47e: {  	[tilespmem:s8+$0x7D10] =	vst.add.f32.msk $0xffff, v1  }
0x47f: {  	[tilespmem:s8+$0x7D20] =	vst.add.f32.msk $0xffff, v0  }
0x480: {  	[tilespmem:s8+$0x7D30] =	vst.add.f32.msk $0xffff, v3  }
0x481: {  	[tilespmem:s8+$0x8980] =	vst.add.f32.msk $0xffff, v2  }
0x482: {  	[tilespmem:s8+$0x8990] =	vst.add.f32.msk $0xffff, v1  }
0x483: {  	[tilespmem:s8+$0x89A0] =	vst.add.f32.msk $0xffff, v0  }
0x484: {  	[tilespmem:s8+$0x89B0] =	vst.add.f32.msk $0xffff, v3  }
0x485: {  	[tilespmem:s8+$0x9600] =	vst.add.f32.msk $0xffff, v2  }
0x486: {  	[tilespmem:s8+$0x9610] =	vst.add.f32.msk $0xffff, v1  }
0x487: {  	[tilespmem:s8+$0x9620] =	vst.add.f32.msk $0xffff, v0  }
0x488: {  	[tilespmem:s8+$0x9630] =	vst.add.f32.msk $0xffff, v3  }
0x489: {  	[tilespmem:s8+$0xA280] =	vst.add.f32.msk $0xffff, v2  }
0x48a: {  	[tilespmem:s8+$0xA290] =	vst.add.f32.msk $0xffff, v1  }
0x48b: {  	[tilespmem:s8+$0xA2A0] =	vst.add.f32.msk $0xffff, v0  }
0x48c: {  	[tilespmem:s8+$0xA2B0] =	vst.add.f32.msk $0xffff, v3  }
0x48d: {  	[tilespmem:s8+$0xAF00] =	vst.add.f32.msk $0xffff, v2  }
0x48e: {  	[tilespmem:s8+$0xAF10] =	vst.add.f32.msk $0xffff, v1  }
0x48f: {  	[tilespmem:s8+$0xAF20] =	vst.add.f32.msk $0xffff, v0  }
0x490: {  	[tilespmem:s8+$0xAF30] =	vst.add.f32.msk $0xffff, v3  }
0x491: {  	[tilespmem:s8+$0xBB80] =	vst.add.f32.msk $0xffff, v2  }
0x492: {  	[tilespmem:s8+$0xBB90] =	vst.add.f32.msk $0xffff, v1  }
0x493: {  	[tilespmem:s8+$0xBBA0] =	vst.add.f32.msk $0xffff, v0  }
0x494: {  	[tilespmem:s8+$0xBBB0] =	vst.add.f32.msk $0xffff, v3  }
0x495: {  	[tilespmem:s8+$0xC800] =	vst.add.f32.msk $0xffff, v2  }
0x496: {  	[tilespmem:s8+$0xC810] =	vst.add.f32.msk $0xffff, v1  }
0x497: {  	[tilespmem:s8+$0xC820] =	vst.add.f32.msk $0xffff, v0  }
0x498: {  	[tilespmem:s8+$0xC830] =	vst.add.f32.msk $0xffff, v3  }
0x499: {  	[tilespmem:s8+$0xD480] =	vst.add.f32.msk $0xffff, v2  }
0x49a: {  	[tilespmem:s8+$0xD490] =	vst.add.f32.msk $0xffff, v1  }
0x49b: {  	[tilespmem:s8+$0xD4A0] =	vst.add.f32.msk $0xffff, v0  }
0x49c: {  	[tilespmem:s8+$0xD4B0] =	vst.add.f32.msk $0xffff, v3  }
0x49d: {  	[tilespmem:s8+$0xE100] =	vst.add.f32.msk $0xffff, v2  }
0x49e: {  	[tilespmem:s8+$0xE110] =	vst.add.f32.msk $0xffff, v1  }
0x49f: {  	[tilespmem:s8+$0xE120] =	vst.add.f32.msk $0xffff, v0  }
0x4a0: {  	[tilespmem:s8+$0xE130] =	vst.add.f32.msk $0xffff, v3  }
0x4a1: {  	[tilespmem:s8+$0xED80] =	vst.add.f32.msk $0xffff, v2  }
.Ltmp5:
0x4a2: {  	[tilespmem:s8+$0xED90] =	vst.add.f32.msk $0xffff, v1;
	(pc) =	sbr.rel @p0 .LBB2_12-.Ltmp5, $4  }
0x4a3: {  	[tilespmem:s8+$0xEDA0] =	vst.add.f32.msk $0xffff, v0  }
0x4a4: {  	[tilespmem:s8+$0xEDB0] =	vst.add.f32.msk $0xffff, v3  }
0x4a5: {  	[tilespmem:s8+$0xFA00] =	vst.add.f32.msk $0xffff, v2  }
0x4a6: {  	s10 =	sshra.s32 s9, $0x2;
	s9 =	sadd.s32 $0x100, s9;
	[tilespmem:s8+$0xFA10] =	vst.add.f32.msk $0xffff, v1  }
0x4a7: {  	v1 =	vld [tilespmem:s10+$0x3230]  }
0x4a8: {  	v2 =	vld [tilespmem:s10+$0x3200]  }
0x4a9: {  	v3 =	vld [tilespmem:s10+$0x3210]  }
0x4aa: {  	v4 =	vld [tilespmem:s10+$0x3220]  }
0x4ab: {  	[tilespmem:s8+$0xFA20] =	vst.add.f32.msk $0xffff, v0  }
0x4ac: {  	[tilespmem:s10+$0xFA30] =	vst.add.f32.msk $0xffff, v1  }
0x4ad: {  	[tilespmem:s10+$0x3E80] =	vst.add.f32.msk $0xffff, v2  }
0x4ae: {  	[tilespmem:s10+$0x3E90] =	vst.add.f32.msk $0xffff, v3  }
0x4af: {  	[tilespmem:s10+$0x3EA0] =	vst.add.f32.msk $0xffff, v4  }
0x4b0: {  	[tilespmem:s10+$0x3EB0] =	vst.add.f32.msk $0xffff, v1  }
0x4b1: {  	[tilespmem:s10+$0x4B00] =	vst.add.f32.msk $0xffff, v2  }
0x4b2: {  	[tilespmem:s10+$0x4B10] =	vst.add.f32.msk $0xffff, v3  }
0x4b3: {  	[tilespmem:s10+$0x4B20] =	vst.add.f32.msk $0xffff, v4  }
0x4b4: {  	[tilespmem:s10+$0x4B30] =	vst.add.f32.msk $0xffff, v1  }
0x4b5: {  	[tilespmem:s10+$0x5780] =	vst.add.f32.msk $0xffff, v2  }
0x4b6: {  	[tilespmem:s10+$0x5790] =	vst.add.f32.msk $0xffff, v3  }
0x4b7: {  	[tilespmem:s10+$0x57A0] =	vst.add.f32.msk $0xffff, v4  }
0x4b8: {  	[tilespmem:s10+$0x57B0] =	vst.add.f32.msk $0xffff, v1  }
0x4b9: {  	[tilespmem:s10+$0x6400] =	vst.add.f32.msk $0xffff, v2  }
0x4ba: {  	[tilespmem:s10+$0x6410] =	vst.add.f32.msk $0xffff, v3  }
0x4bb: {  	[tilespmem:s10+$0x6420] =	vst.add.f32.msk $0xffff, v4  }
0x4bc: {  	[tilespmem:s10+$0x6430] =	vst.add.f32.msk $0xffff, v1  }
0x4bd: {  	[tilespmem:s10+$0x7080] =	vst.add.f32.msk $0xffff, v2  }
0x4be: {  	[tilespmem:s10+$0x7090] =	vst.add.f32.msk $0xffff, v3  }
0x4bf: {  	[tilespmem:s10+$0x70A0] =	vst.add.f32.msk $0xffff, v4  }
0x4c0: {  	[tilespmem:s10+$0x70B0] =	vst.add.f32.msk $0xffff, v1  }
0x4c1: {  	[tilespmem:s10+$0x7D00] =	vst.add.f32.msk $0xffff, v2  }
0x4c2: {  	[tilespmem:s10+$0x7D10] =	vst.add.f32.msk $0xffff, v3  }
0x4c3: {  	[tilespmem:s10+$0x7D20] =	vst.add.f32.msk $0xffff, v4  }
0x4c4: {  	[tilespmem:s10+$0x7D30] =	vst.add.f32.msk $0xffff, v1  }
0x4c5: {  	[tilespmem:s10+$0x8980] =	vst.add.f32.msk $0xffff, v2  }
0x4c6: {  	[tilespmem:s10+$0x8990] =	vst.add.f32.msk $0xffff, v3  }
0x4c7: {  	[tilespmem:s10+$0x89A0] =	vst.add.f32.msk $0xffff, v4  }
0x4c8: {  	[tilespmem:s10+$0x89B0] =	vst.add.f32.msk $0xffff, v1  }
0x4c9: {  	[tilespmem:s10+$0x9600] =	vst.add.f32.msk $0xffff, v2  }
0x4ca: {  	[tilespmem:s10+$0x9610] =	vst.add.f32.msk $0xffff, v3  }
0x4cb: {  	[tilespmem:s10+$0x9620] =	vst.add.f32.msk $0xffff, v4  }
0x4cc: {  	[tilespmem:s10+$0x9630] =	vst.add.f32.msk $0xffff, v1  }
0x4cd: {  	[tilespmem:s10+$0xA280] =	vst.add.f32.msk $0xffff, v2  }
0x4ce: {  	[tilespmem:s10+$0xA290] =	vst.add.f32.msk $0xffff, v3  }
0x4cf: {  	[tilespmem:s10+$0xA2A0] =	vst.add.f32.msk $0xffff, v4  }
0x4d0: {  	[tilespmem:s10+$0xA2B0] =	vst.add.f32.msk $0xffff, v1  }
0x4d1: {  	[tilespmem:s10+$0xAF00] =	vst.add.f32.msk $0xffff, v2  }
0x4d2: {  	[tilespmem:s10+$0xAF10] =	vst.add.f32.msk $0xffff, v3  }
0x4d3: {  	[tilespmem:s10+$0xAF20] =	vst.add.f32.msk $0xffff, v4  }
0x4d4: {  	[tilespmem:s10+$0xAF30] =	vst.add.f32.msk $0xffff, v1  }
0x4d5: {  	[tilespmem:s10+$0xBB80] =	vst.add.f32.msk $0xffff, v2  }
0x4d6: {  	[tilespmem:s10+$0xBB90] =	vst.add.f32.msk $0xffff, v3  }
0x4d7: {  	[tilespmem:s10+$0xBBA0] =	vst.add.f32.msk $0xffff, v4  }
0x4d8: {  	[tilespmem:s10+$0xBBB0] =	vst.add.f32.msk $0xffff, v1  }
0x4d9: {  	[tilespmem:s10+$0xC800] =	vst.add.f32.msk $0xffff, v2  }
0x4da: {  	[tilespmem:s10+$0xC810] =	vst.add.f32.msk $0xffff, v3  }
0x4db: {  	[tilespmem:s10+$0xC820] =	vst.add.f32.msk $0xffff, v4  }
0x4dc: {  	[tilespmem:s10+$0xC830] =	vst.add.f32.msk $0xffff, v1  }
0x4dd: {  	[tilespmem:s10+$0xD480] =	vst.add.f32.msk $0xffff, v2  }
0x4de: {  	[tilespmem:s10+$0xD490] =	vst.add.f32.msk $0xffff, v3  }
0x4df: {  	[tilespmem:s10+$0xD4A0] =	vst.add.f32.msk $0xffff, v4  }
0x4e0: {  	[tilespmem:s10+$0xD4B0] =	vst.add.f32.msk $0xffff, v1  }
0x4e1: {  	[tilespmem:s10+$0xE100] =	vst.add.f32.msk $0xffff, v2  }
0x4e2: {  	[tilespmem:s10+$0xE110] =	vst.add.f32.msk $0xffff, v3  }
0x4e3: {  	[tilespmem:s10+$0xE120] =	vst.add.f32.msk $0xffff, v4  }
0x4e4: {  	[tilespmem:s10+$0xE130] =	vst.add.f32.msk $0xffff, v1  }
0x4e5: {  	[tilespmem:s10+$0xED80] =	vst.add.f32.msk $0xffff, v2  }
0x4e6: {  	[tilespmem:s10+$0xED90] =	vst.add.f32.msk $0xffff, v3  }
0x4e7: {  	[tilespmem:s10+$0xEDA0] =	vst.add.f32.msk $0xffff, v4  }
0x4e8: {  	[tilespmem:s10+$0xEDB0] =	vst.add.f32.msk $0xffff, v1  }
0x4e9: {  	[tilespmem:s10+$0xFA00] =	vst.add.f32.msk $0xffff, v2  }
0x4ea: {  	[tilespmem:s10+$0xFA10] =	vst.add.f32.msk $0xffff, v3  }
0x4eb: {  	s9 =	rddreg [dreg:$0x9];
	[tilespmem:s10+$0xFA20] =	vst.add.f32.msk $0xffff, v4;
	s10 =	simm.s32 $0x0  }
0x4ec: {  	[hbm4b:s9+s10] =	stream.linear.scatter [tilespmem:s19], [sflag:$0x3], $0xC800, $0x38;
	[tilespmem:$0x1CE80] =	vst v63  }
0x4ed: {  	_ =	swait.ge [sflag:s4], $0xC800  }
0x4ee: {  	[sflag:s4] =	ssyncset.done $0x0  }
0x4ef: {  	s10 =	simm.s32 $0x2BC0;
	[sflag:s4] =	ssyncadd.s32 $0xFFFF3800  }
0x4f0: {  	[tilespmem:s19], [sflag:$0x1] =	stream.indirect.gather [hbm4b:s3+s17], $0x40, s10, s17, $0xb8;
	[tilespmem:$0x1CE80] =	vst v63  }
0x4f1: {  	s9 =	simm.s32 $0x2C40  }
0x4f2: {  	[tilespmem:s21], [sflag:$0x1] =	stream.indirect.gather [hbm4b:s3+s17], $0x40, s9, s17, $0xb8;
	[tilespmem:$0x1CE80] =	vst v63  }
0x4f3: {  	s10 =	simm.s32 $0x2CC0  }
0x4f4: {  	[tilespmem:s23], [sflag:$0x1] =	stream.indirect.gather [hbm4b:s3+s17], $0x40, s10, s17, $0xb8;
	[tilespmem:$0x1CE80] =	vst v63  }
0x4f5: {  	s9 =	simm.s32 $0x2D40  }
0x4f6: {  	[tilespmem:s25], [sflag:$0x1] =	stream.indirect.gather [hbm4b:s3+s17], $0x40, s9, s17, $0xb8;
	[tilespmem:$0x1CE80] =	vst v63  }
0x4f7: {  	s10 =	simm.s32 $0x2DC0  }
0x4f8: {  	[tilespmem:s28], [sflag:$0x1] =	stream.indirect.gather [hbm4b:s3+s17], $0x40, s10, s17, $0xb8;
	[tilespmem:$0x1CE80] =	vst v63  }
0x4f9: {  	s9 =	simm.s32 $0x2E40  }
0x4fa: {  	[tilespmem:s30], [sflag:$0x1] =	stream.indirect.gather [hbm4b:s3+s17], $0x40, s9, s17, $0xb8;
	[tilespmem:$0x1CE80] =	vst v63  }
0x4fb: {  	s10 =	simm.s32 $0x2EC0  }
0x4fc: {  	[tilespmem:s0], [sflag:$0x1] =	stream.indirect.gather [hbm4b:s3+s31], $0x40, s10, s31, $0xb8;
	[tilespmem:$0x1CE80] =	vst v63  }
0x4fd: {  	_ =	swait.ge [sflag:s5], $0x2000  }
0x4fe: {  	[sflag:s5] =	ssyncset.done $0x0  }
0x4ff: {  	[sflag:s5] =	ssyncadd.s32 $0xFFFFE000  }
0x500: {  	_ =	swait.ge [sflag:s5], $0x2000  }
0x501: {  	[sflag:s5] =	ssyncset.done $0x0  }
0x502: {  	[sflag:s5] =	ssyncadd.s32 $0xFFFFE000  }
0x503: {  	_ =	swait.ge [sflag:s5], $0x2000  }
0x504: {  	[sflag:s5] =	ssyncset.done $0x0  }
0x505: {  	[sflag:s5] =	ssyncadd.s32 $0xFFFFE000  }
0x506: {  	_ =	swait.ge [sflag:s5], $0x2000  }
0x507: {  	[sflag:s5] =	ssyncset.done $0x0  }
0x508: {  	[sflag:s5] =	ssyncadd.s32 $0xFFFFE000  }
0x509: {  	_ =	swait.ge [sflag:s5], $0x2000  }
0x50a: {  	[sflag:s5] =	ssyncset.done $0x0  }
0x50b: {  	[sflag:s5] =	ssyncadd.s32 $0xFFFFE000  }
0x50c: {  	_ =	swait.ge [sflag:s5], $0x2000  }
0x50d: {  	[sflag:s5] =	ssyncset.done $0x0  }
0x50e: {  	[sflag:s5] =	ssyncadd.s32 $0xFFFFE000  }
0x50f: {  	_ =	swait.ge [sflag:s5], $0x800  }
0x510: {  	[sflag:s5] =	ssyncset.done $0x0  }
0x511: {  	s8 =	simm.s32 $0x0;
	[sflag:s5] =	ssyncadd.s32 $0xFFFFF800  }
0x512: {  	v1 =	vld [tilespmem:s8+$0x3230]  }
0x513: {  	v2 =	vld [tilespmem:s8+$0x3200]  }
0x514: {  	v3 =	vld [tilespmem:s8+$0x3210]  }
0x515: {  	v0 =	vld [tilespmem:s8+$0x3220];
	_ =	sdelay $0x1  }
0x516: {  	[tilespmem:s8+$0x1C230] =	vst.add.f32.msk $0xffff, v1  }
0x517: {  	[tilespmem:s8+$0x10680] =	vst.add.f32.msk $0xffff, v2  }
0x518: {  	[tilespmem:s8+$0x10690] =	vst.add.f32.msk $0xffff, v3  }
0x519: {  	[tilespmem:s8+$0x106A0] =	vst.add.f32.msk $0xffff, v0  }
0x51a: {  	[tilespmem:s8+$0x106B0] =	vst.add.f32.msk $0xffff, v1  }
0x51b: {  	[tilespmem:s8+$0x11300] =	vst.add.f32.msk $0xffff, v2  }
0x51c: {  	[tilespmem:s8+$0x11310] =	vst.add.f32.msk $0xffff, v3  }
0x51d: {  	[tilespmem:s8+$0x11320] =	vst.add.f32.msk $0xffff, v0  }
0x51e: {  	[tilespmem:s8+$0x11330] =	vst.add.f32.msk $0xffff, v1  }
0x51f: {  	[tilespmem:s8+$0x11F80] =	vst.add.f32.msk $0xffff, v2  }
0x520: {  	[tilespmem:s8+$0x11F90] =	vst.add.f32.msk $0xffff, v3  }
0x521: {  	[tilespmem:s8+$0x11FA0] =	vst.add.f32.msk $0xffff, v0  }
0x522: {  	[tilespmem:s8+$0x11FB0] =	vst.add.f32.msk $0xffff, v1  }
0x523: {  	[tilespmem:s8+$0x12C00] =	vst.add.f32.msk $0xffff, v2  }
0x524: {  	[tilespmem:s8+$0x12C10] =	vst.add.f32.msk $0xffff, v3  }
0x525: {  	[tilespmem:s8+$0x12C20] =	vst.add.f32.msk $0xffff, v0  }
0x526: {  	[tilespmem:s8+$0x12C30] =	vst.add.f32.msk $0xffff, v1  }
0x527: {  	[tilespmem:s8+$0x13880] =	vst.add.f32.msk $0xffff, v2  }
0x528: {  	[tilespmem:s8+$0x13890] =	vst.add.f32.msk $0xffff, v3  }
0x529: {  	[tilespmem:s8+$0x138A0] =	vst.add.f32.msk $0xffff, v0  }
0x52a: {  	[tilespmem:s8+$0x138B0] =	vst.add.f32.msk $0xffff, v1  }
0x52b: {  	[tilespmem:s8+$0x14500] =	vst.add.f32.msk $0xffff, v2  }
0x52c: {  	[tilespmem:s8+$0x14510] =	vst.add.f32.msk $0xffff, v3  }
0x52d: {  	[tilespmem:s8+$0x14520] =	vst.add.f32.msk $0xffff, v0  }
0x52e: {  	[tilespmem:s8+$0x14530] =	vst.add.f32.msk $0xffff, v1  }
0x52f: {  	[tilespmem:s8+$0x15180] =	vst.add.f32.msk $0xffff, v2  }
0x530: {  	[tilespmem:s8+$0x15190] =	vst.add.f32.msk $0xffff, v3  }
0x531: {  	[tilespmem:s8+$0x151A0] =	vst.add.f32.msk $0xffff, v0  }
0x532: {  	[tilespmem:s8+$0x151B0] =	vst.add.f32.msk $0xffff, v1  }
0x533: {  	[tilespmem:s8+$0x15E00] =	vst.add.f32.msk $0xffff, v2  }
0x534: {  	[tilespmem:s8+$0x15E10] =	vst.add.f32.msk $0xffff, v3  }
0x535: {  	[tilespmem:s8+$0x15E20] =	vst.add.f32.msk $0xffff, v0  }
0x536: {  	[tilespmem:s8+$0x15E30] =	vst.add.f32.msk $0xffff, v1  }
0x537: {  	[tilespmem:s8+$0x16A80] =	vst.add.f32.msk $0xffff, v2  }
0x538: {  	[tilespmem:s8+$0x16A90] =	vst.add.f32.msk $0xffff, v3  }
0x539: {  	[tilespmem:s8+$0x16AA0] =	vst.add.f32.msk $0xffff, v0  }
0x53a: {  	[tilespmem:s8+$0x16AB0] =	vst.add.f32.msk $0xffff, v1  }
0x53b: {  	[tilespmem:s8+$0x17700] =	vst.add.f32.msk $0xffff, v2  }
0x53c: {  	[tilespmem:s8+$0x17710] =	vst.add.f32.msk $0xffff, v3  }
0x53d: {  	[tilespmem:s8+$0x17720] =	vst.add.f32.msk $0xffff, v0  }
0x53e: {  	[tilespmem:s8+$0x17730] =	vst.add.f32.msk $0xffff, v1  }
0x53f: {  	[tilespmem:s8+$0x18380] =	vst.add.f32.msk $0xffff, v2  }
0x540: {  	[tilespmem:s8+$0x18390] =	vst.add.f32.msk $0xffff, v3  }
0x541: {  	[tilespmem:s8+$0x183A0] =	vst.add.f32.msk $0xffff, v0  }
0x542: {  	[tilespmem:s8+$0x183B0] =	vst.add.f32.msk $0xffff, v1  }
0x543: {  	[tilespmem:s8+$0x19000] =	vst.add.f32.msk $0xffff, v2  }
0x544: {  	[tilespmem:s8+$0x19010] =	vst.add.f32.msk $0xffff, v3  }
0x545: {  	[tilespmem:s8+$0x19020] =	vst.add.f32.msk $0xffff, v0  }
0x546: {  	[tilespmem:s8+$0x19030] =	vst.add.f32.msk $0xffff, v1  }
0x547: {  	[tilespmem:s8+$0x19C80] =	vst.add.f32.msk $0xffff, v2  }
0x548: {  	[tilespmem:s8+$0x19C90] =	vst.add.f32.msk $0xffff, v3  }
0x549: {  	[tilespmem:s8+$0x19CA0] =	vst.add.f32.msk $0xffff, v0  }
0x54a: {  	[tilespmem:s8+$0x19CB0] =	vst.add.f32.msk $0xffff, v1  }
0x54b: {  	[tilespmem:s8+$0x1A900] =	vst.add.f32.msk $0xffff, v2  }
0x54c: {  	[tilespmem:s8+$0x1A910] =	vst.add.f32.msk $0xffff, v3  }
0x54d: {  	[tilespmem:s8+$0x1A920] =	vst.add.f32.msk $0xffff, v0  }
0x54e: {  	[tilespmem:s8+$0x1A930] =	vst.add.f32.msk $0xffff, v1  }
0x54f: {  	[tilespmem:s8+$0x1B580] =	vst.add.f32.msk $0xffff, v2  }
0x550: {  	[tilespmem:s8+$0x1B590] =	vst.add.f32.msk $0xffff, v3  }
0x551: {  	[tilespmem:s8+$0x1B5A0] =	vst.add.f32.msk $0xffff, v0  }
0x552: {  	[tilespmem:s8+$0x1B5B0] =	vst.add.f32.msk $0xffff, v1  }
0x553: {  	[tilespmem:s8+$0x1C200] =	vst.add.f32.msk $0xffff, v2  }
0x554: {  	s9 =	simm.s32 $0x200;
	s10 =	simm.s32 $0x40;
	[tilespmem:s8+$0x1C210] =	vst.add.f32.msk $0xffff, v3  }
.LBB2_14:
0x555: {  	p0 =	sne.s32 s9, $0x3100;
	v3 =	vld [tilespmem:s10+$0x3230]  }
0x556: {  	v2 =	vld [tilespmem:s10+$0x3200]  }
0x557: {  	v1 =	vld [tilespmem:s10+$0x3210]  }
0x558: {  	v4 =	vld [tilespmem:s10+$0x3220]  }
0x559: {  	[tilespmem:s8+$0x1C220] =	vst.add.f32.msk $0xffff, v0;
	s8 =	smov.u32 s10  }
0x55a: {  	[tilespmem:s8+$0x1C230] =	vst.add.f32.msk $0xffff, v3  }
0x55b: {  	[tilespmem:s8+$0x10680] =	vst.add.f32.msk $0xffff, v2  }
0x55c: {  	[tilespmem:s8+$0x10690] =	vst.add.f32.msk $0xffff, v1  }
0x55d: {  	[tilespmem:s8+$0x106A0] =	vst.add.f32.msk $0xffff, v4;
	v0 =	vmov v4  }
0x55e: {  	[tilespmem:s8+$0x106B0] =	vst.add.f32.msk $0xffff, v3  }
0x55f: {  	[tilespmem:s8+$0x11300] =	vst.add.f32.msk $0xffff, v2  }
0x560: {  	[tilespmem:s8+$0x11310] =	vst.add.f32.msk $0xffff, v1  }
0x561: {  	[tilespmem:s8+$0x11320] =	vst.add.f32.msk $0xffff, v0  }
0x562: {  	[tilespmem:s8+$0x11330] =	vst.add.f32.msk $0xffff, v3  }
0x563: {  	[tilespmem:s8+$0x11F80] =	vst.add.f32.msk $0xffff, v2  }
0x564: {  	[tilespmem:s8+$0x11F90] =	vst.add.f32.msk $0xffff, v1  }
0x565: {  	[tilespmem:s8+$0x11FA0] =	vst.add.f32.msk $0xffff, v0  }
0x566: {  	[tilespmem:s8+$0x11FB0] =	vst.add.f32.msk $0xffff, v3  }
0x567: {  	[tilespmem:s8+$0x12C00] =	vst.add.f32.msk $0xffff, v2  }
0x568: {  	[tilespmem:s8+$0x12C10] =	vst.add.f32.msk $0xffff, v1  }
0x569: {  	[tilespmem:s8+$0x12C20] =	vst.add.f32.msk $0xffff, v0  }
0x56a: {  	[tilespmem:s8+$0x12C30] =	vst.add.f32.msk $0xffff, v3  }
0x56b: {  	[tilespmem:s8+$0x13880] =	vst.add.f32.msk $0xffff, v2  }
0x56c: {  	[tilespmem:s8+$0x13890] =	vst.add.f32.msk $0xffff, v1  }
0x56d: {  	[tilespmem:s8+$0x138A0] =	vst.add.f32.msk $0xffff, v0  }
0x56e: {  	[tilespmem:s8+$0x138B0] =	vst.add.f32.msk $0xffff, v3  }
0x56f: {  	[tilespmem:s8+$0x14500] =	vst.add.f32.msk $0xffff, v2  }
0x570: {  	[tilespmem:s8+$0x14510] =	vst.add.f32.msk $0xffff, v1  }
0x571: {  	[tilespmem:s8+$0x14520] =	vst.add.f32.msk $0xffff, v0  }
0x572: {  	[tilespmem:s8+$0x14530] =	vst.add.f32.msk $0xffff, v3  }
0x573: {  	[tilespmem:s8+$0x15180] =	vst.add.f32.msk $0xffff, v2  }
0x574: {  	[tilespmem:s8+$0x15190] =	vst.add.f32.msk $0xffff, v1  }
0x575: {  	[tilespmem:s8+$0x151A0] =	vst.add.f32.msk $0xffff, v0  }
0x576: {  	[tilespmem:s8+$0x151B0] =	vst.add.f32.msk $0xffff, v3  }
0x577: {  	[tilespmem:s8+$0x15E00] =	vst.add.f32.msk $0xffff, v2  }
0x578: {  	[tilespmem:s8+$0x15E10] =	vst.add.f32.msk $0xffff, v1  }
0x579: {  	[tilespmem:s8+$0x15E20] =	vst.add.f32.msk $0xffff, v0  }
0x57a: {  	[tilespmem:s8+$0x15E30] =	vst.add.f32.msk $0xffff, v3  }
0x57b: {  	[tilespmem:s8+$0x16A80] =	vst.add.f32.msk $0xffff, v2  }
0x57c: {  	[tilespmem:s8+$0x16A90] =	vst.add.f32.msk $0xffff, v1  }
0x57d: {  	[tilespmem:s8+$0x16AA0] =	vst.add.f32.msk $0xffff, v0  }
0x57e: {  	[tilespmem:s8+$0x16AB0] =	vst.add.f32.msk $0xffff, v3  }
0x57f: {  	[tilespmem:s8+$0x17700] =	vst.add.f32.msk $0xffff, v2  }
0x580: {  	[tilespmem:s8+$0x17710] =	vst.add.f32.msk $0xffff, v1  }
0x581: {  	[tilespmem:s8+$0x17720] =	vst.add.f32.msk $0xffff, v0  }
0x582: {  	[tilespmem:s8+$0x17730] =	vst.add.f32.msk $0xffff, v3  }
0x583: {  	[tilespmem:s8+$0x18380] =	vst.add.f32.msk $0xffff, v2  }
0x584: {  	[tilespmem:s8+$0x18390] =	vst.add.f32.msk $0xffff, v1  }
0x585: {  	[tilespmem:s8+$0x183A0] =	vst.add.f32.msk $0xffff, v0  }
0x586: {  	[tilespmem:s8+$0x183B0] =	vst.add.f32.msk $0xffff, v3  }
0x587: {  	[tilespmem:s8+$0x19000] =	vst.add.f32.msk $0xffff, v2  }
0x588: {  	[tilespmem:s8+$0x19010] =	vst.add.f32.msk $0xffff, v1  }
0x589: {  	[tilespmem:s8+$0x19020] =	vst.add.f32.msk $0xffff, v0  }
0x58a: {  	[tilespmem:s8+$0x19030] =	vst.add.f32.msk $0xffff, v3  }
0x58b: {  	[tilespmem:s8+$0x19C80] =	vst.add.f32.msk $0xffff, v2  }
0x58c: {  	[tilespmem:s8+$0x19C90] =	vst.add.f32.msk $0xffff, v1  }
0x58d: {  	[tilespmem:s8+$0x19CA0] =	vst.add.f32.msk $0xffff, v0  }
0x58e: {  	[tilespmem:s8+$0x19CB0] =	vst.add.f32.msk $0xffff, v3  }
0x58f: {  	[tilespmem:s8+$0x1A900] =	vst.add.f32.msk $0xffff, v2  }
0x590: {  	[tilespmem:s8+$0x1A910] =	vst.add.f32.msk $0xffff, v1  }
0x591: {  	[tilespmem:s8+$0x1A920] =	vst.add.f32.msk $0xffff, v0  }
0x592: {  	[tilespmem:s8+$0x1A930] =	vst.add.f32.msk $0xffff, v3  }
0x593: {  	[tilespmem:s8+$0x1B580] =	vst.add.f32.msk $0xffff, v2  }
.Ltmp6:
0x594: {  	[tilespmem:s8+$0x1B590] =	vst.add.f32.msk $0xffff, v1;
	(pc) =	sbr.rel @p0 .LBB2_14-.Ltmp6, $4  }
0x595: {  	[tilespmem:s8+$0x1B5A0] =	vst.add.f32.msk $0xffff, v0  }
0x596: {  	[tilespmem:s8+$0x1B5B0] =	vst.add.f32.msk $0xffff, v3  }
0x597: {  	[tilespmem:s8+$0x1C200] =	vst.add.f32.msk $0xffff, v2  }
0x598: {  	s10 =	sshra.s32 s9, $0x2;
	s9 =	sadd.s32 $0x100, s9;
	[tilespmem:s8+$0x1C210] =	vst.add.f32.msk $0xffff, v1  }
0x599: {  	v1 =	vld [tilespmem:s10+$0x3230]  }
0x59a: {  	v2 =	vld [tilespmem:s10+$0x3200]  }
0x59b: {  	v3 =	vld [tilespmem:s10+$0x3210]  }
0x59c: {  	v4 =	vld [tilespmem:s10+$0x3220]  }
0x59d: {  	[tilespmem:s8+$0x1C220] =	vst.add.f32.msk $0xffff, v0  }
0x59e: {  	[tilespmem:s10+$0x1C230] =	vst.add.f32.msk $0xffff, v1  }
0x59f: {  	[tilespmem:s10+$0x10680] =	vst.add.f32.msk $0xffff, v2  }
0x5a0: {  	[tilespmem:s10+$0x10690] =	vst.add.f32.msk $0xffff, v3  }
0x5a1: {  	[tilespmem:s10+$0x106A0] =	vst.add.f32.msk $0xffff, v4  }
0x5a2: {  	[tilespmem:s10+$0x106B0] =	vst.add.f32.msk $0xffff, v1  }
0x5a3: {  	[tilespmem:s10+$0x11300] =	vst.add.f32.msk $0xffff, v2  }
0x5a4: {  	[tilespmem:s10+$0x11310] =	vst.add.f32.msk $0xffff, v3  }
0x5a5: {  	[tilespmem:s10+$0x11320] =	vst.add.f32.msk $0xffff, v4  }
0x5a6: {  	[tilespmem:s10+$0x11330] =	vst.add.f32.msk $0xffff, v1  }
0x5a7: {  	[tilespmem:s10+$0x11F80] =	vst.add.f32.msk $0xffff, v2  }
0x5a8: {  	[tilespmem:s10+$0x11F90] =	vst.add.f32.msk $0xffff, v3  }
0x5a9: {  	[tilespmem:s10+$0x11FA0] =	vst.add.f32.msk $0xffff, v4  }
0x5aa: {  	[tilespmem:s10+$0x11FB0] =	vst.add.f32.msk $0xffff, v1  }
0x5ab: {  	[tilespmem:s10+$0x12C00] =	vst.add.f32.msk $0xffff, v2  }
0x5ac: {  	[tilespmem:s10+$0x12C10] =	vst.add.f32.msk $0xffff, v3  }
0x5ad: {  	[tilespmem:s10+$0x12C20] =	vst.add.f32.msk $0xffff, v4  }
0x5ae: {  	[tilespmem:s10+$0x12C30] =	vst.add.f32.msk $0xffff, v1  }
0x5af: {  	[tilespmem:s10+$0x13880] =	vst.add.f32.msk $0xffff, v2  }
0x5b0: {  	[tilespmem:s10+$0x13890] =	vst.add.f32.msk $0xffff, v3  }
0x5b1: {  	[tilespmem:s10+$0x138A0] =	vst.add.f32.msk $0xffff, v4  }
0x5b2: {  	[tilespmem:s10+$0x138B0] =	vst.add.f32.msk $0xffff, v1  }
0x5b3: {  	[tilespmem:s10+$0x14500] =	vst.add.f32.msk $0xffff, v2  }
0x5b4: {  	[tilespmem:s10+$0x14510] =	vst.add.f32.msk $0xffff, v3  }
0x5b5: {  	[tilespmem:s10+$0x14520] =	vst.add.f32.msk $0xffff, v4  }
0x5b6: {  	[tilespmem:s10+$0x14530] =	vst.add.f32.msk $0xffff, v1  }
0x5b7: {  	[tilespmem:s10+$0x15180] =	vst.add.f32.msk $0xffff, v2  }
0x5b8: {  	[tilespmem:s10+$0x15190] =	vst.add.f32.msk $0xffff, v3  }
0x5b9: {  	[tilespmem:s10+$0x151A0] =	vst.add.f32.msk $0xffff, v4  }
0x5ba: {  	[tilespmem:s10+$0x151B0] =	vst.add.f32.msk $0xffff, v1  }
0x5bb: {  	[tilespmem:s10+$0x15E00] =	vst.add.f32.msk $0xffff, v2  }
0x5bc: {  	[tilespmem:s10+$0x15E10] =	vst.add.f32.msk $0xffff, v3  }
0x5bd: {  	[tilespmem:s10+$0x15E20] =	vst.add.f32.msk $0xffff, v4  }
0x5be: {  	[tilespmem:s10+$0x15E30] =	vst.add.f32.msk $0xffff, v1  }
0x5bf: {  	[tilespmem:s10+$0x16A80] =	vst.add.f32.msk $0xffff, v2  }
0x5c0: {  	[tilespmem:s10+$0x16A90] =	vst.add.f32.msk $0xffff, v3  }
0x5c1: {  	[tilespmem:s10+$0x16AA0] =	vst.add.f32.msk $0xffff, v4  }
0x5c2: {  	[tilespmem:s10+$0x16AB0] =	vst.add.f32.msk $0xffff, v1  }
0x5c3: {  	[tilespmem:s10+$0x17700] =	vst.add.f32.msk $0xffff, v2  }
0x5c4: {  	[tilespmem:s10+$0x17710] =	vst.add.f32.msk $0xffff, v3  }
0x5c5: {  	[tilespmem:s10+$0x17720] =	vst.add.f32.msk $0xffff, v4  }
0x5c6: {  	[tilespmem:s10+$0x17730] =	vst.add.f32.msk $0xffff, v1  }
0x5c7: {  	[tilespmem:s10+$0x18380] =	vst.add.f32.msk $0xffff, v2  }
0x5c8: {  	[tilespmem:s10+$0x18390] =	vst.add.f32.msk $0xffff, v3  }
0x5c9: {  	[tilespmem:s10+$0x183A0] =	vst.add.f32.msk $0xffff, v4  }
0x5ca: {  	[tilespmem:s10+$0x183B0] =	vst.add.f32.msk $0xffff, v1  }
0x5cb: {  	[tilespmem:s10+$0x19000] =	vst.add.f32.msk $0xffff, v2  }
0x5cc: {  	[tilespmem:s10+$0x19010] =	vst.add.f32.msk $0xffff, v3  }
0x5cd: {  	[tilespmem:s10+$0x19020] =	vst.add.f32.msk $0xffff, v4  }
0x5ce: {  	[tilespmem:s10+$0x19030] =	vst.add.f32.msk $0xffff, v1  }
0x5cf: {  	[tilespmem:s10+$0x19C80] =	vst.add.f32.msk $0xffff, v2  }
0x5d0: {  	[tilespmem:s10+$0x19C90] =	vst.add.f32.msk $0xffff, v3  }
0x5d1: {  	[tilespmem:s10+$0x19CA0] =	vst.add.f32.msk $0xffff, v4  }
0x5d2: {  	[tilespmem:s10+$0x19CB0] =	vst.add.f32.msk $0xffff, v1  }
0x5d3: {  	[tilespmem:s10+$0x1A900] =	vst.add.f32.msk $0xffff, v2  }
0x5d4: {  	[tilespmem:s10+$0x1A910] =	vst.add.f32.msk $0xffff, v3  }
0x5d5: {  	[tilespmem:s10+$0x1A920] =	vst.add.f32.msk $0xffff, v4  }
0x5d6: {  	[tilespmem:s10+$0x1A930] =	vst.add.f32.msk $0xffff, v1  }
0x5d7: {  	[tilespmem:s10+$0x1B580] =	vst.add.f32.msk $0xffff, v2  }
0x5d8: {  	[tilespmem:s10+$0x1B590] =	vst.add.f32.msk $0xffff, v3  }
0x5d9: {  	[tilespmem:s10+$0x1B5A0] =	vst.add.f32.msk $0xffff, v4  }
0x5da: {  	[tilespmem:s10+$0x1B5B0] =	vst.add.f32.msk $0xffff, v1  }
0x5db: {  	[tilespmem:s10+$0x1C200] =	vst.add.f32.msk $0xffff, v2  }
0x5dc: {  	[tilespmem:s10+$0x1C210] =	vst.add.f32.msk $0xffff, v3  }
0x5dd: {  	s9 =	simm.s32 $0x0;
	[tilespmem:s10+$0x1C220] =	vst.add.f32.msk $0xffff, v4  }
0x5de: {  	[hbm4b:s11+s9] =	stream.linear.scatter [tilespmem:s18], [sflag:$0x4], $0xC800, $0x38;
	[tilespmem:$0x1CE80] =	vst v63  }
0x5df: {  	_ =	swait.ge [sflag:s6], $0xC800  }
0x5e0: {  	[sflag:s6] =	ssyncset.done $0x0  }
0x5e1: {  	s10 =	simm.s32 $0x2EE0;
	[sflag:s6] =	ssyncadd.s32 $0xFFFF3800  }
0x5e2: {  	[tilespmem:s18], [sflag:$0x2] =	stream.indirect.gather [hbm4b:s3+s17], $0x40, s10, s17, $0xb8;
	[tilespmem:$0x1CE80] =	vst v63  }
0x5e3: {  	s9 =	simm.s32 $0x2F60  }
0x5e4: {  	[tilespmem:s22], [sflag:$0x2] =	stream.indirect.gather [hbm4b:s3+s17], $0x40, s9, s17, $0xb8;
	[tilespmem:$0x1CE80] =	vst v63  }
0x5e5: {  	s10 =	simm.s32 $0x2FE0  }
0x5e6: {  	[tilespmem:s26], [sflag:$0x2] =	stream.indirect.gather [hbm4b:s3+s17], $0x40, s10, s17, $0xb8;
	[tilespmem:$0x1CE80] =	vst v63  }
0x5e7: {  	s9 =	simm.s32 $0x3060  }
0x5e8: {  	[tilespmem:s1], [sflag:$0x2] =	stream.indirect.gather [hbm4b:s3+s17], $0x40, s9, s17, $0xb8;
	[tilespmem:$0x1CE80] =	vst v63  }
0x5e9: {  	s10 =	simm.s32 $0x30E0  }
0x5ea: {  	[tilespmem:s20], [sflag:$0x2] =	stream.indirect.gather [hbm4b:s3+s17], $0x40, s10, s17, $0xb8;
	[tilespmem:$0x1CE80] =	vst v63  }
0x5eb: {  	s9 =	simm.s32 $0x3160  }
0x5ec: {  	[tilespmem:s29], [sflag:$0x2] =	stream.indirect.gather [hbm4b:s3+s17], $0x40, s9, s17, $0xb8;
	[tilespmem:$0x1CE80] =	vst v63  }
0x5ed: {  	s10 =	simm.s32 $0x31E0  }
0x5ee: {  	[tilespmem:s24], [sflag:$0x2] =	stream.indirect.gather [hbm4b:s3+s31], $0x40, s10, s31, $0xb8;
	[tilespmem:$0x1CE80] =	vst v63  }
0x5ef: {  	_ =	swait.ge [sflag:s16], $0x2000  }
0x5f0: {  	[sflag:s16] =	ssyncset.done $0x0  }
0x5f1: {  	[sflag:s16] =	ssyncadd.s32 $0xFFFFE000  }
0x5f2: {  	_ =	swait.ge [sflag:s16], $0x2000  }
0x5f3: {  	[sflag:s16] =	ssyncset.done $0x0  }
0x5f4: {  	[sflag:s16] =	ssyncadd.s32 $0xFFFFE000  }
0x5f5: {  	_ =	swait.ge [sflag:s16], $0x2000  }
0x5f6: {  	[sflag:s16] =	ssyncset.done $0x0  }
0x5f7: {  	[sflag:s16] =	ssyncadd.s32 $0xFFFFE000  }
0x5f8: {  	_ =	swait.ge [sflag:s16], $0x2000  }
0x5f9: {  	[sflag:s16] =	ssyncset.done $0x0  }
0x5fa: {  	[sflag:s16] =	ssyncadd.s32 $0xFFFFE000  }
0x5fb: {  	_ =	swait.ge [sflag:s16], $0x2000  }
0x5fc: {  	[sflag:s16] =	ssyncset.done $0x0  }
0x5fd: {  	[sflag:s16] =	ssyncadd.s32 $0xFFFFE000  }
0x5fe: {  	_ =	swait.ge [sflag:s16], $0x2000  }
0x5ff: {  	[sflag:s16] =	ssyncset.done $0x0  }
0x600: {  	[sflag:s16] =	ssyncadd.s32 $0xFFFFE000  }
0x601: {  	_ =	swait.ge [sflag:s16], $0x800  }
0x602: {  	[sflag:s16] =	ssyncset.done $0x0  }
0x603: {  	s8 =	simm.s32 $0x0;
	[sflag:s16] =	ssyncadd.s32 $0xFFFFF800  }
0x604: {  	v1 =	vld [tilespmem:s8+$0x3230]  }
0x605: {  	v2 =	vld [tilespmem:s8+$0x3200]  }
0x606: {  	v3 =	vld [tilespmem:s8+$0x3210]  }
0x607: {  	v0 =	vld [tilespmem:s8+$0x3220];
	_ =	sdelay $0x1  }
0x608: {  	[tilespmem:s8+$0xFA30] =	vst.add.f32.msk $0xffff, v1  }
0x609: {  	[tilespmem:s8+$0x3E80] =	vst.add.f32.msk $0xffff, v2  }
0x60a: {  	[tilespmem:s8+$0x3E90] =	vst.add.f32.msk $0xffff, v3  }
0x60b: {  	[tilespmem:s8+$0x3EA0] =	vst.add.f32.msk $0xffff, v0  }
0x60c: {  	[tilespmem:s8+$0x3EB0] =	vst.add.f32.msk $0xffff, v1  }
0x60d: {  	[tilespmem:s8+$0x4B00] =	vst.add.f32.msk $0xffff, v2  }
0x60e: {  	[tilespmem:s8+$0x4B10] =	vst.add.f32.msk $0xffff, v3  }
0x60f: {  	[tilespmem:s8+$0x4B20] =	vst.add.f32.msk $0xffff, v0  }
0x610: {  	[tilespmem:s8+$0x4B30] =	vst.add.f32.msk $0xffff, v1  }
0x611: {  	[tilespmem:s8+$0x5780] =	vst.add.f32.msk $0xffff, v2  }
0x612: {  	[tilespmem:s8+$0x5790] =	vst.add.f32.msk $0xffff, v3  }
0x613: {  	[tilespmem:s8+$0x57A0] =	vst.add.f32.msk $0xffff, v0  }
0x614: {  	[tilespmem:s8+$0x57B0] =	vst.add.f32.msk $0xffff, v1  }
0x615: {  	[tilespmem:s8+$0x6400] =	vst.add.f32.msk $0xffff, v2  }
0x616: {  	[tilespmem:s8+$0x6410] =	vst.add.f32.msk $0xffff, v3  }
0x617: {  	[tilespmem:s8+$0x6420] =	vst.add.f32.msk $0xffff, v0  }
0x618: {  	[tilespmem:s8+$0x6430] =	vst.add.f32.msk $0xffff, v1  }
0x619: {  	[tilespmem:s8+$0x7080] =	vst.add.f32.msk $0xffff, v2  }
0x61a: {  	[tilespmem:s8+$0x7090] =	vst.add.f32.msk $0xffff, v3  }
0x61b: {  	[tilespmem:s8+$0x70A0] =	vst.add.f32.msk $0xffff, v0  }
0x61c: {  	[tilespmem:s8+$0x70B0] =	vst.add.f32.msk $0xffff, v1  }
0x61d: {  	[tilespmem:s8+$0x7D00] =	vst.add.f32.msk $0xffff, v2  }
0x61e: {  	[tilespmem:s8+$0x7D10] =	vst.add.f32.msk $0xffff, v3  }
0x61f: {  	[tilespmem:s8+$0x7D20] =	vst.add.f32.msk $0xffff, v0  }
0x620: {  	[tilespmem:s8+$0x7D30] =	vst.add.f32.msk $0xffff, v1  }
0x621: {  	[tilespmem:s8+$0x8980] =	vst.add.f32.msk $0xffff, v2  }
0x622: {  	[tilespmem:s8+$0x8990] =	vst.add.f32.msk $0xffff, v3  }
0x623: {  	[tilespmem:s8+$0x89A0] =	vst.add.f32.msk $0xffff, v0  }
0x624: {  	[tilespmem:s8+$0x89B0] =	vst.add.f32.msk $0xffff, v1  }
0x625: {  	[tilespmem:s8+$0x9600] =	vst.add.f32.msk $0xffff, v2  }
0x626: {  	[tilespmem:s8+$0x9610] =	vst.add.f32.msk $0xffff, v3  }
0x627: {  	[tilespmem:s8+$0x9620] =	vst.add.f32.msk $0xffff, v0  }
0x628: {  	[tilespmem:s8+$0x9630] =	vst.add.f32.msk $0xffff, v1  }
0x629: {  	[tilespmem:s8+$0xA280] =	vst.add.f32.msk $0xffff, v2  }
0x62a: {  	[tilespmem:s8+$0xA290] =	vst.add.f32.msk $0xffff, v3  }
0x62b: {  	[tilespmem:s8+$0xA2A0] =	vst.add.f32.msk $0xffff, v0  }
0x62c: {  	[tilespmem:s8+$0xA2B0] =	vst.add.f32.msk $0xffff, v1  }
0x62d: {  	[tilespmem:s8+$0xAF00] =	vst.add.f32.msk $0xffff, v2  }
0x62e: {  	[tilespmem:s8+$0xAF10] =	vst.add.f32.msk $0xffff, v3  }
0x62f: {  	[tilespmem:s8+$0xAF20] =	vst.add.f32.msk $0xffff, v0  }
0x630: {  	[tilespmem:s8+$0xAF30] =	vst.add.f32.msk $0xffff, v1  }
0x631: {  	[tilespmem:s8+$0xBB80] =	vst.add.f32.msk $0xffff, v2  }
0x632: {  	[tilespmem:s8+$0xBB90] =	vst.add.f32.msk $0xffff, v3  }
0x633: {  	[tilespmem:s8+$0xBBA0] =	vst.add.f32.msk $0xffff, v0  }
0x634: {  	[tilespmem:s8+$0xBBB0] =	vst.add.f32.msk $0xffff, v1  }
0x635: {  	[tilespmem:s8+$0xC800] =	vst.add.f32.msk $0xffff, v2  }
0x636: {  	[tilespmem:s8+$0xC810] =	vst.add.f32.msk $0xffff, v3  }
0x637: {  	[tilespmem:s8+$0xC820] =	vst.add.f32.msk $0xffff, v0  }
0x638: {  	[tilespmem:s8+$0xC830] =	vst.add.f32.msk $0xffff, v1  }
0x639: {  	[tilespmem:s8+$0xD480] =	vst.add.f32.msk $0xffff, v2  }
0x63a: {  	[tilespmem:s8+$0xD490] =	vst.add.f32.msk $0xffff, v3  }
0x63b: {  	[tilespmem:s8+$0xD4A0] =	vst.add.f32.msk $0xffff, v0  }
0x63c: {  	[tilespmem:s8+$0xD4B0] =	vst.add.f32.msk $0xffff, v1  }
0x63d: {  	[tilespmem:s8+$0xE100] =	vst.add.f32.msk $0xffff, v2  }
0x63e: {  	[tilespmem:s8+$0xE110] =	vst.add.f32.msk $0xffff, v3  }
0x63f: {  	[tilespmem:s8+$0xE120] =	vst.add.f32.msk $0xffff, v0  }
0x640: {  	[tilespmem:s8+$0xE130] =	vst.add.f32.msk $0xffff, v1  }
0x641: {  	[tilespmem:s8+$0xED80] =	vst.add.f32.msk $0xffff, v2  }
0x642: {  	[tilespmem:s8+$0xED90] =	vst.add.f32.msk $0xffff, v3  }
0x643: {  	[tilespmem:s8+$0xEDA0] =	vst.add.f32.msk $0xffff, v0  }
0x644: {  	[tilespmem:s8+$0xEDB0] =	vst.add.f32.msk $0xffff, v1  }
0x645: {  	[tilespmem:s8+$0xFA00] =	vst.add.f32.msk $0xffff, v2  }
0x646: {  	s9 =	simm.s32 $0x200;
	s10 =	simm.s32 $0x40;
	[tilespmem:s8+$0xFA10] =	vst.add.f32.msk $0xffff, v3  }
.LBB2_16:
0x647: {  	p0 =	sne.s32 s9, $0x3100;
	v3 =	vld [tilespmem:s10+$0x3230]  }
0x648: {  	v2 =	vld [tilespmem:s10+$0x3200]  }
0x649: {  	v1 =	vld [tilespmem:s10+$0x3210]  }
0x64a: {  	v4 =	vld [tilespmem:s10+$0x3220]  }
0x64b: {  	[tilespmem:s8+$0xFA20] =	vst.add.f32.msk $0xffff, v0;
	s8 =	smov.u32 s10  }
0x64c: {  	[tilespmem:s8+$0xFA30] =	vst.add.f32.msk $0xffff, v3  }
0x64d: {  	[tilespmem:s8+$0x3E80] =	vst.add.f32.msk $0xffff, v2  }
0x64e: {  	[tilespmem:s8+$0x3E90] =	vst.add.f32.msk $0xffff, v1  }
0x64f: {  	[tilespmem:s8+$0x3EA0] =	vst.add.f32.msk $0xffff, v4;
	v0 =	vmov v4  }
0x650: {  	[tilespmem:s8+$0x3EB0] =	vst.add.f32.msk $0xffff, v3  }
0x651: {  	[tilespmem:s8+$0x4B00] =	vst.add.f32.msk $0xffff, v2  }
0x652: {  	[tilespmem:s8+$0x4B10] =	vst.add.f32.msk $0xffff, v1  }
0x653: {  	[tilespmem:s8+$0x4B20] =	vst.add.f32.msk $0xffff, v0  }
0x654: {  	[tilespmem:s8+$0x4B30] =	vst.add.f32.msk $0xffff, v3  }
0x655: {  	[tilespmem:s8+$0x5780] =	vst.add.f32.msk $0xffff, v2  }
0x656: {  	[tilespmem:s8+$0x5790] =	vst.add.f32.msk $0xffff, v1  }
0x657: {  	[tilespmem:s8+$0x57A0] =	vst.add.f32.msk $0xffff, v0  }
0x658: {  	[tilespmem:s8+$0x57B0] =	vst.add.f32.msk $0xffff, v3  }
0x659: {  	[tilespmem:s8+$0x6400] =	vst.add.f32.msk $0xffff, v2  }
0x65a: {  	[tilespmem:s8+$0x6410] =	vst.add.f32.msk $0xffff, v1  }
0x65b: {  	[tilespmem:s8+$0x6420] =	vst.add.f32.msk $0xffff, v0  }
0x65c: {  	[tilespmem:s8+$0x6430] =	vst.add.f32.msk $0xffff, v3  }
0x65d: {  	[tilespmem:s8+$0x7080] =	vst.add.f32.msk $0xffff, v2  }
0x65e: {  	[tilespmem:s8+$0x7090] =	vst.add.f32.msk $0xffff, v1  }
0x65f: {  	[tilespmem:s8+$0x70A0] =	vst.add.f32.msk $0xffff, v0  }
0x660: {  	[tilespmem:s8+$0x70B0] =	vst.add.f32.msk $0xffff, v3  }
0x661: {  	[tilespmem:s8+$0x7D00] =	vst.add.f32.msk $0xffff, v2  }
0x662: {  	[tilespmem:s8+$0x7D10] =	vst.add.f32.msk $0xffff, v1  }
0x663: {  	[tilespmem:s8+$0x7D20] =	vst.add.f32.msk $0xffff, v0  }
0x664: {  	[tilespmem:s8+$0x7D30] =	vst.add.f32.msk $0xffff, v3  }
0x665: {  	[tilespmem:s8+$0x8980] =	vst.add.f32.msk $0xffff, v2  }
0x666: {  	[tilespmem:s8+$0x8990] =	vst.add.f32.msk $0xffff, v1  }
0x667: {  	[tilespmem:s8+$0x89A0] =	vst.add.f32.msk $0xffff, v0  }
0x668: {  	[tilespmem:s8+$0x89B0] =	vst.add.f32.msk $0xffff, v3  }
0x669: {  	[tilespmem:s8+$0x9600] =	vst.add.f32.msk $0xffff, v2  }
0x66a: {  	[tilespmem:s8+$0x9610] =	vst.add.f32.msk $0xffff, v1  }
0x66b: {  	[tilespmem:s8+$0x9620] =	vst.add.f32.msk $0xffff, v0  }
0x66c: {  	[tilespmem:s8+$0x9630] =	vst.add.f32.msk $0xffff, v3  }
0x66d: {  	[tilespmem:s8+$0xA280] =	vst.add.f32.msk $0xffff, v2  }
0x66e: {  	[tilespmem:s8+$0xA290] =	vst.add.f32.msk $0xffff, v1  }
0x66f: {  	[tilespmem:s8+$0xA2A0] =	vst.add.f32.msk $0xffff, v0  }
0x670: {  	[tilespmem:s8+$0xA2B0] =	vst.add.f32.msk $0xffff, v3  }
0x671: {  	[tilespmem:s8+$0xAF00] =	vst.add.f32.msk $0xffff, v2  }
0x672: {  	[tilespmem:s8+$0xAF10] =	vst.add.f32.msk $0xffff, v1  }
0x673: {  	[tilespmem:s8+$0xAF20] =	vst.add.f32.msk $0xffff, v0  }
0x674: {  	[tilespmem:s8+$0xAF30] =	vst.add.f32.msk $0xffff, v3  }
0x675: {  	[tilespmem:s8+$0xBB80] =	vst.add.f32.msk $0xffff, v2  }
0x676: {  	[tilespmem:s8+$0xBB90] =	vst.add.f32.msk $0xffff, v1  }
0x677: {  	[tilespmem:s8+$0xBBA0] =	vst.add.f32.msk $0xffff, v0  }
0x678: {  	[tilespmem:s8+$0xBBB0] =	vst.add.f32.msk $0xffff, v3  }
0x679: {  	[tilespmem:s8+$0xC800] =	vst.add.f32.msk $0xffff, v2  }
0x67a: {  	[tilespmem:s8+$0xC810] =	vst.add.f32.msk $0xffff, v1  }
0x67b: {  	[tilespmem:s8+$0xC820] =	vst.add.f32.msk $0xffff, v0  }
0x67c: {  	[tilespmem:s8+$0xC830] =	vst.add.f32.msk $0xffff, v3  }
0x67d: {  	[tilespmem:s8+$0xD480] =	vst.add.f32.msk $0xffff, v2  }
0x67e: {  	[tilespmem:s8+$0xD490] =	vst.add.f32.msk $0xffff, v1  }
0x67f: {  	[tilespmem:s8+$0xD4A0] =	vst.add.f32.msk $0xffff, v0  }
0x680: {  	[tilespmem:s8+$0xD4B0] =	vst.add.f32.msk $0xffff, v3  }
0x681: {  	[tilespmem:s8+$0xE100] =	vst.add.f32.msk $0xffff, v2  }
0x682: {  	[tilespmem:s8+$0xE110] =	vst.add.f32.msk $0xffff, v1  }
0x683: {  	[tilespmem:s8+$0xE120] =	vst.add.f32.msk $0xffff, v0  }
0x684: {  	[tilespmem:s8+$0xE130] =	vst.add.f32.msk $0xffff, v3  }
0x685: {  	[tilespmem:s8+$0xED80] =	vst.add.f32.msk $0xffff, v2  }
.Ltmp7:
0x686: {  	[tilespmem:s8+$0xED90] =	vst.add.f32.msk $0xffff, v1;
	(pc) =	sbr.rel @p0 .LBB2_16-.Ltmp7, $4  }
0x687: {  	[tilespmem:s8+$0xEDA0] =	vst.add.f32.msk $0xffff, v0  }
0x688: {  	[tilespmem:s8+$0xEDB0] =	vst.add.f32.msk $0xffff, v3  }
0x689: {  	[tilespmem:s8+$0xFA00] =	vst.add.f32.msk $0xffff, v2  }
0x68a: {  	s10 =	sshra.s32 s9, $0x2;
	s9 =	sadd.s32 $0x100, s9;
	[tilespmem:s8+$0xFA10] =	vst.add.f32.msk $0xffff, v1  }
0x68b: {  	v1 =	vld [tilespmem:s10+$0x3230]  }
0x68c: {  	v2 =	vld [tilespmem:s10+$0x3200]  }
0x68d: {  	v3 =	vld [tilespmem:s10+$0x3210]  }
0x68e: {  	v4 =	vld [tilespmem:s10+$0x3220]  }
0x68f: {  	[tilespmem:s8+$0xFA20] =	vst.add.f32.msk $0xffff, v0  }
0x690: {  	[tilespmem:s10+$0xFA30] =	vst.add.f32.msk $0xffff, v1  }
0x691: {  	[tilespmem:s10+$0x3E80] =	vst.add.f32.msk $0xffff, v2  }
0x692: {  	[tilespmem:s10+$0x3E90] =	vst.add.f32.msk $0xffff, v3  }
0x693: {  	[tilespmem:s10+$0x3EA0] =	vst.add.f32.msk $0xffff, v4  }
0x694: {  	[tilespmem:s10+$0x3EB0] =	vst.add.f32.msk $0xffff, v1  }
0x695: {  	[tilespmem:s10+$0x4B00] =	vst.add.f32.msk $0xffff, v2  }
0x696: {  	[tilespmem:s10+$0x4B10] =	vst.add.f32.msk $0xffff, v3  }
0x697: {  	[tilespmem:s10+$0x4B20] =	vst.add.f32.msk $0xffff, v4  }
0x698: {  	[tilespmem:s10+$0x4B30] =	vst.add.f32.msk $0xffff, v1  }
0x699: {  	[tilespmem:s10+$0x5780] =	vst.add.f32.msk $0xffff, v2  }
0x69a: {  	[tilespmem:s10+$0x5790] =	vst.add.f32.msk $0xffff, v3  }
0x69b: {  	[tilespmem:s10+$0x57A0] =	vst.add.f32.msk $0xffff, v4  }
0x69c: {  	[tilespmem:s10+$0x57B0] =	vst.add.f32.msk $0xffff, v1  }
0x69d: {  	[tilespmem:s10+$0x6400] =	vst.add.f32.msk $0xffff, v2  }
0x69e: {  	[tilespmem:s10+$0x6410] =	vst.add.f32.msk $0xffff, v3  }
0x69f: {  	[tilespmem:s10+$0x6420] =	vst.add.f32.msk $0xffff, v4  }
0x6a0: {  	[tilespmem:s10+$0x6430] =	vst.add.f32.msk $0xffff, v1  }
0x6a1: {  	[tilespmem:s10+$0x7080] =	vst.add.f32.msk $0xffff, v2  }
0x6a2: {  	[tilespmem:s10+$0x7090] =	vst.add.f32.msk $0xffff, v3  }
0x6a3: {  	[tilespmem:s10+$0x70A0] =	vst.add.f32.msk $0xffff, v4  }
0x6a4: {  	[tilespmem:s10+$0x70B0] =	vst.add.f32.msk $0xffff, v1  }
0x6a5: {  	[tilespmem:s10+$0x7D00] =	vst.add.f32.msk $0xffff, v2  }
0x6a6: {  	[tilespmem:s10+$0x7D10] =	vst.add.f32.msk $0xffff, v3  }
0x6a7: {  	[tilespmem:s10+$0x7D20] =	vst.add.f32.msk $0xffff, v4  }
0x6a8: {  	[tilespmem:s10+$0x7D30] =	vst.add.f32.msk $0xffff, v1  }
0x6a9: {  	[tilespmem:s10+$0x8980] =	vst.add.f32.msk $0xffff, v2  }
0x6aa: {  	[tilespmem:s10+$0x8990] =	vst.add.f32.msk $0xffff, v3  }
0x6ab: {  	[tilespmem:s10+$0x89A0] =	vst.add.f32.msk $0xffff, v4  }
0x6ac: {  	[tilespmem:s10+$0x89B0] =	vst.add.f32.msk $0xffff, v1  }
0x6ad: {  	[tilespmem:s10+$0x9600] =	vst.add.f32.msk $0xffff, v2  }
0x6ae: {  	[tilespmem:s10+$0x9610] =	vst.add.f32.msk $0xffff, v3  }
0x6af: {  	[tilespmem:s10+$0x9620] =	vst.add.f32.msk $0xffff, v4  }
0x6b0: {  	[tilespmem:s10+$0x9630] =	vst.add.f32.msk $0xffff, v1  }
0x6b1: {  	[tilespmem:s10+$0xA280] =	vst.add.f32.msk $0xffff, v2  }
0x6b2: {  	[tilespmem:s10+$0xA290] =	vst.add.f32.msk $0xffff, v3  }
0x6b3: {  	[tilespmem:s10+$0xA2A0] =	vst.add.f32.msk $0xffff, v4  }
0x6b4: {  	[tilespmem:s10+$0xA2B0] =	vst.add.f32.msk $0xffff, v1  }
0x6b5: {  	[tilespmem:s10+$0xAF00] =	vst.add.f32.msk $0xffff, v2  }
0x6b6: {  	[tilespmem:s10+$0xAF10] =	vst.add.f32.msk $0xffff, v3  }
0x6b7: {  	[tilespmem:s10+$0xAF20] =	vst.add.f32.msk $0xffff, v4  }
0x6b8: {  	[tilespmem:s10+$0xAF30] =	vst.add.f32.msk $0xffff, v1  }
0x6b9: {  	[tilespmem:s10+$0xBB80] =	vst.add.f32.msk $0xffff, v2  }
0x6ba: {  	[tilespmem:s10+$0xBB90] =	vst.add.f32.msk $0xffff, v3  }
0x6bb: {  	[tilespmem:s10+$0xBBA0] =	vst.add.f32.msk $0xffff, v4  }
0x6bc: {  	[tilespmem:s10+$0xBBB0] =	vst.add.f32.msk $0xffff, v1  }
0x6bd: {  	[tilespmem:s10+$0xC800] =	vst.add.f32.msk $0xffff, v2  }
0x6be: {  	[tilespmem:s10+$0xC810] =	vst.add.f32.msk $0xffff, v3  }
0x6bf: {  	[tilespmem:s10+$0xC820] =	vst.add.f32.msk $0xffff, v4  }
0x6c0: {  	[tilespmem:s10+$0xC830] =	vst.add.f32.msk $0xffff, v1  }
0x6c1: {  	[tilespmem:s10+$0xD480] =	vst.add.f32.msk $0xffff, v2  }
0x6c2: {  	[tilespmem:s10+$0xD490] =	vst.add.f32.msk $0xffff, v3  }
0x6c3: {  	[tilespmem:s10+$0xD4A0] =	vst.add.f32.msk $0xffff, v4  }
0x6c4: {  	[tilespmem:s10+$0xD4B0] =	vst.add.f32.msk $0xffff, v1  }
0x6c5: {  	[tilespmem:s10+$0xE100] =	vst.add.f32.msk $0xffff, v2  }
0x6c6: {  	[tilespmem:s10+$0xE110] =	vst.add.f32.msk $0xffff, v3  }
0x6c7: {  	[tilespmem:s10+$0xE120] =	vst.add.f32.msk $0xffff, v4  }
0x6c8: {  	[tilespmem:s10+$0xE130] =	vst.add.f32.msk $0xffff, v1  }
0x6c9: {  	[tilespmem:s10+$0xED80] =	vst.add.f32.msk $0xffff, v2  }
0x6ca: {  	[tilespmem:s10+$0xED90] =	vst.add.f32.msk $0xffff, v3  }
0x6cb: {  	[tilespmem:s10+$0xEDA0] =	vst.add.f32.msk $0xffff, v4  }
0x6cc: {  	[tilespmem:s10+$0xEDB0] =	vst.add.f32.msk $0xffff, v1  }
0x6cd: {  	[tilespmem:s10+$0xFA00] =	vst.add.f32.msk $0xffff, v2  }
0x6ce: {  	[tilespmem:s10+$0xFA10] =	vst.add.f32.msk $0xffff, v3  }
0x6cf: {  	[tilespmem:s10+$0xFA20] =	vst.add.f32.msk $0xffff, v4;
	s10 =	simm.s32 $0x0  }
0x6d0: {  	[hbm4b:s12+s10] =	stream.linear.scatter [tilespmem:s19], [sflag:$0x3], $0xC800, $0x38;
	[tilespmem:$0x1CE80] =	vst v63  }
0x6d1: {  	_ =	swait.ge [sflag:s5], $0x2000  }
0x6d2: {  	[sflag:s5] =	ssyncset.done $0x0  }
0x6d3: {  	[sflag:s5] =	ssyncadd.s32 $0xFFFFE000  }
0x6d4: {  	_ =	swait.ge [sflag:s5], $0x2000  }
0x6d5: {  	[sflag:s5] =	ssyncset.done $0x0  }
0x6d6: {  	[sflag:s5] =	ssyncadd.s32 $0xFFFFE000  }
0x6d7: {  	_ =	swait.ge [sflag:s5], $0x2000  }
0x6d8: {  	[sflag:s5] =	ssyncset.done $0x0  }
0x6d9: {  	[sflag:s5] =	ssyncadd.s32 $0xFFFFE000  }
0x6da: {  	_ =	swait.ge [sflag:s5], $0x2000  }
0x6db: {  	[sflag:s5] =	ssyncset.done $0x0  }
0x6dc: {  	[sflag:s5] =	ssyncadd.s32 $0xFFFFE000  }
0x6dd: {  	_ =	swait.ge [sflag:s5], $0x2000  }
0x6de: {  	[sflag:s5] =	ssyncset.done $0x0  }
0x6df: {  	[sflag:s5] =	ssyncadd.s32 $0xFFFFE000  }
0x6e0: {  	_ =	swait.ge [sflag:s5], $0x2000  }
0x6e1: {  	[sflag:s5] =	ssyncset.done $0x0  }
0x6e2: {  	[sflag:s5] =	ssyncadd.s32 $0xFFFFE000  }
0x6e3: {  	_ =	swait.ge [sflag:s5], $0x800  }
0x6e4: {  	[sflag:s5] =	ssyncset.done $0x0  }
0x6e5: {  	s8 =	simm.s32 $0x0;
	[sflag:s5] =	ssyncadd.s32 $0xFFFFF800  }
0x6e6: {  	v1 =	vld [tilespmem:s8+$0x3230]  }
0x6e7: {  	v2 =	vld [tilespmem:s8+$0x3200]  }
0x6e8: {  	v3 =	vld [tilespmem:s8+$0x3210]  }
0x6e9: {  	v0 =	vld [tilespmem:s8+$0x3220];
	_ =	sdelay $0x1  }
0x6ea: {  	[tilespmem:s8+$0x1C230] =	vst.add.f32.msk $0xffff, v1  }
0x6eb: {  	[tilespmem:s8+$0x10680] =	vst.add.f32.msk $0xffff, v2  }
0x6ec: {  	[tilespmem:s8+$0x10690] =	vst.add.f32.msk $0xffff, v3  }
0x6ed: {  	[tilespmem:s8+$0x106A0] =	vst.add.f32.msk $0xffff, v0  }
0x6ee: {  	[tilespmem:s8+$0x106B0] =	vst.add.f32.msk $0xffff, v1  }
0x6ef: {  	[tilespmem:s8+$0x11300] =	vst.add.f32.msk $0xffff, v2  }
0x6f0: {  	[tilespmem:s8+$0x11310] =	vst.add.f32.msk $0xffff, v3  }
0x6f1: {  	[tilespmem:s8+$0x11320] =	vst.add.f32.msk $0xffff, v0  }
0x6f2: {  	[tilespmem:s8+$0x11330] =	vst.add.f32.msk $0xffff, v1  }
0x6f3: {  	[tilespmem:s8+$0x11F80] =	vst.add.f32.msk $0xffff, v2  }
0x6f4: {  	[tilespmem:s8+$0x11F90] =	vst.add.f32.msk $0xffff, v3  }
0x6f5: {  	[tilespmem:s8+$0x11FA0] =	vst.add.f32.msk $0xffff, v0  }
0x6f6: {  	[tilespmem:s8+$0x11FB0] =	vst.add.f32.msk $0xffff, v1  }
0x6f7: {  	[tilespmem:s8+$0x12C00] =	vst.add.f32.msk $0xffff, v2  }
0x6f8: {  	[tilespmem:s8+$0x12C10] =	vst.add.f32.msk $0xffff, v3  }
0x6f9: {  	[tilespmem:s8+$0x12C20] =	vst.add.f32.msk $0xffff, v0  }
0x6fa: {  	[tilespmem:s8+$0x12C30] =	vst.add.f32.msk $0xffff, v1  }
0x6fb: {  	[tilespmem:s8+$0x13880] =	vst.add.f32.msk $0xffff, v2  }
0x6fc: {  	[tilespmem:s8+$0x13890] =	vst.add.f32.msk $0xffff, v3  }
0x6fd: {  	[tilespmem:s8+$0x138A0] =	vst.add.f32.msk $0xffff, v0  }
0x6fe: {  	[tilespmem:s8+$0x138B0] =	vst.add.f32.msk $0xffff, v1  }
0x6ff: {  	[tilespmem:s8+$0x14500] =	vst.add.f32.msk $0xffff, v2  }
0x700: {  	[tilespmem:s8+$0x14510] =	vst.add.f32.msk $0xffff, v3  }
0x701: {  	[tilespmem:s8+$0x14520] =	vst.add.f32.msk $0xffff, v0  }
0x702: {  	[tilespmem:s8+$0x14530] =	vst.add.f32.msk $0xffff, v1  }
0x703: {  	[tilespmem:s8+$0x15180] =	vst.add.f32.msk $0xffff, v2  }
0x704: {  	[tilespmem:s8+$0x15190] =	vst.add.f32.msk $0xffff, v3  }
0x705: {  	[tilespmem:s8+$0x151A0] =	vst.add.f32.msk $0xffff, v0  }
0x706: {  	[tilespmem:s8+$0x151B0] =	vst.add.f32.msk $0xffff, v1  }
0x707: {  	[tilespmem:s8+$0x15E00] =	vst.add.f32.msk $0xffff, v2  }
0x708: {  	[tilespmem:s8+$0x15E10] =	vst.add.f32.msk $0xffff, v3  }
0x709: {  	[tilespmem:s8+$0x15E20] =	vst.add.f32.msk $0xffff, v0  }
0x70a: {  	[tilespmem:s8+$0x15E30] =	vst.add.f32.msk $0xffff, v1  }
0x70b: {  	[tilespmem:s8+$0x16A80] =	vst.add.f32.msk $0xffff, v2  }
0x70c: {  	[tilespmem:s8+$0x16A90] =	vst.add.f32.msk $0xffff, v3  }
0x70d: {  	[tilespmem:s8+$0x16AA0] =	vst.add.f32.msk $0xffff, v0  }
0x70e: {  	[tilespmem:s8+$0x16AB0] =	vst.add.f32.msk $0xffff, v1  }
0x70f: {  	[tilespmem:s8+$0x17700] =	vst.add.f32.msk $0xffff, v2  }
0x710: {  	[tilespmem:s8+$0x17710] =	vst.add.f32.msk $0xffff, v3  }
0x711: {  	[tilespmem:s8+$0x17720] =	vst.add.f32.msk $0xffff, v0  }
0x712: {  	[tilespmem:s8+$0x17730] =	vst.add.f32.msk $0xffff, v1  }
0x713: {  	[tilespmem:s8+$0x18380] =	vst.add.f32.msk $0xffff, v2  }
0x714: {  	[tilespmem:s8+$0x18390] =	vst.add.f32.msk $0xffff, v3  }
0x715: {  	[tilespmem:s8+$0x183A0] =	vst.add.f32.msk $0xffff, v0  }
0x716: {  	[tilespmem:s8+$0x183B0] =	vst.add.f32.msk $0xffff, v1  }
0x717: {  	[tilespmem:s8+$0x19000] =	vst.add.f32.msk $0xffff, v2  }
0x718: {  	[tilespmem:s8+$0x19010] =	vst.add.f32.msk $0xffff, v3  }
0x719: {  	[tilespmem:s8+$0x19020] =	vst.add.f32.msk $0xffff, v0  }
0x71a: {  	[tilespmem:s8+$0x19030] =	vst.add.f32.msk $0xffff, v1  }
0x71b: {  	[tilespmem:s8+$0x19C80] =	vst.add.f32.msk $0xffff, v2  }
0x71c: {  	[tilespmem:s8+$0x19C90] =	vst.add.f32.msk $0xffff, v3  }
0x71d: {  	[tilespmem:s8+$0x19CA0] =	vst.add.f32.msk $0xffff, v0  }
0x71e: {  	[tilespmem:s8+$0x19CB0] =	vst.add.f32.msk $0xffff, v1  }
0x71f: {  	[tilespmem:s8+$0x1A900] =	vst.add.f32.msk $0xffff, v2  }
0x720: {  	[tilespmem:s8+$0x1A910] =	vst.add.f32.msk $0xffff, v3  }
0x721: {  	[tilespmem:s8+$0x1A920] =	vst.add.f32.msk $0xffff, v0  }
0x722: {  	[tilespmem:s8+$0x1A930] =	vst.add.f32.msk $0xffff, v1  }
0x723: {  	[tilespmem:s8+$0x1B580] =	vst.add.f32.msk $0xffff, v2  }
0x724: {  	[tilespmem:s8+$0x1B590] =	vst.add.f32.msk $0xffff, v3  }
0x725: {  	[tilespmem:s8+$0x1B5A0] =	vst.add.f32.msk $0xffff, v0  }
0x726: {  	[tilespmem:s8+$0x1B5B0] =	vst.add.f32.msk $0xffff, v1  }
0x727: {  	[tilespmem:s8+$0x1C200] =	vst.add.f32.msk $0xffff, v2  }
0x728: {  	s9 =	simm.s32 $0x200;
	s10 =	simm.s32 $0x40;
	[tilespmem:s8+$0x1C210] =	vst.add.f32.msk $0xffff, v3  }
.LBB2_18:
0x729: {  	p0 =	sne.s32 s9, $0x3100;
	v3 =	vld [tilespmem:s10+$0x3230]  }
0x72a: {  	v2 =	vld [tilespmem:s10+$0x3200]  }
0x72b: {  	v1 =	vld [tilespmem:s10+$0x3210]  }
0x72c: {  	v4 =	vld [tilespmem:s10+$0x3220]  }
0x72d: {  	[tilespmem:s8+$0x1C220] =	vst.add.f32.msk $0xffff, v0;
	s8 =	smov.u32 s10  }
0x72e: {  	[tilespmem:s8+$0x1C230] =	vst.add.f32.msk $0xffff, v3  }
0x72f: {  	[tilespmem:s8+$0x10680] =	vst.add.f32.msk $0xffff, v2  }
0x730: {  	[tilespmem:s8+$0x10690] =	vst.add.f32.msk $0xffff, v1  }
0x731: {  	[tilespmem:s8+$0x106A0] =	vst.add.f32.msk $0xffff, v4;
	v0 =	vmov v4  }
0x732: {  	[tilespmem:s8+$0x106B0] =	vst.add.f32.msk $0xffff, v3  }
0x733: {  	[tilespmem:s8+$0x11300] =	vst.add.f32.msk $0xffff, v2  }
0x734: {  	[tilespmem:s8+$0x11310] =	vst.add.f32.msk $0xffff, v1  }
0x735: {  	[tilespmem:s8+$0x11320] =	vst.add.f32.msk $0xffff, v0  }
0x736: {  	[tilespmem:s8+$0x11330] =	vst.add.f32.msk $0xffff, v3  }
0x737: {  	[tilespmem:s8+$0x11F80] =	vst.add.f32.msk $0xffff, v2  }
0x738: {  	[tilespmem:s8+$0x11F90] =	vst.add.f32.msk $0xffff, v1  }
0x739: {  	[tilespmem:s8+$0x11FA0] =	vst.add.f32.msk $0xffff, v0  }
0x73a: {  	[tilespmem:s8+$0x11FB0] =	vst.add.f32.msk $0xffff, v3  }
0x73b: {  	[tilespmem:s8+$0x12C00] =	vst.add.f32.msk $0xffff, v2  }
0x73c: {  	[tilespmem:s8+$0x12C10] =	vst.add.f32.msk $0xffff, v1  }
0x73d: {  	[tilespmem:s8+$0x12C20] =	vst.add.f32.msk $0xffff, v0  }
0x73e: {  	[tilespmem:s8+$0x12C30] =	vst.add.f32.msk $0xffff, v3  }
0x73f: {  	[tilespmem:s8+$0x13880] =	vst.add.f32.msk $0xffff, v2  }
0x740: {  	[tilespmem:s8+$0x13890] =	vst.add.f32.msk $0xffff, v1  }
0x741: {  	[tilespmem:s8+$0x138A0] =	vst.add.f32.msk $0xffff, v0  }
0x742: {  	[tilespmem:s8+$0x138B0] =	vst.add.f32.msk $0xffff, v3  }
0x743: {  	[tilespmem:s8+$0x14500] =	vst.add.f32.msk $0xffff, v2  }
0x744: {  	[tilespmem:s8+$0x14510] =	vst.add.f32.msk $0xffff, v1  }
0x745: {  	[tilespmem:s8+$0x14520] =	vst.add.f32.msk $0xffff, v0  }
0x746: {  	[tilespmem:s8+$0x14530] =	vst.add.f32.msk $0xffff, v3  }
0x747: {  	[tilespmem:s8+$0x15180] =	vst.add.f32.msk $0xffff, v2  }
0x748: {  	[tilespmem:s8+$0x15190] =	vst.add.f32.msk $0xffff, v1  }
0x749: {  	[tilespmem:s8+$0x151A0] =	vst.add.f32.msk $0xffff, v0  }
0x74a: {  	[tilespmem:s8+$0x151B0] =	vst.add.f32.msk $0xffff, v3  }
0x74b: {  	[tilespmem:s8+$0x15E00] =	vst.add.f32.msk $0xffff, v2  }
0x74c: {  	[tilespmem:s8+$0x15E10] =	vst.add.f32.msk $0xffff, v1  }
0x74d: {  	[tilespmem:s8+$0x15E20] =	vst.add.f32.msk $0xffff, v0  }
0x74e: {  	[tilespmem:s8+$0x15E30] =	vst.add.f32.msk $0xffff, v3  }
0x74f: {  	[tilespmem:s8+$0x16A80] =	vst.add.f32.msk $0xffff, v2  }
0x750: {  	[tilespmem:s8+$0x16A90] =	vst.add.f32.msk $0xffff, v1  }
0x751: {  	[tilespmem:s8+$0x16AA0] =	vst.add.f32.msk $0xffff, v0  }
0x752: {  	[tilespmem:s8+$0x16AB0] =	vst.add.f32.msk $0xffff, v3  }
0x753: {  	[tilespmem:s8+$0x17700] =	vst.add.f32.msk $0xffff, v2  }
0x754: {  	[tilespmem:s8+$0x17710] =	vst.add.f32.msk $0xffff, v1  }
0x755: {  	[tilespmem:s8+$0x17720] =	vst.add.f32.msk $0xffff, v0  }
0x756: {  	[tilespmem:s8+$0x17730] =	vst.add.f32.msk $0xffff, v3  }
0x757: {  	[tilespmem:s8+$0x18380] =	vst.add.f32.msk $0xffff, v2  }
0x758: {  	[tilespmem:s8+$0x18390] =	vst.add.f32.msk $0xffff, v1  }
0x759: {  	[tilespmem:s8+$0x183A0] =	vst.add.f32.msk $0xffff, v0  }
0x75a: {  	[tilespmem:s8+$0x183B0] =	vst.add.f32.msk $0xffff, v3  }
0x75b: {  	[tilespmem:s8+$0x19000] =	vst.add.f32.msk $0xffff, v2  }
0x75c: {  	[tilespmem:s8+$0x19010] =	vst.add.f32.msk $0xffff, v1  }
0x75d: {  	[tilespmem:s8+$0x19020] =	vst.add.f32.msk $0xffff, v0  }
0x75e: {  	[tilespmem:s8+$0x19030] =	vst.add.f32.msk $0xffff, v3  }
0x75f: {  	[tilespmem:s8+$0x19C80] =	vst.add.f32.msk $0xffff, v2  }
0x760: {  	[tilespmem:s8+$0x19C90] =	vst.add.f32.msk $0xffff, v1  }
0x761: {  	[tilespmem:s8+$0x19CA0] =	vst.add.f32.msk $0xffff, v0  }
0x762: {  	[tilespmem:s8+$0x19CB0] =	vst.add.f32.msk $0xffff, v3  }
0x763: {  	[tilespmem:s8+$0x1A900] =	vst.add.f32.msk $0xffff, v2  }
0x764: {  	[tilespmem:s8+$0x1A910] =	vst.add.f32.msk $0xffff, v1  }
0x765: {  	[tilespmem:s8+$0x1A920] =	vst.add.f32.msk $0xffff, v0  }
0x766: {  	[tilespmem:s8+$0x1A930] =	vst.add.f32.msk $0xffff, v3  }
0x767: {  	[tilespmem:s8+$0x1B580] =	vst.add.f32.msk $0xffff, v2  }
.Ltmp8:
0x768: {  	[tilespmem:s8+$0x1B590] =	vst.add.f32.msk $0xffff, v1;
	(pc) =	sbr.rel @p0 .LBB2_18-.Ltmp8, $4  }
0x769: {  	[tilespmem:s8+$0x1B5A0] =	vst.add.f32.msk $0xffff, v0  }
0x76a: {  	[tilespmem:s8+$0x1B5B0] =	vst.add.f32.msk $0xffff, v3  }
0x76b: {  	[tilespmem:s8+$0x1C200] =	vst.add.f32.msk $0xffff, v2  }
0x76c: {  	s10 =	sshra.s32 s9, $0x2;
	s9 =	sadd.s32 $0x100, s9;
	[tilespmem:s8+$0x1C210] =	vst.add.f32.msk $0xffff, v1  }
0x76d: {  	v1 =	vld [tilespmem:s10+$0x3230]  }
0x76e: {  	v2 =	vld [tilespmem:s10+$0x3200]  }
0x76f: {  	v3 =	vld [tilespmem:s10+$0x3210]  }
0x770: {  	v4 =	vld [tilespmem:s10+$0x3220]  }
0x771: {  	[tilespmem:s8+$0x1C220] =	vst.add.f32.msk $0xffff, v0  }
0x772: {  	[tilespmem:s10+$0x1C230] =	vst.add.f32.msk $0xffff, v1  }
0x773: {  	[tilespmem:s10+$0x10680] =	vst.add.f32.msk $0xffff, v2  }
0x774: {  	[tilespmem:s10+$0x10690] =	vst.add.f32.msk $0xffff, v3  }
0x775: {  	[tilespmem:s10+$0x106A0] =	vst.add.f32.msk $0xffff, v4  }
0x776: {  	[tilespmem:s10+$0x106B0] =	vst.add.f32.msk $0xffff, v1  }
0x777: {  	[tilespmem:s10+$0x11300] =	vst.add.f32.msk $0xffff, v2  }
0x778: {  	[tilespmem:s10+$0x11310] =	vst.add.f32.msk $0xffff, v3  }
0x779: {  	[tilespmem:s10+$0x11320] =	vst.add.f32.msk $0xffff, v4  }
0x77a: {  	[tilespmem:s10+$0x11330] =	vst.add.f32.msk $0xffff, v1  }
0x77b: {  	[tilespmem:s10+$0x11F80] =	vst.add.f32.msk $0xffff, v2  }
0x77c: {  	[tilespmem:s10+$0x11F90] =	vst.add.f32.msk $0xffff, v3  }
0x77d: {  	[tilespmem:s10+$0x11FA0] =	vst.add.f32.msk $0xffff, v4  }
0x77e: {  	[tilespmem:s10+$0x11FB0] =	vst.add.f32.msk $0xffff, v1  }
0x77f: {  	[tilespmem:s10+$0x12C00] =	vst.add.f32.msk $0xffff, v2  }
0x780: {  	[tilespmem:s10+$0x12C10] =	vst.add.f32.msk $0xffff, v3  }
0x781: {  	[tilespmem:s10+$0x12C20] =	vst.add.f32.msk $0xffff, v4  }
0x782: {  	[tilespmem:s10+$0x12C30] =	vst.add.f32.msk $0xffff, v1  }
0x783: {  	[tilespmem:s10+$0x13880] =	vst.add.f32.msk $0xffff, v2  }
0x784: {  	[tilespmem:s10+$0x13890] =	vst.add.f32.msk $0xffff, v3  }
0x785: {  	[tilespmem:s10+$0x138A0] =	vst.add.f32.msk $0xffff, v4  }
0x786: {  	[tilespmem:s10+$0x138B0] =	vst.add.f32.msk $0xffff, v1  }
0x787: {  	[tilespmem:s10+$0x14500] =	vst.add.f32.msk $0xffff, v2  }
0x788: {  	[tilespmem:s10+$0x14510] =	vst.add.f32.msk $0xffff, v3  }
0x789: {  	[tilespmem:s10+$0x14520] =	vst.add.f32.msk $0xffff, v4  }
0x78a: {  	[tilespmem:s10+$0x14530] =	vst.add.f32.msk $0xffff, v1  }
0x78b: {  	[tilespmem:s10+$0x15180] =	vst.add.f32.msk $0xffff, v2  }
0x78c: {  	[tilespmem:s10+$0x15190] =	vst.add.f32.msk $0xffff, v3  }
0x78d: {  	[tilespmem:s10+$0x151A0] =	vst.add.f32.msk $0xffff, v4  }
0x78e: {  	[tilespmem:s10+$0x151B0] =	vst.add.f32.msk $0xffff, v1  }
0x78f: {  	[tilespmem:s10+$0x15E00] =	vst.add.f32.msk $0xffff, v2  }
0x790: {  	[tilespmem:s10+$0x15E10] =	vst.add.f32.msk $0xffff, v3  }
0x791: {  	[tilespmem:s10+$0x15E20] =	vst.add.f32.msk $0xffff, v4  }
0x792: {  	[tilespmem:s10+$0x15E30] =	vst.add.f32.msk $0xffff, v1  }
0x793: {  	[tilespmem:s10+$0x16A80] =	vst.add.f32.msk $0xffff, v2  }
0x794: {  	[tilespmem:s10+$0x16A90] =	vst.add.f32.msk $0xffff, v3  }
0x795: {  	[tilespmem:s10+$0x16AA0] =	vst.add.f32.msk $0xffff, v4  }
0x796: {  	[tilespmem:s10+$0x16AB0] =	vst.add.f32.msk $0xffff, v1  }
0x797: {  	[tilespmem:s10+$0x17700] =	vst.add.f32.msk $0xffff, v2  }
0x798: {  	[tilespmem:s10+$0x17710] =	vst.add.f32.msk $0xffff, v3  }
0x799: {  	[tilespmem:s10+$0x17720] =	vst.add.f32.msk $0xffff, v4  }
0x79a: {  	[tilespmem:s10+$0x17730] =	vst.add.f32.msk $0xffff, v1  }
0x79b: {  	[tilespmem:s10+$0x18380] =	vst.add.f32.msk $0xffff, v2  }
0x79c: {  	[tilespmem:s10+$0x18390] =	vst.add.f32.msk $0xffff, v3  }
0x79d: {  	[tilespmem:s10+$0x183A0] =	vst.add.f32.msk $0xffff, v4  }
0x79e: {  	[tilespmem:s10+$0x183B0] =	vst.add.f32.msk $0xffff, v1  }
0x79f: {  	[tilespmem:s10+$0x19000] =	vst.add.f32.msk $0xffff, v2  }
0x7a0: {  	[tilespmem:s10+$0x19010] =	vst.add.f32.msk $0xffff, v3  }
0x7a1: {  	[tilespmem:s10+$0x19020] =	vst.add.f32.msk $0xffff, v4  }
0x7a2: {  	[tilespmem:s10+$0x19030] =	vst.add.f32.msk $0xffff, v1  }
0x7a3: {  	[tilespmem:s10+$0x19C80] =	vst.add.f32.msk $0xffff, v2  }
0x7a4: {  	[tilespmem:s10+$0x19C90] =	vst.add.f32.msk $0xffff, v3  }
0x7a5: {  	[tilespmem:s10+$0x19CA0] =	vst.add.f32.msk $0xffff, v4  }
0x7a6: {  	[tilespmem:s10+$0x19CB0] =	vst.add.f32.msk $0xffff, v1  }
0x7a7: {  	[tilespmem:s10+$0x1A900] =	vst.add.f32.msk $0xffff, v2  }
0x7a8: {  	[tilespmem:s10+$0x1A910] =	vst.add.f32.msk $0xffff, v3  }
0x7a9: {  	[tilespmem:s10+$0x1A920] =	vst.add.f32.msk $0xffff, v4  }
0x7aa: {  	[tilespmem:s10+$0x1A930] =	vst.add.f32.msk $0xffff, v1  }
0x7ab: {  	[tilespmem:s10+$0x1B580] =	vst.add.f32.msk $0xffff, v2  }
0x7ac: {  	[tilespmem:s10+$0x1B590] =	vst.add.f32.msk $0xffff, v3  }
0x7ad: {  	[tilespmem:s10+$0x1B5A0] =	vst.add.f32.msk $0xffff, v4  }
0x7ae: {  	[tilespmem:s10+$0x1B5B0] =	vst.add.f32.msk $0xffff, v1  }
0x7af: {  	[tilespmem:s10+$0x1C200] =	vst.add.f32.msk $0xffff, v2  }
0x7b0: {  	[tilespmem:s10+$0x1C210] =	vst.add.f32.msk $0xffff, v3  }
0x7b1: {  	s7 =	sadd.s32 $0x1, s7;
	[tilespmem:s10+$0x1C220] =	vst.add.f32.msk $0xffff, v4  }
0x7b2: {  	[hbm4b:s13+s2] =	stream.linear.scatter [tilespmem:s18], [sflag:$0x4], $0xC800, $0x38;
	[tilespmem:$0x1CE80] =	vst v63  }
0x7b3: {  	p0 =	sne.s32 s7, s14;
	_ =	swait.ge [sflag:s4], $0xC800  }
.Ltmp9:
0x7b4: {  	[sflag:s4] =	ssyncset.done $0x0;
	(pc) =	sbr.rel @p0 .LBB2_1-.Ltmp9, $4  }
0x7b5: {  	[sflag:s4] =	ssyncadd.s32 $0xFFFF3800  }
0x7b6: {  	_ =	swait.ge [sflag:s6], $0xC800  }
0x7b7: {  	[sflag:s6] =	ssyncset.done $0x0  }
0x7b8: {  	[sflag:s6] =	ssyncadd.s32 $0xFFFF3800  }
0x7b9: {  	_ =	sfence.sel $0x180000  }
0x7ba: {  	[bflag:$0x0] =	sbarrier.arrive $0xFFFF  }
0x7bb: {  	_ =	strace $0x90000047  }
0x7bc: {  	s0 =	stileid.u32;
	[bflag:$0x2] =	sbarrier.arrive $0xFFFF  }
0x7bd: {  	p0 =	sne.s32 s0, $0x0;
	s0 =	rddreg [dreg:$0x2]  }
0x7be: {  	s0 =	sadd.s32 @!p0 $0x100000, s0  }
0x7bf: {  	[sflag:s0] =	ssyncadd.tile.s32 @!p0 $0x1;
	_ =	shalt  }
.Lfunc_end2:
_tile_overlayer_lowered:
.L_overlay_start_2:
0x7c0: {  	(tag) =	ssettag $0x2  }
0x7c1: {  	s0 =	rddreg [dreg:$0x0];
	s2 =	stileid.u32  }
0x7c2: {  	s1 =	rddreg [dreg:$0x1];
	p0 =	sne.s32 s2, $0x0  }
0x7c3: {  	s3 =	rddreg [dreg:$0x2];
	[bflag:$0x3] =	sbarrier.arrive $0xFFFF;
	s2 =	simm.s32 @!p0 $0x1C05  }
0x7c4: {  	[timem:s3], [sflag:s2] =	dma.local @!p0 [hbm:s0], s1  }
0x7c5: {  	s0 =	simm.s32 @!p0 $0x5  }
0x7c6: {  	_ =	swait.ge @!p0 [sflag:s0], s1  }
0x7c7: {  	s1 =	ssub.s32 @!p0 $0x0, s1;
	[sflag:s0] =	ssyncset.done @!p0 $0x0  }
0x7c8: {  	[sflag:s0] =	ssyncadd.s32 @!p0 s1  }
0x7c9: {  	[bflag:$0x3] =	sbarrier.arrive $0xFFFF  }
0x7ca: {  	_ =	shalt  }

// kernel: sparse-core-data-format-call.cloned.1.call-start
scs
called_computation_lowered:
.L_overlay_start_0:
0x0: {  	s2 =	sld [smem:$0x3FD9]  }
0x1: {  	s3 =	sld [smem:$0x3FFE];
	_ =	sdelay $0x1  }
0x2: {  	s1 =	srdreg.scid  }
0x3: {  	s0 =	sand.u32 $0x1, s1  }
0x4: {  	s18 =	sshll.u32 s0, $0xA;
	s2 =	sadd.s32 s3, s2  }
0x5: {  	s2 =	sadd.s32 s2, s18  }
0x6: {  	[smem:$0x3FC5] =	sst s2  }
0x7: {  	_ = 	snop  }
0x8: {  	s2 =	sld [smem:$0x3FD0];
	(tm) =	ssettm $0x1  }
0x9: {  	s19 =	sld [smem:$0x3FFB];
	_ =	sdelay $0x3  }
0xa: {  	_ =	strace s19  }
0xb: {  	s3 =	sld [smem:$0x3FFC];
	_ =	sdelay $0x3  }
0xc: {  	_ =	strace s3  }
0xd: {  	s3 =	sld [smem:$0x3FFD];
	_ =	sdelay $0x3  }
0xe: {  	_ =	strace s3  }
0xf: {  	_ =	strace $0x8FFFFFFF  }
0x10: {  	s20 =	sld [smem:$0x3FDB];
	_ =	sdelay $0x1  }
0x11: {  	s4 =	simm.s32 $_scs_section_size  }
0x12: {  	s5 =	simm.s32 $_size__tile_overlayer_lowered;
	s6 =	simm.s32 $_tile_overlayer_lowered  }
0x13: {  	s23 =	simm.s32 $0x1BFF;
	s22 =	sshll.u32 s6, $0x1;
	s3 =	sadd.s32 s4, s20  }
0x14: {  	s7 =	simm.s32 $0x0;
	s21 =	sshll.u32 s5, $0x1;
	s5 =	sadd.s32 s22, s3  }
0x15: {  	[timem:s7], [sflag:s23] =	dma.local [hbm:s5], s21  }
0x16: {  	_ =	swait.ge [sflag:s23], s21  }
0x17: {  	s4 =	ssub.s32 $0x0, s21;
	[sflag:s23] =	ssyncset.done $0x0  }
0x18: {  	[sflag:s23] =	ssyncadd.s32 s4;
	_ =	sdelay $0x1  }
0x19: {  	s24 =	simm.s32 $0x1B8B  }
0x1a: {  	_ =	swait.ge [sflag:s24], $0x1  }
0x1b: {  	[sflag:s24] =	ssyncset.done $0x0  }
0x1c: {  	s26 =	simm.s32 $0x1B8E;
	s25 =	sld [smem:$0x3FFE];
	[sflag:s24] =	ssyncadd.s32 $0xFFFFFFFF  }
0x1d: {  	s27 =	simm.s32 $execute0_lowered;
	[smem:$0x3FD2] =	sst s26  }
0x1e: {  	s5 =	sshll.u32 s27, $0x1;
	_ =	strace $0x80000049;
	[dreg:$0x1] =	wrdreg $0xFFFFFFFF  }
0x1f: {  	s28 =	simm.s32 $_size_execute0_lowered;
	s3 =	sadd.s32 s3, s5;
	[dreg:$0x0] =	wrdreg $0x0  }
0x20: {  	s5 =	sshll.u32 s28, $0x1;
	[dreg:$0x2] =	wrdreg s3  }
0x21: {  	[dreg:$0x3] =	wrdreg s5  }
0x22: {  	[dreg:$0x4] =	wrdreg $0xC0  }
0x23: {  	_ =	task [dreg:s7], $0x5FFFF  }
0x24: {  	[dreg:$0x1] =	wrdreg $0xFFFFFFFF  }
0x25: {  	[dreg:$0x0] =	wrdreg $0x60  }
0x26: {  	[dreg:$0x2] =	wrdreg s25  }
0x27: {  	[dreg:$0x3] =	wrdreg s2  }
0x28: {  	[dreg:$0x4] =	wrdreg $0x9  }
0x29: {  	_ =	task.clear_ibuf [dreg:s7], $0x5FFFF;
	_ =	strace $0x90000049  }
0x2a: {  	s29 =	simm.s32 $0x9;
	_ =	strace $0x8000004B  }
0x2b: {  	_ =	swait.ge [sflag:s29], $0x1  }
0x2c: {  	[sflag:s29] =	ssyncadd.s32 $0xFFFFFFFF  }
0x2d: {  	_ =	strace $0x9000004B  }
0x2e: {  	_ =	sfence  }
0x2f: {  	s30 =	sld [smem:$0x0];
	_ =	sdelay $0x2  }
0x30: {  	s31 =	sshll.u32 s1, $0xD;
	s1 =	sshrl.u32 s1, $0x2  }
0x31: {  	s3 =	sand.u32 $0x4000, s31;
	s1 =	sadd.s32 s1, s30  }
0x32: {  	s0 =	sor.u32 s3, s0;
	s1 =	sshll.u32 s1, $0x11  }
0x33: {  	s0 =	sor.u32 s1, s0  }
0x34: {  	s0 =	sadd.s32 $0x8F2B, s0  }
0x35: {  	[sflag:s0] =	ssyncadd.remote.s32 $0x1  }
0x36: {  	_ =	sfence.sel $0xFFFF  }
0x37: {  	[dreg:$0x0] =	wrdreg $0xFFFFFFFF;
	(pc) =	sbr.abs _section_cstart, $3  }
0x38: {  	[dreg:$0x1] =	wrdreg $0xFFFFFFFF  }
0x39: {  	_ =	task.clear_ibuf [dreg:s7], $0x2FFFF;
	_ =	strace $0x9FFFFFFF  }
0x3a: {  	(tm) =	ssettm $0x7FFFFFFF  }
0x3b: {  	_ =	shalt  }
tec
execute0_lowered:
.L_overlay_start_1:
0x0: {  	(tag) =	ssettag $0x1  }
0x1: {  	s0 =	srdreg.scid  }
0x2: {  	s1 =	sshll.u32 s0, $0x4  }
0x3: {  	s0 =	stileid.u32;
	s1 =	sand.u32 $0x10, s1  }
0x4: {  	s1 =	sor.u32 s0, s1  }
0x5: {  	s6 =	rddreg [dreg:$0x0];
	s4 =	simm.s32 $0x1;
	s2 =	sshll.u32 s1, $0x7  }
0x6: {  	s7 =	simm.s32 $0x2;
	s12 =	simm.s32 $0x0;
	s1 =	ssub.s32 $0x1000, s2  }
0x7: {  	s8 =	simm.s32 $0x8000;
	s13 =	simm.s32 $0x0;
	s3 =	sand.u32 $0xF80, s1  }
0x8: {  	s9 =	simm.s32 $0x0;
	s5 =	sshrl.u32 s1, $0xC;
	p0 =	sne.s32 s3, $0x0  }
.Ltmp0:
0x9: {  	s1 =	rddreg [dreg:$0x2];
	s4 =	simm.s32 @!p0 $0x0;
	(pc) =	sbr.rel .LBB1_1-.Ltmp0, $4  }
0xa: {  	s11 =	simm.s32 $0x0;
	s3 =	rddreg [dreg:$0x1];
	s5 =	sadd.s32 s4, s5  }
0xb: {  	_ =	strace $0x8000004A;
	s4 =	simm.s32 $0x1;
	s5 =	smul.u32 $0x32, s5  }
0xc: {  	s6 =	sadd.s32 $0x800, s6;
	s10 =	smov.u32 s2;
	[sflag:s4] =	ssyncpa.u1 $0x0  }
0xd: {  	p0 =	por $0x0, $0x0;
	[sflag:s7] =	ssyncpa.u1 $0x0;
	s7 =	sor.u32 $0x1, s5  }
.LBB1_4:
0xe: {  	s16 =	sshll.u32 s13, $0x3;
	s17 =	sand.u32 $0x78, s13  }
0xf: {  	s30 =	sand.u32 $0x7E00, s13;
	s12 =	sshll.u32 s12, $0xF;
	s16 =	sand.u32 $0xC00, s16  }
0x10: {  	[tilespmem:s15+$0x810 ss:$0x81] =	vst.msk $0xffff, v2;
	s31 =	sand.u32 $0x7, s13;
	s16 =	sor.u32 s17, s16;
	s17 =	sadd.s32 s3, s30  }
0x11: {  	[tilespmem:s15+$0x1020 ss:$0x81] =	vst.msk $0xffff, v0;
	s13 =	sshll.u32 s31, $0x12;
	s12 =	sadd.s32 s12, s17;
	s16 =	sshrl.u32 s16, $0x3  }
0x12: {  	[tilespmem:s15+$0x0 ss:$0x81] =	vst.msk $0xffff, v1;
	s13 =	sor.u32 $0x400, s13;
	s12 =	sadd.s32 s16, s12  }
0x13: {  	[hbm4b:s12+s13] =	stream.strided.scatter [tilespmem:s14], [sflag:$0x2], $0x2000, s8, s13, $0x20;
	[tilespmem:$0x8080] =	vst v63  }
.LBB1_5:
0x14: {  	s14 =	sadd.s32 $0x1, s9  }
0x15: {  	s12 =	sadd.s32 $0x1000, s10;
	s16 =	smov.u32 s10;
	p2 =	sgt.s32 s14, $0x31  }
0x16: {  	s16 =	smov.u32 @p2 s12  }
0x17: {  	s14 =	simm.s32 @p2 $0x0;
	p2 =	sgt.s32 s16, $0xFFF  }
0x18: {  	s16 =	smov.u32 @p2 s2;
	p2 =	sne.s32 s11, s7  }
.Ltmp1:
0x19: {  	p1 =	slt.u32 s11, $0x2;
	(pc) =	sbr.rel @!p2 .LBB1_6-.Ltmp1, $4  }
0x1a: {  	s15 =	simm.s32 @!p1 $0x2  }
0x1b: {  	s13 =	smov.u32 s10;
	p0 =	por !p0, !p0;
	_ =	swait.ge @!p1 [sflag:s15], $0x2000  }
0x1c: {  	s12 =	smov.u32 s9;
	[sflag:s15] =	ssyncset.done @!p1 $0x0;
	s9 =	smov.u32 s14  }
0x1d: {  	s11 =	sadd.s32 $0x1, s11;
	[sflag:s15] =	ssyncadd.s32 @!p1 $0xFFFFE000;
	s10 =	smov.u32 s16  }
.LBB1_1:
0x1e: {  	p1 =	sge.u32 s11, s5  }
0x1f: {  	s14 =	sand.u32 @!p1 $0x1FFFFFF, s9  }
0x20: {  	s15 =	smulhi.u32 @!p1 $0x4924925, s14;
	_ =	sdelay $0x1  }
0x21: {  	s15 =	smul.u32 @!p1 $0x38, s15  }
0x22: {  	s16 =	sxor.u32 @!p1 $0xFFFFFFFF, s11;
	s17 =	smul.u32 @!p1 $0x380, s10  }
0x23: {  	s31 =	sadd.s32 $0xFFFFFFFF, s11;
	s16 =	sshll.u32 @!p1 s16, $0xD;
	s14 =	ssub.s32 @!p1 s14, s15  }
0x24: {  	s15 =	sand.u32 @!p1 $0x2000, s16;
	s16 =	sadd.s32 @!p1 s6, s17;
	s14 =	sshll.u32 @!p1 s14, $0x4  }
0x25: {  	s17 =	simm.s32 @!p1 $0x1C00;
	s14 =	sadd.s32 @!p1 s14, s16;
	s16 =	simm.s32 @!p1 $0x40  }
0x26: {  	[tilespmem:s15], [sflag:$0x1] =	stream.strided.gather @!p1 [hbm4b:s14+s16], $0x2000, s17, s16, $0x38;
	[tilespmem:$0x8080] =	vst v63  }
0x27: {  	p1 =	sge.u32 s31, s5  }
.Ltmp2:
0x28: {  	_ = 	snop;
	(pc) =	sbr.rel @p1 .LBB1_5-.Ltmp2, $1  }
0x29: {  	_ =	sdelay $0x3  }
0x2a: {  	s14 =	simm.s32 $0x1  }
0x2b: {  	_ =	swait.ge [sflag:s4], $0x2000;
	s14 =	simm.s32 @!p0 $0x0  }
0x2c: {  	[sflag:s4] =	ssyncset.done $0x0;
	s15 =	sshll.u32 s14, $0xD  }
0x2d: {  	[sflag:s4] =	ssyncadd.s32 $0xFFFFE000;
	s18 =	sor.u32 $0x20, s15  }
0x2e: {  	s14 =	smul.u32 $0x8100, s14;
	v3 =	vld [tilespmem:s18+$0x10]  }
0x2f: {  	s30 =	sand.u32 $0x1, s11;
	v2 =	vld [tilespmem:s18+$0xFFFFFFF0]  }
0x30: {  	s15 =	smul.u32 $0x8100, s30;
	s14 =	sshrl.u32 s14, $0x2;
	v0 =	vld [tilespmem:s18+$0x0]  }
0x31: {  	v1 =	vld [tilespmem:s18+$0xFFFFFFE0];
	s16 =	sor.u32 $0x4000, s14  }
0x32: {  	s31 =	sshrl.u32 s15, $0x2;
	s15 =	sadd.s32 $0x0, s16  }
0x33: {  	s17 =	simm.s32 $0x4;
	s18 =	sadd.s32 $0x40, s18;
	s14 =	sor.u32 $0x4000, s31;
	[tilespmem:s15+$0x1830 ss:$0x81] =	vst.msk $0xffff, v3  }
.LBB1_3:
0x34: {  	v3 =	vld [tilespmem:s18+$0x10];
	p1 =	sne.s32 s17, $0x1FC;
	[tilespmem:s15+$0x810 ss:$0x81] =	vst.msk $0xffff, v2;
	s19 =	smov.u32 s17;
	s17 =	sadd.s32 $0x4, s17  }
.Ltmp3:
0x35: {  	v2 =	vld [tilespmem:s18+$0xFFFFFFF0];
	[tilespmem:s15+$0x1020 ss:$0x81] =	vst.msk $0xffff, v0;
	(pc) =	sbr.rel @p1 .LBB1_3-.Ltmp3, $4  }
0x36: {  	v0 =	vld [tilespmem:s18+$0x0];
	[tilespmem:s15+$0x0 ss:$0x81] =	vst.msk $0xffff, v1  }
0x37: {  	s15 =	sshra.s32 s19, $0x2;
	v1 =	vld [tilespmem:s18+$0xFFFFFFE0]  }
0x38: {  	s15 =	sadd.s32 s15, s16  }
0x39: {  	s18 =	sadd.s32 $0x40, s18;
	[tilespmem:s15+$0x1830 ss:$0x81] =	vst.msk $0xffff, v3  }
.Ltmp4:
0x3a: {  	_ = 	snop;
	(pc) =	sbr.rel .LBB1_4-.Ltmp4, $1  }
0x3b: {  	_ =	sdelay $0x3  }
.LBB1_6:
0x3c: {  	_ =	sfence.sel $0x180000  }
0x3d: {  	s2 =	simm.s32 $0x1;
	[bflag:$0x0] =	sbarrier.arrive $0xFFFF  }
0x3e: {  	s31 =	simm.s32 $0x2;
	[sflag:s2] =	ssyncpa.u1 $0x1  }
0x3f: {  	[sflag:s31] =	ssyncpa.u1 $0x1  }
0x40: {  	p0 =	sne.s32 s0, $0x0;
	_ =	strace $0x9000004A  }
0x41: {  	s0 =	sadd.s32 @!p0 $0x100000, s1;
	[bflag:$0x2] =	sbarrier.arrive $0xFFFF  }
0x42: {  	[sflag:s0] =	ssyncadd.tile.s32 @!p0 $0x1;
	_ =	shalt  }
.Lfunc_end1:
_tile_overlayer_lowered:
.L_overlay_start_2:
0x43: {  	(tag) =	ssettag $0x2  }
0x44: {  	s0 =	rddreg [dreg:$0x0];
	s2 =	stileid.u32  }
0x45: {  	s1 =	rddreg [dreg:$0x1];
	p0 =	sne.s32 s2, $0x0  }
0x46: {  	s3 =	rddreg [dreg:$0x2];
	[bflag:$0x3] =	sbarrier.arrive $0xFFFF;
	s2 =	simm.s32 @!p0 $0x1C01  }
0x47: {  	[timem:s3], [sflag:s2] =	dma.local @!p0 [hbm:s0], s1  }
0x48: {  	s0 =	simm.s32 @!p0 $0x1  }
0x49: {  	_ =	swait.ge @!p0 [sflag:s0], s1  }
0x4a: {  	s1 =	ssub.s32 @!p0 $0x0, s1;
	[sflag:s0] =	ssyncset.done @!p0 $0x0  }
0x4b: {  	[sflag:s0] =	ssyncadd.s32 @!p0 s1  }
0x4c: {  	[bflag:$0x3] =	sbarrier.arrive $0xFFFF  }
0x4d: {  	_ =	shalt  }

</sc_bundles>
